<compile_context>
chip_gen: v7x
topology: tpu7x:2x2x1
jax: 0.10.2.dev20260603
libtpu: 0.0.44.dev20260713+nightly
codegen_flags: <defaults>
</compile_context>

<pallas_src>
import math

import jax
import jax.numpy as jnp
from jax import lax
from jax.experimental import pallas as pl
from jax.experimental.pallas import tpu as pltpu
from jax.experimental.pallas import tpu_sc as plsc

VOCAB = 100000
D_MODEL = 64
MAX_LEN = 512
BATCH = 1024
SEQ = 512

LANES = 16
NUM_CORES = 2
NUM_SUBCORES = 16
NUM_WORKERS = NUM_CORES * NUM_SUBCORES

CHUNK = 128
ROWS = BATCH * SEQ
NCHUNKS = ROWS // CHUNK
CHUNKS_PER_W = NCHUNKS // NUM_WORKERS
CPS = SEQ // CHUNK
NBUF = 4
DGR = D_MODEL // LANES
TPAD = CHUNK + 1


def _positional_encoding():
    position = jnp.arange(0, MAX_LEN, dtype=jnp.float32)[:, None]
    div_term = jnp.exp(
        jnp.arange(0, D_MODEL, 2, dtype=jnp.float32) * (-math.log(10000.0) / D_MODEL)
    )
    pe = jnp.zeros((MAX_LEN, D_MODEL), dtype=jnp.float32)
    pe = pe.at[:, 0::2].set(jnp.sin(position * div_term))
    pe = pe.at[:, 1::2].set(jnp.cos(position * div_term))
    return pe


def _body(ids_hbm, table, pe_hbm, out_hbm,
          ids_v, pe_v, bufs, tbufs, gsems, wsems):
    c = lax.axis_index("c")
    s = lax.axis_index("s")
    wid = s * NUM_CORES + c
    chunk_base = wid * CHUNKS_PER_W

    pltpu.sync_copy(pe_hbm, pe_v)

    d_ids = [lax.iota(jnp.int32, LANES) + m * LANES for m in range(DGR)]

    def transpose_add(src, dst, s0):
        @plsc.parallel_loop(0, CHUNK, unroll=8)
        def _(si):
            si_vec = jnp.full((LANES,), si, dtype=jnp.int32)
            for m in range(DGR):
                sl = pl.ds(m * LANES, LANES)
                v = src[si, sl] + pe_v[s0 + si, sl]
                plsc.store_scatter(dst, [d_ids[m], si_vec], v)

    if True:
        pltpu.sync_copy(ids_hbm.at[pl.ds(chunk_base, CHUNKS_PER_W)], ids_v)

        for b in range(NBUF - 1):
            pltpu.async_copy(table.at[ids_v.at[b]], bufs[b], gsems[b])

        @pl.loop(0, CHUNKS_PER_W // NBUF)
        def _(j):
            for k in range(NBUF):
                t = NBUF * j + k
                p = k
                q = (k + NBUF - 1) % NBUF
                tg = t + NBUF - 1

                def refill(q=q, tg=tg):
                    pltpu.async_copy(table.at[ids_v.at[tg]], bufs[q], gsems[q])

                max_j = (CHUNKS_PER_W - NBUF - k) // NBUF
                if max_j >= CHUNKS_PER_W // NBUF - 1:
                    refill()
                else:
                    @pl.when(j <= max_j)
                    def _():
                        refill()

                pltpu.make_async_copy(
                    table.at[ids_v.at[t]], bufs[p], gsems[p]
                ).wait()

                @pl.when(j >= 1)
                def _():
                    pltpu.make_async_copy(
                        tbufs[p].at[:, pl.ds(0, CHUNK)],
                        out_hbm.at[0, :, pl.ds(0, CHUNK)], wsems[p]
                    ).wait()

                s0 = (k % CPS) * CHUNK
                transpose_add(bufs[p], tbufs[p], s0)
                b_idx = chunk_base // CPS + (NBUF // CPS) * j + k // CPS
                pltpu.async_copy(
                    tbufs[p].at[:, pl.ds(0, CHUNK)],
                    out_hbm.at[b_idx, :, pl.ds(s0, CHUNK)], wsems[p]
                )

        for b in range(NBUF):
            pltpu.make_async_copy(
                tbufs[b].at[:, pl.ds(0, CHUNK)],
                out_hbm.at[0, :, pl.ds(0, CHUNK)], wsems[b]
            ).wait()


def kernel(input_ids, decoder_input_ids, embedding):
    pe_t = _positional_encoding()
    src_ids = input_ids.reshape(NCHUNKS, CHUNK).astype(jnp.int32)
    tgt_ids = decoder_input_ids.reshape(NCHUNKS, CHUNK).astype(jnp.int32)
    out_t = jax.ShapeDtypeStruct((BATCH, D_MODEL, SEQ), jnp.float32)

    f = pl.kernel(
        _body,
        out_type=out_t,
        mesh=plsc.VectorSubcoreMesh(core_axis_name="c", subcore_axis_name="s"),
        compiler_params=pltpu.CompilerParams(
            use_tc_tiling_on_sc=False, needs_layout_passes=False
        ),
        scratch_types=[
            pltpu.VMEM((CHUNKS_PER_W, CHUNK), jnp.int32),
            pltpu.VMEM((MAX_LEN, D_MODEL), jnp.float32),
            [pltpu.VMEM((CHUNK, D_MODEL), jnp.float32) for _ in range(NBUF)],
            [pltpu.VMEM((D_MODEL, TPAD), jnp.float32) for _ in range(NBUF)],
            [pltpu.SemaphoreType.DMA for _ in range(NBUF)],
            [pltpu.SemaphoreType.DMA for _ in range(NBUF)],
        ],
    )
    src_t = f(src_ids, embedding, pe_t)
    tgt_t = f(tgt_ids, embedding, pe_t)
    return (jnp.swapaxes(src_t, 1, 2), jnp.swapaxes(tgt_t, 1, 2))

# --- scband reference (transcript-rebuilt; emitter-appended) ---
"""Pipeline reference for scband-seq2-seq-input-preprocessor-47871705481517 (READ-ONLY COPY).

The authoritative reference and input builder live on the scoring server;
editing this copy changes nothing except your own understanding.
"""

import jax, jax.numpy as jnp
import numpy as np
import math

VOCAB = 100000
D_MODEL = 64
MAX_LEN = 512
BATCH = 1024
SEQ = 512


def _make_pe(max_len, d_model):
    position = jnp.arange(0, max_len, dtype=jnp.float32)[:, None]
    div_term = jnp.exp(jnp.arange(0, d_model, 2, dtype=jnp.float32) * (-math.log(10000.0) / d_model))
    pe = jnp.zeros((max_len, d_model), dtype=jnp.float32)
    pe = pe.at[:, 0::2].set(jnp.sin(position * div_term))
    pe = pe.at[:, 1::2].set(jnp.cos(position * div_term))
    return pe  # [max_len, d_model]


def setup_inputs(seed: int = 0) -> dict:
    key = jax.random.key(seed)
    k1, k2, k3 = jax.random.split(key, 3)
    input_ids = jax.random.randint(k1, (BATCH, SEQ), 0, VOCAB, dtype=jnp.int64 if jax.config.jax_enable_x64 else jnp.int32)
    decoder_input_ids = jax.random.randint(k2, (BATCH, SEQ), 0, VOCAB, dtype=jnp.int64 if jax.config.jax_enable_x64 else jnp.int32)
    embedding = jax.random.normal(k3, (VOCAB, D_MODEL), dtype=jnp.float32)
    return {"input_ids": input_ids, "decoder_input_ids": decoder_input_ids, "embedding": embedding}


def reference(input_ids, decoder_input_ids, embedding):
    pe = _make_pe(MAX_LEN, D_MODEL)
    src_emb = jnp.take(embedding, input_ids, axis=0) + pe[None, :input_ids.shape[1], :]
    tgt_emb = jnp.take(embedding, decoder_input_ids, axis=0) + pe[None, :decoder_input_ids.shape[1], :]
    return (src_emb, tgt_emb)

if __name__ == "__main__":
    import jax
    _d = setup_inputs()
    print(jax.jit(kernel)(*tuple(_d.values())))

</pallas_src>

<mosaic_0001>
#map = affine_map<(d0, d1) -> (0, 0)>
#map1 = affine_map<(d0, d1) -> (0, 0, 0)>
module attributes {stable_mosaic.version = 14 : i64} {
  func.func @_body(%arg0: i32, %arg1: i32, %arg2: memref<4096x128xi32, #tpu.memory_space<hbm>>, %arg3: memref<100000x64xf32, #tpu.memory_space<hbm>>, %arg4: memref<512x64xf32, #tpu.memory_space<hbm>>, %arg5: memref<1024x64x512xf32, #tpu.memory_space<hbm>>, %arg6: memref<128x128xi32, #tpu.memory_space<vmem>>, %arg7: memref<512x64xf32, #tpu.memory_space<vmem>>, %arg8: memref<128x64xf32, #tpu.memory_space<vmem>>, %arg9: memref<128x64xf32, #tpu.memory_space<vmem>>, %arg10: memref<128x64xf32, #tpu.memory_space<vmem>>, %arg11: memref<128x64xf32, #tpu.memory_space<vmem>>, %arg12: memref<64x129xf32, #tpu.memory_space<vmem>>, %arg13: memref<64x129xf32, #tpu.memory_space<vmem>>, %arg14: memref<64x129xf32, #tpu.memory_space<vmem>>, %arg15: memref<64x129xf32, #tpu.memory_space<vmem>>, %arg16: memref<!tpu.dma_semaphore, #tpu.memory_space<semaphore_mem>>, %arg17: memref<!tpu.dma_semaphore, #tpu.memory_space<semaphore_mem>>, %arg18: memref<!tpu.dma_semaphore, #tpu.memory_space<semaphore_mem>>, %arg19: memref<!tpu.dma_semaphore, #tpu.memory_space<semaphore_mem>>, %arg20: memref<!tpu.dma_semaphore, #tpu.memory_space<semaphore_mem>>, %arg21: memref<!tpu.dma_semaphore, #tpu.memory_space<semaphore_mem>>, %arg22: memref<!tpu.dma_semaphore, #tpu.memory_space<semaphore_mem>>, %arg23: memref<!tpu.dma_semaphore, #tpu.memory_space<semaphore_mem>>) attributes {dimension_semantics = [#tpu.dimension_semantics<core_parallel>, #tpu.dimension_semantics<subcore_parallel>], iteration_bounds = array<i64: 2, 16>, scalar_prefetch = 0 : i64, scratch_operands = 18 : i64, tpu.core_type = #tpu.core_type<sc_vector_subcore>, window_params = [{transform_indices = #map}, {transform_indices = #map}, {transform_indices = #map}, {transform_indices = #map1}]} {
    %mul3A = arith.constant 2 : i32
    %mul3A_0 = arith.muli %arg1, %mul3A : i32
    %add3A = arith.addi %mul3A_0, %arg0 : i32
    %mul3A_1 = arith.constant 128 : i32
    %mul3A_2 = arith.muli %add3A, %mul3A_1 : i32
    "tpu.region"() ({
      %run_scoped3A = tpu.sem_alloc : memref<!tpu.dma_semaphore, #tpu.memory_space<semaphore_mem>>
      tpu.enqueue_dma source(%arg4 : memref<512x64xf32, #tpu.memory_space<hbm>>) target(%arg7 : memref<512x64xf32, #tpu.memory_space<vmem>>) target_semaphore(%run_scoped3A : memref<!tpu.dma_semaphore, #tpu.memory_space<semaphore_mem>>)
      tpu.wait_dma2 semaphore(%run_scoped3A : memref<!tpu.dma_semaphore, #tpu.memory_space<semaphore_mem>>) src(%arg4 : memref<512x64xf32, #tpu.memory_space<hbm>>) dst(%arg7 : memref<512x64xf32, #tpu.memory_space<vmem>>)
      tpu.yield
    }) : () -> ()
    %iota3A = tpu.iota {dimensions = array<i32: 0>} : vector<16xi32>
    %add3A_3 = arith.constant 0 : i32
    %add3A_4 = vector.broadcast %add3A_3 : i32 to vector<16xi32>
    %add3A_5 = arith.addi %iota3A, %add3A_4 : vector<16xi32>
    %iota3A_6 = tpu.iota {dimensions = array<i32: 0>} : vector<16xi32>
    %add3A_7 = arith.constant 16 : i32
    %add3A_8 = vector.broadcast %add3A_7 : i32 to vector<16xi32>
    %add3A_9 = arith.addi %iota3A_6, %add3A_8 : vector<16xi32>
    %iota3A_10 = tpu.iota {dimensions = array<i32: 0>} : vector<16xi32>
    %add3A_11 = arith.constant 32 : i32
    %add3A_12 = vector.broadcast %add3A_11 : i32 to vector<16xi32>
    %add3A_13 = arith.addi %iota3A_10, %add3A_12 : vector<16xi32>
    %iota3A_14 = tpu.iota {dimensions = array<i32: 0>} : vector<16xi32>
    %add3A_15 = arith.constant 48 : i32
    %add3A_16 = vector.broadcast %add3A_15 : i32 to vector<16xi32>
    %add3A_17 = arith.addi %iota3A_14, %add3A_16 : vector<16xi32>
    "tpu.region"() ({
      %run_scoped3A = tpu.sem_alloc : memref<!tpu.dma_semaphore, #tpu.memory_space<semaphore_mem>>
      %dma_start3A_101 = arith.constant 0 : i32
      %dma_start3A_102 = tpu.memref_slice %arg2[%mul3A_2, %dma_start3A_101] : memref<4096x128xi32, #tpu.memory_space<hbm>> -> memref<128x128xi32, #tpu.memory_space<hbm>>
      %dma_start3A_103 = arith.constant 0 : i32
      %dma_start3A_104 = tpu.memref_slice %arg2[%mul3A_2, %dma_start3A_103] : memref<4096x128xi32, #tpu.memory_space<hbm>> -> memref<128x128xi32, #tpu.memory_space<hbm>>
      tpu.enqueue_dma source(%dma_start3A_104 : memref<128x128xi32, #tpu.memory_space<hbm>>) target(%arg6 : memref<128x128xi32, #tpu.memory_space<vmem>>) target_semaphore(%run_scoped3A : memref<!tpu.dma_semaphore, #tpu.memory_space<semaphore_mem>>)
      %dma_wait3A_105 = arith.constant 0 : i32
      %dma_wait3A_106 = tpu.memref_slice %arg2[%mul3A_2, %dma_wait3A_105] : memref<4096x128xi32, #tpu.memory_space<hbm>> -> memref<128x128xi32, #tpu.memory_space<hbm>>
      %dma_wait3A_107 = arith.constant 0 : i32
      %dma_wait3A_108 = tpu.memref_slice %arg2[%mul3A_2, %dma_wait3A_107] : memref<4096x128xi32, #tpu.memory_space<hbm>> -> memref<128x128xi32, #tpu.memory_space<hbm>>
      tpu.wait_dma2 semaphore(%run_scoped3A : memref<!tpu.dma_semaphore, #tpu.memory_space<semaphore_mem>>) src(%dma_wait3A_108 : memref<128x128xi32, #tpu.memory_space<hbm>>) dst(%arg6 : memref<128x128xi32, #tpu.memory_space<vmem>>)
      tpu.yield
    }) : () -> ()
    %dma_start3A = arith.constant 0 : i32
    %dma_start3A_18 = arith.constant 0 : i32
    %dma_start3A_19 = tpu.memref_slice %arg6[%dma_start3A, %dma_start3A_18] : memref<128x128xi32, #tpu.memory_space<vmem>> -> memref<1x128xi32, #tpu.memory_space<vmem>>
    %dma_start3A_20 = tpu.memref_squeeze %dma_start3A_19 : memref<1x128xi32, #tpu.memory_space<vmem>> -> memref<128xi32, #tpu.memory_space<vmem>>
    %dma_start3A_21 = arith.constant 0 : i32
    %dma_start3A_22 = arith.constant 0 : i32
    %dma_start3A_23 = tpu.memref_slice %arg3[%dma_start3A_21, %dma_start3A_22] : memref<100000x64xf32, #tpu.memory_space<hbm>> -> memref<100000x64xf32, #tpu.memory_space<hbm>>
    tpu.enqueue_indirect_dma source(%dma_start3A_23 : memref<100000x64xf32, #tpu.memory_space<hbm>>) target(%arg8 : memref<128x64xf32, #tpu.memory_space<vmem>>) offsets(%dma_start3A_20 : memref<128xi32, #tpu.memory_space<vmem>>) semaphore(%arg16 : memref<!tpu.dma_semaphore, #tpu.memory_space<semaphore_mem>>)
    %dma_start3A_24 = arith.constant 1 : i32
    %dma_start3A_25 = arith.constant 0 : i32
    %dma_start3A_26 = tpu.memref_slice %arg6[%dma_start3A_24, %dma_start3A_25] : memref<128x128xi32, #tpu.memory_space<vmem>> -> memref<1x128xi32, #tpu.memory_space<vmem>>
    %dma_start3A_27 = tpu.memref_squeeze %dma_start3A_26 : memref<1x128xi32, #tpu.memory_space<vmem>> -> memref<128xi32, #tpu.memory_space<vmem>>
    %dma_start3A_28 = arith.constant 0 : i32
    %dma_start3A_29 = arith.constant 0 : i32
    %dma_start3A_30 = tpu.memref_slice %arg3[%dma_start3A_28, %dma_start3A_29] : memref<100000x64xf32, #tpu.memory_space<hbm>> -> memref<100000x64xf32, #tpu.memory_space<hbm>>
    tpu.enqueue_indirect_dma source(%dma_start3A_30 : memref<100000x64xf32, #tpu.memory_space<hbm>>) target(%arg9 : memref<128x64xf32, #tpu.memory_space<vmem>>) offsets(%dma_start3A_27 : memref<128xi32, #tpu.memory_space<vmem>>) semaphore(%arg17 : memref<!tpu.dma_semaphore, #tpu.memory_space<semaphore_mem>>)
    %dma_start3A_31 = arith.constant 2 : i32
    %dma_start3A_32 = arith.constant 0 : i32
    %dma_start3A_33 = tpu.memref_slice %arg6[%dma_start3A_31, %dma_start3A_32] : memref<128x128xi32, #tpu.memory_space<vmem>> -> memref<1x128xi32, #tpu.memory_space<vmem>>
    %dma_start3A_34 = tpu.memref_squeeze %dma_start3A_33 : memref<1x128xi32, #tpu.memory_space<vmem>> -> memref<128xi32, #tpu.memory_space<vmem>>
    %dma_start3A_35 = arith.constant 0 : i32
    %dma_start3A_36 = arith.constant 0 : i32
    %dma_start3A_37 = tpu.memref_slice %arg3[%dma_start3A_35, %dma_start3A_36] : memref<100000x64xf32, #tpu.memory_space<hbm>> -> memref<100000x64xf32, #tpu.memory_space<hbm>>
    tpu.enqueue_indirect_dma source(%dma_start3A_37 : memref<100000x64xf32, #tpu.memory_space<hbm>>) target(%arg10 : memref<128x64xf32, #tpu.memory_space<vmem>>) offsets(%dma_start3A_34 : memref<128xi32, #tpu.memory_space<vmem>>) semaphore(%arg18 : memref<!tpu.dma_semaphore, #tpu.memory_space<semaphore_mem>>)
    %scan3A = arith.constant 0 : i32
    %scan3A_38 = arith.constant 32 : i32
    %scan3A_39 = arith.addi %scan3A, %scan3A_38 : i32
    %scan3A_40 = arith.constant 1 : i32
    scf.for %scan3A_101 = %scan3A to %scan3A_39 step %scan3A_40  : i32 {
      %mul3A_102 = arith.constant 1 : i32
      %mul3A_103 = arith.muli %scan3A_101, %mul3A_102 : i32
      %add3A_104 = arith.constant 0 : i32
      %add3A_105 = arith.addi %add3A_104, %mul3A_103 : i32
      %mul3A_106 = arith.constant 4 : i32
      %mul3A_107 = arith.muli %mul3A_106, %add3A_105 : i32
      %add3A_108 = arith.constant 0 : i32
      %add3A_109 = arith.addi %mul3A_107, %add3A_108 : i32
      %add3A_110 = arith.constant 4 : i32
      %add3A_111 = arith.addi %add3A_109, %add3A_110 : i32
      %sub3A = arith.constant 1 : i32
      %sub3A_112 = arith.subi %add3A_111, %sub3A : i32
      %dma_start3A_113 = arith.constant 0 : i32
      %dma_start3A_114 = tpu.memref_slice %arg6[%sub3A_112, %dma_start3A_113] : memref<128x128xi32, #tpu.memory_space<vmem>> -> memref<1x128xi32, #tpu.memory_space<vmem>>
      %dma_start3A_115 = tpu.memref_squeeze %dma_start3A_114 : memref<1x128xi32, #tpu.memory_space<vmem>> -> memref<128xi32, #tpu.memory_space<vmem>>
      %dma_start3A_116 = arith.constant 0 : i32
      %dma_start3A_117 = arith.constant 0 : i32
      %dma_start3A_118 = tpu.memref_slice %arg3[%dma_start3A_116, %dma_start3A_117] : memref<100000x64xf32, #tpu.memory_space<hbm>> -> memref<100000x64xf32, #tpu.memory_space<hbm>>
      tpu.enqueue_indirect_dma source(%dma_start3A_118 : memref<100000x64xf32, #tpu.memory_space<hbm>>) target(%arg11 : memref<128x64xf32, #tpu.memory_space<vmem>>) offsets(%dma_start3A_115 : memref<128xi32, #tpu.memory_space<vmem>>) semaphore(%arg19 : memref<!tpu.dma_semaphore, #tpu.memory_space<semaphore_mem>>)
      %dma_wait3A_119 = arith.constant 0 : i32
      %dma_wait3A_120 = tpu.memref_slice %arg6[%add3A_109, %dma_wait3A_119] : memref<128x128xi32, #tpu.memory_space<vmem>> -> memref<1x128xi32, #tpu.memory_space<vmem>>
      %dma_wait3A_121 = tpu.memref_squeeze %dma_wait3A_120 : memref<1x128xi32, #tpu.memory_space<vmem>> -> memref<128xi32, #tpu.memory_space<vmem>>
      %dma_wait3A_122 = arith.constant 0 : i32
      %dma_wait3A_123 = arith.constant 0 : i32
      %dma_wait3A_124 = tpu.memref_slice %arg3[%dma_wait3A_122, %dma_wait3A_123] : memref<100000x64xf32, #tpu.memory_space<hbm>> -> memref<100000x64xf32, #tpu.memory_space<hbm>>
      tpu.wait_indirect_dma semaphore(%arg16 : memref<!tpu.dma_semaphore, #tpu.memory_space<semaphore_mem>>) src(%dma_wait3A_124 : memref<100000x64xf32, #tpu.memory_space<hbm>>) dst(%arg8 : memref<128x64xf32, #tpu.memory_space<vmem>>)
      %ge3A = arith.constant 1 : i32
      %ge3A_125 = arith.cmpi sge, %add3A_105, %ge3A : i32
      %convert_element_type3A = arith.extui %ge3A_125 : i1 to i32
      %cond3A = arith.constant 0 : i32
      %cond3A_126 = arith.cmpi ne, %convert_element_type3A, %cond3A : i32
      scf.if %cond3A_126 {
        %dma_wait3A_374 = arith.constant 0 : i32
        %dma_wait3A_375 = arith.constant 0 : i32
        %dma_wait3A_376 = arith.constant 0 : i32
        %dma_wait3A_377 = tpu.memref_slice %arg12[%dma_wait3A_375, %dma_wait3A_376] : memref<64x129xf32, #tpu.memory_space<vmem>> -> memref<64x128xf32, #tpu.memory_space<vmem>>
        %dma_wait3A_378 = arith.constant 0 : i32
        %dma_wait3A_379 = arith.constant 0 : i32
        %dma_wait3A_380 = tpu.memref_slice %arg5[%dma_wait3A_374, %dma_wait3A_378, %dma_wait3A_379] : memref<1024x64x512xf32, #tpu.memory_space<hbm>> -> memref<1x64x128xf32, #tpu.memory_space<hbm>>
        %dma_wait3A_381 = tpu.memref_squeeze %dma_wait3A_380 : memref<1x64x128xf32, #tpu.memory_space<hbm>> -> memref<64x128xf32, #tpu.memory_space<hbm>>
        %dma_wait3A_382 = arith.constant 0 : i32
        %dma_wait3A_383 = arith.constant 0 : i32
        %dma_wait3A_384 = tpu.memref_slice %arg5[%dma_wait3A_374, %dma_wait3A_382, %dma_wait3A_383] : memref<1024x64x512xf32, #tpu.memory_space<hbm>> -> memref<1x64x128xf32, #tpu.memory_space<hbm>>
        %dma_wait3A_385 = tpu.memref_squeeze %dma_wait3A_384 : memref<1x64x128xf32, #tpu.memory_space<hbm>> -> memref<64x128xf32, #tpu.memory_space<hbm>>
        %dma_wait3A_386 = arith.constant 0 : i32
        %dma_wait3A_387 = arith.constant 0 : i32
        %dma_wait3A_388 = tpu.memref_slice %arg12[%dma_wait3A_386, %dma_wait3A_387] : memref<64x129xf32, #tpu.memory_space<vmem>> -> memref<64x128xf32, #tpu.memory_space<vmem>>
        tpu.wait_dma2 semaphore(%arg20 : memref<!tpu.dma_semaphore, #tpu.memory_space<semaphore_mem>>) src(%dma_wait3A_388 : memref<64x128xf32, #tpu.memory_space<vmem>>) dst(%dma_wait3A_385 : memref<64x128xf32, #tpu.memory_space<hbm>>)
      } else {
      }
      %parallel_loop3A = arith.constant 0 : i32
      %parallel_loop3A_127 = arith.constant 128 : i32
      %parallel_loop3A_128 = arith.constant 1 : i32
      scf.for %parallel_loop3A_374 = %parallel_loop3A to %parallel_loop3A_127 step %parallel_loop3A_128  : i32 {
        %parallel_loop3A_375 = vector.broadcast %parallel_loop3A_374 : i32 to vector<16xi32>
        %parallel_loop3A_376 = arith.index_cast %parallel_loop3A_374 : i32 to index
        %parallel_loop3A_377 = arith.constant 0 : index
        %parallel_loop3A_378 = tpu.vector_load %arg8[%parallel_loop3A_376, %parallel_loop3A_377] {strides = array<i32>} : memref<128x64xf32, #tpu.memory_space<vmem>>, vector<16xf32>,
        %parallel_loop3A_379 = arith.constant 0 : i32
        %parallel_loop3A_380 = arith.addi %parallel_loop3A_379, %parallel_loop3A_374 : i32
        %parallel_loop3A_381 = arith.index_cast %parallel_loop3A_380 : i32 to index
        %parallel_loop3A_382 = arith.constant 0 : index
        %parallel_loop3A_383 = tpu.vector_load %arg7[%parallel_loop3A_381, %parallel_loop3A_382] {strides = array<i32>} : memref<512x64xf32, #tpu.memory_space<vmem>>, vector<16xf32>,
        %parallel_loop3A_384 = arith.addf %parallel_loop3A_378, %parallel_loop3A_383 : vector<16xf32>
        tpu.vector_store_idx %arg12[%add3A_5, %parallel_loop3A_375], %parallel_loop3A_384 : memref<64x129xf32, #tpu.memory_space<vmem>>[vector<16xi32>, vector<16xi32>], vector<16xf32>,
        %parallel_loop3A_385 = arith.index_cast %parallel_loop3A_374 : i32 to index
        %parallel_loop3A_386 = arith.constant 16 : index
        %parallel_loop3A_387 = tpu.vector_load %arg8[%parallel_loop3A_385, %parallel_loop3A_386] {strides = array<i32>} : memref<128x64xf32, #tpu.memory_space<vmem>>, vector<16xf32>,
        %parallel_loop3A_388 = arith.constant 0 : i32
        %parallel_loop3A_389 = arith.addi %parallel_loop3A_388, %parallel_loop3A_374 : i32
        %parallel_loop3A_390 = arith.index_cast %parallel_loop3A_389 : i32 to index
        %parallel_loop3A_391 = arith.constant 16 : index
        %parallel_loop3A_392 = tpu.vector_load %arg7[%parallel_loop3A_390, %parallel_loop3A_391] {strides = array<i32>} : memref<512x64xf32, #tpu.memory_space<vmem>>, vector<16xf32>,
        %parallel_loop3A_393 = arith.addf %parallel_loop3A_387, %parallel_loop3A_392 : vector<16xf32>
        tpu.vector_store_idx %arg12[%add3A_9, %parallel_loop3A_375], %parallel_loop3A_393 : memref<64x129xf32, #tpu.memory_space<vmem>>[vector<16xi32>, vector<16xi32>], vector<16xf32>,
        %parallel_loop3A_394 = arith.index_cast %parallel_loop3A_374 : i32 to index
        %parallel_loop3A_395 = arith.constant 32 : index
        %parallel_loop3A_396 = tpu.vector_load %arg8[%parallel_loop3A_394, %parallel_loop3A_395] {strides = array<i32>} : memref<128x64xf32, #tpu.memory_space<vmem>>, vector<16xf32>,
        %parallel_loop3A_397 = arith.constant 0 : i32
        %parallel_loop3A_398 = arith.addi %parallel_loop3A_397, %parallel_loop3A_374 : i32
        %parallel_loop3A_399 = arith.index_cast %parallel_loop3A_398 : i32 to index
        %parallel_loop3A_400 = arith.constant 32 : index
        %parallel_loop3A_401 = tpu.vector_load %arg7[%parallel_loop3A_399, %parallel_loop3A_400] {strides = array<i32>} : memref<512x64xf32, #tpu.memory_space<vmem>>, vector<16xf32>,
        %parallel_loop3A_402 = arith.addf %parallel_loop3A_396, %parallel_loop3A_401 : vector<16xf32>
        tpu.vector_store_idx %arg12[%add3A_13, %parallel_loop3A_375], %parallel_loop3A_402 : memref<64x129xf32, #tpu.memory_space<vmem>>[vector<16xi32>, vector<16xi32>], vector<16xf32>,
        %parallel_loop3A_403 = arith.index_cast %parallel_loop3A_374 : i32 to index
        %parallel_loop3A_404 = arith.constant 48 : index
        %parallel_loop3A_405 = tpu.vector_load %arg8[%parallel_loop3A_403, %parallel_loop3A_404] {strides = array<i32>} : memref<128x64xf32, #tpu.memory_space<vmem>>, vector<16xf32>,
        %parallel_loop3A_406 = arith.constant 0 : i32
        %parallel_loop3A_407 = arith.addi %parallel_loop3A_406, %parallel_loop3A_374 : i32
        %parallel_loop3A_408 = arith.index_cast %parallel_loop3A_407 : i32 to index
        %parallel_loop3A_409 = arith.constant 48 : index
        %parallel_loop3A_410 = tpu.vector_load %arg7[%parallel_loop3A_408, %parallel_loop3A_409] {strides = array<i32>} : memref<512x64xf32, #tpu.memory_space<vmem>>, vector<16xf32>,
        %parallel_loop3A_411 = arith.addf %parallel_loop3A_405, %parallel_loop3A_410 : vector<16xf32>
        tpu.vector_store_idx %arg12[%add3A_17, %parallel_loop3A_375], %parallel_loop3A_411 : memref<64x129xf32, #tpu.memory_space<vmem>>[vector<16xi32>, vector<16xi32>], vector<16xf32>,
      } {sc.loop_unroll_factor = 8 : i64, sc.parallel_access}
      %jit3A = arith.constant 4 : i32
      %div3A = arith.divsi %mul3A_2, %jit3A : i32
      %sign3A = arith.constant 0 : i32
      %sign3A_129 = arith.cmpi sgt, %mul3A_2, %sign3A : i32
      %sign3A_130 = arith.extui %sign3A_129 : i1 to i32
      %sign3A_131 = arith.constant 0 : i32
      %sign3A_132 = arith.cmpi slt, %mul3A_2, %sign3A_131 : i32
      %sign3A_133 = arith.extui %sign3A_132 : i1 to i32
      %sign3A_134 = arith.subi %sign3A_130, %sign3A_133 : i32
      %sign3A_135 = arith.constant 0 : i32
      %sign3A_136 = arith.cmpi sgt, %jit3A, %sign3A_135 : i32
      %sign3A_137 = arith.extui %sign3A_136 : i1 to i32
      %sign3A_138 = arith.constant 0 : i32
      %sign3A_139 = arith.cmpi slt, %jit3A, %sign3A_138 : i32
      %sign3A_140 = arith.extui %sign3A_139 : i1 to i32
      %sign3A_141 = arith.subi %sign3A_137, %sign3A_140 : i32
      %ne3A = arith.cmpi ne, %sign3A_134, %sign3A_141 : i32
      %rem3A = arith.remsi %mul3A_2, %jit3A : i32
      %ne3A_142 = arith.constant 0 : i32
      %ne3A_143 = arith.cmpi ne, %rem3A, %ne3A_142 : i32
      %and3A = arith.andi %ne3A, %ne3A_143 : i1
      %sub3A_144 = arith.constant 1 : i32
      %sub3A_145 = arith.subi %div3A, %sub3A_144 : i32
      %select_n3A = arith.select %and3A, %sub3A_145, %div3A : i32
      %mul3A_146 = arith.constant 1 : i32
      %mul3A_147 = arith.muli %mul3A_146, %add3A_105 : i32
      %add3A_148 = arith.addi %select_n3A, %mul3A_147 : i32
      %add3A_149 = arith.constant 0 : i32
      %add3A_150 = arith.addi %add3A_148, %add3A_149 : i32
      %dma_start3A_151 = arith.constant 0 : i32
      %dma_start3A_152 = arith.constant 0 : i32
      %dma_start3A_153 = tpu.memref_slice %arg12[%dma_start3A_151, %dma_start3A_152] : memref<64x129xf32, #tpu.memory_space<vmem>> -> memref<64x128xf32, #tpu.memory_space<vmem>>
      %dma_start3A_154 = arith.constant 0 : i32
      %dma_start3A_155 = arith.constant 0 : i32
      %dma_start3A_156 = tpu.memref_slice %arg5[%add3A_150, %dma_start3A_154, %dma_start3A_155] : memref<1024x64x512xf32, #tpu.memory_space<hbm>> -> memref<1x64x128xf32, #tpu.memory_space<hbm>>
      %dma_start3A_157 = tpu.memref_squeeze %dma_start3A_156 : memref<1x64x128xf32, #tpu.memory_space<hbm>> -> memref<64x128xf32, #tpu.memory_space<hbm>>
      %dma_start3A_158 = arith.constant 0 : i32
      %dma_start3A_159 = arith.constant 0 : i32
      %dma_start3A_160 = tpu.memref_slice %arg5[%add3A_150, %dma_start3A_158, %dma_start3A_159] : memref<1024x64x512xf32, #tpu.memory_space<hbm>> -> memref<1x64x128xf32, #tpu.memory_space<hbm>>
      %dma_start3A_161 = tpu.memref_squeeze %dma_start3A_160 : memref<1x64x128xf32, #tpu.memory_space<hbm>> -> memref<64x128xf32, #tpu.memory_space<hbm>>
      %dma_start3A_162 = arith.constant 0 : i32
      %dma_start3A_163 = arith.constant 0 : i32
      %dma_start3A_164 = tpu.memref_slice %arg12[%dma_start3A_162, %dma_start3A_163] : memref<64x129xf32, #tpu.memory_space<vmem>> -> memref<64x128xf32, #tpu.memory_space<vmem>>
      tpu.enqueue_dma source(%dma_start3A_164 : memref<64x128xf32, #tpu.memory_space<vmem>>) target(%dma_start3A_161 : memref<64x128xf32, #tpu.memory_space<hbm>>) target_semaphore(%arg20 : memref<!tpu.dma_semaphore, #tpu.memory_space<semaphore_mem>>)
      %mul3A_165 = arith.constant 4 : i32
      %mul3A_166 = arith.muli %mul3A_165, %add3A_105 : i32
      %add3A_167 = arith.constant 1 : i32
      %add3A_168 = arith.addi %mul3A_166, %add3A_167 : i32
      %add3A_169 = arith.constant 4 : i32
      %add3A_170 = arith.addi %add3A_168, %add3A_169 : i32
      %sub3A_171 = arith.constant 1 : i32
      %sub3A_172 = arith.subi %add3A_170, %sub3A_171 : i32
      %le3A = arith.constant 30 : i32
      %le3A_173 = arith.cmpi sle, %add3A_105, %le3A : i32
      %convert_element_type3A_174 = arith.extui %le3A_173 : i1 to i32
      %cond3A_175 = arith.constant 0 : i32
      %cond3A_176 = arith.cmpi ne, %convert_element_type3A_174, %cond3A_175 : i32
      scf.if %cond3A_176 {
        %dma_start3A_374 = arith.constant 0 : i32
        %dma_start3A_375 = tpu.memref_slice %arg6[%sub3A_172, %dma_start3A_374] : memref<128x128xi32, #tpu.memory_space<vmem>> -> memref<1x128xi32, #tpu.memory_space<vmem>>
        %dma_start3A_376 = tpu.memref_squeeze %dma_start3A_375 : memref<1x128xi32, #tpu.memory_space<vmem>> -> memref<128xi32, #tpu.memory_space<vmem>>
        %dma_start3A_377 = arith.constant 0 : i32
        %dma_start3A_378 = arith.constant 0 : i32
        %dma_start3A_379 = tpu.memref_slice %arg3[%dma_start3A_377, %dma_start3A_378] : memref<100000x64xf32, #tpu.memory_space<hbm>> -> memref<100000x64xf32, #tpu.memory_space<hbm>>
        tpu.enqueue_indirect_dma source(%dma_start3A_379 : memref<100000x64xf32, #tpu.memory_space<hbm>>) target(%arg8 : memref<128x64xf32, #tpu.memory_space<vmem>>) offsets(%dma_start3A_376 : memref<128xi32, #tpu.memory_space<vmem>>) semaphore(%arg16 : memref<!tpu.dma_semaphore, #tpu.memory_space<semaphore_mem>>)
      } else {
      }
      %dma_wait3A_177 = arith.constant 0 : i32
      %dma_wait3A_178 = tpu.memref_slice %arg6[%add3A_168, %dma_wait3A_177] : memref<128x128xi32, #tpu.memory_space<vmem>> -> memref<1x128xi32, #tpu.memory_space<vmem>>
      %dma_wait3A_179 = tpu.memref_squeeze %dma_wait3A_178 : memref<1x128xi32, #tpu.memory_space<vmem>> -> memref<128xi32, #tpu.memory_space<vmem>>
      %dma_wait3A_180 = arith.constant 0 : i32
      %dma_wait3A_181 = arith.constant 0 : i32
      %dma_wait3A_182 = tpu.memref_slice %arg3[%dma_wait3A_180, %dma_wait3A_181] : memref<100000x64xf32, #tpu.memory_space<hbm>> -> memref<100000x64xf32, #tpu.memory_space<hbm>>
      tpu.wait_indirect_dma semaphore(%arg17 : memref<!tpu.dma_semaphore, #tpu.memory_space<semaphore_mem>>) src(%dma_wait3A_182 : memref<100000x64xf32, #tpu.memory_space<hbm>>) dst(%arg9 : memref<128x64xf32, #tpu.memory_space<vmem>>)
      %ge3A_183 = arith.constant 1 : i32
      %ge3A_184 = arith.cmpi sge, %add3A_105, %ge3A_183 : i32
      %convert_element_type3A_185 = arith.extui %ge3A_184 : i1 to i32
      %cond3A_186 = arith.constant 0 : i32
      %cond3A_187 = arith.cmpi ne, %convert_element_type3A_185, %cond3A_186 : i32
      scf.if %cond3A_187 {
        %dma_wait3A_374 = arith.constant 0 : i32
        %dma_wait3A_375 = arith.constant 0 : i32
        %dma_wait3A_376 = arith.constant 0 : i32
        %dma_wait3A_377 = tpu.memref_slice %arg13[%dma_wait3A_375, %dma_wait3A_376] : memref<64x129xf32, #tpu.memory_space<vmem>> -> memref<64x128xf32, #tpu.memory_space<vmem>>
        %dma_wait3A_378 = arith.constant 0 : i32
        %dma_wait3A_379 = arith.constant 0 : i32
        %dma_wait3A_380 = tpu.memref_slice %arg5[%dma_wait3A_374, %dma_wait3A_378, %dma_wait3A_379] : memref<1024x64x512xf32, #tpu.memory_space<hbm>> -> memref<1x64x128xf32, #tpu.memory_space<hbm>>
        %dma_wait3A_381 = tpu.memref_squeeze %dma_wait3A_380 : memref<1x64x128xf32, #tpu.memory_space<hbm>> -> memref<64x128xf32, #tpu.memory_space<hbm>>
        %dma_wait3A_382 = arith.constant 0 : i32
        %dma_wait3A_383 = arith.constant 0 : i32
        %dma_wait3A_384 = tpu.memref_slice %arg5[%dma_wait3A_374, %dma_wait3A_382, %dma_wait3A_383] : memref<1024x64x512xf32, #tpu.memory_space<hbm>> -> memref<1x64x128xf32, #tpu.memory_space<hbm>>
        %dma_wait3A_385 = tpu.memref_squeeze %dma_wait3A_384 : memref<1x64x128xf32, #tpu.memory_space<hbm>> -> memref<64x128xf32, #tpu.memory_space<hbm>>
        %dma_wait3A_386 = arith.constant 0 : i32
        %dma_wait3A_387 = arith.constant 0 : i32
        %dma_wait3A_388 = tpu.memref_slice %arg13[%dma_wait3A_386, %dma_wait3A_387] : memref<64x129xf32, #tpu.memory_space<vmem>> -> memref<64x128xf32, #tpu.memory_space<vmem>>
        tpu.wait_dma2 semaphore(%arg21 : memref<!tpu.dma_semaphore, #tpu.memory_space<semaphore_mem>>) src(%dma_wait3A_388 : memref<64x128xf32, #tpu.memory_space<vmem>>) dst(%dma_wait3A_385 : memref<64x128xf32, #tpu.memory_space<hbm>>)
      } else {
      }
      %parallel_loop3A_188 = arith.constant 0 : i32
      %parallel_loop3A_189 = arith.constant 128 : i32
      %parallel_loop3A_190 = arith.constant 1 : i32
      scf.for %parallel_loop3A_374 = %parallel_loop3A_188 to %parallel_loop3A_189 step %parallel_loop3A_190  : i32 {
        %parallel_loop3A_375 = vector.broadcast %parallel_loop3A_374 : i32 to vector<16xi32>
        %parallel_loop3A_376 = arith.index_cast %parallel_loop3A_374 : i32 to index
        %parallel_loop3A_377 = arith.constant 0 : index
        %parallel_loop3A_378 = tpu.vector_load %arg9[%parallel_loop3A_376, %parallel_loop3A_377] {strides = array<i32>} : memref<128x64xf32, #tpu.memory_space<vmem>>, vector<16xf32>,
        %parallel_loop3A_379 = arith.constant 128 : i32
        %parallel_loop3A_380 = arith.addi %parallel_loop3A_379, %parallel_loop3A_374 : i32
        %parallel_loop3A_381 = arith.index_cast %parallel_loop3A_380 : i32 to index
        %parallel_loop3A_382 = arith.constant 0 : index
        %parallel_loop3A_383 = tpu.vector_load %arg7[%parallel_loop3A_381, %parallel_loop3A_382] {strides = array<i32>} : memref<512x64xf32, #tpu.memory_space<vmem>>, vector<16xf32>,
        %parallel_loop3A_384 = arith.addf %parallel_loop3A_378, %parallel_loop3A_383 : vector<16xf32>
        tpu.vector_store_idx %arg13[%add3A_5, %parallel_loop3A_375], %parallel_loop3A_384 : memref<64x129xf32, #tpu.memory_space<vmem>>[vector<16xi32>, vector<16xi32>], vector<16xf32>,
        %parallel_loop3A_385 = arith.index_cast %parallel_loop3A_374 : i32 to index
        %parallel_loop3A_386 = arith.constant 16 : index
        %parallel_loop3A_387 = tpu.vector_load %arg9[%parallel_loop3A_385, %parallel_loop3A_386] {strides = array<i32>} : memref<128x64xf32, #tpu.memory_space<vmem>>, vector<16xf32>,
        %parallel_loop3A_388 = arith.constant 128 : i32
        %parallel_loop3A_389 = arith.addi %parallel_loop3A_388, %parallel_loop3A_374 : i32
        %parallel_loop3A_390 = arith.index_cast %parallel_loop3A_389 : i32 to index
        %parallel_loop3A_391 = arith.constant 16 : index
        %parallel_loop3A_392 = tpu.vector_load %arg7[%parallel_loop3A_390, %parallel_loop3A_391] {strides = array<i32>} : memref<512x64xf32, #tpu.memory_space<vmem>>, vector<16xf32>,
        %parallel_loop3A_393 = arith.addf %parallel_loop3A_387, %parallel_loop3A_392 : vector<16xf32>
        tpu.vector_store_idx %arg13[%add3A_9, %parallel_loop3A_375], %parallel_loop3A_393 : memref<64x129xf32, #tpu.memory_space<vmem>>[vector<16xi32>, vector<16xi32>], vector<16xf32>,
        %parallel_loop3A_394 = arith.index_cast %parallel_loop3A_374 : i32 to index
        %parallel_loop3A_395 = arith.constant 32 : index
        %parallel_loop3A_396 = tpu.vector_load %arg9[%parallel_loop3A_394, %parallel_loop3A_395] {strides = array<i32>} : memref<128x64xf32, #tpu.memory_space<vmem>>, vector<16xf32>,
        %parallel_loop3A_397 = arith.constant 128 : i32
        %parallel_loop3A_398 = arith.addi %parallel_loop3A_397, %parallel_loop3A_374 : i32
        %parallel_loop3A_399 = arith.index_cast %parallel_loop3A_398 : i32 to index
        %parallel_loop3A_400 = arith.constant 32 : index
        %parallel_loop3A_401 = tpu.vector_load %arg7[%parallel_loop3A_399, %parallel_loop3A_400] {strides = array<i32>} : memref<512x64xf32, #tpu.memory_space<vmem>>, vector<16xf32>,
        %parallel_loop3A_402 = arith.addf %parallel_loop3A_396, %parallel_loop3A_401 : vector<16xf32>
        tpu.vector_store_idx %arg13[%add3A_13, %parallel_loop3A_375], %parallel_loop3A_402 : memref<64x129xf32, #tpu.memory_space<vmem>>[vector<16xi32>, vector<16xi32>], vector<16xf32>,
        %parallel_loop3A_403 = arith.index_cast %parallel_loop3A_374 : i32 to index
        %parallel_loop3A_404 = arith.constant 48 : index
        %parallel_loop3A_405 = tpu.vector_load %arg9[%parallel_loop3A_403, %parallel_loop3A_404] {strides = array<i32>} : memref<128x64xf32, #tpu.memory_space<vmem>>, vector<16xf32>,
        %parallel_loop3A_406 = arith.constant 128 : i32
        %parallel_loop3A_407 = arith.addi %parallel_loop3A_406, %parallel_loop3A_374 : i32
        %parallel_loop3A_408 = arith.index_cast %parallel_loop3A_407 : i32 to index
        %parallel_loop3A_409 = arith.constant 48 : index
        %parallel_loop3A_410 = tpu.vector_load %arg7[%parallel_loop3A_408, %parallel_loop3A_409] {strides = array<i32>} : memref<512x64xf32, #tpu.memory_space<vmem>>, vector<16xf32>,
        %parallel_loop3A_411 = arith.addf %parallel_loop3A_405, %parallel_loop3A_410 : vector<16xf32>
        tpu.vector_store_idx %arg13[%add3A_17, %parallel_loop3A_375], %parallel_loop3A_411 : memref<64x129xf32, #tpu.memory_space<vmem>>[vector<16xi32>, vector<16xi32>], vector<16xf32>,
      } {sc.loop_unroll_factor = 8 : i64, sc.parallel_access}
      %jit3A_191 = arith.constant 4 : i32
      %div3A_192 = arith.divsi %mul3A_2, %jit3A_191 : i32
      %sign3A_193 = arith.constant 0 : i32
      %sign3A_194 = arith.cmpi sgt, %mul3A_2, %sign3A_193 : i32
      %sign3A_195 = arith.extui %sign3A_194 : i1 to i32
      %sign3A_196 = arith.constant 0 : i32
      %sign3A_197 = arith.cmpi slt, %mul3A_2, %sign3A_196 : i32
      %sign3A_198 = arith.extui %sign3A_197 : i1 to i32
      %sign3A_199 = arith.subi %sign3A_195, %sign3A_198 : i32
      %sign3A_200 = arith.constant 0 : i32
      %sign3A_201 = arith.cmpi sgt, %jit3A_191, %sign3A_200 : i32
      %sign3A_202 = arith.extui %sign3A_201 : i1 to i32
      %sign3A_203 = arith.constant 0 : i32
      %sign3A_204 = arith.cmpi slt, %jit3A_191, %sign3A_203 : i32
      %sign3A_205 = arith.extui %sign3A_204 : i1 to i32
      %sign3A_206 = arith.subi %sign3A_202, %sign3A_205 : i32
      %ne3A_207 = arith.cmpi ne, %sign3A_199, %sign3A_206 : i32
      %rem3A_208 = arith.remsi %mul3A_2, %jit3A_191 : i32
      %ne3A_209 = arith.constant 0 : i32
      %ne3A_210 = arith.cmpi ne, %rem3A_208, %ne3A_209 : i32
      %and3A_211 = arith.andi %ne3A_207, %ne3A_210 : i1
      %sub3A_212 = arith.constant 1 : i32
      %sub3A_213 = arith.subi %div3A_192, %sub3A_212 : i32
      %select_n3A_214 = arith.select %and3A_211, %sub3A_213, %div3A_192 : i32
      %mul3A_215 = arith.constant 1 : i32
      %mul3A_216 = arith.muli %mul3A_215, %add3A_105 : i32
      %add3A_217 = arith.addi %select_n3A_214, %mul3A_216 : i32
      %add3A_218 = arith.constant 0 : i32
      %add3A_219 = arith.addi %add3A_217, %add3A_218 : i32
      %dma_start3A_220 = arith.constant 0 : i32
      %dma_start3A_221 = arith.constant 0 : i32
      %dma_start3A_222 = tpu.memref_slice %arg13[%dma_start3A_220, %dma_start3A_221] : memref<64x129xf32, #tpu.memory_space<vmem>> -> memref<64x128xf32, #tpu.memory_space<vmem>>
      %dma_start3A_223 = arith.constant 0 : i32
      %dma_start3A_224 = arith.constant 128 : i32
      %dma_start3A_225 = tpu.memref_slice %arg5[%add3A_219, %dma_start3A_223, %dma_start3A_224] : memref<1024x64x512xf32, #tpu.memory_space<hbm>> -> memref<1x64x128xf32, #tpu.memory_space<hbm>>
      %dma_start3A_226 = tpu.memref_squeeze %dma_start3A_225 : memref<1x64x128xf32, #tpu.memory_space<hbm>> -> memref<64x128xf32, #tpu.memory_space<hbm>>
      %dma_start3A_227 = arith.constant 0 : i32
      %dma_start3A_228 = arith.constant 128 : i32
      %dma_start3A_229 = tpu.memref_slice %arg5[%add3A_219, %dma_start3A_227, %dma_start3A_228] : memref<1024x64x512xf32, #tpu.memory_space<hbm>> -> memref<1x64x128xf32, #tpu.memory_space<hbm>>
      %dma_start3A_230 = tpu.memref_squeeze %dma_start3A_229 : memref<1x64x128xf32, #tpu.memory_space<hbm>> -> memref<64x128xf32, #tpu.memory_space<hbm>>
      %dma_start3A_231 = arith.constant 0 : i32
      %dma_start3A_232 = arith.constant 0 : i32
      %dma_start3A_233 = tpu.memref_slice %arg13[%dma_start3A_231, %dma_start3A_232] : memref<64x129xf32, #tpu.memory_space<vmem>> -> memref<64x128xf32, #tpu.memory_space<vmem>>
      tpu.enqueue_dma source(%dma_start3A_233 : memref<64x128xf32, #tpu.memory_space<vmem>>) target(%dma_start3A_230 : memref<64x128xf32, #tpu.memory_space<hbm>>) target_semaphore(%arg21 : memref<!tpu.dma_semaphore, #tpu.memory_space<semaphore_mem>>)
      %mul3A_234 = arith.constant 4 : i32
      %mul3A_235 = arith.muli %mul3A_234, %add3A_105 : i32
      %add3A_236 = arith.constant 2 : i32
      %add3A_237 = arith.addi %mul3A_235, %add3A_236 : i32
      %add3A_238 = arith.constant 4 : i32
      %add3A_239 = arith.addi %add3A_237, %add3A_238 : i32
      %sub3A_240 = arith.constant 1 : i32
      %sub3A_241 = arith.subi %add3A_239, %sub3A_240 : i32
      %le3A_242 = arith.constant 30 : i32
      %le3A_243 = arith.cmpi sle, %add3A_105, %le3A_242 : i32
      %convert_element_type3A_244 = arith.extui %le3A_243 : i1 to i32
      %cond3A_245 = arith.constant 0 : i32
      %cond3A_246 = arith.cmpi ne, %convert_element_type3A_244, %cond3A_245 : i32
      scf.if %cond3A_246 {
        %dma_start3A_374 = arith.constant 0 : i32
        %dma_start3A_375 = tpu.memref_slice %arg6[%sub3A_241, %dma_start3A_374] : memref<128x128xi32, #tpu.memory_space<vmem>> -> memref<1x128xi32, #tpu.memory_space<vmem>>
        %dma_start3A_376 = tpu.memref_squeeze %dma_start3A_375 : memref<1x128xi32, #tpu.memory_space<vmem>> -> memref<128xi32, #tpu.memory_space<vmem>>
        %dma_start3A_377 = arith.constant 0 : i32
        %dma_start3A_378 = arith.constant 0 : i32
        %dma_start3A_379 = tpu.memref_slice %arg3[%dma_start3A_377, %dma_start3A_378] : memref<100000x64xf32, #tpu.memory_space<hbm>> -> memref<100000x64xf32, #tpu.memory_space<hbm>>
        tpu.enqueue_indirect_dma source(%dma_start3A_379 : memref<100000x64xf32, #tpu.memory_space<hbm>>) target(%arg9 : memref<128x64xf32, #tpu.memory_space<vmem>>) offsets(%dma_start3A_376 : memref<128xi32, #tpu.memory_space<vmem>>) semaphore(%arg17 : memref<!tpu.dma_semaphore, #tpu.memory_space<semaphore_mem>>)
      } else {
      }
      %dma_wait3A_247 = arith.constant 0 : i32
      %dma_wait3A_248 = tpu.memref_slice %arg6[%add3A_237, %dma_wait3A_247] : memref<128x128xi32, #tpu.memory_space<vmem>> -> memref<1x128xi32, #tpu.memory_space<vmem>>
      %dma_wait3A_249 = tpu.memref_squeeze %dma_wait3A_248 : memref<1x128xi32, #tpu.memory_space<vmem>> -> memref<128xi32, #tpu.memory_space<vmem>>
      %dma_wait3A_250 = arith.constant 0 : i32
      %dma_wait3A_251 = arith.constant 0 : i32
      %dma_wait3A_252 = tpu.memref_slice %arg3[%dma_wait3A_250, %dma_wait3A_251] : memref<100000x64xf32, #tpu.memory_space<hbm>> -> memref<100000x64xf32, #tpu.memory_space<hbm>>
      tpu.wait_indirect_dma semaphore(%arg18 : memref<!tpu.dma_semaphore, #tpu.memory_space<semaphore_mem>>) src(%dma_wait3A_252 : memref<100000x64xf32, #tpu.memory_space<hbm>>) dst(%arg10 : memref<128x64xf32, #tpu.memory_space<vmem>>)
      %ge3A_253 = arith.constant 1 : i32
      %ge3A_254 = arith.cmpi sge, %add3A_105, %ge3A_253 : i32
      %convert_element_type3A_255 = arith.extui %ge3A_254 : i1 to i32
      %cond3A_256 = arith.constant 0 : i32
      %cond3A_257 = arith.cmpi ne, %convert_element_type3A_255, %cond3A_256 : i32
      scf.if %cond3A_257 {
        %dma_wait3A_374 = arith.constant 0 : i32
        %dma_wait3A_375 = arith.constant 0 : i32
        %dma_wait3A_376 = arith.constant 0 : i32
        %dma_wait3A_377 = tpu.memref_slice %arg14[%dma_wait3A_375, %dma_wait3A_376] : memref<64x129xf32, #tpu.memory_space<vmem>> -> memref<64x128xf32, #tpu.memory_space<vmem>>
        %dma_wait3A_378 = arith.constant 0 : i32
        %dma_wait3A_379 = arith.constant 0 : i32
        %dma_wait3A_380 = tpu.memref_slice %arg5[%dma_wait3A_374, %dma_wait3A_378, %dma_wait3A_379] : memref<1024x64x512xf32, #tpu.memory_space<hbm>> -> memref<1x64x128xf32, #tpu.memory_space<hbm>>
        %dma_wait3A_381 = tpu.memref_squeeze %dma_wait3A_380 : memref<1x64x128xf32, #tpu.memory_space<hbm>> -> memref<64x128xf32, #tpu.memory_space<hbm>>
        %dma_wait3A_382 = arith.constant 0 : i32
        %dma_wait3A_383 = arith.constant 0 : i32
        %dma_wait3A_384 = tpu.memref_slice %arg5[%dma_wait3A_374, %dma_wait3A_382, %dma_wait3A_383] : memref<1024x64x512xf32, #tpu.memory_space<hbm>> -> memref<1x64x128xf32, #tpu.memory_space<hbm>>
        %dma_wait3A_385 = tpu.memref_squeeze %dma_wait3A_384 : memref<1x64x128xf32, #tpu.memory_space<hbm>> -> memref<64x128xf32, #tpu.memory_space<hbm>>
        %dma_wait3A_386 = arith.constant 0 : i32
        %dma_wait3A_387 = arith.constant 0 : i32
        %dma_wait3A_388 = tpu.memref_slice %arg14[%dma_wait3A_386, %dma_wait3A_387] : memref<64x129xf32, #tpu.memory_space<vmem>> -> memref<64x128xf32, #tpu.memory_space<vmem>>
        tpu.wait_dma2 semaphore(%arg22 : memref<!tpu.dma_semaphore, #tpu.memory_space<semaphore_mem>>) src(%dma_wait3A_388 : memref<64x128xf32, #tpu.memory_space<vmem>>) dst(%dma_wait3A_385 : memref<64x128xf32, #tpu.memory_space<hbm>>)
      } else {
      }
      %parallel_loop3A_258 = arith.constant 0 : i32
      %parallel_loop3A_259 = arith.constant 128 : i32
      %parallel_loop3A_260 = arith.constant 1 : i32
      scf.for %parallel_loop3A_374 = %parallel_loop3A_258 to %parallel_loop3A_259 step %parallel_loop3A_260  : i32 {
        %parallel_loop3A_375 = vector.broadcast %parallel_loop3A_374 : i32 to vector<16xi32>
        %parallel_loop3A_376 = arith.index_cast %parallel_loop3A_374 : i32 to index
        %parallel_loop3A_377 = arith.constant 0 : index
        %parallel_loop3A_378 = tpu.vector_load %arg10[%parallel_loop3A_376, %parallel_loop3A_377] {strides = array<i32>} : memref<128x64xf32, #tpu.memory_space<vmem>>, vector<16xf32>,
        %parallel_loop3A_379 = arith.constant 256 : i32
        %parallel_loop3A_380 = arith.addi %parallel_loop3A_379, %parallel_loop3A_374 : i32
        %parallel_loop3A_381 = arith.index_cast %parallel_loop3A_380 : i32 to index
        %parallel_loop3A_382 = arith.constant 0 : index
        %parallel_loop3A_383 = tpu.vector_load %arg7[%parallel_loop3A_381, %parallel_loop3A_382] {strides = array<i32>} : memref<512x64xf32, #tpu.memory_space<vmem>>, vector<16xf32>,
        %parallel_loop3A_384 = arith.addf %parallel_loop3A_378, %parallel_loop3A_383 : vector<16xf32>
        tpu.vector_store_idx %arg14[%add3A_5, %parallel_loop3A_375], %parallel_loop3A_384 : memref<64x129xf32, #tpu.memory_space<vmem>>[vector<16xi32>, vector<16xi32>], vector<16xf32>,
        %parallel_loop3A_385 = arith.index_cast %parallel_loop3A_374 : i32 to index
        %parallel_loop3A_386 = arith.constant 16 : index
        %parallel_loop3A_387 = tpu.vector_load %arg10[%parallel_loop3A_385, %parallel_loop3A_386] {strides = array<i32>} : memref<128x64xf32, #tpu.memory_space<vmem>>, vector<16xf32>,
        %parallel_loop3A_388 = arith.constant 256 : i32
        %parallel_loop3A_389 = arith.addi %parallel_loop3A_388, %parallel_loop3A_374 : i32
        %parallel_loop3A_390 = arith.index_cast %parallel_loop3A_389 : i32 to index
        %parallel_loop3A_391 = arith.constant 16 : index
        %parallel_loop3A_392 = tpu.vector_load %arg7[%parallel_loop3A_390, %parallel_loop3A_391] {strides = array<i32>} : memref<512x64xf32, #tpu.memory_space<vmem>>, vector<16xf32>,
        %parallel_loop3A_393 = arith.addf %parallel_loop3A_387, %parallel_loop3A_392 : vector<16xf32>
        tpu.vector_store_idx %arg14[%add3A_9, %parallel_loop3A_375], %parallel_loop3A_393 : memref<64x129xf32, #tpu.memory_space<vmem>>[vector<16xi32>, vector<16xi32>], vector<16xf32>,
        %parallel_loop3A_394 = arith.index_cast %parallel_loop3A_374 : i32 to index
        %parallel_loop3A_395 = arith.constant 32 : index
        %parallel_loop3A_396 = tpu.vector_load %arg10[%parallel_loop3A_394, %parallel_loop3A_395] {strides = array<i32>} : memref<128x64xf32, #tpu.memory_space<vmem>>, vector<16xf32>,
        %parallel_loop3A_397 = arith.constant 256 : i32
        %parallel_loop3A_398 = arith.addi %parallel_loop3A_397, %parallel_loop3A_374 : i32
        %parallel_loop3A_399 = arith.index_cast %parallel_loop3A_398 : i32 to index
        %parallel_loop3A_400 = arith.constant 32 : index
        %parallel_loop3A_401 = tpu.vector_load %arg7[%parallel_loop3A_399, %parallel_loop3A_400] {strides = array<i32>} : memref<512x64xf32, #tpu.memory_space<vmem>>, vector<16xf32>,
        %parallel_loop3A_402 = arith.addf %parallel_loop3A_396, %parallel_loop3A_401 : vector<16xf32>
        tpu.vector_store_idx %arg14[%add3A_13, %parallel_loop3A_375], %parallel_loop3A_402 : memref<64x129xf32, #tpu.memory_space<vmem>>[vector<16xi32>, vector<16xi32>], vector<16xf32>,
        %parallel_loop3A_403 = arith.index_cast %parallel_loop3A_374 : i32 to index
        %parallel_loop3A_404 = arith.constant 48 : index
        %parallel_loop3A_405 = tpu.vector_load %arg10[%parallel_loop3A_403, %parallel_loop3A_404] {strides = array<i32>} : memref<128x64xf32, #tpu.memory_space<vmem>>, vector<16xf32>,
        %parallel_loop3A_406 = arith.constant 256 : i32
        %parallel_loop3A_407 = arith.addi %parallel_loop3A_406, %parallel_loop3A_374 : i32
        %parallel_loop3A_408 = arith.index_cast %parallel_loop3A_407 : i32 to index
        %parallel_loop3A_409 = arith.constant 48 : index
        %parallel_loop3A_410 = tpu.vector_load %arg7[%parallel_loop3A_408, %parallel_loop3A_409] {strides = array<i32>} : memref<512x64xf32, #tpu.memory_space<vmem>>, vector<16xf32>,
        %parallel_loop3A_411 = arith.addf %parallel_loop3A_405, %parallel_loop3A_410 : vector<16xf32>
        tpu.vector_store_idx %arg14[%add3A_17, %parallel_loop3A_375], %parallel_loop3A_411 : memref<64x129xf32, #tpu.memory_space<vmem>>[vector<16xi32>, vector<16xi32>], vector<16xf32>,
      } {sc.loop_unroll_factor = 8 : i64, sc.parallel_access}
      %jit3A_261 = arith.constant 4 : i32
      %div3A_262 = arith.divsi %mul3A_2, %jit3A_261 : i32
      %sign3A_263 = arith.constant 0 : i32
      %sign3A_264 = arith.cmpi sgt, %mul3A_2, %sign3A_263 : i32
      %sign3A_265 = arith.extui %sign3A_264 : i1 to i32
      %sign3A_266 = arith.constant 0 : i32
      %sign3A_267 = arith.cmpi slt, %mul3A_2, %sign3A_266 : i32
      %sign3A_268 = arith.extui %sign3A_267 : i1 to i32
      %sign3A_269 = arith.subi %sign3A_265, %sign3A_268 : i32
      %sign3A_270 = arith.constant 0 : i32
      %sign3A_271 = arith.cmpi sgt, %jit3A_261, %sign3A_270 : i32
      %sign3A_272 = arith.extui %sign3A_271 : i1 to i32
      %sign3A_273 = arith.constant 0 : i32
      %sign3A_274 = arith.cmpi slt, %jit3A_261, %sign3A_273 : i32
      %sign3A_275 = arith.extui %sign3A_274 : i1 to i32
      %sign3A_276 = arith.subi %sign3A_272, %sign3A_275 : i32
      %ne3A_277 = arith.cmpi ne, %sign3A_269, %sign3A_276 : i32
      %rem3A_278 = arith.remsi %mul3A_2, %jit3A_261 : i32
      %ne3A_279 = arith.constant 0 : i32
      %ne3A_280 = arith.cmpi ne, %rem3A_278, %ne3A_279 : i32
      %and3A_281 = arith.andi %ne3A_277, %ne3A_280 : i1
      %sub3A_282 = arith.constant 1 : i32
      %sub3A_283 = arith.subi %div3A_262, %sub3A_282 : i32
      %select_n3A_284 = arith.select %and3A_281, %sub3A_283, %div3A_262 : i32
      %mul3A_285 = arith.constant 1 : i32
      %mul3A_286 = arith.muli %mul3A_285, %add3A_105 : i32
      %add3A_287 = arith.addi %select_n3A_284, %mul3A_286 : i32
      %add3A_288 = arith.constant 0 : i32
      %add3A_289 = arith.addi %add3A_287, %add3A_288 : i32
      %dma_start3A_290 = arith.constant 0 : i32
      %dma_start3A_291 = arith.constant 0 : i32
      %dma_start3A_292 = tpu.memref_slice %arg14[%dma_start3A_290, %dma_start3A_291] : memref<64x129xf32, #tpu.memory_space<vmem>> -> memref<64x128xf32, #tpu.memory_space<vmem>>
      %dma_start3A_293 = arith.constant 0 : i32
      %dma_start3A_294 = arith.constant 256 : i32
      %dma_start3A_295 = tpu.memref_slice %arg5[%add3A_289, %dma_start3A_293, %dma_start3A_294] : memref<1024x64x512xf32, #tpu.memory_space<hbm>> -> memref<1x64x128xf32, #tpu.memory_space<hbm>>
      %dma_start3A_296 = tpu.memref_squeeze %dma_start3A_295 : memref<1x64x128xf32, #tpu.memory_space<hbm>> -> memref<64x128xf32, #tpu.memory_space<hbm>>
      %dma_start3A_297 = arith.constant 0 : i32
      %dma_start3A_298 = arith.constant 256 : i32
      %dma_start3A_299 = tpu.memref_slice %arg5[%add3A_289, %dma_start3A_297, %dma_start3A_298] : memref<1024x64x512xf32, #tpu.memory_space<hbm>> -> memref<1x64x128xf32, #tpu.memory_space<hbm>>
      %dma_start3A_300 = tpu.memref_squeeze %dma_start3A_299 : memref<1x64x128xf32, #tpu.memory_space<hbm>> -> memref<64x128xf32, #tpu.memory_space<hbm>>
      %dma_start3A_301 = arith.constant 0 : i32
      %dma_start3A_302 = arith.constant 0 : i32
      %dma_start3A_303 = tpu.memref_slice %arg14[%dma_start3A_301, %dma_start3A_302] : memref<64x129xf32, #tpu.memory_space<vmem>> -> memref<64x128xf32, #tpu.memory_space<vmem>>
      tpu.enqueue_dma source(%dma_start3A_303 : memref<64x128xf32, #tpu.memory_space<vmem>>) target(%dma_start3A_300 : memref<64x128xf32, #tpu.memory_space<hbm>>) target_semaphore(%arg22 : memref<!tpu.dma_semaphore, #tpu.memory_space<semaphore_mem>>)
      %mul3A_304 = arith.constant 4 : i32
      %mul3A_305 = arith.muli %mul3A_304, %add3A_105 : i32
      %add3A_306 = arith.constant 3 : i32
      %add3A_307 = arith.addi %mul3A_305, %add3A_306 : i32
      %add3A_308 = arith.constant 4 : i32
      %add3A_309 = arith.addi %add3A_307, %add3A_308 : i32
      %sub3A_310 = arith.constant 1 : i32
      %sub3A_311 = arith.subi %add3A_309, %sub3A_310 : i32
      %le3A_312 = arith.constant 30 : i32
      %le3A_313 = arith.cmpi sle, %add3A_105, %le3A_312 : i32
      %convert_element_type3A_314 = arith.extui %le3A_313 : i1 to i32
      %cond3A_315 = arith.constant 0 : i32
      %cond3A_316 = arith.cmpi ne, %convert_element_type3A_314, %cond3A_315 : i32
      scf.if %cond3A_316 {
        %dma_start3A_374 = arith.constant 0 : i32
        %dma_start3A_375 = tpu.memref_slice %arg6[%sub3A_311, %dma_start3A_374] : memref<128x128xi32, #tpu.memory_space<vmem>> -> memref<1x128xi32, #tpu.memory_space<vmem>>
        %dma_start3A_376 = tpu.memref_squeeze %dma_start3A_375 : memref<1x128xi32, #tpu.memory_space<vmem>> -> memref<128xi32, #tpu.memory_space<vmem>>
        %dma_start3A_377 = arith.constant 0 : i32
        %dma_start3A_378 = arith.constant 0 : i32
        %dma_start3A_379 = tpu.memref_slice %arg3[%dma_start3A_377, %dma_start3A_378] : memref<100000x64xf32, #tpu.memory_space<hbm>> -> memref<100000x64xf32, #tpu.memory_space<hbm>>
        tpu.enqueue_indirect_dma source(%dma_start3A_379 : memref<100000x64xf32, #tpu.memory_space<hbm>>) target(%arg10 : memref<128x64xf32, #tpu.memory_space<vmem>>) offsets(%dma_start3A_376 : memref<128xi32, #tpu.memory_space<vmem>>) semaphore(%arg18 : memref<!tpu.dma_semaphore, #tpu.memory_space<semaphore_mem>>)
      } else {
      }
      %dma_wait3A_317 = arith.constant 0 : i32
      %dma_wait3A_318 = tpu.memref_slice %arg6[%add3A_307, %dma_wait3A_317] : memref<128x128xi32, #tpu.memory_space<vmem>> -> memref<1x128xi32, #tpu.memory_space<vmem>>
      %dma_wait3A_319 = tpu.memref_squeeze %dma_wait3A_318 : memref<1x128xi32, #tpu.memory_space<vmem>> -> memref<128xi32, #tpu.memory_space<vmem>>
      %dma_wait3A_320 = arith.constant 0 : i32
      %dma_wait3A_321 = arith.constant 0 : i32
      %dma_wait3A_322 = tpu.memref_slice %arg3[%dma_wait3A_320, %dma_wait3A_321] : memref<100000x64xf32, #tpu.memory_space<hbm>> -> memref<100000x64xf32, #tpu.memory_space<hbm>>
      tpu.wait_indirect_dma semaphore(%arg19 : memref<!tpu.dma_semaphore, #tpu.memory_space<semaphore_mem>>) src(%dma_wait3A_322 : memref<100000x64xf32, #tpu.memory_space<hbm>>) dst(%arg11 : memref<128x64xf32, #tpu.memory_space<vmem>>)
      %ge3A_323 = arith.constant 1 : i32
      %ge3A_324 = arith.cmpi sge, %add3A_105, %ge3A_323 : i32
      %convert_element_type3A_325 = arith.extui %ge3A_324 : i1 to i32
      %cond3A_326 = arith.constant 0 : i32
      %cond3A_327 = arith.cmpi ne, %convert_element_type3A_325, %cond3A_326 : i32
      scf.if %cond3A_327 {
        %dma_wait3A_374 = arith.constant 0 : i32
        %dma_wait3A_375 = arith.constant 0 : i32
        %dma_wait3A_376 = arith.constant 0 : i32
        %dma_wait3A_377 = tpu.memref_slice %arg15[%dma_wait3A_375, %dma_wait3A_376] : memref<64x129xf32, #tpu.memory_space<vmem>> -> memref<64x128xf32, #tpu.memory_space<vmem>>
        %dma_wait3A_378 = arith.constant 0 : i32
        %dma_wait3A_379 = arith.constant 0 : i32
        %dma_wait3A_380 = tpu.memref_slice %arg5[%dma_wait3A_374, %dma_wait3A_378, %dma_wait3A_379] : memref<1024x64x512xf32, #tpu.memory_space<hbm>> -> memref<1x64x128xf32, #tpu.memory_space<hbm>>
        %dma_wait3A_381 = tpu.memref_squeeze %dma_wait3A_380 : memref<1x64x128xf32, #tpu.memory_space<hbm>> -> memref<64x128xf32, #tpu.memory_space<hbm>>
        %dma_wait3A_382 = arith.constant 0 : i32
        %dma_wait3A_383 = arith.constant 0 : i32
        %dma_wait3A_384 = tpu.memref_slice %arg5[%dma_wait3A_374, %dma_wait3A_382, %dma_wait3A_383] : memref<1024x64x512xf32, #tpu.memory_space<hbm>> -> memref<1x64x128xf32, #tpu.memory_space<hbm>>
        %dma_wait3A_385 = tpu.memref_squeeze %dma_wait3A_384 : memref<1x64x128xf32, #tpu.memory_space<hbm>> -> memref<64x128xf32, #tpu.memory_space<hbm>>
        %dma_wait3A_386 = arith.constant 0 : i32
        %dma_wait3A_387 = arith.constant 0 : i32
        %dma_wait3A_388 = tpu.memref_slice %arg15[%dma_wait3A_386, %dma_wait3A_387] : memref<64x129xf32, #tpu.memory_space<vmem>> -> memref<64x128xf32, #tpu.memory_space<vmem>>
        tpu.wait_dma2 semaphore(%arg23 : memref<!tpu.dma_semaphore, #tpu.memory_space<semaphore_mem>>) src(%dma_wait3A_388 : memref<64x128xf32, #tpu.memory_space<vmem>>) dst(%dma_wait3A_385 : memref<64x128xf32, #tpu.memory_space<hbm>>)
      } else {
      }
      %parallel_loop3A_328 = arith.constant 0 : i32
      %parallel_loop3A_329 = arith.constant 128 : i32
      %parallel_loop3A_330 = arith.constant 1 : i32
      scf.for %parallel_loop3A_374 = %parallel_loop3A_328 to %parallel_loop3A_329 step %parallel_loop3A_330  : i32 {
        %parallel_loop3A_375 = vector.broadcast %parallel_loop3A_374 : i32 to vector<16xi32>
        %parallel_loop3A_376 = arith.index_cast %parallel_loop3A_374 : i32 to index
        %parallel_loop3A_377 = arith.constant 0 : index
        %parallel_loop3A_378 = tpu.vector_load %arg11[%parallel_loop3A_376, %parallel_loop3A_377] {strides = array<i32>} : memref<128x64xf32, #tpu.memory_space<vmem>>, vector<16xf32>,
        %parallel_loop3A_379 = arith.constant 384 : i32
        %parallel_loop3A_380 = arith.addi %parallel_loop3A_379, %parallel_loop3A_374 : i32
        %parallel_loop3A_381 = arith.index_cast %parallel_loop3A_380 : i32 to index
        %parallel_loop3A_382 = arith.constant 0 : index
        %parallel_loop3A_383 = tpu.vector_load %arg7[%parallel_loop3A_381, %parallel_loop3A_382] {strides = array<i32>} : memref<512x64xf32, #tpu.memory_space<vmem>>, vector<16xf32>,
        %parallel_loop3A_384 = arith.addf %parallel_loop3A_378, %parallel_loop3A_383 : vector<16xf32>
        tpu.vector_store_idx %arg15[%add3A_5, %parallel_loop3A_375], %parallel_loop3A_384 : memref<64x129xf32, #tpu.memory_space<vmem>>[vector<16xi32>, vector<16xi32>], vector<16xf32>,
        %parallel_loop3A_385 = arith.index_cast %parallel_loop3A_374 : i32 to index
        %parallel_loop3A_386 = arith.constant 16 : index
        %parallel_loop3A_387 = tpu.vector_load %arg11[%parallel_loop3A_385, %parallel_loop3A_386] {strides = array<i32>} : memref<128x64xf32, #tpu.memory_space<vmem>>, vector<16xf32>,
        %parallel_loop3A_388 = arith.constant 384 : i32
        %parallel_loop3A_389 = arith.addi %parallel_loop3A_388, %parallel_loop3A_374 : i32
        %parallel_loop3A_390 = arith.index_cast %parallel_loop3A_389 : i32 to index
        %parallel_loop3A_391 = arith.constant 16 : index
        %parallel_loop3A_392 = tpu.vector_load %arg7[%parallel_loop3A_390, %parallel_loop3A_391] {strides = array<i32>} : memref<512x64xf32, #tpu.memory_space<vmem>>, vector<16xf32>,
        %parallel_loop3A_393 = arith.addf %parallel_loop3A_387, %parallel_loop3A_392 : vector<16xf32>
        tpu.vector_store_idx %arg15[%add3A_9, %parallel_loop3A_375], %parallel_loop3A_393 : memref<64x129xf32, #tpu.memory_space<vmem>>[vector<16xi32>, vector<16xi32>], vector<16xf32>,
        %parallel_loop3A_394 = arith.index_cast %parallel_loop3A_374 : i32 to index
        %parallel_loop3A_395 = arith.constant 32 : index
        %parallel_loop3A_396 = tpu.vector_load %arg11[%parallel_loop3A_394, %parallel_loop3A_395] {strides = array<i32>} : memref<128x64xf32, #tpu.memory_space<vmem>>, vector<16xf32>,
        %parallel_loop3A_397 = arith.constant 384 : i32
        %parallel_loop3A_398 = arith.addi %parallel_loop3A_397, %parallel_loop3A_374 : i32
        %parallel_loop3A_399 = arith.index_cast %parallel_loop3A_398 : i32 to index
        %parallel_loop3A_400 = arith.constant 32 : index
        %parallel_loop3A_401 = tpu.vector_load %arg7[%parallel_loop3A_399, %parallel_loop3A_400] {strides = array<i32>} : memref<512x64xf32, #tpu.memory_space<vmem>>, vector<16xf32>,
        %parallel_loop3A_402 = arith.addf %parallel_loop3A_396, %parallel_loop3A_401 : vector<16xf32>
        tpu.vector_store_idx %arg15[%add3A_13, %parallel_loop3A_375], %parallel_loop3A_402 : memref<64x129xf32, #tpu.memory_space<vmem>>[vector<16xi32>, vector<16xi32>], vector<16xf32>,
        %parallel_loop3A_403 = arith.index_cast %parallel_loop3A_374 : i32 to index
        %parallel_loop3A_404 = arith.constant 48 : index
        %parallel_loop3A_405 = tpu.vector_load %arg11[%parallel_loop3A_403, %parallel_loop3A_404] {strides = array<i32>} : memref<128x64xf32, #tpu.memory_space<vmem>>, vector<16xf32>,
        %parallel_loop3A_406 = arith.constant 384 : i32
        %parallel_loop3A_407 = arith.addi %parallel_loop3A_406, %parallel_loop3A_374 : i32
        %parallel_loop3A_408 = arith.index_cast %parallel_loop3A_407 : i32 to index
        %parallel_loop3A_409 = arith.constant 48 : index
        %parallel_loop3A_410 = tpu.vector_load %arg7[%parallel_loop3A_408, %parallel_loop3A_409] {strides = array<i32>} : memref<512x64xf32, #tpu.memory_space<vmem>>, vector<16xf32>,
        %parallel_loop3A_411 = arith.addf %parallel_loop3A_405, %parallel_loop3A_410 : vector<16xf32>
        tpu.vector_store_idx %arg15[%add3A_17, %parallel_loop3A_375], %parallel_loop3A_411 : memref<64x129xf32, #tpu.memory_space<vmem>>[vector<16xi32>, vector<16xi32>], vector<16xf32>,
      } {sc.loop_unroll_factor = 8 : i64, sc.parallel_access}
      %jit3A_331 = arith.constant 4 : i32
      %div3A_332 = arith.divsi %mul3A_2, %jit3A_331 : i32
      %sign3A_333 = arith.constant 0 : i32
      %sign3A_334 = arith.cmpi sgt, %mul3A_2, %sign3A_333 : i32
      %sign3A_335 = arith.extui %sign3A_334 : i1 to i32
      %sign3A_336 = arith.constant 0 : i32
      %sign3A_337 = arith.cmpi slt, %mul3A_2, %sign3A_336 : i32
      %sign3A_338 = arith.extui %sign3A_337 : i1 to i32
      %sign3A_339 = arith.subi %sign3A_335, %sign3A_338 : i32
      %sign3A_340 = arith.constant 0 : i32
      %sign3A_341 = arith.cmpi sgt, %jit3A_331, %sign3A_340 : i32
      %sign3A_342 = arith.extui %sign3A_341 : i1 to i32
      %sign3A_343 = arith.constant 0 : i32
      %sign3A_344 = arith.cmpi slt, %jit3A_331, %sign3A_343 : i32
      %sign3A_345 = arith.extui %sign3A_344 : i1 to i32
      %sign3A_346 = arith.subi %sign3A_342, %sign3A_345 : i32
      %ne3A_347 = arith.cmpi ne, %sign3A_339, %sign3A_346 : i32
      %rem3A_348 = arith.remsi %mul3A_2, %jit3A_331 : i32
      %ne3A_349 = arith.constant 0 : i32
      %ne3A_350 = arith.cmpi ne, %rem3A_348, %ne3A_349 : i32
      %and3A_351 = arith.andi %ne3A_347, %ne3A_350 : i1
      %sub3A_352 = arith.constant 1 : i32
      %sub3A_353 = arith.subi %div3A_332, %sub3A_352 : i32
      %select_n3A_354 = arith.select %and3A_351, %sub3A_353, %div3A_332 : i32
      %mul3A_355 = arith.constant 1 : i32
      %mul3A_356 = arith.muli %mul3A_355, %add3A_105 : i32
      %add3A_357 = arith.addi %select_n3A_354, %mul3A_356 : i32
      %add3A_358 = arith.constant 0 : i32
      %add3A_359 = arith.addi %add3A_357, %add3A_358 : i32
      %dma_start3A_360 = arith.constant 0 : i32
      %dma_start3A_361 = arith.constant 0 : i32
      %dma_start3A_362 = tpu.memref_slice %arg15[%dma_start3A_360, %dma_start3A_361] : memref<64x129xf32, #tpu.memory_space<vmem>> -> memref<64x128xf32, #tpu.memory_space<vmem>>
      %dma_start3A_363 = arith.constant 0 : i32
      %dma_start3A_364 = arith.constant 384 : i32
      %dma_start3A_365 = tpu.memref_slice %arg5[%add3A_359, %dma_start3A_363, %dma_start3A_364] : memref<1024x64x512xf32, #tpu.memory_space<hbm>> -> memref<1x64x128xf32, #tpu.memory_space<hbm>>
      %dma_start3A_366 = tpu.memref_squeeze %dma_start3A_365 : memref<1x64x128xf32, #tpu.memory_space<hbm>> -> memref<64x128xf32, #tpu.memory_space<hbm>>
      %dma_start3A_367 = arith.constant 0 : i32
      %dma_start3A_368 = arith.constant 384 : i32
      %dma_start3A_369 = tpu.memref_slice %arg5[%add3A_359, %dma_start3A_367, %dma_start3A_368] : memref<1024x64x512xf32, #tpu.memory_space<hbm>> -> memref<1x64x128xf32, #tpu.memory_space<hbm>>
      %dma_start3A_370 = tpu.memref_squeeze %dma_start3A_369 : memref<1x64x128xf32, #tpu.memory_space<hbm>> -> memref<64x128xf32, #tpu.memory_space<hbm>>
      %dma_start3A_371 = arith.constant 0 : i32
      %dma_start3A_372 = arith.constant 0 : i32
      %dma_start3A_373 = tpu.memref_slice %arg15[%dma_start3A_371, %dma_start3A_372] : memref<64x129xf32, #tpu.memory_space<vmem>> -> memref<64x128xf32, #tpu.memory_space<vmem>>
      tpu.enqueue_dma source(%dma_start3A_373 : memref<64x128xf32, #tpu.memory_space<vmem>>) target(%dma_start3A_370 : memref<64x128xf32, #tpu.memory_space<hbm>>) target_semaphore(%arg23 : memref<!tpu.dma_semaphore, #tpu.memory_space<semaphore_mem>>)
    }
    %scan3A_41 = arith.constant 32 : i32
    %dma_wait3A = arith.constant 0 : i32
    %dma_wait3A_42 = arith.constant 0 : i32
    %dma_wait3A_43 = arith.constant 0 : i32
    %dma_wait3A_44 = tpu.memref_slice %arg12[%dma_wait3A_42, %dma_wait3A_43] : memref<64x129xf32, #tpu.memory_space<vmem>> -> memref<64x128xf32, #tpu.memory_space<vmem>>
    %dma_wait3A_45 = arith.constant 0 : i32
    %dma_wait3A_46 = arith.constant 0 : i32
    %dma_wait3A_47 = tpu.memref_slice %arg5[%dma_wait3A, %dma_wait3A_45, %dma_wait3A_46] : memref<1024x64x512xf32, #tpu.memory_space<hbm>> -> memref<1x64x128xf32, #tpu.memory_space<hbm>>
    %dma_wait3A_48 = tpu.memref_squeeze %dma_wait3A_47 : memref<1x64x128xf32, #tpu.memory_space<hbm>> -> memref<64x128xf32, #tpu.memory_space<hbm>>
    %dma_wait3A_49 = arith.constant 0 : i32
    %dma_wait3A_50 = arith.constant 0 : i32
    %dma_wait3A_51 = tpu.memref_slice %arg5[%dma_wait3A, %dma_wait3A_49, %dma_wait3A_50] : memref<1024x64x512xf32, #tpu.memory_space<hbm>> -> memref<1x64x128xf32, #tpu.memory_space<hbm>>
    %dma_wait3A_52 = tpu.memref_squeeze %dma_wait3A_51 : memref<1x64x128xf32, #tpu.memory_space<hbm>> -> memref<64x128xf32, #tpu.memory_space<hbm>>
    %dma_wait3A_53 = arith.constant 0 : i32
    %dma_wait3A_54 = arith.constant 0 : i32
    %dma_wait3A_55 = tpu.memref_slice %arg12[%dma_wait3A_53, %dma_wait3A_54] : memref<64x129xf32, #tpu.memory_space<vmem>> -> memref<64x128xf32, #tpu.memory_space<vmem>>
    tpu.wait_dma2 semaphore(%arg20 : memref<!tpu.dma_semaphore, #tpu.memory_space<semaphore_mem>>) src(%dma_wait3A_55 : memref<64x128xf32, #tpu.memory_space<vmem>>) dst(%dma_wait3A_52 : memref<64x128xf32, #tpu.memory_space<hbm>>)
    %dma_wait3A_56 = arith.constant 0 : i32
    %dma_wait3A_57 = arith.constant 0 : i32
    %dma_wait3A_58 = arith.constant 0 : i32
    %dma_wait3A_59 = tpu.memref_slice %arg13[%dma_wait3A_57, %dma_wait3A_58] : memref<64x129xf32, #tpu.memory_space<vmem>> -> memref<64x128xf32, #tpu.memory_space<vmem>>
    %dma_wait3A_60 = arith.constant 0 : i32
    %dma_wait3A_61 = arith.constant 0 : i32
    %dma_wait3A_62 = tpu.memref_slice %arg5[%dma_wait3A_56, %dma_wait3A_60, %dma_wait3A_61] : memref<1024x64x512xf32, #tpu.memory_space<hbm>> -> memref<1x64x128xf32, #tpu.memory_space<hbm>>
    %dma_wait3A_63 = tpu.memref_squeeze %dma_wait3A_62 : memref<1x64x128xf32, #tpu.memory_space<hbm>> -> memref<64x128xf32, #tpu.memory_space<hbm>>
    %dma_wait3A_64 = arith.constant 0 : i32
    %dma_wait3A_65 = arith.constant 0 : i32
    %dma_wait3A_66 = tpu.memref_slice %arg5[%dma_wait3A_56, %dma_wait3A_64, %dma_wait3A_65] : memref<1024x64x512xf32, #tpu.memory_space<hbm>> -> memref<1x64x128xf32, #tpu.memory_space<hbm>>
    %dma_wait3A_67 = tpu.memref_squeeze %dma_wait3A_66 : memref<1x64x128xf32, #tpu.memory_space<hbm>> -> memref<64x128xf32, #tpu.memory_space<hbm>>
    %dma_wait3A_68 = arith.constant 0 : i32
    %dma_wait3A_69 = arith.constant 0 : i32
    %dma_wait3A_70 = tpu.memref_slice %arg13[%dma_wait3A_68, %dma_wait3A_69] : memref<64x129xf32, #tpu.memory_space<vmem>> -> memref<64x128xf32, #tpu.memory_space<vmem>>
    tpu.wait_dma2 semaphore(%arg21 : memref<!tpu.dma_semaphore, #tpu.memory_space<semaphore_mem>>) src(%dma_wait3A_70 : memref<64x128xf32, #tpu.memory_space<vmem>>) dst(%dma_wait3A_67 : memref<64x128xf32, #tpu.memory_space<hbm>>)
    %dma_wait3A_71 = arith.constant 0 : i32
    %dma_wait3A_72 = arith.constant 0 : i32
    %dma_wait3A_73 = arith.constant 0 : i32
    %dma_wait3A_74 = tpu.memref_slice %arg14[%dma_wait3A_72, %dma_wait3A_73] : memref<64x129xf32, #tpu.memory_space<vmem>> -> memref<64x128xf32, #tpu.memory_space<vmem>>
    %dma_wait3A_75 = arith.constant 0 : i32
    %dma_wait3A_76 = arith.constant 0 : i32
    %dma_wait3A_77 = tpu.memref_slice %arg5[%dma_wait3A_71, %dma_wait3A_75, %dma_wait3A_76] : memref<1024x64x512xf32, #tpu.memory_space<hbm>> -> memref<1x64x128xf32, #tpu.memory_space<hbm>>
    %dma_wait3A_78 = tpu.memref_squeeze %dma_wait3A_77 : memref<1x64x128xf32, #tpu.memory_space<hbm>> -> memref<64x128xf32, #tpu.memory_space<hbm>>
    %dma_wait3A_79 = arith.constant 0 : i32
    %dma_wait3A_80 = arith.constant 0 : i32
    %dma_wait3A_81 = tpu.memref_slice %arg5[%dma_wait3A_71, %dma_wait3A_79, %dma_wait3A_80] : memref<1024x64x512xf32, #tpu.memory_space<hbm>> -> memref<1x64x128xf32, #tpu.memory_space<hbm>>
    %dma_wait3A_82 = tpu.memref_squeeze %dma_wait3A_81 : memref<1x64x128xf32, #tpu.memory_space<hbm>> -> memref<64x128xf32, #tpu.memory_space<hbm>>
    %dma_wait3A_83 = arith.constant 0 : i32
    %dma_wait3A_84 = arith.constant 0 : i32
    %dma_wait3A_85 = tpu.memref_slice %arg14[%dma_wait3A_83, %dma_wait3A_84] : memref<64x129xf32, #tpu.memory_space<vmem>> -> memref<64x128xf32, #tpu.memory_space<vmem>>
    tpu.wait_dma2 semaphore(%arg22 : memref<!tpu.dma_semaphore, #tpu.memory_space<semaphore_mem>>) src(%dma_wait3A_85 : memref<64x128xf32, #tpu.memory_space<vmem>>) dst(%dma_wait3A_82 : memref<64x128xf32, #tpu.memory_space<hbm>>)
    %dma_wait3A_86 = arith.constant 0 : i32
    %dma_wait3A_87 = arith.constant 0 : i32
    %dma_wait3A_88 = arith.constant 0 : i32
    %dma_wait3A_89 = tpu.memref_slice %arg15[%dma_wait3A_87, %dma_wait3A_88] : memref<64x129xf32, #tpu.memory_space<vmem>> -> memref<64x128xf32, #tpu.memory_space<vmem>>
    %dma_wait3A_90 = arith.constant 0 : i32
    %dma_wait3A_91 = arith.constant 0 : i32
    %dma_wait3A_92 = tpu.memref_slice %arg5[%dma_wait3A_86, %dma_wait3A_90, %dma_wait3A_91] : memref<1024x64x512xf32, #tpu.memory_space<hbm>> -> memref<1x64x128xf32, #tpu.memory_space<hbm>>
    %dma_wait3A_93 = tpu.memref_squeeze %dma_wait3A_92 : memref<1x64x128xf32, #tpu.memory_space<hbm>> -> memref<64x128xf32, #tpu.memory_space<hbm>>
    %dma_wait3A_94 = arith.constant 0 : i32
    %dma_wait3A_95 = arith.constant 0 : i32
    %dma_wait3A_96 = tpu.memref_slice %arg5[%dma_wait3A_86, %dma_wait3A_94, %dma_wait3A_95] : memref<1024x64x512xf32, #tpu.memory_space<hbm>> -> memref<1x64x128xf32, #tpu.memory_space<hbm>>
    %dma_wait3A_97 = tpu.memref_squeeze %dma_wait3A_96 : memref<1x64x128xf32, #tpu.memory_space<hbm>> -> memref<64x128xf32, #tpu.memory_space<hbm>>
    %dma_wait3A_98 = arith.constant 0 : i32
    %dma_wait3A_99 = arith.constant 0 : i32
    %dma_wait3A_100 = tpu.memref_slice %arg15[%dma_wait3A_98, %dma_wait3A_99] : memref<64x129xf32, #tpu.memory_space<vmem>> -> memref<64x128xf32, #tpu.memory_space<vmem>>
    tpu.wait_dma2 semaphore(%arg23 : memref<!tpu.dma_semaphore, #tpu.memory_space<semaphore_mem>>) src(%dma_wait3A_100 : memref<64x128xf32, #tpu.memory_space<vmem>>) dst(%dma_wait3A_97 : memref<64x128xf32, #tpu.memory_space<hbm>>)
    return
  }
}

#map = affine_map<(d0, d1) -> (0, 0)>
#map1 = affine_map<(d0, d1) -> (0, 0, 0)>
module attributes {stable_mosaic.version = 14 : i64} {
  func.func @_body(%arg0: i32, %arg1: i32, %arg2: memref<4096x128xi32, #tpu.memory_space<hbm>>, %arg3: memref<100000x64xf32, #tpu.memory_space<hbm>>, %arg4: memref<512x64xf32, #tpu.memory_space<hbm>>, %arg5: memref<1024x64x512xf32, #tpu.memory_space<hbm>>, %arg6: memref<128x128xi32, #tpu.memory_space<vmem>>, %arg7: memref<512x64xf32, #tpu.memory_space<vmem>>, %arg8: memref<128x64xf32, #tpu.memory_space<vmem>>, %arg9: memref<128x64xf32, #tpu.memory_space<vmem>>, %arg10: memref<128x64xf32, #tpu.memory_space<vmem>>, %arg11: memref<128x64xf32, #tpu.memory_space<vmem>>, %arg12: memref<64x129xf32, #tpu.memory_space<vmem>>, %arg13: memref<64x129xf32, #tpu.memory_space<vmem>>, %arg14: memref<64x129xf32, #tpu.memory_space<vmem>>, %arg15: memref<64x129xf32, #tpu.memory_space<vmem>>, %arg16: memref<!tpu.dma_semaphore, #tpu.memory_space<semaphore_mem>>, %arg17: memref<!tpu.dma_semaphore, #tpu.memory_space<semaphore_mem>>, %arg18: memref<!tpu.dma_semaphore, #tpu.memory_space<semaphore_mem>>, %arg19: memref<!tpu.dma_semaphore, #tpu.memory_space<semaphore_mem>>, %arg20: memref<!tpu.dma_semaphore, #tpu.memory_space<semaphore_mem>>, %arg21: memref<!tpu.dma_semaphore, #tpu.memory_space<semaphore_mem>>, %arg22: memref<!tpu.dma_semaphore, #tpu.memory_space<semaphore_mem>>, %arg23: memref<!tpu.dma_semaphore, #tpu.memory_space<semaphore_mem>>) attributes {dimension_semantics = [#tpu.dimension_semantics<core_parallel>, #tpu.dimension_semantics<subcore_parallel>], iteration_bounds = array<i64: 2, 16>, scalar_prefetch = 0 : i64, scratch_operands = 18 : i64, tpu.core_type = #tpu.core_type<sc_vector_subcore>, window_params = [{transform_indices = #map}, {transform_indices = #map}, {transform_indices = #map}, {transform_indices = #map1}]} {
    %mul3A = arith.constant 2 : i32
    %mul3A_0 = arith.muli %arg1, %mul3A : i32
    %add3A = arith.addi %mul3A_0, %arg0 : i32
    %mul3A_1 = arith.constant 128 : i32
    %mul3A_2 = arith.muli %add3A, %mul3A_1 : i32
    "tpu.region"() ({
      %run_scoped3A = tpu.sem_alloc : memref<!tpu.dma_semaphore, #tpu.memory_space<semaphore_mem>>
      tpu.enqueue_dma source(%arg4 : memref<512x64xf32, #tpu.memory_space<hbm>>) target(%arg7 : memref<512x64xf32, #tpu.memory_space<vmem>>) target_semaphore(%run_scoped3A : memref<!tpu.dma_semaphore, #tpu.memory_space<semaphore_mem>>)
      tpu.wait_dma2 semaphore(%run_scoped3A : memref<!tpu.dma_semaphore, #tpu.memory_space<semaphore_mem>>) src(%arg4 : memref<512x64xf32, #tpu.memory_space<hbm>>) dst(%arg7 : memref<512x64xf32, #tpu.memory_space<vmem>>)
      tpu.yield
    }) : () -> ()
    %iota3A = tpu.iota {dimensions = array<i32: 0>} : vector<16xi32>
    %add3A_3 = arith.constant 0 : i32
    %add3A_4 = vector.broadcast %add3A_3 : i32 to vector<16xi32>
    %add3A_5 = arith.addi %iota3A, %add3A_4 : vector<16xi32>
    %iota3A_6 = tpu.iota {dimensions = array<i32: 0>} : vector<16xi32>
    %add3A_7 = arith.constant 16 : i32
    %add3A_8 = vector.broadcast %add3A_7 : i32 to vector<16xi32>
    %add3A_9 = arith.addi %iota3A_6, %add3A_8 : vector<16xi32>
    %iota3A_10 = tpu.iota {dimensions = array<i32: 0>} : vector<16xi32>
    %add3A_11 = arith.constant 32 : i32
    %add3A_12 = vector.broadcast %add3A_11 : i32 to vector<16xi32>
    %add3A_13 = arith.addi %iota3A_10, %add3A_12 : vector<16xi32>
    %iota3A_14 = tpu.iota {dimensions = array<i32: 0>} : vector<16xi32>
    %add3A_15 = arith.constant 48 : i32
    %add3A_16 = vector.broadcast %add3A_15 : i32 to vector<16xi32>
    %add3A_17 = arith.addi %iota3A_14, %add3A_16 : vector<16xi32>
    "tpu.region"() ({
      %run_scoped3A = tpu.sem_alloc : memref<!tpu.dma_semaphore, #tpu.memory_space<semaphore_mem>>
      %dma_start3A_101 = arith.constant 0 : i32
      %dma_start3A_102 = tpu.memref_slice %arg2[%mul3A_2, %dma_start3A_101] : memref<4096x128xi32, #tpu.memory_space<hbm>> -> memref<128x128xi32, #tpu.memory_space<hbm>>
      %dma_start3A_103 = arith.constant 0 : i32
      %dma_start3A_104 = tpu.memref_slice %arg2[%mul3A_2, %dma_start3A_103] : memref<4096x128xi32, #tpu.memory_space<hbm>> -> memref<128x128xi32, #tpu.memory_space<hbm>>
      tpu.enqueue_dma source(%dma_start3A_104 : memref<128x128xi32, #tpu.memory_space<hbm>>) target(%arg6 : memref<128x128xi32, #tpu.memory_space<vmem>>) target_semaphore(%run_scoped3A : memref<!tpu.dma_semaphore, #tpu.memory_space<semaphore_mem>>)
      %dma_wait3A_105 = arith.constant 0 : i32
      %dma_wait3A_106 = tpu.memref_slice %arg2[%mul3A_2, %dma_wait3A_105] : memref<4096x128xi32, #tpu.memory_space<hbm>> -> memref<128x128xi32, #tpu.memory_space<hbm>>
      %dma_wait3A_107 = arith.constant 0 : i32
      %dma_wait3A_108 = tpu.memref_slice %arg2[%mul3A_2, %dma_wait3A_107] : memref<4096x128xi32, #tpu.memory_space<hbm>> -> memref<128x128xi32, #tpu.memory_space<hbm>>
      tpu.wait_dma2 semaphore(%run_scoped3A : memref<!tpu.dma_semaphore, #tpu.memory_space<semaphore_mem>>) src(%dma_wait3A_108 : memref<128x128xi32, #tpu.memory_space<hbm>>) dst(%arg6 : memref<128x128xi32, #tpu.memory_space<vmem>>)
      tpu.yield
    }) : () -> ()
    %dma_start3A = arith.constant 0 : i32
    %dma_start3A_18 = arith.constant 0 : i32
    %dma_start3A_19 = tpu.memref_slice %arg6[%dma_start3A, %dma_start3A_18] : memref<128x128xi32, #tpu.memory_space<vmem>> -> memref<1x128xi32, #tpu.memory_space<vmem>>
    %dma_start3A_20 = tpu.memref_squeeze %dma_start3A_19 : memref<1x128xi32, #tpu.memory_space<vmem>> -> memref<128xi32, #tpu.memory_space<vmem>>
    %dma_start3A_21 = arith.constant 0 : i32
    %dma_start3A_22 = arith.constant 0 : i32
    %dma_start3A_23 = tpu.memref_slice %arg3[%dma_start3A_21, %dma_start3A_22] : memref<100000x64xf32, #tpu.memory_space<hbm>> -> memref<100000x64xf32, #tpu.memory_space<hbm>>
    tpu.enqueue_indirect_dma source(%dma_start3A_23 : memref<100000x64xf32, #tpu.memory_space<hbm>>) target(%arg8 : memref<128x64xf32, #tpu.memory_space<vmem>>) offsets(%dma_start3A_20 : memref<128xi32, #tpu.memory_space<vmem>>) semaphore(%arg16 : memref<!tpu.dma_semaphore, #tpu.memory_space<semaphore_mem>>)
    %dma_start3A_24 = arith.constant 1 : i32
    %dma_start3A_25 = arith.constant 0 : i32
    %dma_start3A_26 = tpu.memref_slice %arg6[%dma_start3A_24, %dma_start3A_25] : memref<128x128xi32, #tpu.memory_space<vmem>> -> memref<1x128xi32, #tpu.memory_space<vmem>>
    %dma_start3A_27 = tpu.memref_squeeze %dma_start3A_26 : memref<1x128xi32, #tpu.memory_space<vmem>> -> memref<128xi32, #tpu.memory_space<vmem>>
    %dma_start3A_28 = arith.constant 0 : i32
    %dma_start3A_29 = arith.constant 0 : i32
    %dma_start3A_30 = tpu.memref_slice %arg3[%dma_start3A_28, %dma_start3A_29] : memref<100000x64xf32, #tpu.memory_space<hbm>> -> memref<100000x64xf32, #tpu.memory_space<hbm>>
    tpu.enqueue_indirect_dma source(%dma_start3A_30 : memref<100000x64xf32, #tpu.memory_space<hbm>>) target(%arg9 : memref<128x64xf32, #tpu.memory_space<vmem>>) offsets(%dma_start3A_27 : memref<128xi32, #tpu.memory_space<vmem>>) semaphore(%arg17 : memref<!tpu.dma_semaphore, #tpu.memory_space<semaphore_mem>>)
    %dma_start3A_31 = arith.constant 2 : i32
    %dma_start3A_32 = arith.constant 0 : i32
    %dma_start3A_33 = tpu.memref_slice %arg6[%dma_start3A_31, %dma_start3A_32] : memref<128x128xi32, #tpu.memory_space<vmem>> -> memref<1x128xi32, #tpu.memory_space<vmem>>
    %dma_start3A_34 = tpu.memref_squeeze %dma_start3A_33 : memref<1x128xi32, #tpu.memory_space<vmem>> -> memref<128xi32, #tpu.memory_space<vmem>>
    %dma_start3A_35 = arith.constant 0 : i32
    %dma_start3A_36 = arith.constant 0 : i32
    %dma_start3A_37 = tpu.memref_slice %arg3[%dma_start3A_35, %dma_start3A_36] : memref<100000x64xf32, #tpu.memory_space<hbm>> -> memref<100000x64xf32, #tpu.memory_space<hbm>>
    tpu.enqueue_indirect_dma source(%dma_start3A_37 : memref<100000x64xf32, #tpu.memory_space<hbm>>) target(%arg10 : memref<128x64xf32, #tpu.memory_space<vmem>>) offsets(%dma_start3A_34 : memref<128xi32, #tpu.memory_space<vmem>>) semaphore(%arg18 : memref<!tpu.dma_semaphore, #tpu.memory_space<semaphore_mem>>)
    %scan3A = arith.constant 0 : i32
    %scan3A_38 = arith.constant 32 : i32
    %scan3A_39 = arith.addi %scan3A, %scan3A_38 : i32
    %scan3A_40 = arith.constant 1 : i32
    scf.for %scan3A_101 = %scan3A to %scan3A_39 step %scan3A_40  : i32 {
      %mul3A_102 = arith.constant 1 : i32
      %mul3A_103 = arith.muli %scan3A_101, %mul3A_102 : i32
      %add3A_104 = arith.constant 0 : i32
      %add3A_105 = arith.addi %add3A_104, %mul3A_103 : i32
      %mul3A_106 = arith.constant 4 : i32
      %mul3A_107 = arith.muli %mul3A_106, %add3A_105 : i32
      %add3A_108 = arith.constant 0 : i32
      %add3A_109 = arith.addi %mul3A_107, %add3A_108 : i32
      %add3A_110 = arith.constant 4 : i32
      %add3A_111 = arith.addi %add3A_109, %add3A_110 : i32
      %sub3A = arith.constant 1 : i32
      %sub3A_112 = arith.subi %add3A_111, %sub3A : i32
      %dma_start3A_113 = arith.constant 0 : i32
      %dma_start3A_114 = tpu.memref_slice %arg6[%sub3A_112, %dma_start3A_113] : memref<128x128xi32, #tpu.memory_space<vmem>> -> memref<1x128xi32, #tpu.memory_space<vmem>>
      %dma_start3A_115 = tpu.memref_squeeze %dma_start3A_114 : memref<1x128xi32, #tpu.memory_space<vmem>> -> memref<128xi32, #tpu.memory_space<vmem>>
      %dma_start3A_116 = arith.constant 0 : i32
      %dma_start3A_117 = arith.constant 0 : i32
      %dma_start3A_118 = tpu.memref_slice %arg3[%dma_start3A_116, %dma_start3A_117] : memref<100000x64xf32, #tpu.memory_space<hbm>> -> memref<100000x64xf32, #tpu.memory_space<hbm>>
      tpu.enqueue_indirect_dma source(%dma_start3A_118 : memref<100000x64xf32, #tpu.memory_space<hbm>>) target(%arg11 : memref<128x64xf32, #tpu.memory_space<vmem>>) offsets(%dma_start3A_115 : memref<128xi32, #tpu.memory_space<vmem>>) semaphore(%arg19 : memref<!tpu.dma_semaphore, #tpu.memory_space<semaphore_mem>>)
      %dma_wait3A_119 = arith.constant 0 : i32
      %dma_wait3A_120 = tpu.memref_slice %arg6[%add3A_109, %dma_wait3A_119] : memref<128x128xi32, #tpu.memory_space<vmem>> -> memref<1x128xi32, #tpu.memory_space<vmem>>
      %dma_wait3A_121 = tpu.memref_squeeze %dma_wait3A_120 : memref<1x128xi32, #tpu.memory_space<vmem>> -> memref<128xi32, #tpu.memory_space<vmem>>
      %dma_wait3A_122 = arith.constant 0 : i32
      %dma_wait3A_123 = arith.constant 0 : i32
      %dma_wait3A_124 = tpu.memref_slice %arg3[%dma_wait3A_122, %dma_wait3A_123] : memref<100000x64xf32, #tpu.memory_space<hbm>> -> memref<100000x64xf32, #tpu.memory_space<hbm>>
      tpu.wait_indirect_dma semaphore(%arg16 : memref<!tpu.dma_semaphore, #tpu.memory_space<semaphore_mem>>) src(%dma_wait3A_124 : memref<100000x64xf32, #tpu.memory_space<hbm>>) dst(%arg8 : memref<128x64xf32, #tpu.memory_space<vmem>>)
      %ge3A = arith.constant 1 : i32
      %ge3A_125 = arith.cmpi sge, %add3A_105, %ge3A : i32
      %convert_element_type3A = arith.extui %ge3A_125 : i1 to i32
      %cond3A = arith.constant 0 : i32
      %cond3A_126 = arith.cmpi ne, %convert_element_type3A, %cond3A : i32
      scf.if %cond3A_126 {
        %dma_wait3A_374 = arith.constant 0 : i32
        %dma_wait3A_375 = arith.constant 0 : i32
        %dma_wait3A_376 = arith.constant 0 : i32
        %dma_wait3A_377 = tpu.memref_slice %arg12[%dma_wait3A_375, %dma_wait3A_376] : memref<64x129xf32, #tpu.memory_space<vmem>> -> memref<64x128xf32, #tpu.memory_space<vmem>>
        %dma_wait3A_378 = arith.constant 0 : i32
        %dma_wait3A_379 = arith.constant 0 : i32
        %dma_wait3A_380 = tpu.memref_slice %arg5[%dma_wait3A_374, %dma_wait3A_378, %dma_wait3A_379] : memref<1024x64x512xf32, #tpu.memory_space<hbm>> -> memref<1x64x128xf32, #tpu.memory_space<hbm>>
        %dma_wait3A_381 = tpu.memref_squeeze %dma_wait3A_380 : memref<1x64x128xf32, #tpu.memory_space<hbm>> -> memref<64x128xf32, #tpu.memory_space<hbm>>
        %dma_wait3A_382 = arith.constant 0 : i32
        %dma_wait3A_383 = arith.constant 0 : i32
        %dma_wait3A_384 = tpu.memref_slice %arg5[%dma_wait3A_374, %dma_wait3A_382, %dma_wait3A_383] : memref<1024x64x512xf32, #tpu.memory_space<hbm>> -> memref<1x64x128xf32, #tpu.memory_space<hbm>>
        %dma_wait3A_385 = tpu.memref_squeeze %dma_wait3A_384 : memref<1x64x128xf32, #tpu.memory_space<hbm>> -> memref<64x128xf32, #tpu.memory_space<hbm>>
        %dma_wait3A_386 = arith.constant 0 : i32
        %dma_wait3A_387 = arith.constant 0 : i32
        %dma_wait3A_388 = tpu.memref_slice %arg12[%dma_wait3A_386, %dma_wait3A_387] : memref<64x129xf32, #tpu.memory_space<vmem>> -> memref<64x128xf32, #tpu.memory_space<vmem>>
        tpu.wait_dma2 semaphore(%arg20 : memref<!tpu.dma_semaphore, #tpu.memory_space<semaphore_mem>>) src(%dma_wait3A_388 : memref<64x128xf32, #tpu.memory_space<vmem>>) dst(%dma_wait3A_385 : memref<64x128xf32, #tpu.memory_space<hbm>>)
      } else {
      }
      %parallel_loop3A = arith.constant 0 : i32
      %parallel_loop3A_127 = arith.constant 128 : i32
      %parallel_loop3A_128 = arith.constant 1 : i32
      scf.for %parallel_loop3A_374 = %parallel_loop3A to %parallel_loop3A_127 step %parallel_loop3A_128  : i32 {
        %parallel_loop3A_375 = vector.broadcast %parallel_loop3A_374 : i32 to vector<16xi32>
        %parallel_loop3A_376 = arith.index_cast %parallel_loop3A_374 : i32 to index
        %parallel_loop3A_377 = arith.constant 0 : index
        %parallel_loop3A_378 = tpu.vector_load %arg8[%parallel_loop3A_376, %parallel_loop3A_377] {strides = array<i32>} : memref<128x64xf32, #tpu.memory_space<vmem>>, vector<16xf32>,
        %parallel_loop3A_379 = arith.constant 0 : i32
        %parallel_loop3A_380 = arith.addi %parallel_loop3A_379, %parallel_loop3A_374 : i32
        %parallel_loop3A_381 = arith.index_cast %parallel_loop3A_380 : i32 to index
        %parallel_loop3A_382 = arith.constant 0 : index
        %parallel_loop3A_383 = tpu.vector_load %arg7[%parallel_loop3A_381, %parallel_loop3A_382] {strides = array<i32>} : memref<512x64xf32, #tpu.memory_space<vmem>>, vector<16xf32>,
        %parallel_loop3A_384 = arith.addf %parallel_loop3A_378, %parallel_loop3A_383 : vector<16xf32>
        tpu.vector_store_idx %arg12[%add3A_5, %parallel_loop3A_375], %parallel_loop3A_384 : memref<64x129xf32, #tpu.memory_space<vmem>>[vector<16xi32>, vector<16xi32>], vector<16xf32>,
        %parallel_loop3A_385 = arith.index_cast %parallel_loop3A_374 : i32 to index
        %parallel_loop3A_386 = arith.constant 16 : index
        %parallel_loop3A_387 = tpu.vector_load %arg8[%parallel_loop3A_385, %parallel_loop3A_386] {strides = array<i32>} : memref<128x64xf32, #tpu.memory_space<vmem>>, vector<16xf32>,
        %parallel_loop3A_388 = arith.constant 0 : i32
        %parallel_loop3A_389 = arith.addi %parallel_loop3A_388, %parallel_loop3A_374 : i32
        %parallel_loop3A_390 = arith.index_cast %parallel_loop3A_389 : i32 to index
        %parallel_loop3A_391 = arith.constant 16 : index
        %parallel_loop3A_392 = tpu.vector_load %arg7[%parallel_loop3A_390, %parallel_loop3A_391] {strides = array<i32>} : memref<512x64xf32, #tpu.memory_space<vmem>>, vector<16xf32>,
        %parallel_loop3A_393 = arith.addf %parallel_loop3A_387, %parallel_loop3A_392 : vector<16xf32>
        tpu.vector_store_idx %arg12[%add3A_9, %parallel_loop3A_375], %parallel_loop3A_393 : memref<64x129xf32, #tpu.memory_space<vmem>>[vector<16xi32>, vector<16xi32>], vector<16xf32>,
        %parallel_loop3A_394 = arith.index_cast %parallel_loop3A_374 : i32 to index
        %parallel_loop3A_395 = arith.constant 32 : index
        %parallel_loop3A_396 = tpu.vector_load %arg8[%parallel_loop3A_394, %parallel_loop3A_395] {strides = array<i32>} : memref<128x64xf32, #tpu.memory_space<vmem>>, vector<16xf32>,
        %parallel_loop3A_397 = arith.constant 0 : i32
        %parallel_loop3A_398 = arith.addi %parallel_loop3A_397, %parallel_loop3A_374 : i32
        %parallel_loop3A_399 = arith.index_cast %parallel_loop3A_398 : i32 to index
        %parallel_loop3A_400 = arith.constant 32 : index
        %parallel_loop3A_401 = tpu.vector_load %arg7[%parallel_loop3A_399, %parallel_loop3A_400] {strides = array<i32>} : memref<512x64xf32, #tpu.memory_space<vmem>>, vector<16xf32>,
        %parallel_loop3A_402 = arith.addf %parallel_loop3A_396, %parallel_loop3A_401 : vector<16xf32>
        tpu.vector_store_idx %arg12[%add3A_13, %parallel_loop3A_375], %parallel_loop3A_402 : memref<64x129xf32, #tpu.memory_space<vmem>>[vector<16xi32>, vector<16xi32>], vector<16xf32>,
        %parallel_loop3A_403 = arith.index_cast %parallel_loop3A_374 : i32 to index
        %parallel_loop3A_404 = arith.constant 48 : index
        %parallel_loop3A_405 = tpu.vector_load %arg8[%parallel_loop3A_403, %parallel_loop3A_404] {strides = array<i32>} : memref<128x64xf32, #tpu.memory_space<vmem>>, vector<16xf32>,
        %parallel_loop3A_406 = arith.constant 0 : i32
        %parallel_loop3A_407 = arith.addi %parallel_loop3A_406, %parallel_loop3A_374 : i32
        %parallel_loop3A_408 = arith.index_cast %parallel_loop3A_407 : i32 to index
        %parallel_loop3A_409 = arith.constant 48 : index
        %parallel_loop3A_410 = tpu.vector_load %arg7[%parallel_loop3A_408, %parallel_loop3A_409] {strides = array<i32>} : memref<512x64xf32, #tpu.memory_space<vmem>>, vector<16xf32>,
        %parallel_loop3A_411 = arith.addf %parallel_loop3A_405, %parallel_loop3A_410 : vector<16xf32>
        tpu.vector_store_idx %arg12[%add3A_17, %parallel_loop3A_375], %parallel_loop3A_411 : memref<64x129xf32, #tpu.memory_space<vmem>>[vector<16xi32>, vector<16xi32>], vector<16xf32>,
      } {sc.loop_unroll_factor = 8 : i64, sc.parallel_access}
      %jit3A = arith.constant 4 : i32
      %div3A = arith.divsi %mul3A_2, %jit3A : i32
      %sign3A = arith.constant 0 : i32
      %sign3A_129 = arith.cmpi sgt, %mul3A_2, %sign3A : i32
      %sign3A_130 = arith.extui %sign3A_129 : i1 to i32
      %sign3A_131 = arith.constant 0 : i32
      %sign3A_132 = arith.cmpi slt, %mul3A_2, %sign3A_131 : i32
      %sign3A_133 = arith.extui %sign3A_132 : i1 to i32
      %sign3A_134 = arith.subi %sign3A_130, %sign3A_133 : i32
      %sign3A_135 = arith.constant 0 : i32
      %sign3A_136 = arith.cmpi sgt, %jit3A, %sign3A_135 : i32
      %sign3A_137 = arith.extui %sign3A_136 : i1 to i32
      %sign3A_138 = arith.constant 0 : i32
      %sign3A_139 = arith.cmpi slt, %jit3A, %sign3A_138 : i32
      %sign3A_140 = arith.extui %sign3A_139 : i1 to i32
      %sign3A_141 = arith.subi %sign3A_137, %sign3A_140 : i32
      %ne3A = arith.cmpi ne, %sign3A_134, %sign3A_141 : i32
      %rem3A = arith.remsi %mul3A_2, %jit3A : i32
      %ne3A_142 = arith.constant 0 : i32
      %ne3A_143 = arith.cmpi ne, %rem3A, %ne3A_142 : i32
      %and3A = arith.andi %ne3A, %ne3A_143 : i1
      %sub3A_144 = arith.constant 1 : i32
      %sub3A_145 = arith.subi %div3A, %sub3A_144 : i32
      %select_n3A = arith.select %and3A, %sub3A_145, %div3A : i32
      %mul3A_146 = arith.constant 1 : i32
      %mul3A_147 = arith.muli %mul3A_146, %add3A_105 : i32
      %add3A_148 = arith.addi %select_n3A, %mul3A_147 : i32
      %add3A_149 = arith.constant 0 : i32
      %add3A_150 = arith.addi %add3A_148, %add3A_149 : i32
      %dma_start3A_151 = arith.constant 0 : i32
      %dma_start3A_152 = arith.constant 0 : i32
      %dma_start3A_153 = tpu.memref_slice %arg12[%dma_start3A_151, %dma_start3A_152] : memref<64x129xf32, #tpu.memory_space<vmem>> -> memref<64x128xf32, #tpu.memory_space<vmem>>
      %dma_start3A_154 = arith.constant 0 : i32
      %dma_start3A_155 = arith.constant 0 : i32
      %dma_start3A_156 = tpu.memref_slice %arg5[%add3A_150, %dma_start3A_154, %dma_start3A_155] : memref<1024x64x512xf32, #tpu.memory_space<hbm>> -> memref<1x64x128xf32, #tpu.memory_space<hbm>>
      %dma_start3A_157 = tpu.memref_squeeze %dma_start3A_156 : memref<1x64x128xf32, #tpu.memory_space<hbm>> -> memref<64x128xf32, #tpu.memory_space<hbm>>
      %dma_start3A_158 = arith.constant 0 : i32
      %dma_start3A_159 = arith.constant 0 : i32
      %dma_start3A_160 = tpu.memref_slice %arg5[%add3A_150, %dma_start3A_158, %dma_start3A_159] : memref<1024x64x512xf32, #tpu.memory_space<hbm>> -> memref<1x64x128xf32, #tpu.memory_space<hbm>>
      %dma_start3A_161 = tpu.memref_squeeze %dma_start3A_160 : memref<1x64x128xf32, #tpu.memory_space<hbm>> -> memref<64x128xf32, #tpu.memory_space<hbm>>
      %dma_start3A_162 = arith.constant 0 : i32
      %dma_start3A_163 = arith.constant 0 : i32
      %dma_start3A_164 = tpu.memref_slice %arg12[%dma_start3A_162, %dma_start3A_163] : memref<64x129xf32, #tpu.memory_space<vmem>> -> memref<64x128xf32, #tpu.memory_space<vmem>>
      tpu.enqueue_dma source(%dma_start3A_164 : memref<64x128xf32, #tpu.memory_space<vmem>>) target(%dma_start3A_161 : memref<64x128xf32, #tpu.memory_space<hbm>>) target_semaphore(%arg20 : memref<!tpu.dma_semaphore, #tpu.memory_space<semaphore_mem>>)
      %mul3A_165 = arith.constant 4 : i32
      %mul3A_166 = arith.muli %mul3A_165, %add3A_105 : i32
      %add3A_167 = arith.constant 1 : i32
      %add3A_168 = arith.addi %mul3A_166, %add3A_167 : i32
      %add3A_169 = arith.constant 4 : i32
      %add3A_170 = arith.addi %add3A_168, %add3A_169 : i32
      %sub3A_171 = arith.constant 1 : i32
      %sub3A_172 = arith.subi %add3A_170, %sub3A_171 : i32
      %le3A = arith.constant 30 : i32
      %le3A_173 = arith.cmpi sle, %add3A_105, %le3A : i32
      %convert_element_type3A_174 = arith.extui %le3A_173 : i1 to i32
      %cond3A_175 = arith.constant 0 : i32
      %cond3A_176 = arith.cmpi ne, %convert_element_type3A_174, %cond3A_175 : i32
      scf.if %cond3A_176 {
        %dma_start3A_374 = arith.constant 0 : i32
        %dma_start3A_375 = tpu.memref_slice %arg6[%sub3A_172, %dma_start3A_374] : memref<128x128xi32, #tpu.memory_space<vmem>> -> memref<1x128xi32, #tpu.memory_space<vmem>>
        %dma_start3A_376 = tpu.memref_squeeze %dma_start3A_375 : memref<1x128xi32, #tpu.memory_space<vmem>> -> memref<128xi32, #tpu.memory_space<vmem>>
        %dma_start3A_377 = arith.constant 0 : i32
        %dma_start3A_378 = arith.constant 0 : i32
        %dma_start3A_379 = tpu.memref_slice %arg3[%dma_start3A_377, %dma_start3A_378] : memref<100000x64xf32, #tpu.memory_space<hbm>> -> memref<100000x64xf32, #tpu.memory_space<hbm>>
        tpu.enqueue_indirect_dma source(%dma_start3A_379 : memref<100000x64xf32, #tpu.memory_space<hbm>>) target(%arg8 : memref<128x64xf32, #tpu.memory_space<vmem>>) offsets(%dma_start3A_376 : memref<128xi32, #tpu.memory_space<vmem>>) semaphore(%arg16 : memref<!tpu.dma_semaphore, #tpu.memory_space<semaphore_mem>>)
      } else {
      }
      %dma_wait3A_177 = arith.constant 0 : i32
      %dma_wait3A_178 = tpu.memref_slice %arg6[%add3A_168, %dma_wait3A_177] : memref<128x128xi32, #tpu.memory_space<vmem>> -> memref<1x128xi32, #tpu.memory_space<vmem>>
      %dma_wait3A_179 = tpu.memref_squeeze %dma_wait3A_178 : memref<1x128xi32, #tpu.memory_space<vmem>> -> memref<128xi32, #tpu.memory_space<vmem>>
      %dma_wait3A_180 = arith.constant 0 : i32
      %dma_wait3A_181 = arith.constant 0 : i32
      %dma_wait3A_182 = tpu.memref_slice %arg3[%dma_wait3A_180, %dma_wait3A_181] : memref<100000x64xf32, #tpu.memory_space<hbm>> -> memref<100000x64xf32, #tpu.memory_space<hbm>>
      tpu.wait_indirect_dma semaphore(%arg17 : memref<!tpu.dma_semaphore, #tpu.memory_space<semaphore_mem>>) src(%dma_wait3A_182 : memref<100000x64xf32, #tpu.memory_space<hbm>>) dst(%arg9 : memref<128x64xf32, #tpu.memory_space<vmem>>)
      %ge3A_183 = arith.constant 1 : i32
      %ge3A_184 = arith.cmpi sge, %add3A_105, %ge3A_183 : i32
      %convert_element_type3A_185 = arith.extui %ge3A_184 : i1 to i32
      %cond3A_186 = arith.constant 0 : i32
      %cond3A_187 = arith.cmpi ne, %convert_element_type3A_185, %cond3A_186 : i32
      scf.if %cond3A_187 {
        %dma_wait3A_374 = arith.constant 0 : i32
        %dma_wait3A_375 = arith.constant 0 : i32
        %dma_wait3A_376 = arith.constant 0 : i32
        %dma_wait3A_377 = tpu.memref_slice %arg13[%dma_wait3A_375, %dma_wait3A_376] : memref<64x129xf32, #tpu.memory_space<vmem>> -> memref<64x128xf32, #tpu.memory_space<vmem>>
        %dma_wait3A_378 = arith.constant 0 : i32
        %dma_wait3A_379 = arith.constant 0 : i32
        %dma_wait3A_380 = tpu.memref_slice %arg5[%dma_wait3A_374, %dma_wait3A_378, %dma_wait3A_379] : memref<1024x64x512xf32, #tpu.memory_space<hbm>> -> memref<1x64x128xf32, #tpu.memory_space<hbm>>
        %dma_wait3A_381 = tpu.memref_squeeze %dma_wait3A_380 : memref<1x64x128xf32, #tpu.memory_space<hbm>> -> memref<64x128xf32, #tpu.memory_space<hbm>>
        %dma_wait3A_382 = arith.constant 0 : i32
        %dma_wait3A_383 = arith.constant 0 : i32
        %dma_wait3A_384 = tpu.memref_slice %arg5[%dma_wait3A_374, %dma_wait3A_382, %dma_wait3A_383] : memref<1024x64x512xf32, #tpu.memory_space<hbm>> -> memref<1x64x128xf32, #tpu.memory_space<hbm>>
        %dma_wait3A_385 = tpu.memref_squeeze %dma_wait3A_384 : memref<1x64x128xf32, #tpu.memory_space<hbm>> -> memref<64x128xf32, #tpu.memory_space<hbm>>
        %dma_wait3A_386 = arith.constant 0 : i32
        %dma_wait3A_387 = arith.constant 0 : i32
        %dma_wait3A_388 = tpu.memref_slice %arg13[%dma_wait3A_386, %dma_wait3A_387] : memref<64x129xf32, #tpu.memory_space<vmem>> -> memref<64x128xf32, #tpu.memory_space<vmem>>
        tpu.wait_dma2 semaphore(%arg21 : memref<!tpu.dma_semaphore, #tpu.memory_space<semaphore_mem>>) src(%dma_wait3A_388 : memref<64x128xf32, #tpu.memory_space<vmem>>) dst(%dma_wait3A_385 : memref<64x128xf32, #tpu.memory_space<hbm>>)
      } else {
      }
      %parallel_loop3A_188 = arith.constant 0 : i32
      %parallel_loop3A_189 = arith.constant 128 : i32
      %parallel_loop3A_190 = arith.constant 1 : i32
      scf.for %parallel_loop3A_374 = %parallel_loop3A_188 to %parallel_loop3A_189 step %parallel_loop3A_190  : i32 {
        %parallel_loop3A_375 = vector.broadcast %parallel_loop3A_374 : i32 to vector<16xi32>
        %parallel_loop3A_376 = arith.index_cast %parallel_loop3A_374 : i32 to index
        %parallel_loop3A_377 = arith.constant 0 : index
        %parallel_loop3A_378 = tpu.vector_load %arg9[%parallel_loop3A_376, %parallel_loop3A_377] {strides = array<i32>} : memref<128x64xf32, #tpu.memory_space<vmem>>, vector<16xf32>,
        %parallel_loop3A_379 = arith.constant 128 : i32
        %parallel_loop3A_380 = arith.addi %parallel_loop3A_379, %parallel_loop3A_374 : i32
        %parallel_loop3A_381 = arith.index_cast %parallel_loop3A_380 : i32 to index
        %parallel_loop3A_382 = arith.constant 0 : index
        %parallel_loop3A_383 = tpu.vector_load %arg7[%parallel_loop3A_381, %parallel_loop3A_382] {strides = array<i32>} : memref<512x64xf32, #tpu.memory_space<vmem>>, vector<16xf32>,
        %parallel_loop3A_384 = arith.addf %parallel_loop3A_378, %parallel_loop3A_383 : vector<16xf32>
        tpu.vector_store_idx %arg13[%add3A_5, %parallel_loop3A_375], %parallel_loop3A_384 : memref<64x129xf32, #tpu.memory_space<vmem>>[vector<16xi32>, vector<16xi32>], vector<16xf32>,
        %parallel_loop3A_385 = arith.index_cast %parallel_loop3A_374 : i32 to index
        %parallel_loop3A_386 = arith.constant 16 : index
        %parallel_loop3A_387 = tpu.vector_load %arg9[%parallel_loop3A_385, %parallel_loop3A_386] {strides = array<i32>} : memref<128x64xf32, #tpu.memory_space<vmem>>, vector<16xf32>,
        %parallel_loop3A_388 = arith.constant 128 : i32
        %parallel_loop3A_389 = arith.addi %parallel_loop3A_388, %parallel_loop3A_374 : i32
        %parallel_loop3A_390 = arith.index_cast %parallel_loop3A_389 : i32 to index
        %parallel_loop3A_391 = arith.constant 16 : index
        %parallel_loop3A_392 = tpu.vector_load %arg7[%parallel_loop3A_390, %parallel_loop3A_391] {strides = array<i32>} : memref<512x64xf32, #tpu.memory_space<vmem>>, vector<16xf32>,
        %parallel_loop3A_393 = arith.addf %parallel_loop3A_387, %parallel_loop3A_392 : vector<16xf32>
        tpu.vector_store_idx %arg13[%add3A_9, %parallel_loop3A_375], %parallel_loop3A_393 : memref<64x129xf32, #tpu.memory_space<vmem>>[vector<16xi32>, vector<16xi32>], vector<16xf32>,
        %parallel_loop3A_394 = arith.index_cast %parallel_loop3A_374 : i32 to index
        %parallel_loop3A_395 = arith.constant 32 : index
        %parallel_loop3A_396 = tpu.vector_load %arg9[%parallel_loop3A_394, %parallel_loop3A_395] {strides = array<i32>} : memref<128x64xf32, #tpu.memory_space<vmem>>, vector<16xf32>,
        %parallel_loop3A_397 = arith.constant 128 : i32
        %parallel_loop3A_398 = arith.addi %parallel_loop3A_397, %parallel_loop3A_374 : i32
        %parallel_loop3A_399 = arith.index_cast %parallel_loop3A_398 : i32 to index
        %parallel_loop3A_400 = arith.constant 32 : index
        %parallel_loop3A_401 = tpu.vector_load %arg7[%parallel_loop3A_399, %parallel_loop3A_400] {strides = array<i32>} : memref<512x64xf32, #tpu.memory_space<vmem>>, vector<16xf32>,
        %parallel_loop3A_402 = arith.addf %parallel_loop3A_396, %parallel_loop3A_401 : vector<16xf32>
        tpu.vector_store_idx %arg13[%add3A_13, %parallel_loop3A_375], %parallel_loop3A_402 : memref<64x129xf32, #tpu.memory_space<vmem>>[vector<16xi32>, vector<16xi32>], vector<16xf32>,
        %parallel_loop3A_403 = arith.index_cast %parallel_loop3A_374 : i32 to index
        %parallel_loop3A_404 = arith.constant 48 : index
        %parallel_loop3A_405 = tpu.vector_load %arg9[%parallel_loop3A_403, %parallel_loop3A_404] {strides = array<i32>} : memref<128x64xf32, #tpu.memory_space<vmem>>, vector<16xf32>,
        %parallel_loop3A_406 = arith.constant 128 : i32
        %parallel_loop3A_407 = arith.addi %parallel_loop3A_406, %parallel_loop3A_374 : i32
        %parallel_loop3A_408 = arith.index_cast %parallel_loop3A_407 : i32 to index
        %parallel_loop3A_409 = arith.constant 48 : index
        %parallel_loop3A_410 = tpu.vector_load %arg7[%parallel_loop3A_408, %parallel_loop3A_409] {strides = array<i32>} : memref<512x64xf32, #tpu.memory_space<vmem>>, vector<16xf32>,
        %parallel_loop3A_411 = arith.addf %parallel_loop3A_405, %parallel_loop3A_410 : vector<16xf32>
        tpu.vector_store_idx %arg13[%add3A_17, %parallel_loop3A_375], %parallel_loop3A_411 : memref<64x129xf32, #tpu.memory_space<vmem>>[vector<16xi32>, vector<16xi32>], vector<16xf32>,
      } {sc.loop_unroll_factor = 8 : i64, sc.parallel_access}
      %jit3A_191 = arith.constant 4 : i32
      %div3A_192 = arith.divsi %mul3A_2, %jit3A_191 : i32
      %sign3A_193 = arith.constant 0 : i32
      %sign3A_194 = arith.cmpi sgt, %mul3A_2, %sign3A_193 : i32
      %sign3A_195 = arith.extui %sign3A_194 : i1 to i32
      %sign3A_196 = arith.constant 0 : i32
      %sign3A_197 = arith.cmpi slt, %mul3A_2, %sign3A_196 : i32
      %sign3A_198 = arith.extui %sign3A_197 : i1 to i32
      %sign3A_199 = arith.subi %sign3A_195, %sign3A_198 : i32
      %sign3A_200 = arith.constant 0 : i32
      %sign3A_201 = arith.cmpi sgt, %jit3A_191, %sign3A_200 : i32
      %sign3A_202 = arith.extui %sign3A_201 : i1 to i32
      %sign3A_203 = arith.constant 0 : i32
      %sign3A_204 = arith.cmpi slt, %jit3A_191, %sign3A_203 : i32
      %sign3A_205 = arith.extui %sign3A_204 : i1 to i32
      %sign3A_206 = arith.subi %sign3A_202, %sign3A_205 : i32
      %ne3A_207 = arith.cmpi ne, %sign3A_199, %sign3A_206 : i32
      %rem3A_208 = arith.remsi %mul3A_2, %jit3A_191 : i32
      %ne3A_209 = arith.constant 0 : i32
      %ne3A_210 = arith.cmpi ne, %rem3A_208, %ne3A_209 : i32
      %and3A_211 = arith.andi %ne3A_207, %ne3A_210 : i1
      %sub3A_212 = arith.constant 1 : i32
      %sub3A_213 = arith.subi %div3A_192, %sub3A_212 : i32
      %select_n3A_214 = arith.select %and3A_211, %sub3A_213, %div3A_192 : i32
      %mul3A_215 = arith.constant 1 : i32
      %mul3A_216 = arith.muli %mul3A_215, %add3A_105 : i32
      %add3A_217 = arith.addi %select_n3A_214, %mul3A_216 : i32
      %add3A_218 = arith.constant 0 : i32
      %add3A_219 = arith.addi %add3A_217, %add3A_218 : i32
      %dma_start3A_220 = arith.constant 0 : i32
      %dma_start3A_221 = arith.constant 0 : i32
      %dma_start3A_222 = tpu.memref_slice %arg13[%dma_start3A_220, %dma_start3A_221] : memref<64x129xf32, #tpu.memory_space<vmem>> -> memref<64x128xf32, #tpu.memory_space<vmem>>
      %dma_start3A_223 = arith.constant 0 : i32
      %dma_start3A_224 = arith.constant 128 : i32
      %dma_start3A_225 = tpu.memref_slice %arg5[%add3A_219, %dma_start3A_223, %dma_start3A_224] : memref<1024x64x512xf32, #tpu.memory_space<hbm>> -> memref<1x64x128xf32, #tpu.memory_space<hbm>>
      %dma_start3A_226 = tpu.memref_squeeze %dma_start3A_225 : memref<1x64x128xf32, #tpu.memory_space<hbm>> -> memref<64x128xf32, #tpu.memory_space<hbm>>
      %dma_start3A_227 = arith.constant 0 : i32
      %dma_start3A_228 = arith.constant 128 : i32
      %dma_start3A_229 = tpu.memref_slice %arg5[%add3A_219, %dma_start3A_227, %dma_start3A_228] : memref<1024x64x512xf32, #tpu.memory_space<hbm>> -> memref<1x64x128xf32, #tpu.memory_space<hbm>>
      %dma_start3A_230 = tpu.memref_squeeze %dma_start3A_229 : memref<1x64x128xf32, #tpu.memory_space<hbm>> -> memref<64x128xf32, #tpu.memory_space<hbm>>
      %dma_start3A_231 = arith.constant 0 : i32
      %dma_start3A_232 = arith.constant 0 : i32
      %dma_start3A_233 = tpu.memref_slice %arg13[%dma_start3A_231, %dma_start3A_232] : memref<64x129xf32, #tpu.memory_space<vmem>> -> memref<64x128xf32, #tpu.memory_space<vmem>>
      tpu.enqueue_dma source(%dma_start3A_233 : memref<64x128xf32, #tpu.memory_space<vmem>>) target(%dma_start3A_230 : memref<64x128xf32, #tpu.memory_space<hbm>>) target_semaphore(%arg21 : memref<!tpu.dma_semaphore, #tpu.memory_space<semaphore_mem>>)
      %mul3A_234 = arith.constant 4 : i32
      %mul3A_235 = arith.muli %mul3A_234, %add3A_105 : i32
      %add3A_236 = arith.constant 2 : i32
      %add3A_237 = arith.addi %mul3A_235, %add3A_236 : i32
      %add3A_238 = arith.constant 4 : i32
      %add3A_239 = arith.addi %add3A_237, %add3A_238 : i32
      %sub3A_240 = arith.constant 1 : i32
      %sub3A_241 = arith.subi %add3A_239, %sub3A_240 : i32
      %le3A_242 = arith.constant 30 : i32
      %le3A_243 = arith.cmpi sle, %add3A_105, %le3A_242 : i32
      %convert_element_type3A_244 = arith.extui %le3A_243 : i1 to i32
      %cond3A_245 = arith.constant 0 : i32
      %cond3A_246 = arith.cmpi ne, %convert_element_type3A_244, %cond3A_245 : i32
      scf.if %cond3A_246 {
        %dma_start3A_374 = arith.constant 0 : i32
        %dma_start3A_375 = tpu.memref_slice %arg6[%sub3A_241, %dma_start3A_374] : memref<128x128xi32, #tpu.memory_space<vmem>> -> memref<1x128xi32, #tpu.memory_space<vmem>>
        %dma_start3A_376 = tpu.memref_squeeze %dma_start3A_375 : memref<1x128xi32, #tpu.memory_space<vmem>> -> memref<128xi32, #tpu.memory_space<vmem>>
        %dma_start3A_377 = arith.constant 0 : i32
        %dma_start3A_378 = arith.constant 0 : i32
        %dma_start3A_379 = tpu.memref_slice %arg3[%dma_start3A_377, %dma_start3A_378] : memref<100000x64xf32, #tpu.memory_space<hbm>> -> memref<100000x64xf32, #tpu.memory_space<hbm>>
        tpu.enqueue_indirect_dma source(%dma_start3A_379 : memref<100000x64xf32, #tpu.memory_space<hbm>>) target(%arg9 : memref<128x64xf32, #tpu.memory_space<vmem>>) offsets(%dma_start3A_376 : memref<128xi32, #tpu.memory_space<vmem>>) semaphore(%arg17 : memref<!tpu.dma_semaphore, #tpu.memory_space<semaphore_mem>>)
      } else {
      }
      %dma_wait3A_247 = arith.constant 0 : i32
      %dma_wait3A_248 = tpu.memref_slice %arg6[%add3A_237, %dma_wait3A_247] : memref<128x128xi32, #tpu.memory_space<vmem>> -> memref<1x128xi32, #tpu.memory_space<vmem>>
      %dma_wait3A_249 = tpu.memref_squeeze %dma_wait3A_248 : memref<1x128xi32, #tpu.memory_space<vmem>> -> memref<128xi32, #tpu.memory_space<vmem>>
      %dma_wait3A_250 = arith.constant 0 : i32
      %dma_wait3A_251 = arith.constant 0 : i32
      %dma_wait3A_252 = tpu.memref_slice %arg3[%dma_wait3A_250, %dma_wait3A_251] : memref<100000x64xf32, #tpu.memory_space<hbm>> -> memref<100000x64xf32, #tpu.memory_space<hbm>>
      tpu.wait_indirect_dma semaphore(%arg18 : memref<!tpu.dma_semaphore, #tpu.memory_space<semaphore_mem>>) src(%dma_wait3A_252 : memref<100000x64xf32, #tpu.memory_space<hbm>>) dst(%arg10 : memref<128x64xf32, #tpu.memory_space<vmem>>)
      %ge3A_253 = arith.constant 1 : i32
      %ge3A_254 = arith.cmpi sge, %add3A_105, %ge3A_253 : i32
      %convert_element_type3A_255 = arith.extui %ge3A_254 : i1 to i32
      %cond3A_256 = arith.constant 0 : i32
      %cond3A_257 = arith.cmpi ne, %convert_element_type3A_255, %cond3A_256 : i32
      scf.if %cond3A_257 {
        %dma_wait3A_374 = arith.constant 0 : i32
        %dma_wait3A_375 = arith.constant 0 : i32
        %dma_wait3A_376 = arith.constant 0 : i32
        %dma_wait3A_377 = tpu.memref_slice %arg14[%dma_wait3A_375, %dma_wait3A_376] : memref<64x129xf32, #tpu.memory_space<vmem>> -> memref<64x128xf32, #tpu.memory_space<vmem>>
        %dma_wait3A_378 = arith.constant 0 : i32
        %dma_wait3A_379 = arith.constant 0 : i32
        %dma_wait3A_380 = tpu.memref_slice %arg5[%dma_wait3A_374, %dma_wait3A_378, %dma_wait3A_379] : memref<1024x64x512xf32, #tpu.memory_space<hbm>> -> memref<1x64x128xf32, #tpu.memory_space<hbm>>
        %dma_wait3A_381 = tpu.memref_squeeze %dma_wait3A_380 : memref<1x64x128xf32, #tpu.memory_space<hbm>> -> memref<64x128xf32, #tpu.memory_space<hbm>>
        %dma_wait3A_382 = arith.constant 0 : i32
        %dma_wait3A_383 = arith.constant 0 : i32
        %dma_wait3A_384 = tpu.memref_slice %arg5[%dma_wait3A_374, %dma_wait3A_382, %dma_wait3A_383] : memref<1024x64x512xf32, #tpu.memory_space<hbm>> -> memref<1x64x128xf32, #tpu.memory_space<hbm>>
        %dma_wait3A_385 = tpu.memref_squeeze %dma_wait3A_384 : memref<1x64x128xf32, #tpu.memory_space<hbm>> -> memref<64x128xf32, #tpu.memory_space<hbm>>
        %dma_wait3A_386 = arith.constant 0 : i32
        %dma_wait3A_387 = arith.constant 0 : i32
        %dma_wait3A_388 = tpu.memref_slice %arg14[%dma_wait3A_386, %dma_wait3A_387] : memref<64x129xf32, #tpu.memory_space<vmem>> -> memref<64x128xf32, #tpu.memory_space<vmem>>
        tpu.wait_dma2 semaphore(%arg22 : memref<!tpu.dma_semaphore, #tpu.memory_space<semaphore_mem>>) src(%dma_wait3A_388 : memref<64x128xf32, #tpu.memory_space<vmem>>) dst(%dma_wait3A_385 : memref<64x128xf32, #tpu.memory_space<hbm>>)
      } else {
      }
      %parallel_loop3A_258 = arith.constant 0 : i32
      %parallel_loop3A_259 = arith.constant 128 : i32
      %parallel_loop3A_260 = arith.constant 1 : i32
      scf.for %parallel_loop3A_374 = %parallel_loop3A_258 to %parallel_loop3A_259 step %parallel_loop3A_260  : i32 {
        %parallel_loop3A_375 = vector.broadcast %parallel_loop3A_374 : i32 to vector<16xi32>
        %parallel_loop3A_376 = arith.index_cast %parallel_loop3A_374 : i32 to index
        %parallel_loop3A_377 = arith.constant 0 : index
        %parallel_loop3A_378 = tpu.vector_load %arg10[%parallel_loop3A_376, %parallel_loop3A_377] {strides = array<i32>} : memref<128x64xf32, #tpu.memory_space<vmem>>, vector<16xf32>,
        %parallel_loop3A_379 = arith.constant 256 : i32
        %parallel_loop3A_380 = arith.addi %parallel_loop3A_379, %parallel_loop3A_374 : i32
        %parallel_loop3A_381 = arith.index_cast %parallel_loop3A_380 : i32 to index
        %parallel_loop3A_382 = arith.constant 0 : index
        %parallel_loop3A_383 = tpu.vector_load %arg7[%parallel_loop3A_381, %parallel_loop3A_382] {strides = array<i32>} : memref<512x64xf32, #tpu.memory_space<vmem>>, vector<16xf32>,
        %parallel_loop3A_384 = arith.addf %parallel_loop3A_378, %parallel_loop3A_383 : vector<16xf32>
        tpu.vector_store_idx %arg14[%add3A_5, %parallel_loop3A_375], %parallel_loop3A_384 : memref<64x129xf32, #tpu.memory_space<vmem>>[vector<16xi32>, vector<16xi32>], vector<16xf32>,
        %parallel_loop3A_385 = arith.index_cast %parallel_loop3A_374 : i32 to index
        %parallel_loop3A_386 = arith.constant 16 : index
        %parallel_loop3A_387 = tpu.vector_load %arg10[%parallel_loop3A_385, %parallel_loop3A_386] {strides = array<i32>} : memref<128x64xf32, #tpu.memory_space<vmem>>, vector<16xf32>,
        %parallel_loop3A_388 = arith.constant 256 : i32
        %parallel_loop3A_389 = arith.addi %parallel_loop3A_388, %parallel_loop3A_374 : i32
        %parallel_loop3A_390 = arith.index_cast %parallel_loop3A_389 : i32 to index
        %parallel_loop3A_391 = arith.constant 16 : index
        %parallel_loop3A_392 = tpu.vector_load %arg7[%parallel_loop3A_390, %parallel_loop3A_391] {strides = array<i32>} : memref<512x64xf32, #tpu.memory_space<vmem>>, vector<16xf32>,
        %parallel_loop3A_393 = arith.addf %parallel_loop3A_387, %parallel_loop3A_392 : vector<16xf32>
        tpu.vector_store_idx %arg14[%add3A_9, %parallel_loop3A_375], %parallel_loop3A_393 : memref<64x129xf32, #tpu.memory_space<vmem>>[vector<16xi32>, vector<16xi32>], vector<16xf32>,
        %parallel_loop3A_394 = arith.index_cast %parallel_loop3A_374 : i32 to index
        %parallel_loop3A_395 = arith.constant 32 : index
        %parallel_loop3A_396 = tpu.vector_load %arg10[%parallel_loop3A_394, %parallel_loop3A_395] {strides = array<i32>} : memref<128x64xf32, #tpu.memory_space<vmem>>, vector<16xf32>,
        %parallel_loop3A_397 = arith.constant 256 : i32
        %parallel_loop3A_398 = arith.addi %parallel_loop3A_397, %parallel_loop3A_374 : i32
        %parallel_loop3A_399 = arith.index_cast %parallel_loop3A_398 : i32 to index
        %parallel_loop3A_400 = arith.constant 32 : index
        %parallel_loop3A_401 = tpu.vector_load %arg7[%parallel_loop3A_399, %parallel_loop3A_400] {strides = array<i32>} : memref<512x64xf32, #tpu.memory_space<vmem>>, vector<16xf32>,
        %parallel_loop3A_402 = arith.addf %parallel_loop3A_396, %parallel_loop3A_401 : vector<16xf32>
        tpu.vector_store_idx %arg14[%add3A_13, %parallel_loop3A_375], %parallel_loop3A_402 : memref<64x129xf32, #tpu.memory_space<vmem>>[vector<16xi32>, vector<16xi32>], vector<16xf32>,
        %parallel_loop3A_403 = arith.index_cast %parallel_loop3A_374 : i32 to index
        %parallel_loop3A_404 = arith.constant 48 : index
        %parallel_loop3A_405 = tpu.vector_load %arg10[%parallel_loop3A_403, %parallel_loop3A_404] {strides = array<i32>} : memref<128x64xf32, #tpu.memory_space<vmem>>, vector<16xf32>,
        %parallel_loop3A_406 = arith.constant 256 : i32
        %parallel_loop3A_407 = arith.addi %parallel_loop3A_406, %parallel_loop3A_374 : i32
        %parallel_loop3A_408 = arith.index_cast %parallel_loop3A_407 : i32 to index
        %parallel_loop3A_409 = arith.constant 48 : index
        %parallel_loop3A_410 = tpu.vector_load %arg7[%parallel_loop3A_408, %parallel_loop3A_409] {strides = array<i32>} : memref<512x64xf32, #tpu.memory_space<vmem>>, vector<16xf32>,
        %parallel_loop3A_411 = arith.addf %parallel_loop3A_405, %parallel_loop3A_410 : vector<16xf32>
        tpu.vector_store_idx %arg14[%add3A_17, %parallel_loop3A_375], %parallel_loop3A_411 : memref<64x129xf32, #tpu.memory_space<vmem>>[vector<16xi32>, vector<16xi32>], vector<16xf32>,
      } {sc.loop_unroll_factor = 8 : i64, sc.parallel_access}
      %jit3A_261 = arith.constant 4 : i32
      %div3A_262 = arith.divsi %mul3A_2, %jit3A_261 : i32
      %sign3A_263 = arith.constant 0 : i32
      %sign3A_264 = arith.cmpi sgt, %mul3A_2, %sign3A_263 : i32
      %sign3A_265 = arith.extui %sign3A_264 : i1 to i32
      %sign3A_266 = arith.constant 0 : i32
      %sign3A_267 = arith.cmpi slt, %mul3A_2, %sign3A_266 : i32
      %sign3A_268 = arith.extui %sign3A_267 : i1 to i32
      %sign3A_269 = arith.subi %sign3A_265, %sign3A_268 : i32
      %sign3A_270 = arith.constant 0 : i32
      %sign3A_271 = arith.cmpi sgt, %jit3A_261, %sign3A_270 : i32
      %sign3A_272 = arith.extui %sign3A_271 : i1 to i32
      %sign3A_273 = arith.constant 0 : i32
      %sign3A_274 = arith.cmpi slt, %jit3A_261, %sign3A_273 : i32
      %sign3A_275 = arith.extui %sign3A_274 : i1 to i32
      %sign3A_276 = arith.subi %sign3A_272, %sign3A_275 : i32
      %ne3A_277 = arith.cmpi ne, %sign3A_269, %sign3A_276 : i32
      %rem3A_278 = arith.remsi %mul3A_2, %jit3A_261 : i32
      %ne3A_279 = arith.constant 0 : i32
      %ne3A_280 = arith.cmpi ne, %rem3A_278, %ne3A_279 : i32
      %and3A_281 = arith.andi %ne3A_277, %ne3A_280 : i1
      %sub3A_282 = arith.constant 1 : i32
      %sub3A_283 = arith.subi %div3A_262, %sub3A_282 : i32
      %select_n3A_284 = arith.select %and3A_281, %sub3A_283, %div3A_262 : i32
      %mul3A_285 = arith.constant 1 : i32
      %mul3A_286 = arith.muli %mul3A_285, %add3A_105 : i32
      %add3A_287 = arith.addi %select_n3A_284, %mul3A_286 : i32
      %add3A_288 = arith.constant 0 : i32
      %add3A_289 = arith.addi %add3A_287, %add3A_288 : i32
      %dma_start3A_290 = arith.constant 0 : i32
      %dma_start3A_291 = arith.constant 0 : i32
      %dma_start3A_292 = tpu.memref_slice %arg14[%dma_start3A_290, %dma_start3A_291] : memref<64x129xf32, #tpu.memory_space<vmem>> -> memref<64x128xf32, #tpu.memory_space<vmem>>
      %dma_start3A_293 = arith.constant 0 : i32
      %dma_start3A_294 = arith.constant 256 : i32
      %dma_start3A_295 = tpu.memref_slice %arg5[%add3A_289, %dma_start3A_293, %dma_start3A_294] : memref<1024x64x512xf32, #tpu.memory_space<hbm>> -> memref<1x64x128xf32, #tpu.memory_space<hbm>>
      %dma_start3A_296 = tpu.memref_squeeze %dma_start3A_295 : memref<1x64x128xf32, #tpu.memory_space<hbm>> -> memref<64x128xf32, #tpu.memory_space<hbm>>
      %dma_start3A_297 = arith.constant 0 : i32
      %dma_start3A_298 = arith.constant 256 : i32
      %dma_start3A_299 = tpu.memref_slice %arg5[%add3A_289, %dma_start3A_297, %dma_start3A_298] : memref<1024x64x512xf32, #tpu.memory_space<hbm>> -> memref<1x64x128xf32, #tpu.memory_space<hbm>>
      %dma_start3A_300 = tpu.memref_squeeze %dma_start3A_299 : memref<1x64x128xf32, #tpu.memory_space<hbm>> -> memref<64x128xf32, #tpu.memory_space<hbm>>
      %dma_start3A_301 = arith.constant 0 : i32
      %dma_start3A_302 = arith.constant 0 : i32
      %dma_start3A_303 = tpu.memref_slice %arg14[%dma_start3A_301, %dma_start3A_302] : memref<64x129xf32, #tpu.memory_space<vmem>> -> memref<64x128xf32, #tpu.memory_space<vmem>>
      tpu.enqueue_dma source(%dma_start3A_303 : memref<64x128xf32, #tpu.memory_space<vmem>>) target(%dma_start3A_300 : memref<64x128xf32, #tpu.memory_space<hbm>>) target_semaphore(%arg22 : memref<!tpu.dma_semaphore, #tpu.memory_space<semaphore_mem>>)
      %mul3A_304 = arith.constant 4 : i32
      %mul3A_305 = arith.muli %mul3A_304, %add3A_105 : i32
      %add3A_306 = arith.constant 3 : i32
      %add3A_307 = arith.addi %mul3A_305, %add3A_306 : i32
      %add3A_308 = arith.constant 4 : i32
      %add3A_309 = arith.addi %add3A_307, %add3A_308 : i32
      %sub3A_310 = arith.constant 1 : i32
      %sub3A_311 = arith.subi %add3A_309, %sub3A_310 : i32
      %le3A_312 = arith.constant 30 : i32
      %le3A_313 = arith.cmpi sle, %add3A_105, %le3A_312 : i32
      %convert_element_type3A_314 = arith.extui %le3A_313 : i1 to i32
      %cond3A_315 = arith.constant 0 : i32
      %cond3A_316 = arith.cmpi ne, %convert_element_type3A_314, %cond3A_315 : i32
      scf.if %cond3A_316 {
        %dma_start3A_374 = arith.constant 0 : i32
        %dma_start3A_375 = tpu.memref_slice %arg6[%sub3A_311, %dma_start3A_374] : memref<128x128xi32, #tpu.memory_space<vmem>> -> memref<1x128xi32, #tpu.memory_space<vmem>>
        %dma_start3A_376 = tpu.memref_squeeze %dma_start3A_375 : memref<1x128xi32, #tpu.memory_space<vmem>> -> memref<128xi32, #tpu.memory_space<vmem>>
        %dma_start3A_377 = arith.constant 0 : i32
        %dma_start3A_378 = arith.constant 0 : i32
        %dma_start3A_379 = tpu.memref_slice %arg3[%dma_start3A_377, %dma_start3A_378] : memref<100000x64xf32, #tpu.memory_space<hbm>> -> memref<100000x64xf32, #tpu.memory_space<hbm>>
        tpu.enqueue_indirect_dma source(%dma_start3A_379 : memref<100000x64xf32, #tpu.memory_space<hbm>>) target(%arg10 : memref<128x64xf32, #tpu.memory_space<vmem>>) offsets(%dma_start3A_376 : memref<128xi32, #tpu.memory_space<vmem>>) semaphore(%arg18 : memref<!tpu.dma_semaphore, #tpu.memory_space<semaphore_mem>>)
      } else {
      }
      %dma_wait3A_317 = arith.constant 0 : i32
      %dma_wait3A_318 = tpu.memref_slice %arg6[%add3A_307, %dma_wait3A_317] : memref<128x128xi32, #tpu.memory_space<vmem>> -> memref<1x128xi32, #tpu.memory_space<vmem>>
      %dma_wait3A_319 = tpu.memref_squeeze %dma_wait3A_318 : memref<1x128xi32, #tpu.memory_space<vmem>> -> memref<128xi32, #tpu.memory_space<vmem>>
      %dma_wait3A_320 = arith.constant 0 : i32
      %dma_wait3A_321 = arith.constant 0 : i32
      %dma_wait3A_322 = tpu.memref_slice %arg3[%dma_wait3A_320, %dma_wait3A_321] : memref<100000x64xf32, #tpu.memory_space<hbm>> -> memref<100000x64xf32, #tpu.memory_space<hbm>>
      tpu.wait_indirect_dma semaphore(%arg19 : memref<!tpu.dma_semaphore, #tpu.memory_space<semaphore_mem>>) src(%dma_wait3A_322 : memref<100000x64xf32, #tpu.memory_space<hbm>>) dst(%arg11 : memref<128x64xf32, #tpu.memory_space<vmem>>)
      %ge3A_323 = arith.constant 1 : i32
      %ge3A_324 = arith.cmpi sge, %add3A_105, %ge3A_323 : i32
      %convert_element_type3A_325 = arith.extui %ge3A_324 : i1 to i32
      %cond3A_326 = arith.constant 0 : i32
      %cond3A_327 = arith.cmpi ne, %convert_element_type3A_325, %cond3A_326 : i32
      scf.if %cond3A_327 {
        %dma_wait3A_374 = arith.constant 0 : i32
        %dma_wait3A_375 = arith.constant 0 : i32
        %dma_wait3A_376 = arith.constant 0 : i32
        %dma_wait3A_377 = tpu.memref_slice %arg15[%dma_wait3A_375, %dma_wait3A_376] : memref<64x129xf32, #tpu.memory_space<vmem>> -> memref<64x128xf32, #tpu.memory_space<vmem>>
        %dma_wait3A_378 = arith.constant 0 : i32
        %dma_wait3A_379 = arith.constant 0 : i32
        %dma_wait3A_380 = tpu.memref_slice %arg5[%dma_wait3A_374, %dma_wait3A_378, %dma_wait3A_379] : memref<1024x64x512xf32, #tpu.memory_space<hbm>> -> memref<1x64x128xf32, #tpu.memory_space<hbm>>
        %dma_wait3A_381 = tpu.memref_squeeze %dma_wait3A_380 : memref<1x64x128xf32, #tpu.memory_space<hbm>> -> memref<64x128xf32, #tpu.memory_space<hbm>>
        %dma_wait3A_382 = arith.constant 0 : i32
        %dma_wait3A_383 = arith.constant 0 : i32
        %dma_wait3A_384 = tpu.memref_slice %arg5[%dma_wait3A_374, %dma_wait3A_382, %dma_wait3A_383] : memref<1024x64x512xf32, #tpu.memory_space<hbm>> -> memref<1x64x128xf32, #tpu.memory_space<hbm>>
        %dma_wait3A_385 = tpu.memref_squeeze %dma_wait3A_384 : memref<1x64x128xf32, #tpu.memory_space<hbm>> -> memref<64x128xf32, #tpu.memory_space<hbm>>
        %dma_wait3A_386 = arith.constant 0 : i32
        %dma_wait3A_387 = arith.constant 0 : i32
        %dma_wait3A_388 = tpu.memref_slice %arg15[%dma_wait3A_386, %dma_wait3A_387] : memref<64x129xf32, #tpu.memory_space<vmem>> -> memref<64x128xf32, #tpu.memory_space<vmem>>
        tpu.wait_dma2 semaphore(%arg23 : memref<!tpu.dma_semaphore, #tpu.memory_space<semaphore_mem>>) src(%dma_wait3A_388 : memref<64x128xf32, #tpu.memory_space<vmem>>) dst(%dma_wait3A_385 : memref<64x128xf32, #tpu.memory_space<hbm>>)
      } else {
      }
      %parallel_loop3A_328 = arith.constant 0 : i32
      %parallel_loop3A_329 = arith.constant 128 : i32
      %parallel_loop3A_330 = arith.constant 1 : i32
      scf.for %parallel_loop3A_374 = %parallel_loop3A_328 to %parallel_loop3A_329 step %parallel_loop3A_330  : i32 {
        %parallel_loop3A_375 = vector.broadcast %parallel_loop3A_374 : i32 to vector<16xi32>
        %parallel_loop3A_376 = arith.index_cast %parallel_loop3A_374 : i32 to index
        %parallel_loop3A_377 = arith.constant 0 : index
        %parallel_loop3A_378 = tpu.vector_load %arg11[%parallel_loop3A_376, %parallel_loop3A_377] {strides = array<i32>} : memref<128x64xf32, #tpu.memory_space<vmem>>, vector<16xf32>,
        %parallel_loop3A_379 = arith.constant 384 : i32
        %parallel_loop3A_380 = arith.addi %parallel_loop3A_379, %parallel_loop3A_374 : i32
        %parallel_loop3A_381 = arith.index_cast %parallel_loop3A_380 : i32 to index
        %parallel_loop3A_382 = arith.constant 0 : index
        %parallel_loop3A_383 = tpu.vector_load %arg7[%parallel_loop3A_381, %parallel_loop3A_382] {strides = array<i32>} : memref<512x64xf32, #tpu.memory_space<vmem>>, vector<16xf32>,
        %parallel_loop3A_384 = arith.addf %parallel_loop3A_378, %parallel_loop3A_383 : vector<16xf32>
        tpu.vector_store_idx %arg15[%add3A_5, %parallel_loop3A_375], %parallel_loop3A_384 : memref<64x129xf32, #tpu.memory_space<vmem>>[vector<16xi32>, vector<16xi32>], vector<16xf32>,
        %parallel_loop3A_385 = arith.index_cast %parallel_loop3A_374 : i32 to index
        %parallel_loop3A_386 = arith.constant 16 : index
        %parallel_loop3A_387 = tpu.vector_load %arg11[%parallel_loop3A_385, %parallel_loop3A_386] {strides = array<i32>} : memref<128x64xf32, #tpu.memory_space<vmem>>, vector<16xf32>,
        %parallel_loop3A_388 = arith.constant 384 : i32
        %parallel_loop3A_389 = arith.addi %parallel_loop3A_388, %parallel_loop3A_374 : i32
        %parallel_loop3A_390 = arith.index_cast %parallel_loop3A_389 : i32 to index
        %parallel_loop3A_391 = arith.constant 16 : index
        %parallel_loop3A_392 = tpu.vector_load %arg7[%parallel_loop3A_390, %parallel_loop3A_391] {strides = array<i32>} : memref<512x64xf32, #tpu.memory_space<vmem>>, vector<16xf32>,
        %parallel_loop3A_393 = arith.addf %parallel_loop3A_387, %parallel_loop3A_392 : vector<16xf32>
        tpu.vector_store_idx %arg15[%add3A_9, %parallel_loop3A_375], %parallel_loop3A_393 : memref<64x129xf32, #tpu.memory_space<vmem>>[vector<16xi32>, vector<16xi32>], vector<16xf32>,
        %parallel_loop3A_394 = arith.index_cast %parallel_loop3A_374 : i32 to index
        %parallel_loop3A_395 = arith.constant 32 : index
        %parallel_loop3A_396 = tpu.vector_load %arg11[%parallel_loop3A_394, %parallel_loop3A_395] {strides = array<i32>} : memref<128x64xf32, #tpu.memory_space<vmem>>, vector<16xf32>,
        %parallel_loop3A_397 = arith.constant 384 : i32
        %parallel_loop3A_398 = arith.addi %parallel_loop3A_397, %parallel_loop3A_374 : i32
        %parallel_loop3A_399 = arith.index_cast %parallel_loop3A_398 : i32 to index
        %parallel_loop3A_400 = arith.constant 32 : index
        %parallel_loop3A_401 = tpu.vector_load %arg7[%parallel_loop3A_399, %parallel_loop3A_400] {strides = array<i32>} : memref<512x64xf32, #tpu.memory_space<vmem>>, vector<16xf32>,
        %parallel_loop3A_402 = arith.addf %parallel_loop3A_396, %parallel_loop3A_401 : vector<16xf32>
        tpu.vector_store_idx %arg15[%add3A_13, %parallel_loop3A_375], %parallel_loop3A_402 : memref<64x129xf32, #tpu.memory_space<vmem>>[vector<16xi32>, vector<16xi32>], vector<16xf32>,
        %parallel_loop3A_403 = arith.index_cast %parallel_loop3A_374 : i32 to index
        %parallel_loop3A_404 = arith.constant 48 : index
        %parallel_loop3A_405 = tpu.vector_load %arg11[%parallel_loop3A_403, %parallel_loop3A_404] {strides = array<i32>} : memref<128x64xf32, #tpu.memory_space<vmem>>, vector<16xf32>,
        %parallel_loop3A_406 = arith.constant 384 : i32
        %parallel_loop3A_407 = arith.addi %parallel_loop3A_406, %parallel_loop3A_374 : i32
        %parallel_loop3A_408 = arith.index_cast %parallel_loop3A_407 : i32 to index
        %parallel_loop3A_409 = arith.constant 48 : index
        %parallel_loop3A_410 = tpu.vector_load %arg7[%parallel_loop3A_408, %parallel_loop3A_409] {strides = array<i32>} : memref<512x64xf32, #tpu.memory_space<vmem>>, vector<16xf32>,
        %parallel_loop3A_411 = arith.addf %parallel_loop3A_405, %parallel_loop3A_410 : vector<16xf32>
        tpu.vector_store_idx %arg15[%add3A_17, %parallel_loop3A_375], %parallel_loop3A_411 : memref<64x129xf32, #tpu.memory_space<vmem>>[vector<16xi32>, vector<16xi32>], vector<16xf32>,
      } {sc.loop_unroll_factor = 8 : i64, sc.parallel_access}
      %jit3A_331 = arith.constant 4 : i32
      %div3A_332 = arith.divsi %mul3A_2, %jit3A_331 : i32
      %sign3A_333 = arith.constant 0 : i32
      %sign3A_334 = arith.cmpi sgt, %mul3A_2, %sign3A_333 : i32
      %sign3A_335 = arith.extui %sign3A_334 : i1 to i32
      %sign3A_336 = arith.constant 0 : i32
      %sign3A_337 = arith.cmpi slt, %mul3A_2, %sign3A_336 : i32
      %sign3A_338 = arith.extui %sign3A_337 : i1 to i32
      %sign3A_339 = arith.subi %sign3A_335, %sign3A_338 : i32
      %sign3A_340 = arith.constant 0 : i32
      %sign3A_341 = arith.cmpi sgt, %jit3A_331, %sign3A_340 : i32
      %sign3A_342 = arith.extui %sign3A_341 : i1 to i32
      %sign3A_343 = arith.constant 0 : i32
      %sign3A_344 = arith.cmpi slt, %jit3A_331, %sign3A_343 : i32
      %sign3A_345 = arith.extui %sign3A_344 : i1 to i32
      %sign3A_346 = arith.subi %sign3A_342, %sign3A_345 : i32
      %ne3A_347 = arith.cmpi ne, %sign3A_339, %sign3A_346 : i32
      %rem3A_348 = arith.remsi %mul3A_2, %jit3A_331 : i32
      %ne3A_349 = arith.constant 0 : i32
      %ne3A_350 = arith.cmpi ne, %rem3A_348, %ne3A_349 : i32
      %and3A_351 = arith.andi %ne3A_347, %ne3A_350 : i1
      %sub3A_352 = arith.constant 1 : i32
      %sub3A_353 = arith.subi %div3A_332, %sub3A_352 : i32
      %select_n3A_354 = arith.select %and3A_351, %sub3A_353, %div3A_332 : i32
      %mul3A_355 = arith.constant 1 : i32
      %mul3A_356 = arith.muli %mul3A_355, %add3A_105 : i32
      %add3A_357 = arith.addi %select_n3A_354, %mul3A_356 : i32
      %add3A_358 = arith.constant 0 : i32
      %add3A_359 = arith.addi %add3A_357, %add3A_358 : i32
      %dma_start3A_360 = arith.constant 0 : i32
      %dma_start3A_361 = arith.constant 0 : i32
      %dma_start3A_362 = tpu.memref_slice %arg15[%dma_start3A_360, %dma_start3A_361] : memref<64x129xf32, #tpu.memory_space<vmem>> -> memref<64x128xf32, #tpu.memory_space<vmem>>
      %dma_start3A_363 = arith.constant 0 : i32
      %dma_start3A_364 = arith.constant 384 : i32
      %dma_start3A_365 = tpu.memref_slice %arg5[%add3A_359, %dma_start3A_363, %dma_start3A_364] : memref<1024x64x512xf32, #tpu.memory_space<hbm>> -> memref<1x64x128xf32, #tpu.memory_space<hbm>>
      %dma_start3A_366 = tpu.memref_squeeze %dma_start3A_365 : memref<1x64x128xf32, #tpu.memory_space<hbm>> -> memref<64x128xf32, #tpu.memory_space<hbm>>
      %dma_start3A_367 = arith.constant 0 : i32
      %dma_start3A_368 = arith.constant 384 : i32
      %dma_start3A_369 = tpu.memref_slice %arg5[%add3A_359, %dma_start3A_367, %dma_start3A_368] : memref<1024x64x512xf32, #tpu.memory_space<hbm>> -> memref<1x64x128xf32, #tpu.memory_space<hbm>>
      %dma_start3A_370 = tpu.memref_squeeze %dma_start3A_369 : memref<1x64x128xf32, #tpu.memory_space<hbm>> -> memref<64x128xf32, #tpu.memory_space<hbm>>
      %dma_start3A_371 = arith.constant 0 : i32
      %dma_start3A_372 = arith.constant 0 : i32
      %dma_start3A_373 = tpu.memref_slice %arg15[%dma_start3A_371, %dma_start3A_372] : memref<64x129xf32, #tpu.memory_space<vmem>> -> memref<64x128xf32, #tpu.memory_space<vmem>>
      tpu.enqueue_dma source(%dma_start3A_373 : memref<64x128xf32, #tpu.memory_space<vmem>>) target(%dma_start3A_370 : memref<64x128xf32, #tpu.memory_space<hbm>>) target_semaphore(%arg23 : memref<!tpu.dma_semaphore, #tpu.memory_space<semaphore_mem>>)
    }
    %scan3A_41 = arith.constant 32 : i32
    %dma_wait3A = arith.constant 0 : i32
    %dma_wait3A_42 = arith.constant 0 : i32
    %dma_wait3A_43 = arith.constant 0 : i32
    %dma_wait3A_44 = tpu.memref_slice %arg12[%dma_wait3A_42, %dma_wait3A_43] : memref<64x129xf32, #tpu.memory_space<vmem>> -> memref<64x128xf32, #tpu.memory_space<vmem>>
    %dma_wait3A_45 = arith.constant 0 : i32
    %dma_wait3A_46 = arith.constant 0 : i32
    %dma_wait3A_47 = tpu.memref_slice %arg5[%dma_wait3A, %dma_wait3A_45, %dma_wait3A_46] : memref<1024x64x512xf32, #tpu.memory_space<hbm>> -> memref<1x64x128xf32, #tpu.memory_space<hbm>>
    %dma_wait3A_48 = tpu.memref_squeeze %dma_wait3A_47 : memref<1x64x128xf32, #tpu.memory_space<hbm>> -> memref<64x128xf32, #tpu.memory_space<hbm>>
    %dma_wait3A_49 = arith.constant 0 : i32
    %dma_wait3A_50 = arith.constant 0 : i32
    %dma_wait3A_51 = tpu.memref_slice %arg5[%dma_wait3A, %dma_wait3A_49, %dma_wait3A_50] : memref<1024x64x512xf32, #tpu.memory_space<hbm>> -> memref<1x64x128xf32, #tpu.memory_space<hbm>>
    %dma_wait3A_52 = tpu.memref_squeeze %dma_wait3A_51 : memref<1x64x128xf32, #tpu.memory_space<hbm>> -> memref<64x128xf32, #tpu.memory_space<hbm>>
    %dma_wait3A_53 = arith.constant 0 : i32
    %dma_wait3A_54 = arith.constant 0 : i32
    %dma_wait3A_55 = tpu.memref_slice %arg12[%dma_wait3A_53, %dma_wait3A_54] : memref<64x129xf32, #tpu.memory_space<vmem>> -> memref<64x128xf32, #tpu.memory_space<vmem>>
    tpu.wait_dma2 semaphore(%arg20 : memref<!tpu.dma_semaphore, #tpu.memory_space<semaphore_mem>>) src(%dma_wait3A_55 : memref<64x128xf32, #tpu.memory_space<vmem>>) dst(%dma_wait3A_52 : memref<64x128xf32, #tpu.memory_space<hbm>>)
    %dma_wait3A_56 = arith.constant 0 : i32
    %dma_wait3A_57 = arith.constant 0 : i32
    %dma_wait3A_58 = arith.constant 0 : i32
    %dma_wait3A_59 = tpu.memref_slice %arg13[%dma_wait3A_57, %dma_wait3A_58] : memref<64x129xf32, #tpu.memory_space<vmem>> -> memref<64x128xf32, #tpu.memory_space<vmem>>
    %dma_wait3A_60 = arith.constant 0 : i32
    %dma_wait3A_61 = arith.constant 0 : i32
    %dma_wait3A_62 = tpu.memref_slice %arg5[%dma_wait3A_56, %dma_wait3A_60, %dma_wait3A_61] : memref<1024x64x512xf32, #tpu.memory_space<hbm>> -> memref<1x64x128xf32, #tpu.memory_space<hbm>>
    %dma_wait3A_63 = tpu.memref_squeeze %dma_wait3A_62 : memref<1x64x128xf32, #tpu.memory_space<hbm>> -> memref<64x128xf32, #tpu.memory_space<hbm>>
    %dma_wait3A_64 = arith.constant 0 : i32
    %dma_wait3A_65 = arith.constant 0 : i32
    %dma_wait3A_66 = tpu.memref_slice %arg5[%dma_wait3A_56, %dma_wait3A_64, %dma_wait3A_65] : memref<1024x64x512xf32, #tpu.memory_space<hbm>> -> memref<1x64x128xf32, #tpu.memory_space<hbm>>
    %dma_wait3A_67 = tpu.memref_squeeze %dma_wait3A_66 : memref<1x64x128xf32, #tpu.memory_space<hbm>> -> memref<64x128xf32, #tpu.memory_space<hbm>>
    %dma_wait3A_68 = arith.constant 0 : i32
    %dma_wait3A_69 = arith.constant 0 : i32
    %dma_wait3A_70 = tpu.memref_slice %arg13[%dma_wait3A_68, %dma_wait3A_69] : memref<64x129xf32, #tpu.memory_space<vmem>> -> memref<64x128xf32, #tpu.memory_space<vmem>>
    tpu.wait_dma2 semaphore(%arg21 : memref<!tpu.dma_semaphore, #tpu.memory_space<semaphore_mem>>) src(%dma_wait3A_70 : memref<64x128xf32, #tpu.memory_space<vmem>>) dst(%dma_wait3A_67 : memref<64x128xf32, #tpu.memory_space<hbm>>)
    %dma_wait3A_71 = arith.constant 0 : i32
    %dma_wait3A_72 = arith.constant 0 : i32
    %dma_wait3A_73 = arith.constant 0 : i32
    %dma_wait3A_74 = tpu.memref_slice %arg14[%dma_wait3A_72, %dma_wait3A_73] : memref<64x129xf32, #tpu.memory_space<vmem>> -> memref<64x128xf32, #tpu.memory_space<vmem>>
    %dma_wait3A_75 = arith.constant 0 : i32
    %dma_wait3A_76 = arith.constant 0 : i32
    %dma_wait3A_77 = tpu.memref_slice %arg5[%dma_wait3A_71, %dma_wait3A_75, %dma_wait3A_76] : memref<1024x64x512xf32, #tpu.memory_space<hbm>> -> memref<1x64x128xf32, #tpu.memory_space<hbm>>
    %dma_wait3A_78 = tpu.memref_squeeze %dma_wait3A_77 : memref<1x64x128xf32, #tpu.memory_space<hbm>> -> memref<64x128xf32, #tpu.memory_space<hbm>>
    %dma_wait3A_79 = arith.constant 0 : i32
    %dma_wait3A_80 = arith.constant 0 : i32
    %dma_wait3A_81 = tpu.memref_slice %arg5[%dma_wait3A_71, %dma_wait3A_79, %dma_wait3A_80] : memref<1024x64x512xf32, #tpu.memory_space<hbm>> -> memref<1x64x128xf32, #tpu.memory_space<hbm>>
    %dma_wait3A_82 = tpu.memref_squeeze %dma_wait3A_81 : memref<1x64x128xf32, #tpu.memory_space<hbm>> -> memref<64x128xf32, #tpu.memory_space<hbm>>
    %dma_wait3A_83 = arith.constant 0 : i32
    %dma_wait3A_84 = arith.constant 0 : i32
    %dma_wait3A_85 = tpu.memref_slice %arg14[%dma_wait3A_83, %dma_wait3A_84] : memref<64x129xf32, #tpu.memory_space<vmem>> -> memref<64x128xf32, #tpu.memory_space<vmem>>
    tpu.wait_dma2 semaphore(%arg22 : memref<!tpu.dma_semaphore, #tpu.memory_space<semaphore_mem>>) src(%dma_wait3A_85 : memref<64x128xf32, #tpu.memory_space<vmem>>) dst(%dma_wait3A_82 : memref<64x128xf32, #tpu.memory_space<hbm>>)
    %dma_wait3A_86 = arith.constant 0 : i32
    %dma_wait3A_87 = arith.constant 0 : i32
    %dma_wait3A_88 = arith.constant 0 : i32
    %dma_wait3A_89 = tpu.memref_slice %arg15[%dma_wait3A_87, %dma_wait3A_88] : memref<64x129xf32, #tpu.memory_space<vmem>> -> memref<64x128xf32, #tpu.memory_space<vmem>>
    %dma_wait3A_90 = arith.constant 0 : i32
    %dma_wait3A_91 = arith.constant 0 : i32
    %dma_wait3A_92 = tpu.memref_slice %arg5[%dma_wait3A_86, %dma_wait3A_90, %dma_wait3A_91] : memref<1024x64x512xf32, #tpu.memory_space<hbm>> -> memref<1x64x128xf32, #tpu.memory_space<hbm>>
    %dma_wait3A_93 = tpu.memref_squeeze %dma_wait3A_92 : memref<1x64x128xf32, #tpu.memory_space<hbm>> -> memref<64x128xf32, #tpu.memory_space<hbm>>
    %dma_wait3A_94 = arith.constant 0 : i32
    %dma_wait3A_95 = arith.constant 0 : i32
    %dma_wait3A_96 = tpu.memref_slice %arg5[%dma_wait3A_86, %dma_wait3A_94, %dma_wait3A_95] : memref<1024x64x512xf32, #tpu.memory_space<hbm>> -> memref<1x64x128xf32, #tpu.memory_space<hbm>>
    %dma_wait3A_97 = tpu.memref_squeeze %dma_wait3A_96 : memref<1x64x128xf32, #tpu.memory_space<hbm>> -> memref<64x128xf32, #tpu.memory_space<hbm>>
    %dma_wait3A_98 = arith.constant 0 : i32
    %dma_wait3A_99 = arith.constant 0 : i32
    %dma_wait3A_100 = tpu.memref_slice %arg15[%dma_wait3A_98, %dma_wait3A_99] : memref<64x129xf32, #tpu.memory_space<vmem>> -> memref<64x128xf32, #tpu.memory_space<vmem>>
    tpu.wait_dma2 semaphore(%arg23 : memref<!tpu.dma_semaphore, #tpu.memory_space<semaphore_mem>>) src(%dma_wait3A_100 : memref<64x128xf32, #tpu.memory_space<vmem>>) dst(%dma_wait3A_97 : memref<64x128xf32, #tpu.memory_space<hbm>>)
    return
  }
}

</mosaic_0001>

<sc_bundles>
// kernel: kernel.4.cloned.1.call-start
scs
__scs_entry_jumppad:
0x0: {  	(pc) =	sbr.rel $0x88, $3  }
0x1: {  	(tag) =	ssettag $0x0;
	lr =	simm.s32 $0x1  }
0x2: {  	[smem:$0x3F9E] =	sst lr;
	_ =	strace $0xD0000000  }
0x3: {  	_ = 	snop  }
0x4: {  	_ = 	snop  }
0x5: {  	_ = 	snop  }
0x6: {  	_ = 	snop  }
0x7: {  	_ = 	snop  }
__scs_overlays_trampoline_lowered:
0x8: {  	[smem:$0x3FAD] =	sst s0  }
0x9: {  	[smem:$0x3FAE] =	sst s1  }
0xa: {  	[smem:$0x3FAF] =	sst s2  }
0xb: {  	[smem:$0x3FB0] =	sst s3  }
0xc: {  	[smem:$0x3FB1] =	sst s4  }
0xd: {  	[smem:$0x3FB2] =	sst s5  }
0xe: {  	[smem:$0x3FB3] =	sst s6  }
0xf: {  	[smem:$0x3FB4] =	sst s7  }
0x10: {  	[smem:$0x3FB5] =	sst s8  }
0x11: {  	[smem:$0x3FB6] =	sst s9;
	s0 =	simm.s32 @!p0 $0x0  }
0x12: {  	s1 =	sld [smem:$0x3F9C];
	s0 =	simm.s32 @p0 $0x1  }
0x13: {  	[smem:$0x3FB7] =	sst s0;
	s0 =	simm.s32 @!p1 $0x0  }
0x14: {  	s2 =	sld [smem:$0x3F9B];
	s0 =	simm.s32 @p1 $0x1  }
0x15: {  	[smem:$0x3FB8] =	sst s0;
	s0 =	simm.s32 @!p2 $0x0  }
0x16: {  	s3 =	sld [smem:$0x3FDB];
	s0 =	simm.s32 @p2 $0x1  }
0x17: {  	s4 =	simm.s32 $0x1BF5;
	[smem:$0x3FBA] =	sst s0  }
0x18: {  	s0 =	sld [smem:$0x3F9D];
	_ =	swait.ge [sflag:s4], $0x0  }
0x19: {  	s7 =	sld [smem:$0x3F9E]  }
0x1a: {  	s8 =	sadd.s32 $0xFFFFE003, lr  }
0x1b: {  	s9 =	sadd.s32 $0xFFFFFEF7, lr;
	s5 =	simm.s32 $0xFFFFFFFF;
	p2 =	slt.u32 s8, $0xFFFFF086  }
0x1c: {  	p1 =	slt.u32 s9, $0xF7A;
	s5 =	simm.s32 @!p2 $0x0  }
0x1d: {  	s5 =	simm.s32 @p1 $0x1;
	p0 =	seq.s32 s7, s2  }
0x1e: {  	s7 =	smul.u32 @!p0 $0xF7A, s2;
	p2 =	seq.s32 @!p0 s5, $0x0  }
0x1f: {  	s9 =	smul.u32 $0xF7A, s1;
	s8 =	simm.s32 @!p0 $0x1BF5;
	p2 =	por !p2, p0  }
0x20: {  	[sflag:s8] =	ssyncset.s32 @!p0 $0xFFFFF086;
	s6 =	sadd.s32 @!p0 s3, s7;
	s7 =	simm.s32 @!p0 $0x108  }
0x21: {  	s3 =	sadd.s32 s3, s9;
	s6 =	sadd.s32 @!p0 $0x88, s6;
	s7 =	simm.s32 @p2 $0x1082  }
0x22: {  	[simem:s7], [sflag:s8] =	dma.local @!p0 [hbm:s6], $0xF7A  }
0x23: {  	s9 =	sor.u32 $0xD0000000, s2;
	s6 =	simm.s32 $0x108;
	_ =	swait.ge @!p0 [sflag:s8], $0x0  }
0x24: {  	s3 =	sadd.s32 $0x88, s3;
	s6 =	simm.s32 @!p1 $0x1082;
	[sflag:s4] =	ssyncset.s32 $0xFFFFF086  }
0x25: {  	[simem:s6], [sflag:s4] =	dma.local [hbm:s3], $0xF7A  }
0x26: {  	[smem:$0x3F9E] =	sst s1;
	(tag) =	ssettag s2;
	_ =	strace s9  }
0x27: {  	s1 =	sld [smem:$0x3FAE]  }
0x28: {  	s2 =	sld [smem:$0x3FAF]  }
0x29: {  	s4 =	sld [smem:$0x3FB1]  }
0x2a: {  	p0 =	seq.s32 s5, $0x0;
	s5 =	sld [smem:$0x3FB2]  }
0x2b: {  	s6 =	sld [smem:$0x3FB3]  }
0x2c: {  	s7 =	sld [smem:$0x3FB4]  }
0x2d: {  	s3 =	simm.s32 $0x108;
	s8 =	sld [smem:$0x3FB5]  }
0x2e: {  	s3 =	simm.s32 @!p0 $0x1082;
	s9 =	sld [smem:$0x3FB6]  }
0x2f: {  	lr =	sadd.s32 s0, s3;
	s0 =	sld [smem:$0x3FAD]  }
0x30: {  	s3 =	sld [smem:$0x3FB0]  }
0x31: {  	[smem:$0x3FB9] =	sst s10  }
0x32: {  	s10 =	sld [smem:$0x3FB7];
	_ =	sdelay $0x3  }
0x33: {  	p0 =	seq.s32 s10, $0x1;
	s10 =	sld [smem:$0x3FB9];
	_ =	sdelay $0x3  }
0x34: {  	[smem:$0x3FB9] =	sst s10  }
0x35: {  	s10 =	sld [smem:$0x3FB8];
	_ =	sdelay $0x3  }
0x36: {  	p1 =	seq.s32 s10, $0x1;
	s10 =	sld [smem:$0x3FB9];
	_ =	sdelay $0x3  }
0x37: {  	[smem:$0x3FB9] =	sst s10  }
0x38: {  	s10 =	sld [smem:$0x3FBA]  }
0x39: {  	_ = 	snop;
	(pc) =	sbr.ind lr, $3  }
0x3a: {  	_ = 	snop  }
0x3b: {  	_ = 	snop  }
0x3c: {  	p2 =	seq.s32 s10, $0x1;
	s10 =	sld [smem:$0x3FB9]  }
0x3d: {  	_ =	shalt  }
0x3e: {  	_ =	shalt  }
0x3f: {  	_ =	shalt  }
0x40: {  	_ =	shalt  }
0x41: {  	_ =	shalt  }
0x42: {  	_ =	shalt  }
0x43: {  	_ =	shalt  }
0x44: {  	_ =	shalt  }
0x45: {  	_ =	shalt  }
0x46: {  	_ =	shalt  }
0x47: {  	_ =	shalt  }
0x48: {  	_ =	shalt  }
0x49: {  	_ =	shalt  }
0x4a: {  	_ =	shalt  }
0x4b: {  	_ =	shalt  }
0x4c: {  	_ =	shalt  }
0x4d: {  	_ =	shalt  }
0x4e: {  	_ =	shalt  }
0x4f: {  	_ =	shalt  }
0x50: {  	_ =	shalt  }
0x51: {  	_ =	shalt  }
0x52: {  	_ =	shalt  }
0x53: {  	_ =	shalt  }
0x54: {  	_ =	shalt  }
0x55: {  	_ =	shalt  }
0x56: {  	_ =	shalt  }
0x57: {  	_ =	shalt  }
0x58: {  	_ =	shalt  }
0x59: {  	_ =	shalt  }
0x5a: {  	_ =	shalt  }
0x5b: {  	_ =	shalt  }
0x5c: {  	_ =	shalt  }
0x5d: {  	_ =	shalt  }
0x5e: {  	_ =	shalt  }
0x5f: {  	_ =	shalt  }
0x60: {  	_ =	shalt  }
0x61: {  	_ =	shalt  }
0x62: {  	_ =	shalt  }
0x63: {  	_ =	shalt  }
0x64: {  	_ =	shalt  }
0x65: {  	_ =	shalt  }
0x66: {  	_ =	shalt  }
0x67: {  	_ =	shalt  }
0x68: {  	_ =	shalt  }
0x69: {  	_ =	shalt  }
0x6a: {  	_ =	shalt  }
0x6b: {  	_ =	shalt  }
0x6c: {  	_ =	shalt  }
0x6d: {  	_ =	shalt  }
0x6e: {  	_ =	shalt  }
0x6f: {  	_ =	shalt  }
0x70: {  	_ =	shalt  }
0x71: {  	_ =	shalt  }
0x72: {  	_ =	shalt  }
0x73: {  	_ =	shalt  }
0x74: {  	_ =	shalt  }
0x75: {  	_ =	shalt  }
0x76: {  	_ =	shalt  }
0x77: {  	_ =	shalt  }
0x78: {  	_ =	shalt  }
0x79: {  	_ =	shalt  }
0x7a: {  	_ =	shalt  }
0x7b: {  	_ =	shalt  }
0x7c: {  	_ =	shalt  }
0x7d: {  	_ =	shalt  }
0x7e: {  	_ =	shalt  }
0x7f: {  	_ =	shalt  }
0x80: {  	_ =	shalt  }
0x81: {  	_ =	shalt  }
0x82: {  	_ =	shalt  }
0x83: {  	_ =	shalt  }
0x84: {  	_ =	shalt  }
0x85: {  	_ =	shalt  }
0x86: {  	_ =	shalt  }
0x87: {  	_ =	shalt  }
.Lfunc_end0:
.L_simem_size_0:
called_computation_lowered:
.L_overlay_start_0:
0x88: {  	s2 =	sld [smem:$0x3FD9]  }
0x89: {  	s3 =	sld [smem:$0x3FFE];
	_ =	sdelay $0x1  }
0x8a: {  	s1 =	srdreg.scid  }
0x8b: {  	s0 =	sand.u32 $0x1, s1  }
0x8c: {  	s17 =	sshll.u32 s0, $0xA;
	s2 =	sadd.s32 s3, s2  }
0x8d: {  	s2 =	sadd.s32 s2, s17  }
0x8e: {  	[smem:$0x3FC5] =	sst s2  }
0x8f: {  	_ = 	snop  }
0x90: {  	(tm) =	ssettm $0x1  }
0x91: {  	s18 =	sld [smem:$0x3FFB];
	_ =	sdelay $0x3  }
0x92: {  	_ =	strace s18  }
0x93: {  	s2 =	sld [smem:$0x3FFC];
	_ =	sdelay $0x3  }
0x94: {  	_ =	strace s2  }
0x95: {  	s2 =	sld [smem:$0x3FFD];
	_ =	sdelay $0x3  }
0x96: {  	_ =	strace s2  }
0x97: {  	_ =	strace $0x8FFFFFFF  }
0x98: {  	s19 =	sld [smem:$0x3FDB];
	_ =	sdelay $0x1  }
0x99: {  	s20 =	simm.s32 $_scs_section_size  }
0x9a: {  	s4 =	simm.s32 $_size__tile_overlayer_lowered;
	s5 =	simm.s32 $_tile_overlayer_lowered  }
0x9b: {  	s6 =	simm.s32 $0x1BFF;
	s21 =	sshll.u32 s5, $0x1;
	s3 =	sadd.s32 s20, s19  }
0x9c: {  	s22 =	simm.s32 $0x0;
	s4 =	sshll.u32 s4, $0x1;
	s5 =	sadd.s32 s21, s3  }
0x9d: {  	[timem:s22], [sflag:s6] =	dma.local [hbm:s5], s4  }
0x9e: {  	_ =	swait.ge [sflag:s6], s4  }
0x9f: {  	s4 =	ssub.s32 $0x0, s4;
	[sflag:s6] =	ssyncset.done $0x0  }
0xa0: {  	[sflag:s6] =	ssyncadd.s32 s4;
	_ =	sdelay $0x1  }
0xa1: {  	s23 =	simm.s32 $0x1B8B  }
0xa2: {  	_ =	swait.ge [sflag:s23], $0x1  }
0xa3: {  	[sflag:s23] =	ssyncset.done $0x0  }
0xa4: {  	[sflag:s23] =	ssyncadd.s32 $0xFFFFFFFF  }
0xa5: {  	s4 =	sld [smem:$0x0]  }
0xa6: {  	s5 =	sand.u32 $0xFFFFFFFE, s1  }
0xa7: {  	p0 =	sne.s32 s1, s5  }
0xa8: {  	s5 =	sshll.u32 @p0 s5, $0xE  }
0xa9: {  	s5 =	sadd.s32 @p0 $0x11B8D, s5;
	s6 =	sshll.u32 @p0 s4, $0x11  }
0xaa: {  	s5 =	sor.u32 @p0 s6, s5  }
0xab: {  	[sflag:s5] =	ssyncadd.remote.s32 @p0 $0x1;
	_ =	sdelay $0x1  }
0xac: {  	s5 =	simm.s32 @p0 $0x1B8D  }
0xad: {  	_ =	swait.eq @p0 [sflag:s5], $0x1  }
0xae: {  	[sflag:s5] =	ssyncadd.s32 @p0 $0xFFFFFFFF  }
0xaf: {  	s6 =	sshll.u32 @!p0 s1, $0xE  }
0xb0: {  	s6 =	sor.u32 @!p0 $0x4000, s6;
	s5 =	simm.s32 @!p0 $0x1B8D  }
0xb1: {  	s4 =	sshll.u32 @!p0 s4, $0x11;
	s6 =	sadd.s32 @!p0 $0x11B8D, s6;
	_ =	swait.eq @!p0 [sflag:s5], $0x1  }
0xb2: {  	s4 =	sor.u32 @!p0 s4, s6;
	[sflag:s5] =	ssyncadd.s32 @!p0 $0xFFFFFFFF  }
0xb3: {  	s25 =	simm.s32 $0x1B8E;
	s24 =	sld [smem:$0x3FFE];
	[sflag:s4] =	ssyncadd.remote.s32 @!p0 $0x1  }
0xb4: {  	s26 =	simm.s32 $execute0_lowered;
	[smem:$0x3FD2] =	sst s25  }
0xb5: {  	s5 =	sshll.u32 s26, $0x1;
	_ =	strace $0x80000049;
	[dreg:$0x1] =	wrdreg $0xFFFFFFFF  }
0xb6: {  	s28 =	simm.s32 $_size_execute0_lowered;
	s3 =	sadd.s32 s3, s5;
	[dreg:$0x0] =	wrdreg $0x0  }
0xb7: {  	s5 =	sshll.u32 s28, $0x1;
	[dreg:$0x2] =	wrdreg s3  }
0xb8: {  	[dreg:$0x3] =	wrdreg s5  }
0xb9: {  	[dreg:$0x4] =	wrdreg $0xC0  }
0xba: {  	_ =	task [dreg:s22], $0x5FFFF  }
0xbb: {  	[dreg:$0x1] =	wrdreg $0xFFFFFFFF  }
0xbc: {  	[dreg:$0x0] =	wrdreg $0x60  }
0xbd: {  	[dreg:$0x2] =	wrdreg s24  }
0xbe: {  	[dreg:$0x3] =	wrdreg $0x9  }
0xbf: {  	_ =	task.clear_ibuf [dreg:s22], $0x4FFFF;
	_ =	strace $0x90000049  }
0xc0: {  	s29 =	simm.s32 $0x9;
	_ =	strace $0x8000004B  }
0xc1: {  	_ =	swait.ge [sflag:s29], $0x1  }
0xc2: {  	[sflag:s29] =	ssyncadd.s32 $0xFFFFFFFF  }
0xc3: {  	_ =	strace $0x9000004B  }
0xc4: {  	_ =	sfence  }
0xc5: {  	s30 =	sld [smem:$0x0];
	_ =	sdelay $0x2  }
0xc6: {  	s31 =	sshll.u32 s1, $0xD;
	s1 =	sshrl.u32 s1, $0x2  }
0xc7: {  	s4 =	sand.u32 $0x4000, s31;
	s1 =	sadd.s32 s1, s30  }
0xc8: {  	s0 =	sor.u32 s4, s0;
	s1 =	sshll.u32 s1, $0x11  }
0xc9: {  	s0 =	sor.u32 s1, s0  }
0xca: {  	s0 =	sadd.s32 $0x8F2B, s0  }
0xcb: {  	[sflag:s0] =	ssyncadd.remote.s32 $0x1  }
0xcc: {  	_ =	sfence.sel $0xFFFF  }
0xcd: {  	[dreg:$0x0] =	wrdreg $0xFFFFFFFF;
	(pc) =	sbr.abs _section_cstart, $3  }
0xce: {  	[dreg:$0x1] =	wrdreg $0xFFFFFFFF  }
0xcf: {  	_ =	task.clear_ibuf [dreg:s22], $0x2FFFF;
	_ =	strace $0x9FFFFFFF  }
0xd0: {  	(tm) =	ssettm $0x7FFFFFFF  }
0xd1: {  	_ =	shalt  }
tec
execute0_lowered:
.L_overlay_start_1:
0x0: {  	(tag) =	ssettag $0x1  }
0x1: {  	s0 =	rddreg [dreg:$0x0];
	s1 =	srdreg.scid  }
0x2: {  	s3 =	stileid.u32;
	s2 =	simm.s32 $0x0;
	v0 =	vlaneseq.u32;
	s14 =	simm.s32 $0x80  }
0x3: {  	s15 =	simm.s32 $0xC000;
	s16 =	simm.s32 $0xE000;
	s18 =	simm.s32 $0x10000;
	v0 =	vmul.u32 $0x88, v0  }
0x4: {  	v1 =	vimm.s32 $0x0;
	vm0 =	vcmask $0x300;
	s19 =	simm.s32 $0x12000;
	s20 =	simm.s32 $0x1;
	s21 =	simm.s32 $0x14000  }
0x5: {  	s22 =	simm.s32 $0x2;
	s23 =	simm.s32 $0x6;
	s24 =	simm.s32 $0x16200;
	v1 =	vsel vm0, $0x3, v1;
	v2 =	vadd.s32 $0x880, v0  }
0x6: {  	s25 =	simm.s32 $0x3;
	s28 =	simm.s32 $0x18400;
	s29 =	simm.s32 $0x4;
	v3 =	vadd.s32 $0x1100, v0;
	v4 =	vadd.s32 $0x1980, v0;
	v5 =	vor.u32 $0x1, v0  }
0x7: {  	s30 =	simm.s32 $0x8;
	s31 =	simm.s32 $0x1A600;
	s1 =	sand.u32 $0x1, s1;
	v6 =	vadd.s32 $0x881, v0;
	v7 =	vadd.s32 $0x1101, v0;
	v8 =	vadd.s32 $0x1981, v0  }
0x8: {  	s3 =	sshll.u32 s3, $0x8;
	[smem:$0x7FF] =	sst s2;
	s5 =	sadd.s32 $0x400, s0;
	v9 =	vor.u32 $0x2, v0;
	v10 =	vadd.s32 $0x882, v0;
	v11 =	vadd.s32 $0x1102, v0  }
0x9: {  	s8 =	sadd.s32 $0xE4A10, s0;
	s9 =	sadd.s32 $0xE4A20, s0;
	s10 =	sadd.s32 $0xE4A30, s0;
	v12 =	vadd.s32 $0x1982, v0;
	v13 =	vor.u32 $0x3, v0;
	v14 =	vadd.s32 $0x883, v0  }
0xa: {  	s4 =	sshll.u32 s1, $0x7;
	_ =	strace $0x8000004A;
	s1 =	ssub.s32 $0x2, s1;
	v15 =	vadd.s32 $0x1103, v0;
	v16 =	vadd.s32 $0x1983, v0;
	v17 =	vor.u32 $0x4, v0  }
0xb: {  	[dreg:$0x2] =	wrdreg s5;
	s4 =	sor.u32 s4, s3;
	s7 =	sshrl.u32 s1, $0x1;
	v18 =	vadd.s32 $0x884, v0;
	v19 =	vadd.s32 $0x1104, v0;
	v20 =	vadd.s32 $0x1984, v0  }
0xc: {  	s5 =	sadd.s32 $0xE4A00, s0;
	v21 =	vor.u32 $0x5, v0;
	v22 =	vadd.s32 $0x885, v0;
	v23 =	vadd.s32 $0x1105, v0;
	s3 =	sshll.u32 s4, $0x4;
	s1 =	ssub.s32 s1, s7  }
0xd: {  	v24 =	vadd.s32 $0x1985, v0;
	v25 =	vor.u32 $0x6, v0;
	v26 =	vadd.s32 $0x886, v0;
	s7 =	sshrl.u32 s4, $0x2;
	s6 =	sadd.s32 s3, s0;
	s26 =	smax.u32 s1, $0x1  }
0xe: {  	v27 =	vadd.s32 $0x1106, v0;
	v28 =	vadd.s32 $0x1986, v0;
	v29 =	vor.u32 $0x7, v0;
	s3 =	sadd.s32 $0x11400, s0;
	s6 =	sadd.s32 $0xD4A00, s6;
	[dreg:$0x4] =	wrdreg s26  }
0xf: {  	v30 =	vadd.s32 $0x887, v0;
	v31 =	vadd.s32 $0x1107, v0;
	v32 =	vadd.s32 $0x1987, v0;
	s1 =	simm.s32 $0x0;
	s26 =	simm.s32 $0x7;
	[dreg:$0x3] =	wrdreg s6  }
.LBB2_1:
0x10: {  	[dreg:$0x5] =	wrdreg s1  }
0x11: {  	s0 =	rddreg [dreg:$0x2];
	s11 =	simm.s32 $0x4000;
	s12 =	simm.s32 $0x9  }
0x12: {  	[tilespmem:s11], [sflag:$0x9] =	stream.linear.gather [hbm4b:s0+s2], $0x8000, $0x38;
	[tilespmem:$0x1C800] =	vst v63  }
0x13: {  	_ =	swait.ge [sflag:s12], $0x8000  }
0x14: {  	[sflag:s12] =	ssyncset.done $0x0  }
0x15: {  	s13 =	rddreg [dreg:$0x3];
	[sflag:s12] =	ssyncadd.s32 $0xFFFF8000  }
0x16: {  	[tilespmem:s2], [sflag:$0x9] =	stream.linear.gather [hbm4b:s13+s2], $0x4000, $0x38;
	[tilespmem:$0x1C800] =	vst v63  }
0x17: {  	_ =	swait.ge [sflag:s12], $0x4000  }
0x18: {  	[sflag:s12] =	ssyncset.done $0x0  }
0x19: {  	[sflag:s12] =	ssyncadd.s32 $0xFFFFC000  }
0x1a: {  	[tilespmem:s15], [sflag:$0x1] =	stream.indirect.gather [hbm4b:s3+s14], $0x40, s2, s14, $0xb8;
	[tilespmem:$0x1C800] =	vst v63  }
0x1b: {  	_ = 	snop  }
0x1c: {  	[tilespmem:s16], [sflag:$0x2] =	stream.indirect.gather [hbm4b:s3+s14], $0x40, s14, s14, $0xb8;
	[tilespmem:$0x1C800] =	vst v63  }
0x1d: {  	s17 =	simm.s32 $0x100;
	s12 =	simm.s32 $0x0  }
0x1e: {  	[tilespmem:s18], [sflag:$0x3] =	stream.indirect.gather [hbm4b:s3+s14], $0x40, s17, s14, $0xb8;
	[tilespmem:$0x1C800] =	vst v63  }
.LBB2_2:
0x1f: {  	s0 =	sshll.u32 s12, $0x9  }
0x20: {  	s4 =	sand.u32 $0x3FFFFE00, s0  }
0x21: {  	s0 =	sor.u32 $0x180, s4  }
0x22: {  	[tilespmem:s19], [sflag:$0x4] =	stream.indirect.gather [hbm4b:s3+s14], $0x40, s0, s14, $0xb8;
	[tilespmem:$0x1C800] =	vst v63  }
0x23: {  	_ =	swait.ge [sflag:s20], $0x2000  }
0x24: {  	p0 =	seq.s32 s12, $0x0;
	[sflag:s20] =	ssyncset.done $0x0  }
0x25: {  	s0 =	simm.s32 @!p0 $0x5;
	[sflag:s20] =	ssyncadd.s32 $0xFFFFE000  }
0x26: {  	s1 =	simm.s32 $0x7;
	_ =	swait.ge @!p0 [sflag:s0], $0x2000  }
0x27: {  	v33 =	vmov s1;
	[sflag:s0] =	ssyncset.done @!p0 $0x0  }
0x28: {  	s6 =	simm.s32 $0xC100;
	v33 =	vshrl.u32 v33, $0x3;
	[sflag:s0] =	ssyncadd.s32 @!p0 $0xFFFFE000  }
0x29: {  	v33 =	vshll.u32 v33, v1;
	s0 =	simm.s32 $0x4100;
	v35 =	vld [tilespmem:s6+$0xC0]  }
0x2a: {  	v34 =	vbroadcast v33, $0x0;
	v36 =	vld [tilespmem:s0+$0xC0]  }
0x2b: {  	v37 =	vld [tilespmem:s6+$0xFFFFFF00]  }
0x2c: {  	v33 =	vadd.s32 v29, v34;
	v38 =	vld [tilespmem:s0+$0xFFFFFF00]  }
0x2d: {  	v39 =	vld [tilespmem:s6+$0xFFFFFF40]  }
0x2e: {  	v40 =	vld [tilespmem:s0+$0xFFFFFF40]  }
0x2f: {  	s11 =	simm.s32 $0x2;
	v41 =	vld [tilespmem:s6+$0xFFFFFF80];
	v35 =	vadd.f32 v36, v35  }
0x30: {  	s13 =	simm.s32 $0x4;
	v57 =	vmov s11;
	s11 =	simm.s32 $0x3;
	v42 =	vld [tilespmem:s0+$0xFFFFFF80]  }
0x31: {  	s17 =	simm.s32 $0x1;
	v53 =	vmov s13;
	v48 =	vmov s11;
	v43 =	vld [tilespmem:s6+$0xFFFFFFC0];
	[tilespmem:v33+s21+$0x0] =	vst.idx.msk $0xffff, v35  }
0x32: {  	v56 =	vmov s17;
	v58 =	vshrl.u32 v53, $0x3;
	v48 =	vshrl.u32 v48, $0x3;
	v44 =	vld [tilespmem:s6+$0xD0]  }
0x33: {  	v59 =	vshll.u32 v58, v1;
	v48 =	vshll.u32 v48, v1;
	v33 =	vshrl.u32 v56, $0x3;
	v45 =	vld [tilespmem:s0+$0xD0]  }
0x34: {  	v48 =	vbroadcast v48, $0x0;
	v46 =	vld [tilespmem:s0+$0xFFFFFFC0];
	v35 =	vshrl.u32 v57, $0x3;
	v33 =	vshll.u32 v33, v1  }
0x35: {  	v47 =	vadd.s32 v30, v34;
	v49 =	vld [tilespmem:s0+$0x0];
	v35 =	vshll.u32 v35, v1;
	v36 =	vbroadcast v33, $0x0  }
0x36: {  	v52 =	vld [tilespmem:s6+$0x40];
	v41 =	vadd.f32 v42, v41;
	v42 =	vadd.s32 v13, v48;
	v35 =	vbroadcast v35, $0x0  }
0x37: {  	v39 =	vadd.f32 v40, v39;
	v40 =	vbroadcast v59, $0x0;
	v33 =	vld [tilespmem:s6+$0x0];
	v50 =	vadd.s32 v5, v36  }
0x38: {  	v54 =	vld [tilespmem:s0+$0x40];
	v51 =	vadd.s32 v9, v35;
	v44 =	vadd.f32 v45, v44  }
0x39: {  	v53 =	vld [tilespmem:s6+$0x80];
	v43 =	vadd.f32 v46, v43;
	v63 =	vadd.s32 v17, v40  }
0x3a: {  	s13 =	simm.s32 $0x0;
	v45 =	vld [tilespmem:s0+$0x80];
	[tilespmem:v47+s21+$0x0] =	vst.idx.msk $0xffff, v44  }
0x3b: {  	s17 =	simm.s32 $0x5;
	v56 =	vmov s13;
	[tilespmem:v42+s21+$0x0] =	vst.idx.msk $0xffff, v43;
	v44 =	vld [tilespmem:s6+$0xE0]  }
0x3c: {  	v60 =	vmov s17;
	v56 =	vshrl.u32 v56, $0x3;
	v33 =	vadd.f32 v49, v33;
	[tilespmem:v50+s21+$0x0] =	vst.idx.msk $0xffff, v39;
	v61 =	vld [tilespmem:s0+$0xE0]  }
0x3d: {  	v47 =	vshrl.u32 v60, $0x3;
	v60 =	vshll.u32 v56, v1;
	[tilespmem:v51+s21+$0x0] =	vst.idx.msk $0xffff, v41;
	v41 =	vld [tilespmem:s0+$0xFFFFFFD0]  }
0x3e: {  	v55 =	vadd.s32 v31, v34;
	v47 =	vshll.u32 v47, v1;
	[tilespmem:v63+s21+$0x0] =	vst.idx.msk $0xffff, v33;
	v33 =	vbroadcast v60, $0x0;
	v51 =	vld [tilespmem:s6+$0xFFFFFF50]  }
0x3f: {  	s11 =	simm.s32 $0x6;
	v46 =	vld [tilespmem:s0+$0xFFFFFF50];
	v47 =	vbroadcast v47, $0x0  }
0x40: {  	v62 =	vmov s11;
	v57 =	vld [tilespmem:s6+$0xFFFFFF90];
	v63 =	vadd.s32 v0, v33  }
0x41: {  	v50 =	vshrl.u32 v62, $0x3;
	v42 =	vld [tilespmem:s0+$0xFFFFFF90];
	v43 =	vadd.s32 v21, v47;
	v39 =	vadd.f32 v61, v44  }
0x42: {  	v50 =	vshll.u32 v50, v1;
	v56 =	vld [tilespmem:s6+$0x10]  }
0x43: {  	v37 =	vadd.f32 v38, v37;
	v49 =	vbroadcast v50, $0x0;
	v50 =	vld [tilespmem:s6+$0xFFFFFFD0];
	[tilespmem:v55+s21+$0x0] =	vst.idx.msk $0xffff, v39  }
0x44: {  	v62 =	vadd.f32 v54, v52;
	v52 =	vld [tilespmem:s6+$0xF0]  }
0x45: {  	v60 =	vadd.s32 v10, v35;
	[tilespmem:v63+s21+$0x0] =	vst.idx.msk $0xffff, v37;
	v55 =	vld [tilespmem:s0+$0xF0]  }
0x46: {  	v61 =	vadd.s32 v25, v49;
	[tilespmem:v43+s21+$0x0] =	vst.idx.msk $0xffff, v62;
	v43 =	vld [tilespmem:s0+$0x10]  }
0x47: {  	v54 =	vld [tilespmem:s6+$0xFFFFFF10]  }
0x48: {  	v59 =	vadd.s32 v6, v36;
	v63 =	vadd.f32 v42, v57;
	v42 =	vld [tilespmem:s0+$0xFFFFFF10]  }
0x49: {  	v58 =	vadd.f32 v45, v53;
	v53 =	vld [tilespmem:s6+$0x50]  }
0x4a: {  	v62 =	vadd.s32 v14, v48;
	v38 =	vld [tilespmem:s0+$0x50];
	[tilespmem:v60+s21+$0x0] =	vst.idx.msk $0xffff, v63  }
0x4b: {  	v60 =	vadd.f32 v41, v50;
	[tilespmem:v61+s21+$0x0] =	vst.idx.msk $0xffff, v58;
	v61 =	vadd.f32 v46, v51;
	v50 =	vld [tilespmem:s6+$0xFFFFFFA0]  }
0x4c: {  	v44 =	vld [tilespmem:s6+$0x90]  }
0x4d: {  	v45 =	vadd.s32 v18, v40;
	v46 =	vld [tilespmem:s0+$0x90];
	[tilespmem:v59+s21+$0x0] =	vst.idx.msk $0xffff, v61  }
0x4e: {  	v57 =	vld [tilespmem:s6+$0xFFFFFF60]  }
0x4f: {  	v61 =	vadd.s32 v22, v47;
	v39 =	vld [tilespmem:s0+$0xFFFFFF60]  }
0x50: {  	[tilespmem:v62+s21+$0x0] =	vst.idx.msk $0xffff, v60;
	v62 =	vadd.f32 v43, v56;
	v43 =	vld [tilespmem:s0+$0xFFFFFFA0]  }
0x51: {  	v59 =	vadd.s32 v2, v33;
	v56 =	vld [tilespmem:s6+$0xFFFFFFE0]  }
0x52: {  	v58 =	vadd.f32 v38, v53;
	v38 =	vld [tilespmem:s0+$0xFFFFFFE0];
	[tilespmem:v45+s21+$0x0] =	vst.idx.msk $0xffff, v62  }
0x53: {  	v63 =	vadd.s32 v26, v49;
	v53 =	vld [tilespmem:s6+$0x20]  }
0x54: {  	v42 =	vadd.f32 v42, v54;
	v41 =	vld [tilespmem:s0+$0x20];
	[tilespmem:v61+s21+$0x0] =	vst.idx.msk $0xffff, v58  }
0x55: {  	v62 =	vadd.s32 v11, v35;
	v60 =	vadd.f32 v46, v44;
	v46 =	vld [tilespmem:s6+$0x60]  }
0x56: {  	v61 =	vadd.s32 v7, v36;
	[tilespmem:v59+s21+$0x0] =	vst.idx.msk $0xffff, v42;
	v37 =	vld [tilespmem:s0+$0x60]  }
0x57: {  	v39 =	vadd.f32 v39, v57;
	v57 =	vld [tilespmem:s6+$0xFFFFFF20]  }
0x58: {  	[tilespmem:v63+s21+$0x0] =	vst.idx.msk $0xffff, v60;
	v60 =	vadd.f32 v43, v50;
	v43 =	vld [tilespmem:s0+$0xFFFFFF20]  }
0x59: {  	v63 =	vadd.s32 v15, v48;
	v54 =	vld [tilespmem:s6+$0xA0]  }
0x5a: {  	v42 =	vld [tilespmem:s0+$0xA0];
	[tilespmem:v62+s21+$0x0] =	vst.idx.msk $0xffff, v60  }
0x5b: {  	v38 =	vadd.f32 v38, v56;
	v56 =	vld [tilespmem:s6+$0xFFFFFFB0];
	[tilespmem:v61+s21+$0x0] =	vst.idx.msk $0xffff, v39;
	v61 =	vadd.s32 v19, v40  }
0x5c: {  	v50 =	vld [tilespmem:s6+$0xFFFFFF70]  }
0x5d: {  	v62 =	vadd.s32 v23, v47;
	v39 =	vld [tilespmem:s0+$0xFFFFFF70]  }
0x5e: {  	v34 =	vadd.s32 v32, v34;
	[tilespmem:v63+s21+$0x0] =	vst.idx.msk $0xffff, v38;
	v63 =	vadd.f32 v41, v53;
	v41 =	vld [tilespmem:s0+$0xFFFFFFB0]  }
0x5f: {  	v58 =	vadd.s32 v27, v49;
	v53 =	vld [tilespmem:s6+$0xFFFFFFF0]  }
0x60: {  	v37 =	vadd.f32 v37, v46;
	v38 =	vadd.s32 v3, v33;
	v44 =	vld [tilespmem:s0+$0xFFFFFFF0];
	[tilespmem:v61+s21+$0x0] =	vst.idx.msk $0xffff, v63  }
0x61: {  	v59 =	vadd.f32 v55, v52;
	v36 =	vadd.s32 v8, v36;
	v52 =	vld [tilespmem:s6+$0x30]  }
0x62: {  	v60 =	vadd.f32 v42, v54;
	[tilespmem:v62+s21+$0x0] =	vst.idx.msk $0xffff, v37;
	v61 =	vadd.s32 v12, v35;
	v62 =	vld [tilespmem:s0+$0x30]  }
0x63: {  	[tilespmem:v34+s21+$0x0] =	vst.idx.msk $0xffff, v59;
	v54 =	vadd.s32 v16, v48;
	v55 =	vld [tilespmem:s6+$0x70];
	v63 =	vadd.f32 v43, v57  }
0x64: {  	v40 =	vadd.s32 v20, v40;
	[tilespmem:v58+s21+$0x0] =	vst.idx.msk $0xffff, v60;
	v58 =	vld [tilespmem:s0+$0x70];
	v57 =	vadd.f32 v39, v50  }
0x65: {  	v35 =	vld [tilespmem:s6+$0xB0];
	v59 =	vadd.f32 v41, v56;
	[tilespmem:v38+s21+$0x0] =	vst.idx.msk $0xffff, v63  }
0x66: {  	s17 =	simm.s32 $0xF;
	v37 =	vld [tilespmem:s0+$0xB0];
	v39 =	vadd.s32 v24, v47;
	v60 =	vadd.f32 v44, v53;
	[tilespmem:v36+s21+$0x0] =	vst.idx.msk $0xffff, v57  }
0x67: {  	v34 =	vld [tilespmem:s6+$0xFFFFFF30];
	[tilespmem:v61+s21+$0x0] =	vst.idx.msk $0xffff, v59;
	v61 =	vmov s17;
	v62 =	vadd.f32 v62, v52  }
0x68: {  	s11 =	simm.s32 $0x8;
	v38 =	vadd.s32 v28, v49;
	v36 =	vld [tilespmem:s0+$0xFFFFFF30];
	s6 =	simm.s32 $0xC300;
	[tilespmem:v54+s21+$0x0] =	vst.idx.msk $0xffff, v60;
	v63 =	vshrl.u32 v61, $0x3  }
0x69: {  	v46 =	vmov s11;
	s0 =	simm.s32 $0x10;
	v42 =	vld [tilespmem:s6+$0xC0];
	s17 =	simm.s32 $0x4300;
	v41 =	vshll.u32 v63, v1;
	[tilespmem:v40+s21+$0x0] =	vst.idx.msk $0xffff, v62;
	v40 =	vadd.f32 v58, v55  }
.LBB2_3:
0x6a: {  	p1 =	slt.u32 s0, $0x78;
	v43 =	vshrl.u32 v46, $0x3;
	s1 =	sadd.s32 $0x1, s11;
	v44 =	vld [tilespmem:s17+$0xC0];
	v41 =	vbroadcast v41, $0x0;
	v45 =	vadd.s32 v4, v33  }
0x6b: {  	v46 =	vld [tilespmem:s6+$0xFFFFFF00];
	v33 =	vshll.u32 v43, v1;
	v43 =	vmov s1;
	[tilespmem:v39+s21+$0x0] =	vst.idx.msk $0xffff, v40;
	v35 =	vadd.f32 v37, v35  }
0x6c: {  	s1 =	sadd.s32 $0x2, s11;
	v37 =	vld [tilespmem:s17+$0xFFFFFF00];
	v33 =	vbroadcast v33, $0x0;
	v39 =	vshrl.u32 v43, $0x3;
	v40 =	vadd.s32 v29, v41  }
0x6d: {  	v47 =	vmov s1;
	v43 =	vld [tilespmem:s6+$0xFFFFFF40];
	v39 =	vshll.u32 v39, v1;
	v36 =	vadd.f32 v36, v34;
	[tilespmem:v38+s21+$0x0] =	vst.idx.msk $0xffff, v35  }
0x6e: {  	v35 =	vshrl.u32 v47, $0x3;
	v38 =	vadd.s32 v0, v33;
	v48 =	vld [tilespmem:s17+$0xFFFFFF40];
	v34 =	vbroadcast v39, $0x0  }
0x6f: {  	v35 =	vshll.u32 v35, v1;
	v39 =	vld [tilespmem:s6+$0xFFFFFF80];
	v42 =	vadd.f32 v44, v42;
	[tilespmem:v45+s21+$0x0] =	vst.idx.msk $0xffff, v36  }
0x70: {  	s1 =	sadd.s32 $0x3, s11;
	v35 =	vbroadcast v35, $0x0;
	v44 =	vadd.s32 v5, v34;
	v45 =	vld [tilespmem:s17+$0xFFFFFF80]  }
0x71: {  	v36 =	vadd.f32 v37, v46;
	v37 =	vmov s1;
	v46 =	vld [tilespmem:s6+$0xFFFFFFC0];
	s1 =	sadd.s32 $0x4, s11;
	[tilespmem:v40+s21+$0x0] =	vst.idx.msk $0xffff, v42  }
0x72: {  	v40 =	vadd.s32 v9, v35;
	v37 =	vshrl.u32 v37, $0x3;
	v42 =	vmov s1;
	v47 =	vld [tilespmem:s6+$0xD0]  }
0x73: {  	s1 =	sadd.s32 $0x5, s11;
	[tilespmem:v38+s21+$0x0] =	vst.idx.msk $0xffff, v36;
	v38 =	vadd.f32 v48, v43;
	v36 =	vshll.u32 v37, v1;
	v37 =	vshrl.u32 v42, $0x3;
	v42 =	vld [tilespmem:s17+$0xD0]  }
0x74: {  	v48 =	vmov s1;
	s1 =	sadd.s32 $0x6, s11;
	s11 =	smov.u32 s0;
	v43 =	vld [tilespmem:s17+$0xFFFFFFC0];
	v36 =	vbroadcast v36, $0x0;
	v37 =	vshll.u32 v37, v1  }
0x75: {  	[tilespmem:v44+s21+$0x0] =	vst.idx.msk $0xffff, v38;
	v38 =	vadd.f32 v45, v39;
	v44 =	vld [tilespmem:s6+$0x0];
	v39 =	vmov s1;
	v45 =	vadd.s32 v30, v41  }
0x76: {  	v48 =	vshrl.u32 v48, $0x3;
	v37 =	vbroadcast v37, $0x0;
	v49 =	vadd.s32 v13, v36;
	v50 =	vld [tilespmem:s17+$0x0]  }
0x77: {  	[tilespmem:v40+s21+$0x0] =	vst.idx.msk $0xffff, v38;
	v40 =	vld [tilespmem:s6+$0x40];
	v38 =	vshll.u32 v48, v1;
	v48 =	vshrl.u32 v39, $0x3  }
0x78: {  	v51 =	vadd.s32 v17, v37;
	v52 =	vld [tilespmem:s17+$0x40];
	v39 =	vbroadcast v38, $0x0;
	v42 =	vadd.f32 v42, v47  }
0x79: {  	v38 =	vshll.u32 v48, v1;
	v43 =	vadd.f32 v43, v46;
	v46 =	vld [tilespmem:s6+$0x80]  }
0x7a: {  	v38 =	vbroadcast v38, $0x0;
	v47 =	vadd.s32 v21, v39;
	v48 =	vld [tilespmem:s17+$0x80];
	[tilespmem:v45+s21+$0x0] =	vst.idx.msk $0xffff, v42  }
0x7b: {  	[tilespmem:v49+s21+$0x0] =	vst.idx.msk $0xffff, v43;
	v42 =	vadd.f32 v50, v44;
	v43 =	vld [tilespmem:s6+$0xE0]  }
0x7c: {  	v44 =	vadd.s32 v25, v38;
	v45 =	vld [tilespmem:s17+$0xE0]  }
0x7d: {  	v49 =	vld [tilespmem:s6+$0xFFFFFF50];
	[tilespmem:v51+s21+$0x0] =	vst.idx.msk $0xffff, v42;
	v40 =	vadd.f32 v52, v40  }
0x7e: {  	v50 =	vadd.s32 v31, v41;
	v42 =	vld [tilespmem:s17+$0xFFFFFF50]  }
0x7f: {  	v51 =	vld [tilespmem:s6+$0xFFFFFF90];
	[tilespmem:v47+s21+$0x0] =	vst.idx.msk $0xffff, v40;
	v40 =	vadd.f32 v48, v46  }
0x80: {  	v46 =	vadd.s32 v6, v34;
	v47 =	vld [tilespmem:s17+$0xFFFFFF90]  }
0x81: {  	v48 =	vld [tilespmem:s6+$0xFFFFFFD0];
	[tilespmem:v44+s21+$0x0] =	vst.idx.msk $0xffff, v40;
	v40 =	vadd.f32 v45, v43  }
0x82: {  	v43 =	vadd.s32 v10, v35;
	v44 =	vld [tilespmem:s17+$0xFFFFFFD0]  }
0x83: {  	v42 =	vadd.f32 v42, v49;
	v45 =	vld [tilespmem:s6+$0x10];
	[tilespmem:v50+s21+$0x0] =	vst.idx.msk $0xffff, v40  }
0x84: {  	v40 =	vadd.s32 v14, v36;
	v49 =	vld [tilespmem:s6+$0xF0]  }
0x85: {  	[tilespmem:v46+s21+$0x0] =	vst.idx.msk $0xffff, v42;
	v42 =	vadd.f32 v47, v51;
	v46 =	vld [tilespmem:s17+$0xF0]  }
0x86: {  	v47 =	vld [tilespmem:s17+$0x10]  }
0x87: {  	v41 =	vadd.s32 v32, v41;
	[tilespmem:v43+s21+$0x0] =	vst.idx.msk $0xffff, v42;
	v42 =	vadd.f32 v44, v48;
	v43 =	vld [tilespmem:s6+$0x50]  }
0x88: {  	v44 =	vadd.s32 v18, v37;
	v48 =	vld [tilespmem:s17+$0x50]  }
0x89: {  	[tilespmem:v40+s21+$0x0] =	vst.idx.msk $0xffff, v42;
	v40 =	vld [tilespmem:s6+$0x90]  }
0x8a: {  	v42 =	vadd.s32 v22, v39;
	v50 =	vld [tilespmem:s17+$0x90];
	v46 =	vadd.f32 v46, v49  }
0x8b: {  	v49 =	vld [tilespmem:s6+$0xFFFFFF10];
	v45 =	vadd.f32 v47, v45  }
0x8c: {  	v51 =	vadd.s32 v26, v38;
	v47 =	vld [tilespmem:s17+$0xFFFFFF10];
	[tilespmem:v41+s21+$0x0] =	vst.idx.msk $0xffff, v46  }
0x8d: {  	v41 =	vld [tilespmem:s6+$0xFFFFFF60];
	[tilespmem:v44+s21+$0x0] =	vst.idx.msk $0xffff, v45;
	v43 =	vadd.f32 v48, v43  }
0x8e: {  	v44 =	vadd.s32 v2, v33;
	v45 =	vld [tilespmem:s17+$0xFFFFFF60]  }
0x8f: {  	v46 =	vld [tilespmem:s6+$0xFFFFFFA0];
	[tilespmem:v42+s21+$0x0] =	vst.idx.msk $0xffff, v43;
	v40 =	vadd.f32 v50, v40  }
0x90: {  	v42 =	vadd.s32 v7, v34;
	v43 =	vld [tilespmem:s17+$0xFFFFFFA0]  }
0x91: {  	v47 =	vadd.f32 v47, v49;
	v48 =	vld [tilespmem:s6+$0xFFFFFFE0];
	[tilespmem:v51+s21+$0x0] =	vst.idx.msk $0xffff, v40  }
0x92: {  	v40 =	vadd.s32 v11, v35;
	v49 =	vld [tilespmem:s17+$0xFFFFFFE0]  }
0x93: {  	[tilespmem:v44+s21+$0x0] =	vst.idx.msk $0xffff, v47;
	v41 =	vadd.f32 v45, v41;
	v44 =	vld [tilespmem:s6+$0x20]  }
0x94: {  	v45 =	vadd.s32 v15, v36;
	v47 =	vld [tilespmem:s17+$0x20]  }
0x95: {  	[tilespmem:v42+s21+$0x0] =	vst.idx.msk $0xffff, v41;
	v41 =	vadd.f32 v43, v46;
	v42 =	vld [tilespmem:s6+$0x60]  }
0x96: {  	v43 =	vadd.s32 v19, v37;
	v46 =	vld [tilespmem:s17+$0x60]  }
0x97: {  	[tilespmem:v40+s21+$0x0] =	vst.idx.msk $0xffff, v41;
	v40 =	vadd.f32 v49, v48;
	v41 =	vld [tilespmem:s6+$0xA0]  }
0x98: {  	v48 =	vadd.s32 v23, v39;
	v49 =	vld [tilespmem:s17+$0xA0]  }
0x99: {  	v50 =	vld [tilespmem:s6+$0xFFFFFF20];
	[tilespmem:v45+s21+$0x0] =	vst.idx.msk $0xffff, v40;
	v40 =	vadd.f32 v47, v44  }
0x9a: {  	v45 =	vadd.s32 v27, v38;
	v44 =	vld [tilespmem:s17+$0xFFFFFF20]  }
0x9b: {  	v47 =	vld [tilespmem:s6+$0xFFFFFF70];
	[tilespmem:v43+s21+$0x0] =	vst.idx.msk $0xffff, v40;
	v40 =	vadd.f32 v46, v42  }
0x9c: {  	v42 =	vadd.s32 v3, v33;
	v43 =	vld [tilespmem:s17+$0xFFFFFF70]  }
0x9d: {  	v46 =	vld [tilespmem:s6+$0xFFFFFFB0];
	[tilespmem:v48+s21+$0x0] =	vst.idx.msk $0xffff, v40;
	v40 =	vadd.f32 v49, v41  }
0x9e: {  	v34 =	vadd.s32 v8, v34;
	v41 =	vld [tilespmem:s17+$0xFFFFFFB0]  }
0x9f: {  	v44 =	vadd.f32 v44, v50;
	v48 =	vld [tilespmem:s6+$0xFFFFFFF0];
	[tilespmem:v45+s21+$0x0] =	vst.idx.msk $0xffff, v40  }
0xa0: {  	v35 =	vadd.s32 v12, v35;
	v40 =	vld [tilespmem:s17+$0xFFFFFFF0]  }
0xa1: {  	[tilespmem:v42+s21+$0x0] =	vst.idx.msk $0xffff, v44;
	v42 =	vadd.f32 v43, v47;
	v43 =	vld [tilespmem:s6+$0x30]  }
0xa2: {  	v36 =	vadd.s32 v16, v36;
	v44 =	vld [tilespmem:s17+$0x30]  }
0xa3: {  	[tilespmem:v34+s21+$0x0] =	vst.idx.msk $0xffff, v42;
	v34 =	vadd.f32 v41, v46;
	v45 =	vld [tilespmem:s6+$0x70]  }
0xa4: {  	v47 =	vadd.s32 v20, v37;
	v49 =	vld [tilespmem:s17+$0x70]  }
.Ltmp0:
0xa5: {  	[tilespmem:v35+s21+$0x0] =	vst.idx.msk $0xffff, v34;
	v40 =	vadd.f32 v40, v48;
	v35 =	vld [tilespmem:s6+$0xB0];
	(pc) =	sbr.rel @p1 .LBB2_3-.Ltmp0, $4  }
0xa6: {  	s1 =	sadd.s32 $0x7, s0;
	v39 =	vadd.s32 v24, v39;
	v37 =	vld [tilespmem:s17+$0xB0]  }
0xa7: {  	v41 =	vmov s1;
	v34 =	vld [tilespmem:s6+$0xFFFFFF30];
	[tilespmem:v36+s21+$0x0] =	vst.idx.msk $0xffff, v40;
	v40 =	vadd.f32 v44, v43  }
0xa8: {  	v38 =	vadd.s32 v28, v38;
	v41 =	vshrl.u32 v41, $0x3;
	s6 =	sadd.s32 $0x200, s6;
	v36 =	vld [tilespmem:s17+$0xFFFFFF30]  }
0xa9: {  	s0 =	sadd.s32 $0x8, s0;
	v46 =	vmov s11;
	v41 =	vshll.u32 v41, v1;
	s17 =	sadd.s32 $0x200, s17;
	v42 =	vld [tilespmem:s6+$0xC0];
	[tilespmem:v47+s21+$0x0] =	vst.idx.msk $0xffff, v40;
	v40 =	vadd.f32 v49, v45  }
0xaa: {  	v44 =	vld [tilespmem:s6+$0xFFFFFF00];
	_ =	sdelay $0x4  }
0xab: {  	v43 =	vld [tilespmem:s17+$0xC0];
	v41 =	vbroadcast v41, $0x0;
	[tilespmem:$0x1FFC0] =	vst v44  }
0xac: {  	v44 =	vld [tilespmem:s17+$0xFFFFFF00]  }
0xad: {  	v61 =	vadd.s32 v29, v41;
	_ =	sdelay $0x2  }
0xae: {  	v42 =	vadd.f32 v43, v42  }
0xaf: {  	[tilespmem:$0x1FFD0] =	vst v44  }
0xb0: {  	s0 =	sadd.s32 $0x1, s11;
	v45 =	vld [tilespmem:s6+$0xFFFFFF40];
	[tilespmem:v61+s21+$0x0] =	vst.idx.msk $0xffff, v42  }
0xb1: {  	v62 =	vmov s0;
	v44 =	vld [tilespmem:s6+$0xD0]  }
0xb2: {  	v42 =	vshrl.u32 v62, $0x3;
	v53 =	vld [tilespmem:s17+$0xD0]  }
0xb3: {  	v49 =	vld [tilespmem:s17+$0xFFFFFF40];
	v42 =	vshll.u32 v42, v1  }
0xb4: {  	s1 =	sadd.s32 $0x2, s11;
	v56 =	vadd.s32 v30, v41;
	v50 =	vld [tilespmem:s6+$0xFFFFFF80];
	v48 =	vbroadcast v42, $0x0  }
0xb5: {  	v63 =	vmov s1;
	v51 =	vld [tilespmem:s17+$0xFFFFFF80]  }
0xb6: {  	v43 =	vshrl.u32 v63, $0x3;
	v52 =	vld [tilespmem:s6+$0xFFFFFFC0];
	v59 =	vadd.s32 v5, v48  }
0xb7: {  	v54 =	vshll.u32 v43, v1;
	v55 =	vld [tilespmem:s17+$0xFFFFFFC0];
	v53 =	vadd.f32 v53, v44  }
0xb8: {  	v63 =	vbroadcast v54, $0x0;
	v54 =	vld [tilespmem:s6+$0x0];
	[tilespmem:$0x1FFE0] =	vst v41  }
0xb9: {  	s1 =	sadd.s32 $0x3, s11;
	v49 =	vadd.f32 v49, v45;
	[tilespmem:v56+s21+$0x0] =	vst.idx.msk $0xffff, v53  }
0xba: {  	v57 =	vmov s1;
	v53 =	vld [tilespmem:s6+$0xE0]  }
0xbb: {  	s13 =	sadd.s32 $0x4, s11;
	v57 =	vshrl.u32 v57, $0x3;
	v60 =	vadd.s32 v9, v63;
	[tilespmem:v59+s21+$0x0] =	vst.idx.msk $0xffff, v49;
	v49 =	vld [tilespmem:s17+$0xE0]  }
0xbc: {  	v57 =	vshll.u32 v57, v1;
	v62 =	vmov s13;
	v58 =	vld [tilespmem:s17+$0x0]  }
0xbd: {  	v47 =	vbroadcast v57, $0x0;
	v62 =	vshrl.u32 v62, $0x3;
	v41 =	vadd.s32 v31, v41;
	v61 =	vld [tilespmem:s6+$0x40]  }
0xbe: {  	s1 =	sadd.s32 $0x5, s11;
	v42 =	vld [tilespmem:s17+$0x40];
	v43 =	vshll.u32 v62, v1;
	v50 =	vadd.f32 v51, v50  }
0xbf: {  	s13 =	sadd.s32 $0x6, s11;
	v57 =	vld [tilespmem:s6+$0x80];
	v51 =	vadd.s32 v13, v47;
	v45 =	vbroadcast v43, $0x0;
	v43 =	vmov s1  }
0xc0: {  	v62 =	vld [tilespmem:s17+$0x80];
	v44 =	vmov s13;
	[tilespmem:v60+s21+$0x0] =	vst.idx.msk $0xffff, v50;
	v56 =	vshrl.u32 v43, $0x3;
	v49 =	vadd.f32 v49, v53  }
0xc1: {  	v56 =	vshll.u32 v56, v1;
	v59 =	vshrl.u32 v44, $0x3;
	v44 =	vld [tilespmem:s6+$0xFFFFFF90]  }
0xc2: {  	v50 =	vadd.s32 v17, v45;
	v60 =	vld [tilespmem:s6+$0xFFFFFF50];
	v56 =	vbroadcast v56, $0x0;
	[tilespmem:v41+s21+$0x0] =	vst.idx.msk $0xffff, v49  }
0xc3: {  	v52 =	vadd.f32 v55, v52;
	v49 =	vld [tilespmem:s6+$0xF0]  }
0xc4: {  	v43 =	vadd.f32 v58, v54;
	v55 =	vld [tilespmem:s17+$0xFFFFFF50];
	v54 =	vadd.s32 v21, v56  }
0xc5: {  	v59 =	vshll.u32 v59, v1;
	[tilespmem:v51+s21+$0x0] =	vst.idx.msk $0xffff, v52;
	v52 =	vld [tilespmem:s17+$0xFFFFFF90]  }
0xc6: {  	v58 =	vbroadcast v59, $0x0;
	v59 =	vld [tilespmem:s6+$0xFFFFFFD0]  }
0xc7: {  	[tilespmem:v50+s21+$0x0] =	vst.idx.msk $0xffff, v43;
	v50 =	vld [tilespmem:s17+$0xFFFFFFD0];
	v41 =	vadd.f32 v42, v61  }
0xc8: {  	v53 =	vld [tilespmem:s6+$0x10];
	[tilespmem:$0x1FFF0] =	vst v49  }
0xc9: {  	v46 =	vshrl.u32 v46, $0x3;
	[tilespmem:v54+s21+$0x0] =	vst.idx.msk $0xffff, v41  }
0xca: {  	v46 =	vshll.u32 v46, v1;
	v42 =	vld [tilespmem:$0x1FFC0]  }
0xcb: {  	v46 =	vbroadcast v46, $0x0;
	v51 =	vadd.s32 v25, v58;
	v43 =	vld [tilespmem:$0x1FFD0];
	_ =	sdelay $0x1  }
0xcc: {  	v61 =	vadd.s32 v0, v46;
	v49 =	vld [tilespmem:s17+$0xF0]  }
0xcd: {  	v41 =	vadd.f32 v62, v57;
	v54 =	vld [tilespmem:s17+$0x10]  }
0xce: {  	v57 =	vadd.s32 v6, v48;
	v62 =	vld [tilespmem:s6+$0x50]  }
0xcf: {  	[tilespmem:v51+s21+$0x0] =	vst.idx.msk $0xffff, v41;
	v41 =	vld [tilespmem:s17+$0x50];
	v42 =	vadd.f32 v43, v42  }
0xd0: {  	v51 =	vadd.s32 v10, v63;
	v43 =	vld [tilespmem:s6+$0x90]  }
0xd1: {  	[tilespmem:v61+s21+$0x0] =	vst.idx.msk $0xffff, v42;
	v42 =	vadd.f32 v55, v60;
	v55 =	vld [tilespmem:s17+$0x90]  }
0xd2: {  	v60 =	vadd.s32 v14, v47;
	v61 =	vld [tilespmem:s6+$0xFFFFFF10]  }
0xd3: {  	[tilespmem:v57+s21+$0x0] =	vst.idx.msk $0xffff, v42;
	v42 =	vadd.f32 v52, v44;
	v44 =	vld [tilespmem:s17+$0xFFFFFF10]  }
0xd4: {  	v52 =	vadd.s32 v18, v45;
	v57 =	vld [tilespmem:s6+$0xFFFFFF60]  }
0xd5: {  	[tilespmem:v51+s21+$0x0] =	vst.idx.msk $0xffff, v42;
	v42 =	vadd.f32 v50, v59;
	v50 =	vld [tilespmem:s17+$0xFFFFFF60]  }
0xd6: {  	v51 =	vadd.s32 v22, v56;
	v59 =	vld [tilespmem:s6+$0xFFFFFFA0]  }
0xd7: {  	[tilespmem:v60+s21+$0x0] =	vst.idx.msk $0xffff, v42;
	v42 =	vadd.f32 v54, v53;
	v53 =	vld [tilespmem:s17+$0xFFFFFFA0]  }
0xd8: {  	v54 =	vadd.s32 v26, v58;
	v60 =	vld [tilespmem:s6+$0xFFFFFFE0]  }
0xd9: {  	v41 =	vadd.f32 v41, v62;
	[tilespmem:v52+s21+$0x0] =	vst.idx.msk $0xffff, v42;
	v42 =	vld [tilespmem:s17+$0xFFFFFFE0]  }
0xda: {  	v52 =	vadd.s32 v2, v46;
	v62 =	vld [tilespmem:s6+$0x20]  }
0xdb: {  	[tilespmem:v51+s21+$0x0] =	vst.idx.msk $0xffff, v41;
	v41 =	vadd.f32 v55, v43;
	v43 =	vld [tilespmem:s17+$0x20]  }
0xdc: {  	v51 =	vadd.s32 v7, v48;
	v55 =	vld [tilespmem:s6+$0x60]  }
0xdd: {  	v44 =	vadd.f32 v44, v61;
	[tilespmem:v54+s21+$0x0] =	vst.idx.msk $0xffff, v41;
	v41 =	vld [tilespmem:s17+$0x60]  }
0xde: {  	v54 =	vadd.s32 v11, v63;
	v61 =	vld [tilespmem:s6+$0xA0]  }
0xdf: {  	[tilespmem:v52+s21+$0x0] =	vst.idx.msk $0xffff, v44;
	v44 =	vadd.f32 v50, v57;
	v50 =	vld [tilespmem:s17+$0xA0]  }
0xe0: {  	v52 =	vadd.s32 v15, v47;
	v57 =	vld [tilespmem:s6+$0xFFFFFF20]  }
0xe1: {  	[tilespmem:v51+s21+$0x0] =	vst.idx.msk $0xffff, v44;
	v44 =	vadd.f32 v53, v59;
	v51 =	vld [tilespmem:s17+$0xFFFFFF20]  }
0xe2: {  	v53 =	vadd.s32 v19, v45;
	v59 =	vld [tilespmem:s6+$0xFFFFFF70]  }
0xe3: {  	v42 =	vadd.f32 v42, v60;
	[tilespmem:v54+s21+$0x0] =	vst.idx.msk $0xffff, v44;
	v44 =	vld [tilespmem:s17+$0xFFFFFF70]  }
0xe4: {  	v54 =	vadd.s32 v23, v56;
	v60 =	vld [tilespmem:s6+$0xFFFFFFB0]  }
0xe5: {  	[tilespmem:v52+s21+$0x0] =	vst.idx.msk $0xffff, v42;
	v42 =	vadd.f32 v43, v62;
	v43 =	vld [tilespmem:s17+$0xFFFFFFB0];
	v52 =	vadd.s32 v27, v58  }
0xe6: {  	v62 =	vld [tilespmem:s6+$0xFFFFFFF0]  }
0xe7: {  	v41 =	vadd.f32 v41, v55;
	[tilespmem:v53+s21+$0x0] =	vst.idx.msk $0xffff, v42;
	v42 =	vld [tilespmem:s17+$0xFFFFFFF0];
	v53 =	vadd.s32 v3, v46  }
0xe8: {  	[tilespmem:v39+s21+$0x0] =	vst.idx.msk $0xffff, v40;
	v61 =	vadd.f32 v50, v61;
	v55 =	vld [tilespmem:s6+$0x30]  }
0xe9: {  	v35 =	vadd.f32 v37, v35;
	v50 =	vld [tilespmem:s17+$0x30];
	[tilespmem:v54+s21+$0x0] =	vst.idx.msk $0xffff, v41  }
0xea: {  	v57 =	vadd.f32 v51, v57;
	v54 =	vld [tilespmem:$0x1FFE0];
	[tilespmem:v52+s21+$0x0] =	vst.idx.msk $0xffff, v61  }
0xeb: {  	v33 =	vadd.s32 v4, v33;
	v34 =	vadd.f32 v36, v34;
	[tilespmem:v38+s21+$0x0] =	vst.idx.msk $0xffff, v35;
	v36 =	vld [tilespmem:s6+$0xB0]  }
0xec: {  	v35 =	vadd.s32 v12, v63;
	v63 =	vld [tilespmem:s17+$0xB0];
	[tilespmem:v53+s21+$0x0] =	vst.idx.msk $0xffff, v57  }
0xed: {  	v61 =	vadd.s32 v16, v47;
	v38 =	vld [tilespmem:$0x1FFF0]  }
0xee: {  	v58 =	vadd.s32 v28, v58;
	v39 =	vld [tilespmem:s6+$0x70]  }
0xef: {  	v40 =	vadd.s32 v8, v48;
	v48 =	vld [tilespmem:s17+$0x70];
	v53 =	vadd.f32 v43, v60;
	v37 =	vadd.s32 v32, v54  }
0xf0: {  	v51 =	vadd.s32 v20, v45;
	v57 =	vadd.f32 v42, v62;
	[tilespmem:v33+s21+$0x0] =	vst.idx.msk $0xffff, v34;
	v52 =	vld [tilespmem:s6+$0xFFFFFF30]  }
0xf1: {  	v54 =	vadd.s32 v24, v56;
	v56 =	vld [tilespmem:s17+$0xFFFFFF30];
	[tilespmem:v35+s21+$0x0] =	vst.idx.msk $0xffff, v53;
	v62 =	vadd.f32 v63, v36  }
0xf2: {  	[tilespmem:v61+s21+$0x0] =	vst.idx.msk $0xffff, v57;
	v38 =	vadd.f32 v49, v38  }
0xf3: {  	v60 =	vadd.s32 v4, v46;
	v49 =	vadd.f32 v44, v59;
	[tilespmem:v58+s21+$0x0] =	vst.idx.msk $0xffff, v62  }
0xf4: {  	v59 =	vadd.f32 v50, v55;
	[tilespmem:v37+s21+$0x0] =	vst.idx.msk $0xffff, v38  }
0xf5: {  	v61 =	vadd.f32 v48, v39;
	s17 =	sor.u32 s7, s12;
	[tilespmem:v40+s21+$0x0] =	vst.idx.msk $0xffff, v49  }
0xf6: {  	s17 =	sshll.u32 s17, $0xC;
	[tilespmem:v51+s21+$0x0] =	vst.idx.msk $0xffff, v59;
	v63 =	vadd.f32 v56, v52  }
0xf7: {  	s11 =	simm.s32 $0x40;
	s0 =	sadd.s32 s5, s17;
	[tilespmem:v54+s21+$0x0] =	vst.idx.msk $0xffff, v61  }
0xf8: {  	s13 =	simm.s32 $0x14088;
	s6 =	simm.s32 $0x14000;
	s1 =	sadd.s32 $0x0, s0;
	[tilespmem:v60+s21+$0x0] =	vst.idx.msk $0xffff, v63  }
.LBB2_5:
0xf9: {  	[hbm4b:s1+s2] =	stream.linear.scatter [tilespmem:s6], [sflag:$0x5], $0x80, $0x38;
	[tilespmem:$0x1C800] =	vst v63  }
0xfa: {  	s1 =	smov.u32 s11;
	s6 =	smov.u32 s13;
	p1 =	sne.s32 s11, $0xFC0  }
.Ltmp1:
0xfb: {  	s11 =	sadd.s32 $0x40, s11;
	(pc) =	sbr.rel @p1 .LBB2_5-.Ltmp1, $2  }
0xfc: {  	_ =	sdelay $0x2  }
0xfd: {  	s13 =	sadd.s32 $0x88, s13;
	s1 =	sadd.s32 s1, s0  }
0xfe: {  	p1 =	sne.s32 s12, $0x1F  }
.Ltmp2:
0xff: {  	_ = 	snop;
	(pc) =	sbr.rel @p1 .LBB2_8-.Ltmp2, $2  }
0x100: {  	_ =	sdelay $0x2  }
0x101: {  	[hbm4b:s1+s2] =	stream.linear.scatter [tilespmem:s6], [sflag:$0x5], $0x80, $0x38;
	[tilespmem:$0x1C800] =	vst v63  }
.Ltmp3:
0x102: {  	(pc) =	sbr.rel .LBB2_9-.Ltmp3, $4  }
0x103: {  	_ = 	snop  }
0x104: {  	_ =	swait.ge [sflag:s22], $0x2000  }
0x105: {  	[sflag:s22] =	ssyncset.done $0x0  }
0x106: {  	[sflag:s22] =	ssyncadd.s32 $0xFFFFE000  }
.LBB2_8:
.Ltmp4:
0x107: {  	s0 =	sadd.s32 $0x200, s4;
	(pc) =	sbr.rel @p0 .LBB2_10-.Ltmp4, $4  }
0x108: {  	[tilespmem:s15], [sflag:$0x1] =	stream.indirect.gather [hbm4b:s3+s14], $0x40, s0, s14, $0xb8;
	[tilespmem:$0x1C800] =	vst v63  }
0x109: {  	_ =	swait.ge [sflag:s22], $0x2000  }
0x10a: {  	[sflag:s22] =	ssyncset.done $0x0  }
0x10b: {  	[sflag:s22] =	ssyncadd.s32 $0xFFFFE000  }
.LBB2_9:
0x10c: {  	_ =	swait.ge [sflag:s23], $0x2000  }
0x10d: {  	[sflag:s23] =	ssyncset.done $0x0  }
0x10e: {  	[sflag:s23] =	ssyncadd.s32 $0xFFFFE000  }
.LBB2_10:
0x10f: {  	s0 =	simm.s32 $0x7  }
0x110: {  	v33 =	vmov s0  }
0x111: {  	s6 =	simm.s32 $0x61F0;
	v33 =	vshrl.u32 v33, $0x3  }
0x112: {  	s0 =	simm.s32 $0xE100;
	v36 =	vld [tilespmem:s6+$0xFFFFFFD0];
	v33 =	vshll.u32 v33, v1  }
0x113: {  	v35 =	vld [tilespmem:s0+$0xC0];
	v34 =	vbroadcast v33, $0x0  }
0x114: {  	v38 =	vld [tilespmem:s6+$0xFFFFFE10]  }
0x115: {  	v40 =	vld [tilespmem:s6+$0xFFFFFE50];
	v33 =	vadd.s32 v29, v34  }
0x116: {  	v42 =	vld [tilespmem:s6+$0xFFFFFE90]  }
0x117: {  	v46 =	vld [tilespmem:s6+$0xFFFFFED0]  }
0x118: {  	s11 =	simm.s32 $0x2;
	v49 =	vld [tilespmem:s6+$0xFFFFFF10];
	v35 =	vadd.f32 v36, v35  }
0x119: {  	s13 =	simm.s32 $0x4;
	v57 =	vmov s11;
	s11 =	simm.s32 $0x3;
	v39 =	vld [tilespmem:s0+$0xFFFFFF40]  }
0x11a: {  	s1 =	simm.s32 $0x1;
	v53 =	vmov s13;
	v41 =	vld [tilespmem:s0+$0xFFFFFF80];
	v48 =	vmov s11;
	[tilespmem:v33+s24+$0x0] =	vst.idx.msk $0xffff, v35  }
0x11b: {  	v56 =	vmov s1;
	v58 =	vshrl.u32 v53, $0x3;
	v48 =	vshrl.u32 v48, $0x3;
	v44 =	vld [tilespmem:s0+$0xD0]  }
0x11c: {  	v59 =	vshll.u32 v58, v1;
	v48 =	vshll.u32 v48, v1;
	v33 =	vshrl.u32 v56, $0x3;
	v45 =	vld [tilespmem:s6+$0xFFFFFFE0]  }
0x11d: {  	v43 =	vld [tilespmem:s0+$0xFFFFFFC0];
	v48 =	vbroadcast v48, $0x0;
	v35 =	vshrl.u32 v57, $0x3;
	v33 =	vshll.u32 v33, v1  }
0x11e: {  	v54 =	vld [tilespmem:s6+$0xFFFFFF50];
	v47 =	vadd.s32 v30, v34;
	v35 =	vshll.u32 v35, v1;
	v36 =	vbroadcast v33, $0x0  }
0x11f: {  	v37 =	vld [tilespmem:s0+$0xFFFFFF00];
	v41 =	vadd.f32 v42, v41;
	v42 =	vadd.s32 v13, v48;
	v35 =	vbroadcast v35, $0x0  }
0x120: {  	v39 =	vadd.f32 v40, v39;
	v40 =	vbroadcast v59, $0x0;
	v33 =	vld [tilespmem:s0+$0x0];
	v50 =	vadd.s32 v5, v36  }
0x121: {  	v52 =	vld [tilespmem:s0+$0x40];
	v51 =	vadd.s32 v9, v35;
	v44 =	vadd.f32 v45, v44  }
0x122: {  	v53 =	vld [tilespmem:s0+$0x80];
	s11 =	simm.s32 $0x5;
	v43 =	vadd.f32 v46, v43;
	v63 =	vadd.s32 v17, v40  }
0x123: {  	v60 =	vmov s11;
	s11 =	simm.s32 $0x0;
	v45 =	vld [tilespmem:s6+$0xFFFFFF90];
	[tilespmem:v47+s24+$0x0] =	vst.idx.msk $0xffff, v44  }
0x124: {  	v56 =	vmov s11;
	[tilespmem:v42+s24+$0x0] =	vst.idx.msk $0xffff, v43;
	v44 =	vld [tilespmem:s0+$0xE0]  }
0x125: {  	v56 =	vshrl.u32 v56, $0x3;
	v33 =	vadd.f32 v49, v33;
	[tilespmem:v50+s24+$0x0] =	vst.idx.msk $0xffff, v39;
	v61 =	vld [tilespmem:s6+$0xFFFFFFF0]  }
0x126: {  	v47 =	vshrl.u32 v60, $0x3;
	v60 =	vshll.u32 v56, v1;
	[tilespmem:v51+s24+$0x0] =	vst.idx.msk $0xffff, v41;
	v41 =	vld [tilespmem:s6+$0xFFFFFEE0]  }
0x127: {  	v55 =	vadd.s32 v31, v34;
	v47 =	vshll.u32 v47, v1;
	[tilespmem:v63+s24+$0x0] =	vst.idx.msk $0xffff, v33;
	v33 =	vbroadcast v60, $0x0;
	v51 =	vld [tilespmem:s0+$0xFFFFFF50]  }
0x128: {  	s13 =	simm.s32 $0x6;
	v46 =	vld [tilespmem:s6+$0xFFFFFE60];
	v47 =	vbroadcast v47, $0x0  }
0x129: {  	v62 =	vmov s13;
	v57 =	vld [tilespmem:s0+$0xFFFFFF90];
	v63 =	vadd.s32 v0, v33  }
0x12a: {  	v50 =	vshrl.u32 v62, $0x3;
	v42 =	vld [tilespmem:s6+$0xFFFFFEA0];
	v43 =	vadd.s32 v21, v47;
	v39 =	vadd.f32 v61, v44  }
0x12b: {  	v50 =	vshll.u32 v50, v1;
	v56 =	vld [tilespmem:s0+$0x10]  }
0x12c: {  	v37 =	vadd.f32 v38, v37;
	v49 =	vbroadcast v50, $0x0;
	v50 =	vld [tilespmem:s0+$0xFFFFFFD0];
	[tilespmem:v55+s24+$0x0] =	vst.idx.msk $0xffff, v39  }
0x12d: {  	v62 =	vadd.f32 v54, v52;
	v52 =	vld [tilespmem:s0+$0xF0]  }
0x12e: {  	v60 =	vadd.s32 v10, v35;
	[tilespmem:v63+s24+$0x0] =	vst.idx.msk $0xffff, v37;
	v55 =	vld [tilespmem:s6+$0x0]  }
0x12f: {  	v61 =	vadd.s32 v25, v49;
	[tilespmem:v43+s24+$0x0] =	vst.idx.msk $0xffff, v62;
	v43 =	vld [tilespmem:s6+$0xFFFFFF20]  }
0x130: {  	v54 =	vld [tilespmem:s0+$0xFFFFFF10]  }
0x131: {  	v59 =	vadd.s32 v6, v36;
	v63 =	vadd.f32 v42, v57;
	v42 =	vld [tilespmem:s6+$0xFFFFFE20]  }
0x132: {  	v58 =	vadd.f32 v45, v53;
	v53 =	vld [tilespmem:s0+$0x50]  }
0x133: {  	v62 =	vadd.s32 v14, v48;
	v38 =	vld [tilespmem:s6+$0xFFFFFF60];
	[tilespmem:v60+s24+$0x0] =	vst.idx.msk $0xffff, v63  }
0x134: {  	v60 =	vadd.f32 v41, v50;
	[tilespmem:v61+s24+$0x0] =	vst.idx.msk $0xffff, v58;
	v61 =	vadd.f32 v46, v51;
	v50 =	vld [tilespmem:s0+$0xFFFFFFA0]  }
0x135: {  	v44 =	vld [tilespmem:s0+$0x90]  }
0x136: {  	v45 =	vadd.s32 v18, v40;
	v46 =	vld [tilespmem:s6+$0xFFFFFFA0];
	[tilespmem:v59+s24+$0x0] =	vst.idx.msk $0xffff, v61  }
0x137: {  	v57 =	vld [tilespmem:s0+$0xFFFFFF60]  }
0x138: {  	v61 =	vadd.s32 v22, v47;
	v39 =	vld [tilespmem:s6+$0xFFFFFE70]  }
0x139: {  	[tilespmem:v62+s24+$0x0] =	vst.idx.msk $0xffff, v60;
	v62 =	vadd.f32 v43, v56;
	v43 =	vld [tilespmem:s6+$0xFFFFFEB0]  }
0x13a: {  	v59 =	vadd.s32 v2, v33;
	v56 =	vld [tilespmem:s0+$0xFFFFFFE0]  }
0x13b: {  	v58 =	vadd.f32 v38, v53;
	v38 =	vld [tilespmem:s6+$0xFFFFFEF0];
	[tilespmem:v45+s24+$0x0] =	vst.idx.msk $0xffff, v62  }
0x13c: {  	v63 =	vadd.s32 v26, v49;
	v53 =	vld [tilespmem:s0+$0x20]  }
0x13d: {  	v42 =	vadd.f32 v42, v54;
	v41 =	vld [tilespmem:s6+$0xFFFFFF30];
	[tilespmem:v61+s24+$0x0] =	vst.idx.msk $0xffff, v58  }
0x13e: {  	v62 =	vadd.s32 v11, v35;
	v60 =	vadd.f32 v46, v44;
	v46 =	vld [tilespmem:s0+$0x60]  }
0x13f: {  	v61 =	vadd.s32 v7, v36;
	[tilespmem:v59+s24+$0x0] =	vst.idx.msk $0xffff, v42;
	v37 =	vld [tilespmem:s6+$0xFFFFFF70]  }
0x140: {  	v39 =	vadd.f32 v39, v57;
	v57 =	vld [tilespmem:s0+$0xFFFFFF20]  }
0x141: {  	[tilespmem:v63+s24+$0x0] =	vst.idx.msk $0xffff, v60;
	v60 =	vadd.f32 v43, v50;
	v43 =	vld [tilespmem:s6+$0xFFFFFE30]  }
0x142: {  	v63 =	vadd.s32 v15, v48;
	v54 =	vld [tilespmem:s0+$0xA0]  }
0x143: {  	v42 =	vld [tilespmem:s6+$0xFFFFFFB0];
	[tilespmem:v62+s24+$0x0] =	vst.idx.msk $0xffff, v60  }
0x144: {  	v38 =	vadd.f32 v38, v56;
	v56 =	vld [tilespmem:s0+$0xFFFFFFB0];
	[tilespmem:v61+s24+$0x0] =	vst.idx.msk $0xffff, v39;
	v61 =	vadd.s32 v19, v40  }
0x145: {  	v50 =	vld [tilespmem:s0+$0xFFFFFF70]  }
0x146: {  	v62 =	vadd.s32 v23, v47;
	v39 =	vld [tilespmem:s6+$0xFFFFFE80]  }
0x147: {  	v34 =	vadd.s32 v32, v34;
	[tilespmem:v63+s24+$0x0] =	vst.idx.msk $0xffff, v38;
	v63 =	vadd.f32 v41, v53;
	v41 =	vld [tilespmem:s6+$0xFFFFFEC0]  }
0x148: {  	v58 =	vadd.s32 v27, v49;
	v53 =	vld [tilespmem:s0+$0xFFFFFFF0]  }
0x149: {  	v37 =	vadd.f32 v37, v46;
	v38 =	vadd.s32 v3, v33;
	v44 =	vld [tilespmem:s6+$0xFFFFFF00];
	[tilespmem:v61+s24+$0x0] =	vst.idx.msk $0xffff, v63  }
0x14a: {  	v59 =	vadd.f32 v55, v52;
	v36 =	vadd.s32 v8, v36;
	v52 =	vld [tilespmem:s0+$0x30]  }
0x14b: {  	v60 =	vadd.f32 v42, v54;
	[tilespmem:v62+s24+$0x0] =	vst.idx.msk $0xffff, v37;
	v61 =	vadd.s32 v12, v35;
	v62 =	vld [tilespmem:s6+$0xFFFFFF40]  }
0x14c: {  	[tilespmem:v34+s24+$0x0] =	vst.idx.msk $0xffff, v59;
	v54 =	vadd.s32 v16, v48;
	v55 =	vld [tilespmem:s0+$0x70];
	v63 =	vadd.f32 v43, v57  }
0x14d: {  	v40 =	vadd.s32 v20, v40;
	[tilespmem:v58+s24+$0x0] =	vst.idx.msk $0xffff, v60;
	v58 =	vld [tilespmem:s6+$0xFFFFFF80];
	v57 =	vadd.f32 v39, v50  }
0x14e: {  	v35 =	vld [tilespmem:s0+$0xB0];
	v59 =	vadd.f32 v41, v56;
	[tilespmem:v38+s24+$0x0] =	vst.idx.msk $0xffff, v63  }
0x14f: {  	s13 =	simm.s32 $0xF;
	v37 =	vld [tilespmem:s6+$0xFFFFFFC0];
	v39 =	vadd.s32 v24, v47;
	v60 =	vadd.f32 v44, v53;
	[tilespmem:v36+s24+$0x0] =	vst.idx.msk $0xffff, v57  }
0x150: {  	v34 =	vld [tilespmem:s0+$0xFFFFFF30];
	[tilespmem:v61+s24+$0x0] =	vst.idx.msk $0xffff, v59;
	v61 =	vmov s13;
	v62 =	vadd.f32 v62, v52  }
0x151: {  	v38 =	vadd.s32 v28, v49;
	s0 =	simm.s32 $0x8;
	v36 =	vld [tilespmem:s6+$0xFFFFFE40];
	s6 =	simm.s32 $0xE300;
	[tilespmem:v54+s24+$0x0] =	vst.idx.msk $0xffff, v60;
	v63 =	vshrl.u32 v61, $0x3  }
0x152: {  	s11 =	simm.s32 $0x63F0;
	v46 =	vmov s0;
	v42 =	vld [tilespmem:s6+$0xC0];
	s13 =	simm.s32 $0x10;
	v41 =	vshll.u32 v63, v1;
	[tilespmem:v40+s24+$0x0] =	vst.idx.msk $0xffff, v62;
	v40 =	vadd.f32 v58, v55  }
.LBB2_11:
0x153: {  	p2 =	slt.u32 s13, $0x78;
	v43 =	vshrl.u32 v46, $0x3;
	s1 =	sadd.s32 $0x1, s0;
	v44 =	vld [tilespmem:s11+$0xFFFFFFD0];
	v41 =	vbroadcast v41, $0x0;
	v45 =	vadd.s32 v4, v33  }
0x154: {  	v46 =	vld [tilespmem:s6+$0xFFFFFF00];
	v33 =	vshll.u32 v43, v1;
	v43 =	vmov s1;
	[tilespmem:v39+s24+$0x0] =	vst.idx.msk $0xffff, v40;
	v35 =	vadd.f32 v37, v35  }
0x155: {  	s1 =	sadd.s32 $0x2, s0;
	v37 =	vld [tilespmem:s11+$0xFFFFFE10];
	v33 =	vbroadcast v33, $0x0;
	v39 =	vshrl.u32 v43, $0x3;
	v40 =	vadd.s32 v29, v41  }
0x156: {  	v47 =	vmov s1;
	v43 =	vld [tilespmem:s6+$0xFFFFFF40];
	v39 =	vshll.u32 v39, v1;
	v36 =	vadd.f32 v36, v34;
	[tilespmem:v38+s24+$0x0] =	vst.idx.msk $0xffff, v35  }
0x157: {  	v35 =	vshrl.u32 v47, $0x3;
	v38 =	vadd.s32 v0, v33;
	v48 =	vld [tilespmem:s11+$0xFFFFFE50];
	v34 =	vbroadcast v39, $0x0  }
0x158: {  	v35 =	vshll.u32 v35, v1;
	v39 =	vld [tilespmem:s6+$0xFFFFFF80];
	v42 =	vadd.f32 v44, v42;
	[tilespmem:v45+s24+$0x0] =	vst.idx.msk $0xffff, v36  }
0x159: {  	s1 =	sadd.s32 $0x3, s0;
	v35 =	vbroadcast v35, $0x0;
	v44 =	vadd.s32 v5, v34;
	v45 =	vld [tilespmem:s11+$0xFFFFFE90]  }
0x15a: {  	v36 =	vadd.f32 v37, v46;
	v37 =	vmov s1;
	v46 =	vld [tilespmem:s6+$0xFFFFFFC0];
	s1 =	sadd.s32 $0x4, s0;
	[tilespmem:v40+s24+$0x0] =	vst.idx.msk $0xffff, v42  }
0x15b: {  	v40 =	vadd.s32 v9, v35;
	v37 =	vshrl.u32 v37, $0x3;
	v42 =	vmov s1;
	v47 =	vld [tilespmem:s6+$0xD0]  }
0x15c: {  	s1 =	sadd.s32 $0x5, s0;
	[tilespmem:v38+s24+$0x0] =	vst.idx.msk $0xffff, v36;
	v38 =	vadd.f32 v48, v43;
	v36 =	vshll.u32 v37, v1;
	v37 =	vshrl.u32 v42, $0x3;
	v42 =	vld [tilespmem:s11+$0xFFFFFFE0]  }
0x15d: {  	v48 =	vmov s1;
	s1 =	sadd.s32 $0x6, s0;
	s0 =	smov.u32 s13;
	v43 =	vld [tilespmem:s11+$0xFFFFFED0];
	v36 =	vbroadcast v36, $0x0;
	v37 =	vshll.u32 v37, v1  }
0x15e: {  	[tilespmem:v44+s24+$0x0] =	vst.idx.msk $0xffff, v38;
	v38 =	vadd.f32 v45, v39;
	v44 =	vld [tilespmem:s6+$0x0];
	v39 =	vmov s1;
	v45 =	vadd.s32 v30, v41  }
0x15f: {  	v48 =	vshrl.u32 v48, $0x3;
	v37 =	vbroadcast v37, $0x0;
	v49 =	vadd.s32 v13, v36;
	v50 =	vld [tilespmem:s11+$0xFFFFFF10]  }
0x160: {  	[tilespmem:v40+s24+$0x0] =	vst.idx.msk $0xffff, v38;
	v40 =	vld [tilespmem:s6+$0x40];
	v38 =	vshll.u32 v48, v1;
	v48 =	vshrl.u32 v39, $0x3  }
0x161: {  	v51 =	vadd.s32 v17, v37;
	v52 =	vld [tilespmem:s11+$0xFFFFFF50];
	v39 =	vbroadcast v38, $0x0;
	v42 =	vadd.f32 v42, v47  }
0x162: {  	v38 =	vshll.u32 v48, v1;
	v43 =	vadd.f32 v43, v46;
	v46 =	vld [tilespmem:s6+$0x80]  }
0x163: {  	v38 =	vbroadcast v38, $0x0;
	v47 =	vadd.s32 v21, v39;
	v48 =	vld [tilespmem:s11+$0xFFFFFF90];
	[tilespmem:v45+s24+$0x0] =	vst.idx.msk $0xffff, v42  }
0x164: {  	[tilespmem:v49+s24+$0x0] =	vst.idx.msk $0xffff, v43;
	v42 =	vadd.f32 v50, v44;
	v43 =	vld [tilespmem:s6+$0xE0]  }
0x165: {  	v44 =	vadd.s32 v25, v38;
	v45 =	vld [tilespmem:s11+$0xFFFFFFF0]  }
0x166: {  	v49 =	vld [tilespmem:s6+$0xFFFFFF50];
	[tilespmem:v51+s24+$0x0] =	vst.idx.msk $0xffff, v42;
	v40 =	vadd.f32 v52, v40  }
0x167: {  	v50 =	vadd.s32 v31, v41;
	v42 =	vld [tilespmem:s11+$0xFFFFFE60]  }
0x168: {  	v51 =	vld [tilespmem:s6+$0xFFFFFF90];
	[tilespmem:v47+s24+$0x0] =	vst.idx.msk $0xffff, v40;
	v40 =	vadd.f32 v48, v46  }
0x169: {  	v46 =	vadd.s32 v6, v34;
	v47 =	vld [tilespmem:s11+$0xFFFFFEA0]  }
0x16a: {  	v48 =	vld [tilespmem:s6+$0xFFFFFFD0];
	[tilespmem:v44+s24+$0x0] =	vst.idx.msk $0xffff, v40;
	v40 =	vadd.f32 v45, v43  }
0x16b: {  	v43 =	vadd.s32 v10, v35;
	v44 =	vld [tilespmem:s11+$0xFFFFFEE0]  }
0x16c: {  	v42 =	vadd.f32 v42, v49;
	v45 =	vld [tilespmem:s6+$0x10];
	[tilespmem:v50+s24+$0x0] =	vst.idx.msk $0xffff, v40  }
0x16d: {  	v40 =	vadd.s32 v14, v36;
	v49 =	vld [tilespmem:s6+$0xF0]  }
0x16e: {  	[tilespmem:v46+s24+$0x0] =	vst.idx.msk $0xffff, v42;
	v42 =	vadd.f32 v47, v51;
	v46 =	vld [tilespmem:s11+$0x0]  }
0x16f: {  	v47 =	vld [tilespmem:s11+$0xFFFFFF20]  }
0x170: {  	v41 =	vadd.s32 v32, v41;
	[tilespmem:v43+s24+$0x0] =	vst.idx.msk $0xffff, v42;
	v42 =	vadd.f32 v44, v48;
	v43 =	vld [tilespmem:s6+$0x50]  }
0x171: {  	v44 =	vadd.s32 v18, v37;
	v48 =	vld [tilespmem:s11+$0xFFFFFF60]  }
0x172: {  	[tilespmem:v40+s24+$0x0] =	vst.idx.msk $0xffff, v42;
	v40 =	vld [tilespmem:s6+$0x90]  }
0x173: {  	v42 =	vadd.s32 v22, v39;
	v50 =	vld [tilespmem:s11+$0xFFFFFFA0];
	v46 =	vadd.f32 v46, v49  }
0x174: {  	v49 =	vld [tilespmem:s6+$0xFFFFFF10];
	v45 =	vadd.f32 v47, v45  }
0x175: {  	v51 =	vadd.s32 v26, v38;
	v47 =	vld [tilespmem:s11+$0xFFFFFE20];
	[tilespmem:v41+s24+$0x0] =	vst.idx.msk $0xffff, v46  }
0x176: {  	v41 =	vld [tilespmem:s6+$0xFFFFFF60];
	[tilespmem:v44+s24+$0x0] =	vst.idx.msk $0xffff, v45;
	v43 =	vadd.f32 v48, v43  }
0x177: {  	v44 =	vadd.s32 v2, v33;
	v45 =	vld [tilespmem:s11+$0xFFFFFE70]  }
0x178: {  	v46 =	vld [tilespmem:s6+$0xFFFFFFA0];
	[tilespmem:v42+s24+$0x0] =	vst.idx.msk $0xffff, v43;
	v40 =	vadd.f32 v50, v40  }
0x179: {  	v42 =	vadd.s32 v7, v34;
	v43 =	vld [tilespmem:s11+$0xFFFFFEB0]  }
0x17a: {  	v47 =	vadd.f32 v47, v49;
	v48 =	vld [tilespmem:s6+$0xFFFFFFE0];
	[tilespmem:v51+s24+$0x0] =	vst.idx.msk $0xffff, v40  }
0x17b: {  	v40 =	vadd.s32 v11, v35;
	v49 =	vld [tilespmem:s11+$0xFFFFFEF0]  }
0x17c: {  	[tilespmem:v44+s24+$0x0] =	vst.idx.msk $0xffff, v47;
	v41 =	vadd.f32 v45, v41;
	v44 =	vld [tilespmem:s6+$0x20]  }
0x17d: {  	v45 =	vadd.s32 v15, v36;
	v47 =	vld [tilespmem:s11+$0xFFFFFF30]  }
0x17e: {  	[tilespmem:v42+s24+$0x0] =	vst.idx.msk $0xffff, v41;
	v41 =	vadd.f32 v43, v46;
	v42 =	vld [tilespmem:s6+$0x60]  }
0x17f: {  	v43 =	vadd.s32 v19, v37;
	v46 =	vld [tilespmem:s11+$0xFFFFFF70]  }
0x180: {  	[tilespmem:v40+s24+$0x0] =	vst.idx.msk $0xffff, v41;
	v40 =	vadd.f32 v49, v48;
	v41 =	vld [tilespmem:s6+$0xA0]  }
0x181: {  	v48 =	vadd.s32 v23, v39;
	v49 =	vld [tilespmem:s11+$0xFFFFFFB0]  }
0x182: {  	v50 =	vld [tilespmem:s6+$0xFFFFFF20];
	[tilespmem:v45+s24+$0x0] =	vst.idx.msk $0xffff, v40;
	v40 =	vadd.f32 v47, v44  }
0x183: {  	v45 =	vadd.s32 v27, v38;
	v44 =	vld [tilespmem:s11+$0xFFFFFE30]  }
0x184: {  	v47 =	vld [tilespmem:s6+$0xFFFFFF70];
	[tilespmem:v43+s24+$0x0] =	vst.idx.msk $0xffff, v40;
	v40 =	vadd.f32 v46, v42  }
0x185: {  	v42 =	vadd.s32 v3, v33;
	v43 =	vld [tilespmem:s11+$0xFFFFFE80]  }
0x186: {  	v46 =	vld [tilespmem:s6+$0xFFFFFFB0];
	[tilespmem:v48+s24+$0x0] =	vst.idx.msk $0xffff, v40;
	v40 =	vadd.f32 v49, v41  }
0x187: {  	v34 =	vadd.s32 v8, v34;
	v41 =	vld [tilespmem:s11+$0xFFFFFEC0]  }
0x188: {  	v44 =	vadd.f32 v44, v50;
	v48 =	vld [tilespmem:s6+$0xFFFFFFF0];
	[tilespmem:v45+s24+$0x0] =	vst.idx.msk $0xffff, v40  }
0x189: {  	v35 =	vadd.s32 v12, v35;
	v40 =	vld [tilespmem:s11+$0xFFFFFF00]  }
0x18a: {  	[tilespmem:v42+s24+$0x0] =	vst.idx.msk $0xffff, v44;
	v42 =	vadd.f32 v43, v47;
	v43 =	vld [tilespmem:s6+$0x30]  }
0x18b: {  	v36 =	vadd.s32 v16, v36;
	v44 =	vld [tilespmem:s11+$0xFFFFFF40]  }
0x18c: {  	[tilespmem:v34+s24+$0x0] =	vst.idx.msk $0xffff, v42;
	v34 =	vadd.f32 v41, v46;
	v45 =	vld [tilespmem:s6+$0x70]  }
0x18d: {  	v47 =	vadd.s32 v20, v37;
	v49 =	vld [tilespmem:s11+$0xFFFFFF80]  }
.Ltmp5:
0x18e: {  	[tilespmem:v35+s24+$0x0] =	vst.idx.msk $0xffff, v34;
	v40 =	vadd.f32 v40, v48;
	v35 =	vld [tilespmem:s6+$0xB0];
	(pc) =	sbr.rel @p2 .LBB2_11-.Ltmp5, $4  }
0x18f: {  	s1 =	sadd.s32 $0x7, s13;
	v39 =	vadd.s32 v24, v39;
	v37 =	vld [tilespmem:s11+$0xFFFFFFC0]  }
0x190: {  	v41 =	vmov s1;
	v34 =	vld [tilespmem:s6+$0xFFFFFF30];
	[tilespmem:v36+s24+$0x0] =	vst.idx.msk $0xffff, v40;
	v40 =	vadd.f32 v44, v43  }
0x191: {  	v38 =	vadd.s32 v28, v38;
	v41 =	vshrl.u32 v41, $0x3;
	s6 =	sadd.s32 $0x200, s6;
	v36 =	vld [tilespmem:s11+$0xFFFFFE40]  }
0x192: {  	s13 =	sadd.s32 $0x8, s13;
	v46 =	vmov s0;
	v41 =	vshll.u32 v41, v1;
	s11 =	sadd.s32 $0x200, s11;
	v42 =	vld [tilespmem:s6+$0xC0];
	[tilespmem:v47+s24+$0x0] =	vst.idx.msk $0xffff, v40;
	v40 =	vadd.f32 v49, v45  }
0x193: {  	v44 =	vld [tilespmem:s6+$0xFFFFFF00];
	_ =	sdelay $0x4  }
0x194: {  	v43 =	vld [tilespmem:s11+$0xFFFFFFD0];
	v41 =	vbroadcast v41, $0x0;
	[tilespmem:$0x1FF80] =	vst v44  }
0x195: {  	v44 =	vld [tilespmem:s11+$0xFFFFFE10]  }
0x196: {  	v61 =	vadd.s32 v29, v41;
	_ =	sdelay $0x2  }
0x197: {  	v42 =	vadd.f32 v43, v42  }
0x198: {  	[tilespmem:$0x1FF90] =	vst v44  }
0x199: {  	s1 =	sadd.s32 $0x1, s0;
	v45 =	vld [tilespmem:s6+$0xFFFFFF40];
	[tilespmem:v61+s24+$0x0] =	vst.idx.msk $0xffff, v42  }
0x19a: {  	v62 =	vmov s1;
	v44 =	vld [tilespmem:s6+$0xD0]  }
0x19b: {  	v42 =	vshrl.u32 v62, $0x3;
	v53 =	vld [tilespmem:s11+$0xFFFFFFE0]  }
0x19c: {  	v49 =	vld [tilespmem:s11+$0xFFFFFE50];
	v42 =	vshll.u32 v42, v1  }
0x19d: {  	s13 =	sadd.s32 $0x2, s0;
	v56 =	vadd.s32 v30, v41;
	v50 =	vld [tilespmem:s6+$0xFFFFFF80];
	v48 =	vbroadcast v42, $0x0  }
0x19e: {  	v63 =	vmov s13;
	v51 =	vld [tilespmem:s11+$0xFFFFFE90]  }
0x19f: {  	v43 =	vshrl.u32 v63, $0x3;
	v52 =	vld [tilespmem:s6+$0xFFFFFFC0];
	v59 =	vadd.s32 v5, v48  }
0x1a0: {  	v54 =	vshll.u32 v43, v1;
	v55 =	vld [tilespmem:s11+$0xFFFFFED0];
	v53 =	vadd.f32 v53, v44  }
0x1a1: {  	v63 =	vbroadcast v54, $0x0;
	v54 =	vld [tilespmem:s6+$0x0];
	[tilespmem:$0x1FFA0] =	vst v41  }
0x1a2: {  	s13 =	sadd.s32 $0x3, s0;
	v49 =	vadd.f32 v49, v45;
	[tilespmem:v56+s24+$0x0] =	vst.idx.msk $0xffff, v53  }
0x1a3: {  	v57 =	vmov s13;
	v53 =	vld [tilespmem:s6+$0xE0]  }
0x1a4: {  	s13 =	sadd.s32 $0x4, s0;
	v57 =	vshrl.u32 v57, $0x3;
	v60 =	vadd.s32 v9, v63;
	[tilespmem:v59+s24+$0x0] =	vst.idx.msk $0xffff, v49;
	v49 =	vld [tilespmem:s11+$0xFFFFFFF0]  }
0x1a5: {  	v57 =	vshll.u32 v57, v1;
	v62 =	vmov s13;
	v58 =	vld [tilespmem:s11+$0xFFFFFF10]  }
0x1a6: {  	v47 =	vbroadcast v57, $0x0;
	v62 =	vshrl.u32 v62, $0x3;
	v41 =	vadd.s32 v31, v41;
	v61 =	vld [tilespmem:s6+$0x40]  }
0x1a7: {  	s13 =	sadd.s32 $0x5, s0;
	v42 =	vld [tilespmem:s11+$0xFFFFFF50];
	v43 =	vshll.u32 v62, v1;
	v50 =	vadd.f32 v51, v50  }
0x1a8: {  	v57 =	vld [tilespmem:s6+$0x80];
	v51 =	vadd.s32 v13, v47;
	v45 =	vbroadcast v43, $0x0;
	v43 =	vmov s13;
	s13 =	sadd.s32 $0x6, s0  }
0x1a9: {  	v62 =	vld [tilespmem:s11+$0xFFFFFF90];
	v44 =	vmov s13;
	[tilespmem:v60+s24+$0x0] =	vst.idx.msk $0xffff, v50;
	v56 =	vshrl.u32 v43, $0x3;
	v49 =	vadd.f32 v49, v53  }
0x1aa: {  	v56 =	vshll.u32 v56, v1;
	v59 =	vshrl.u32 v44, $0x3;
	v44 =	vld [tilespmem:s6+$0xFFFFFF90]  }
0x1ab: {  	v50 =	vadd.s32 v17, v45;
	v60 =	vld [tilespmem:s6+$0xFFFFFF50];
	v56 =	vbroadcast v56, $0x0;
	[tilespmem:v41+s24+$0x0] =	vst.idx.msk $0xffff, v49  }
0x1ac: {  	v52 =	vadd.f32 v55, v52;
	v49 =	vld [tilespmem:s6+$0xF0]  }
0x1ad: {  	v43 =	vadd.f32 v58, v54;
	v55 =	vld [tilespmem:s11+$0xFFFFFE60];
	v54 =	vadd.s32 v21, v56  }
0x1ae: {  	v59 =	vshll.u32 v59, v1;
	[tilespmem:v51+s24+$0x0] =	vst.idx.msk $0xffff, v52;
	v52 =	vld [tilespmem:s11+$0xFFFFFEA0]  }
0x1af: {  	v58 =	vbroadcast v59, $0x0;
	v59 =	vld [tilespmem:s6+$0xFFFFFFD0]  }
0x1b0: {  	[tilespmem:v50+s24+$0x0] =	vst.idx.msk $0xffff, v43;
	v50 =	vld [tilespmem:s11+$0xFFFFFEE0];
	v41 =	vadd.f32 v42, v61  }
0x1b1: {  	v53 =	vld [tilespmem:s6+$0x10];
	[tilespmem:$0x1FFB0] =	vst v49  }
0x1b2: {  	v46 =	vshrl.u32 v46, $0x3;
	[tilespmem:v54+s24+$0x0] =	vst.idx.msk $0xffff, v41  }
0x1b3: {  	v46 =	vshll.u32 v46, v1;
	v42 =	vld [tilespmem:$0x1FF80]  }
0x1b4: {  	v46 =	vbroadcast v46, $0x0;
	v51 =	vadd.s32 v25, v58;
	v43 =	vld [tilespmem:$0x1FF90];
	_ =	sdelay $0x1  }
0x1b5: {  	v61 =	vadd.s32 v0, v46;
	v49 =	vld [tilespmem:s11+$0x0]  }
0x1b6: {  	v41 =	vadd.f32 v62, v57;
	v54 =	vld [tilespmem:s11+$0xFFFFFF20]  }
0x1b7: {  	v57 =	vadd.s32 v6, v48;
	v62 =	vld [tilespmem:s6+$0x50]  }
0x1b8: {  	[tilespmem:v51+s24+$0x0] =	vst.idx.msk $0xffff, v41;
	v41 =	vld [tilespmem:s11+$0xFFFFFF60];
	v42 =	vadd.f32 v43, v42  }
0x1b9: {  	v51 =	vadd.s32 v10, v63;
	v43 =	vld [tilespmem:s6+$0x90]  }
0x1ba: {  	[tilespmem:v61+s24+$0x0] =	vst.idx.msk $0xffff, v42;
	v42 =	vadd.f32 v55, v60;
	v55 =	vld [tilespmem:s11+$0xFFFFFFA0]  }
0x1bb: {  	v60 =	vadd.s32 v14, v47;
	v61 =	vld [tilespmem:s6+$0xFFFFFF10]  }
0x1bc: {  	[tilespmem:v57+s24+$0x0] =	vst.idx.msk $0xffff, v42;
	v42 =	vadd.f32 v52, v44;
	v44 =	vld [tilespmem:s11+$0xFFFFFE20]  }
0x1bd: {  	v52 =	vadd.s32 v18, v45;
	v57 =	vld [tilespmem:s6+$0xFFFFFF60]  }
0x1be: {  	[tilespmem:v51+s24+$0x0] =	vst.idx.msk $0xffff, v42;
	v42 =	vadd.f32 v50, v59;
	v50 =	vld [tilespmem:s11+$0xFFFFFE70]  }
0x1bf: {  	v51 =	vadd.s32 v22, v56;
	v59 =	vld [tilespmem:s6+$0xFFFFFFA0]  }
0x1c0: {  	[tilespmem:v60+s24+$0x0] =	vst.idx.msk $0xffff, v42;
	v42 =	vadd.f32 v54, v53;
	v53 =	vld [tilespmem:s11+$0xFFFFFEB0]  }
0x1c1: {  	v54 =	vadd.s32 v26, v58;
	v60 =	vld [tilespmem:s6+$0xFFFFFFE0]  }
0x1c2: {  	v41 =	vadd.f32 v41, v62;
	[tilespmem:v52+s24+$0x0] =	vst.idx.msk $0xffff, v42;
	v42 =	vld [tilespmem:s11+$0xFFFFFEF0]  }
0x1c3: {  	v52 =	vadd.s32 v2, v46;
	v62 =	vld [tilespmem:s6+$0x20]  }
0x1c4: {  	[tilespmem:v51+s24+$0x0] =	vst.idx.msk $0xffff, v41;
	v41 =	vadd.f32 v55, v43;
	v43 =	vld [tilespmem:s11+$0xFFFFFF30]  }
0x1c5: {  	v51 =	vadd.s32 v7, v48;
	v55 =	vld [tilespmem:s6+$0x60]  }
0x1c6: {  	v44 =	vadd.f32 v44, v61;
	[tilespmem:v54+s24+$0x0] =	vst.idx.msk $0xffff, v41;
	v41 =	vld [tilespmem:s11+$0xFFFFFF70]  }
0x1c7: {  	v54 =	vadd.s32 v11, v63;
	v61 =	vld [tilespmem:s6+$0xA0]  }
0x1c8: {  	[tilespmem:v52+s24+$0x0] =	vst.idx.msk $0xffff, v44;
	v44 =	vadd.f32 v50, v57;
	v50 =	vld [tilespmem:s11+$0xFFFFFFB0]  }
0x1c9: {  	v52 =	vadd.s32 v15, v47;
	v57 =	vld [tilespmem:s6+$0xFFFFFF20]  }
0x1ca: {  	[tilespmem:v51+s24+$0x0] =	vst.idx.msk $0xffff, v44;
	v44 =	vadd.f32 v53, v59;
	v51 =	vld [tilespmem:s11+$0xFFFFFE30]  }
0x1cb: {  	v53 =	vadd.s32 v19, v45;
	v59 =	vld [tilespmem:s6+$0xFFFFFF70]  }
0x1cc: {  	v42 =	vadd.f32 v42, v60;
	[tilespmem:v54+s24+$0x0] =	vst.idx.msk $0xffff, v44;
	v44 =	vld [tilespmem:s11+$0xFFFFFE80]  }
0x1cd: {  	v54 =	vadd.s32 v23, v56;
	v60 =	vld [tilespmem:s6+$0xFFFFFFB0]  }
0x1ce: {  	[tilespmem:v52+s24+$0x0] =	vst.idx.msk $0xffff, v42;
	v42 =	vadd.f32 v43, v62;
	v43 =	vld [tilespmem:s11+$0xFFFFFEC0];
	v52 =	vadd.s32 v27, v58  }
0x1cf: {  	v62 =	vld [tilespmem:s6+$0xFFFFFFF0]  }
0x1d0: {  	v41 =	vadd.f32 v41, v55;
	[tilespmem:v53+s24+$0x0] =	vst.idx.msk $0xffff, v42;
	v42 =	vld [tilespmem:s11+$0xFFFFFF00];
	v53 =	vadd.s32 v3, v46  }
0x1d1: {  	[tilespmem:v39+s24+$0x0] =	vst.idx.msk $0xffff, v40;
	v61 =	vadd.f32 v50, v61;
	v55 =	vld [tilespmem:s6+$0x30]  }
0x1d2: {  	v35 =	vadd.f32 v37, v35;
	v50 =	vld [tilespmem:s11+$0xFFFFFF40];
	[tilespmem:v54+s24+$0x0] =	vst.idx.msk $0xffff, v41  }
0x1d3: {  	v57 =	vadd.f32 v51, v57;
	v54 =	vld [tilespmem:$0x1FFA0];
	[tilespmem:v52+s24+$0x0] =	vst.idx.msk $0xffff, v61  }
0x1d4: {  	v33 =	vadd.s32 v4, v33;
	v34 =	vadd.f32 v36, v34;
	[tilespmem:v38+s24+$0x0] =	vst.idx.msk $0xffff, v35;
	v36 =	vld [tilespmem:s6+$0xB0]  }
0x1d5: {  	v35 =	vadd.s32 v12, v63;
	v63 =	vld [tilespmem:s11+$0xFFFFFFC0];
	[tilespmem:v53+s24+$0x0] =	vst.idx.msk $0xffff, v57  }
0x1d6: {  	v61 =	vadd.s32 v16, v47;
	v38 =	vld [tilespmem:$0x1FFB0]  }
0x1d7: {  	v58 =	vadd.s32 v28, v58;
	v39 =	vld [tilespmem:s6+$0x70]  }
0x1d8: {  	v40 =	vadd.s32 v8, v48;
	v48 =	vld [tilespmem:s11+$0xFFFFFF80];
	v53 =	vadd.f32 v43, v60;
	v37 =	vadd.s32 v32, v54  }
0x1d9: {  	v51 =	vadd.s32 v20, v45;
	v57 =	vadd.f32 v42, v62;
	[tilespmem:v33+s24+$0x0] =	vst.idx.msk $0xffff, v34;
	v52 =	vld [tilespmem:s6+$0xFFFFFF30]  }
0x1da: {  	v54 =	vadd.s32 v24, v56;
	v56 =	vld [tilespmem:s11+$0xFFFFFE40];
	[tilespmem:v35+s24+$0x0] =	vst.idx.msk $0xffff, v53;
	v62 =	vadd.f32 v63, v36  }
0x1db: {  	[tilespmem:v61+s24+$0x0] =	vst.idx.msk $0xffff, v57;
	v38 =	vadd.f32 v49, v38  }
0x1dc: {  	v60 =	vadd.s32 v4, v46;
	v49 =	vadd.f32 v44, v59;
	[tilespmem:v58+s24+$0x0] =	vst.idx.msk $0xffff, v62  }
0x1dd: {  	v59 =	vadd.f32 v50, v55;
	[tilespmem:v37+s24+$0x0] =	vst.idx.msk $0xffff, v38  }
0x1de: {  	v61 =	vadd.f32 v48, v39;
	[tilespmem:v40+s24+$0x0] =	vst.idx.msk $0xffff, v49  }
0x1df: {  	s0 =	sadd.s32 s17, s8;
	[tilespmem:v51+s24+$0x0] =	vst.idx.msk $0xffff, v59;
	v63 =	vadd.f32 v56, v52  }
0x1e0: {  	s1 =	sadd.s32 $0x0, s0;
	[tilespmem:v54+s24+$0x0] =	vst.idx.msk $0xffff, v61  }
0x1e1: {  	s13 =	simm.s32 $0x16288;
	s6 =	simm.s32 $0x16200;
	s11 =	simm.s32 $0x40;
	[tilespmem:v60+s24+$0x0] =	vst.idx.msk $0xffff, v63  }
.LBB2_13:
0x1e2: {  	[hbm4b:s1+s2] =	stream.linear.scatter [tilespmem:s6], [sflag:$0x6], $0x80, $0x38;
	[tilespmem:$0x1C800] =	vst v63  }
0x1e3: {  	s1 =	smov.u32 s11;
	s6 =	smov.u32 s13;
	p2 =	sne.s32 s11, $0xFC0  }
.Ltmp6:
0x1e4: {  	s11 =	sadd.s32 $0x40, s11;
	(pc) =	sbr.rel @p2 .LBB2_13-.Ltmp6, $2  }
0x1e5: {  	_ =	sdelay $0x2  }
0x1e6: {  	s13 =	sadd.s32 $0x88, s13;
	s1 =	sadd.s32 s1, s0  }
.Ltmp7:
0x1e7: {  	(pc) =	sbr.rel @p1 .LBB2_16-.Ltmp7, $2  }
0x1e8: {  	_ =	sdelay $0x2  }
0x1e9: {  	[hbm4b:s1+s2] =	stream.linear.scatter [tilespmem:s6], [sflag:$0x6], $0x80, $0x38;
	[tilespmem:$0x1C800] =	vst v63  }
.Ltmp8:
0x1ea: {  	(pc) =	sbr.rel .LBB2_17-.Ltmp8, $4  }
0x1eb: {  	_ = 	snop  }
0x1ec: {  	_ =	swait.ge [sflag:s25], $0x2000  }
0x1ed: {  	[sflag:s25] =	ssyncset.done $0x0  }
0x1ee: {  	[sflag:s25] =	ssyncadd.s32 $0xFFFFE000  }
.LBB2_16:
.Ltmp9:
0x1ef: {  	s0 =	sadd.s32 $0x280, s4;
	(pc) =	sbr.rel @p0 .LBB2_18-.Ltmp9, $4  }
0x1f0: {  	[tilespmem:s16], [sflag:$0x2] =	stream.indirect.gather [hbm4b:s3+s14], $0x40, s0, s14, $0xb8;
	[tilespmem:$0x1C800] =	vst v63  }
0x1f1: {  	_ =	swait.ge [sflag:s25], $0x2000  }
0x1f2: {  	[sflag:s25] =	ssyncset.done $0x0  }
0x1f3: {  	[sflag:s25] =	ssyncadd.s32 $0xFFFFE000  }
.LBB2_17:
0x1f4: {  	_ =	swait.ge [sflag:s26], $0x2000  }
0x1f5: {  	[sflag:s26] =	ssyncset.done $0x0  }
0x1f6: {  	[sflag:s26] =	ssyncadd.s32 $0xFFFFE000  }
.LBB2_18:
0x1f7: {  	s0 =	simm.s32 $0x7  }
0x1f8: {  	v33 =	vmov s0  }
0x1f9: {  	s11 =	simm.s32 $0x0;
	v33 =	vshrl.u32 v33, $0x3  }
0x1fa: {  	v35 =	vld [tilespmem:s11+$0x101C0];
	v33 =	vshll.u32 v33, v1  }
0x1fb: {  	v36 =	vld [tilespmem:s11+$0x81C0];
	v34 =	vbroadcast v33, $0x0  }
0x1fc: {  	v37 =	vld [tilespmem:s11+$0x10000]  }
0x1fd: {  	v38 =	vld [tilespmem:s11+$0x8000];
	v33 =	vadd.s32 v29, v34  }
0x1fe: {  	v39 =	vld [tilespmem:s11+$0x10040]  }
0x1ff: {  	v40 =	vld [tilespmem:s11+$0x8040]  }
0x200: {  	s1 =	simm.s32 $0x2;
	v41 =	vld [tilespmem:s11+$0x10080];
	v35 =	vadd.f32 v36, v35  }
0x201: {  	s6 =	simm.s32 $0x4;
	v42 =	vld [tilespmem:s11+$0x8080];
	v57 =	vmov s1;
	s1 =	simm.s32 $0x3  }
0x202: {  	s13 =	simm.s32 $0x1;
	v43 =	vld [tilespmem:s11+$0x100C0];
	v53 =	vmov s6;
	v48 =	vmov s1;
	[tilespmem:v33+s28+$0x0] =	vst.idx.msk $0xffff, v35  }
0x203: {  	v56 =	vmov s13;
	v58 =	vshrl.u32 v53, $0x3;
	v48 =	vshrl.u32 v48, $0x3;
	v44 =	vld [tilespmem:s11+$0x101D0]  }
0x204: {  	v59 =	vshll.u32 v58, v1;
	v48 =	vshll.u32 v48, v1;
	v33 =	vshrl.u32 v56, $0x3;
	v45 =	vld [tilespmem:s11+$0x81D0]  }
0x205: {  	v46 =	vld [tilespmem:s11+$0x80C0];
	v48 =	vbroadcast v48, $0x0;
	v35 =	vshrl.u32 v57, $0x3;
	v33 =	vshll.u32 v33, v1  }
0x206: {  	v49 =	vld [tilespmem:s11+$0x8100];
	v47 =	vadd.s32 v30, v34;
	v35 =	vshll.u32 v35, v1;
	v36 =	vbroadcast v33, $0x0  }
0x207: {  	v52 =	vld [tilespmem:s11+$0x10140];
	v41 =	vadd.f32 v42, v41;
	v42 =	vadd.s32 v13, v48;
	v35 =	vbroadcast v35, $0x0  }
0x208: {  	v39 =	vadd.f32 v40, v39;
	v40 =	vbroadcast v59, $0x0;
	v33 =	vld [tilespmem:s11+$0x10100];
	v50 =	vadd.s32 v5, v36  }
0x209: {  	v54 =	vld [tilespmem:s11+$0x8140];
	v51 =	vadd.s32 v9, v35;
	v44 =	vadd.f32 v45, v44  }
0x20a: {  	v53 =	vld [tilespmem:s11+$0x10180];
	v43 =	vadd.f32 v46, v43;
	v63 =	vadd.s32 v17, v40  }
0x20b: {  	s6 =	simm.s32 $0x0;
	v45 =	vld [tilespmem:s11+$0x8180];
	[tilespmem:v47+s28+$0x0] =	vst.idx.msk $0xffff, v44  }
0x20c: {  	s13 =	simm.s32 $0x5;
	v56 =	vmov s6;
	[tilespmem:v42+s28+$0x0] =	vst.idx.msk $0xffff, v43;
	v44 =	vld [tilespmem:s11+$0x101E0]  }
0x20d: {  	v60 =	vmov s13;
	v56 =	vshrl.u32 v56, $0x3;
	v33 =	vadd.f32 v49, v33;
	[tilespmem:v50+s28+$0x0] =	vst.idx.msk $0xffff, v39;
	v61 =	vld [tilespmem:s11+$0x81E0]  }
0x20e: {  	v47 =	vshrl.u32 v60, $0x3;
	v60 =	vshll.u32 v56, v1;
	[tilespmem:v51+s28+$0x0] =	vst.idx.msk $0xffff, v41;
	v41 =	vld [tilespmem:s11+$0x80D0]  }
0x20f: {  	v55 =	vadd.s32 v31, v34;
	v47 =	vshll.u32 v47, v1;
	[tilespmem:v63+s28+$0x0] =	vst.idx.msk $0xffff, v33;
	v33 =	vbroadcast v60, $0x0;
	v51 =	vld [tilespmem:s11+$0x10050]  }
0x210: {  	s1 =	simm.s32 $0x6;
	v46 =	vld [tilespmem:s11+$0x8050];
	v47 =	vbroadcast v47, $0x0  }
0x211: {  	v62 =	vmov s1;
	v57 =	vld [tilespmem:s11+$0x10090];
	v63 =	vadd.s32 v0, v33  }
0x212: {  	v50 =	vshrl.u32 v62, $0x3;
	v42 =	vld [tilespmem:s11+$0x8090];
	v43 =	vadd.s32 v21, v47;
	v39 =	vadd.f32 v61, v44  }
0x213: {  	v50 =	vshll.u32 v50, v1;
	v56 =	vld [tilespmem:s11+$0x10110]  }
0x214: {  	v37 =	vadd.f32 v38, v37;
	v49 =	vbroadcast v50, $0x0;
	v50 =	vld [tilespmem:s11+$0x100D0];
	[tilespmem:v55+s28+$0x0] =	vst.idx.msk $0xffff, v39  }
0x215: {  	v62 =	vadd.f32 v54, v52;
	v52 =	vld [tilespmem:s11+$0x101F0]  }
0x216: {  	v60 =	vadd.s32 v10, v35;
	[tilespmem:v63+s28+$0x0] =	vst.idx.msk $0xffff, v37;
	v55 =	vld [tilespmem:s11+$0x81F0]  }
0x217: {  	v61 =	vadd.s32 v25, v49;
	[tilespmem:v43+s28+$0x0] =	vst.idx.msk $0xffff, v62;
	v43 =	vld [tilespmem:s11+$0x8110]  }
0x218: {  	v54 =	vld [tilespmem:s11+$0x10010]  }
0x219: {  	v59 =	vadd.s32 v6, v36;
	v63 =	vadd.f32 v42, v57;
	v42 =	vld [tilespmem:s11+$0x8010]  }
0x21a: {  	v58 =	vadd.f32 v45, v53;
	v53 =	vld [tilespmem:s11+$0x10150]  }
0x21b: {  	v62 =	vadd.s32 v14, v48;
	v38 =	vld [tilespmem:s11+$0x8150];
	[tilespmem:v60+s28+$0x0] =	vst.idx.msk $0xffff, v63  }
0x21c: {  	v60 =	vadd.f32 v41, v50;
	[tilespmem:v61+s28+$0x0] =	vst.idx.msk $0xffff, v58;
	v61 =	vadd.f32 v46, v51;
	v50 =	vld [tilespmem:s11+$0x100A0]  }
0x21d: {  	v44 =	vld [tilespmem:s11+$0x10190]  }
0x21e: {  	v45 =	vadd.s32 v18, v40;
	v46 =	vld [tilespmem:s11+$0x8190];
	[tilespmem:v59+s28+$0x0] =	vst.idx.msk $0xffff, v61  }
0x21f: {  	v57 =	vld [tilespmem:s11+$0x10060]  }
0x220: {  	v61 =	vadd.s32 v22, v47;
	v39 =	vld [tilespmem:s11+$0x8060]  }
0x221: {  	[tilespmem:v62+s28+$0x0] =	vst.idx.msk $0xffff, v60;
	v62 =	vadd.f32 v43, v56;
	v43 =	vld [tilespmem:s11+$0x80A0]  }
0x222: {  	v59 =	vadd.s32 v2, v33;
	v56 =	vld [tilespmem:s11+$0x100E0]  }
0x223: {  	v58 =	vadd.f32 v38, v53;
	v38 =	vld [tilespmem:s11+$0x80E0];
	[tilespmem:v45+s28+$0x0] =	vst.idx.msk $0xffff, v62  }
0x224: {  	v63 =	vadd.s32 v26, v49;
	v53 =	vld [tilespmem:s11+$0x10120]  }
0x225: {  	v42 =	vadd.f32 v42, v54;
	v41 =	vld [tilespmem:s11+$0x8120];
	[tilespmem:v61+s28+$0x0] =	vst.idx.msk $0xffff, v58  }
0x226: {  	v62 =	vadd.s32 v11, v35;
	v60 =	vadd.f32 v46, v44;
	v46 =	vld [tilespmem:s11+$0x10160]  }
0x227: {  	v61 =	vadd.s32 v7, v36;
	[tilespmem:v59+s28+$0x0] =	vst.idx.msk $0xffff, v42;
	v37 =	vld [tilespmem:s11+$0x8160]  }
0x228: {  	v39 =	vadd.f32 v39, v57;
	v57 =	vld [tilespmem:s11+$0x10020]  }
0x229: {  	[tilespmem:v63+s28+$0x0] =	vst.idx.msk $0xffff, v60;
	v60 =	vadd.f32 v43, v50;
	v43 =	vld [tilespmem:s11+$0x8020]  }
0x22a: {  	v63 =	vadd.s32 v15, v48;
	v54 =	vld [tilespmem:s11+$0x101A0]  }
0x22b: {  	v42 =	vld [tilespmem:s11+$0x81A0];
	[tilespmem:v62+s28+$0x0] =	vst.idx.msk $0xffff, v60  }
0x22c: {  	v38 =	vadd.f32 v38, v56;
	v56 =	vld [tilespmem:s11+$0x100B0];
	[tilespmem:v61+s28+$0x0] =	vst.idx.msk $0xffff, v39;
	v61 =	vadd.s32 v19, v40  }
0x22d: {  	v50 =	vld [tilespmem:s11+$0x10070]  }
0x22e: {  	v62 =	vadd.s32 v23, v47;
	v39 =	vld [tilespmem:s11+$0x8070]  }
0x22f: {  	v34 =	vadd.s32 v32, v34;
	[tilespmem:v63+s28+$0x0] =	vst.idx.msk $0xffff, v38;
	v63 =	vadd.f32 v41, v53;
	v41 =	vld [tilespmem:s11+$0x80B0]  }
0x230: {  	v58 =	vadd.s32 v27, v49;
	v53 =	vld [tilespmem:s11+$0x100F0]  }
0x231: {  	v37 =	vadd.f32 v37, v46;
	v38 =	vadd.s32 v3, v33;
	v44 =	vld [tilespmem:s11+$0x80F0];
	[tilespmem:v61+s28+$0x0] =	vst.idx.msk $0xffff, v63  }
0x232: {  	v59 =	vadd.f32 v55, v52;
	v36 =	vadd.s32 v8, v36;
	v52 =	vld [tilespmem:s11+$0x10130]  }
0x233: {  	v60 =	vadd.f32 v42, v54;
	[tilespmem:v62+s28+$0x0] =	vst.idx.msk $0xffff, v37;
	v61 =	vadd.s32 v12, v35;
	v62 =	vld [tilespmem:s11+$0x8130]  }
0x234: {  	[tilespmem:v34+s28+$0x0] =	vst.idx.msk $0xffff, v59;
	v54 =	vadd.s32 v16, v48;
	v55 =	vld [tilespmem:s11+$0x10170];
	v63 =	vadd.f32 v43, v57  }
0x235: {  	v40 =	vadd.s32 v20, v40;
	[tilespmem:v58+s28+$0x0] =	vst.idx.msk $0xffff, v60;
	v58 =	vld [tilespmem:s11+$0x8170];
	v57 =	vadd.f32 v39, v50  }
0x236: {  	v35 =	vld [tilespmem:s11+$0x101B0];
	v59 =	vadd.f32 v41, v56;
	[tilespmem:v38+s28+$0x0] =	vst.idx.msk $0xffff, v63  }
0x237: {  	s13 =	simm.s32 $0xF;
	v39 =	vadd.s32 v24, v47;
	v60 =	vadd.f32 v44, v53;
	[tilespmem:v36+s28+$0x0] =	vst.idx.msk $0xffff, v57;
	v36 =	vld [tilespmem:s11+$0x81B0]  }
0x238: {  	v34 =	vld [tilespmem:s11+$0x10030];
	[tilespmem:v61+s28+$0x0] =	vst.idx.msk $0xffff, v59;
	v61 =	vmov s13;
	v62 =	vadd.f32 v62, v52  }
0x239: {  	s0 =	simm.s32 $0x8;
	s6 =	simm.s32 $0x200;
	v38 =	vadd.s32 v28, v49;
	v37 =	vld [tilespmem:s11+$0x8030];
	[tilespmem:v54+s28+$0x0] =	vst.idx.msk $0xffff, v60;
	v63 =	vshrl.u32 v61, $0x3  }
0x23a: {  	v46 =	vmov s0;
	v42 =	vld [tilespmem:s6+$0x101C0];
	s11 =	simm.s32 $0x800;
	s13 =	simm.s32 $0x10;
	v41 =	vshll.u32 v63, v1;
	[tilespmem:v40+s28+$0x0] =	vst.idx.msk $0xffff, v62;
	v40 =	vadd.f32 v58, v55  }
.LBB2_19:
0x23b: {  	p2 =	slt.u32 s13, $0x78;
	v43 =	vshrl.u32 v46, $0x3;
	s1 =	sadd.s32 $0x1, s0;
	v44 =	vld [tilespmem:s6+$0x81C0];
	v41 =	vbroadcast v41, $0x0;
	v45 =	vadd.s32 v4, v33  }
0x23c: {  	v46 =	vld [tilespmem:s6+$0x10000];
	v33 =	vshll.u32 v43, v1;
	v43 =	vmov s1;
	[tilespmem:v39+s28+$0x0] =	vst.idx.msk $0xffff, v40;
	v35 =	vadd.f32 v36, v35  }
0x23d: {  	s1 =	sadd.s32 $0x2, s0;
	v36 =	vld [tilespmem:s6+$0x8000];
	v33 =	vbroadcast v33, $0x0;
	v39 =	vshrl.u32 v43, $0x3;
	v40 =	vadd.s32 v29, v41  }
0x23e: {  	v47 =	vmov s1;
	v43 =	vld [tilespmem:s6+$0x10040];
	v39 =	vshll.u32 v39, v1;
	v37 =	vadd.f32 v37, v34;
	[tilespmem:v38+s28+$0x0] =	vst.idx.msk $0xffff, v35  }
0x23f: {  	v35 =	vshrl.u32 v47, $0x3;
	v38 =	vadd.s32 v0, v33;
	v48 =	vld [tilespmem:s6+$0x8040];
	v34 =	vbroadcast v39, $0x0  }
0x240: {  	v35 =	vshll.u32 v35, v1;
	v39 =	vld [tilespmem:s6+$0x10080];
	v42 =	vadd.f32 v44, v42;
	[tilespmem:v45+s28+$0x0] =	vst.idx.msk $0xffff, v37  }
0x241: {  	s1 =	sadd.s32 $0x3, s0;
	v35 =	vbroadcast v35, $0x0;
	v37 =	vadd.s32 v5, v34;
	v44 =	vld [tilespmem:s6+$0x8080]  }
0x242: {  	v45 =	vmov s1;
	s1 =	sadd.s32 $0x4, s0;
	v36 =	vadd.f32 v36, v46;
	v46 =	vld [tilespmem:s6+$0x100C0];
	[tilespmem:v40+s28+$0x0] =	vst.idx.msk $0xffff, v42  }
0x243: {  	v40 =	vadd.s32 v9, v35;
	v42 =	vshrl.u32 v45, $0x3;
	v45 =	vmov s1;
	v47 =	vld [tilespmem:s6+$0x101D0]  }
0x244: {  	s1 =	sadd.s32 $0x5, s0;
	[tilespmem:v38+s28+$0x0] =	vst.idx.msk $0xffff, v36;
	v38 =	vadd.f32 v48, v43;
	v36 =	vshll.u32 v42, v1;
	v42 =	vshrl.u32 v45, $0x3;
	v43 =	vld [tilespmem:s6+$0x81D0]  }
0x245: {  	v48 =	vmov s1;
	s1 =	sadd.s32 $0x6, s0;
	s0 =	smov.u32 s13;
	v45 =	vld [tilespmem:s6+$0x80C0];
	v36 =	vbroadcast v36, $0x0;
	v42 =	vshll.u32 v42, v1  }
0x246: {  	v49 =	vadd.s32 v30, v41;
	[tilespmem:v37+s28+$0x0] =	vst.idx.msk $0xffff, v38;
	v38 =	vadd.f32 v44, v39;
	v44 =	vld [tilespmem:s6+$0x10100];
	v39 =	vmov s1  }
0x247: {  	v37 =	vbroadcast v42, $0x0;
	v42 =	vshrl.u32 v48, $0x3;
	v50 =	vadd.s32 v13, v36;
	v51 =	vld [tilespmem:s6+$0x8100]  }
0x248: {  	[tilespmem:v40+s28+$0x0] =	vst.idx.msk $0xffff, v38;
	v40 =	vld [tilespmem:s6+$0x10140];
	v38 =	vshll.u32 v42, v1;
	v42 =	vshrl.u32 v39, $0x3  }
0x249: {  	v48 =	vadd.s32 v17, v37;
	v52 =	vld [tilespmem:s6+$0x8140];
	v39 =	vbroadcast v38, $0x0;
	v43 =	vadd.f32 v43, v47  }
0x24a: {  	v38 =	vshll.u32 v42, v1;
	v45 =	vadd.f32 v45, v46;
	v46 =	vld [tilespmem:s6+$0x10180]  }
0x24b: {  	v38 =	vbroadcast v38, $0x0;
	v42 =	vadd.s32 v21, v39;
	v47 =	vld [tilespmem:s6+$0x8180];
	[tilespmem:v49+s28+$0x0] =	vst.idx.msk $0xffff, v43  }
0x24c: {  	[tilespmem:v50+s28+$0x0] =	vst.idx.msk $0xffff, v45;
	v43 =	vadd.f32 v51, v44;
	v44 =	vld [tilespmem:s6+$0x101E0]  }
0x24d: {  	v45 =	vadd.s32 v25, v38;
	v49 =	vld [tilespmem:s6+$0x81E0]  }
0x24e: {  	v50 =	vld [tilespmem:s6+$0x10050];
	[tilespmem:v48+s28+$0x0] =	vst.idx.msk $0xffff, v43;
	v40 =	vadd.f32 v52, v40  }
0x24f: {  	v48 =	vadd.s32 v31, v41;
	v43 =	vld [tilespmem:s6+$0x8050]  }
0x250: {  	v51 =	vld [tilespmem:s6+$0x10090];
	[tilespmem:v42+s28+$0x0] =	vst.idx.msk $0xffff, v40;
	v40 =	vadd.f32 v47, v46  }
0x251: {  	v42 =	vadd.s32 v6, v34;
	v46 =	vld [tilespmem:s6+$0x8090]  }
0x252: {  	v47 =	vld [tilespmem:s6+$0x100D0];
	[tilespmem:v45+s28+$0x0] =	vst.idx.msk $0xffff, v40;
	v40 =	vadd.f32 v49, v44  }
0x253: {  	v44 =	vadd.s32 v10, v35;
	v45 =	vld [tilespmem:s6+$0x80D0]  }
0x254: {  	v43 =	vadd.f32 v43, v50;
	v49 =	vld [tilespmem:s6+$0x10110];
	[tilespmem:v48+s28+$0x0] =	vst.idx.msk $0xffff, v40  }
0x255: {  	v40 =	vadd.s32 v14, v36;
	v48 =	vld [tilespmem:s6+$0x101F0]  }
0x256: {  	[tilespmem:v42+s28+$0x0] =	vst.idx.msk $0xffff, v43;
	v42 =	vadd.f32 v46, v51;
	v43 =	vld [tilespmem:s6+$0x81F0]  }
0x257: {  	v46 =	vld [tilespmem:s6+$0x8110]  }
0x258: {  	v41 =	vadd.s32 v32, v41;
	[tilespmem:v44+s28+$0x0] =	vst.idx.msk $0xffff, v42;
	v42 =	vadd.f32 v45, v47;
	v44 =	vld [tilespmem:s6+$0x10150]  }
0x259: {  	v45 =	vadd.s32 v18, v37;
	v47 =	vld [tilespmem:s6+$0x8150]  }
0x25a: {  	[tilespmem:v40+s28+$0x0] =	vst.idx.msk $0xffff, v42;
	v40 =	vld [tilespmem:s6+$0x10190]  }
0x25b: {  	v42 =	vadd.s32 v22, v39;
	v50 =	vld [tilespmem:s6+$0x8190];
	v43 =	vadd.f32 v43, v48  }
0x25c: {  	v48 =	vld [tilespmem:s6+$0x10010];
	v46 =	vadd.f32 v46, v49  }
0x25d: {  	v51 =	vadd.s32 v26, v38;
	v49 =	vld [tilespmem:s6+$0x8010];
	[tilespmem:v41+s28+$0x0] =	vst.idx.msk $0xffff, v43  }
0x25e: {  	v41 =	vld [tilespmem:s6+$0x10060];
	[tilespmem:v45+s28+$0x0] =	vst.idx.msk $0xffff, v46;
	v43 =	vadd.f32 v47, v44  }
0x25f: {  	v44 =	vadd.s32 v2, v33;
	v45 =	vld [tilespmem:s6+$0x8060]  }
0x260: {  	v46 =	vld [tilespmem:s6+$0x100A0];
	[tilespmem:v42+s28+$0x0] =	vst.idx.msk $0xffff, v43;
	v40 =	vadd.f32 v50, v40  }
0x261: {  	v42 =	vadd.s32 v7, v34;
	v43 =	vld [tilespmem:s6+$0x80A0]  }
0x262: {  	v47 =	vadd.f32 v49, v48;
	v48 =	vld [tilespmem:s6+$0x100E0];
	[tilespmem:v51+s28+$0x0] =	vst.idx.msk $0xffff, v40  }
0x263: {  	v40 =	vadd.s32 v11, v35;
	v49 =	vld [tilespmem:s6+$0x80E0]  }
0x264: {  	[tilespmem:v44+s28+$0x0] =	vst.idx.msk $0xffff, v47;
	v41 =	vadd.f32 v45, v41;
	v44 =	vld [tilespmem:s6+$0x10120]  }
0x265: {  	v45 =	vadd.s32 v15, v36;
	v47 =	vld [tilespmem:s6+$0x8120]  }
0x266: {  	[tilespmem:v42+s28+$0x0] =	vst.idx.msk $0xffff, v41;
	v41 =	vadd.f32 v43, v46;
	v42 =	vld [tilespmem:s6+$0x10160]  }
0x267: {  	v43 =	vadd.s32 v19, v37;
	v46 =	vld [tilespmem:s6+$0x8160]  }
0x268: {  	[tilespmem:v40+s28+$0x0] =	vst.idx.msk $0xffff, v41;
	v40 =	vadd.f32 v49, v48;
	v41 =	vld [tilespmem:s6+$0x101A0]  }
0x269: {  	v48 =	vadd.s32 v23, v39;
	v49 =	vld [tilespmem:s6+$0x81A0]  }
0x26a: {  	v50 =	vld [tilespmem:s6+$0x10020];
	[tilespmem:v45+s28+$0x0] =	vst.idx.msk $0xffff, v40;
	v40 =	vadd.f32 v47, v44  }
0x26b: {  	v45 =	vadd.s32 v27, v38;
	v44 =	vld [tilespmem:s6+$0x8020]  }
0x26c: {  	v47 =	vld [tilespmem:s6+$0x10070];
	[tilespmem:v43+s28+$0x0] =	vst.idx.msk $0xffff, v40;
	v40 =	vadd.f32 v46, v42  }
0x26d: {  	v42 =	vadd.s32 v3, v33;
	v43 =	vld [tilespmem:s6+$0x8070]  }
0x26e: {  	v46 =	vld [tilespmem:s6+$0x100B0];
	[tilespmem:v48+s28+$0x0] =	vst.idx.msk $0xffff, v40;
	v40 =	vadd.f32 v49, v41  }
0x26f: {  	v34 =	vadd.s32 v8, v34;
	v41 =	vld [tilespmem:s6+$0x80B0]  }
0x270: {  	v44 =	vadd.f32 v44, v50;
	v48 =	vld [tilespmem:s6+$0x100F0];
	[tilespmem:v45+s28+$0x0] =	vst.idx.msk $0xffff, v40  }
0x271: {  	v35 =	vadd.s32 v12, v35;
	v40 =	vld [tilespmem:s6+$0x80F0]  }
0x272: {  	[tilespmem:v42+s28+$0x0] =	vst.idx.msk $0xffff, v44;
	v42 =	vadd.f32 v43, v47;
	v43 =	vld [tilespmem:s6+$0x10130]  }
0x273: {  	v44 =	vadd.s32 v16, v36;
	v45 =	vld [tilespmem:s6+$0x8130]  }
0x274: {  	[tilespmem:v34+s28+$0x0] =	vst.idx.msk $0xffff, v42;
	v34 =	vadd.f32 v41, v46;
	v47 =	vld [tilespmem:s6+$0x10170]  }
0x275: {  	v49 =	vadd.s32 v20, v37;
	v50 =	vld [tilespmem:s6+$0x8170]  }
.Ltmp10:
0x276: {  	[tilespmem:v35+s28+$0x0] =	vst.idx.msk $0xffff, v34;
	v37 =	vadd.f32 v40, v48;
	v35 =	vld [tilespmem:s6+$0x101B0];
	(pc) =	sbr.rel @p2 .LBB2_19-.Ltmp10, $4  }
0x277: {  	s1 =	sadd.s32 $0x7, s13;
	v39 =	vadd.s32 v24, v39;
	v36 =	vld [tilespmem:s6+$0x81B0]  }
0x278: {  	s11 =	sadd.s32 $0x800, s11;
	v40 =	vmov s1;
	v34 =	vld [tilespmem:s6+$0x10030];
	[tilespmem:v44+s28+$0x0] =	vst.idx.msk $0xffff, v37;
	v43 =	vadd.f32 v45, v43  }
0x279: {  	v38 =	vadd.s32 v28, v38;
	v40 =	vshrl.u32 v40, $0x3;
	v37 =	vld [tilespmem:s6+$0x8030];
	s6 =	sshra.s32 s11, $0x2  }
0x27a: {  	s13 =	sadd.s32 $0x8, s13;
	v46 =	vmov s0;
	v41 =	vshll.u32 v40, v1;
	v42 =	vld [tilespmem:s6+$0x101C0];
	[tilespmem:v49+s28+$0x0] =	vst.idx.msk $0xffff, v43;
	v40 =	vadd.f32 v50, v47  }
0x27b: {  	v44 =	vld [tilespmem:s6+$0x10000];
	_ =	sdelay $0x4  }
0x27c: {  	v43 =	vld [tilespmem:s6+$0x81C0];
	v41 =	vbroadcast v41, $0x0;
	[tilespmem:$0x1FF40] =	vst v44  }
0x27d: {  	v44 =	vld [tilespmem:s6+$0x8000]  }
0x27e: {  	v61 =	vadd.s32 v29, v41;
	_ =	sdelay $0x2  }
0x27f: {  	v42 =	vadd.f32 v43, v42  }
0x280: {  	[tilespmem:$0x1FF50] =	vst v44  }
0x281: {  	s1 =	sadd.s32 $0x1, s0;
	v45 =	vld [tilespmem:s6+$0x10040];
	[tilespmem:v61+s28+$0x0] =	vst.idx.msk $0xffff, v42  }
0x282: {  	v62 =	vmov s1;
	v44 =	vld [tilespmem:s6+$0x101D0]  }
0x283: {  	v42 =	vshrl.u32 v62, $0x3;
	v53 =	vld [tilespmem:s6+$0x81D0]  }
0x284: {  	v49 =	vld [tilespmem:s6+$0x8040];
	v42 =	vshll.u32 v42, v1  }
0x285: {  	s11 =	sadd.s32 $0x2, s0;
	v56 =	vadd.s32 v30, v41;
	v50 =	vld [tilespmem:s6+$0x10080];
	v48 =	vbroadcast v42, $0x0  }
0x286: {  	v63 =	vmov s11;
	v51 =	vld [tilespmem:s6+$0x8080]  }
0x287: {  	v43 =	vshrl.u32 v63, $0x3;
	v52 =	vld [tilespmem:s6+$0x100C0];
	v59 =	vadd.s32 v5, v48  }
0x288: {  	v54 =	vshll.u32 v43, v1;
	v55 =	vld [tilespmem:s6+$0x80C0];
	v53 =	vadd.f32 v53, v44  }
0x289: {  	v63 =	vbroadcast v54, $0x0;
	v54 =	vld [tilespmem:s6+$0x10100];
	[tilespmem:$0x1FF60] =	vst v41  }
0x28a: {  	s11 =	sadd.s32 $0x3, s0;
	v49 =	vadd.f32 v49, v45;
	[tilespmem:v56+s28+$0x0] =	vst.idx.msk $0xffff, v53  }
0x28b: {  	v57 =	vmov s11;
	v53 =	vld [tilespmem:s6+$0x101E0]  }
0x28c: {  	s13 =	sadd.s32 $0x4, s0;
	v57 =	vshrl.u32 v57, $0x3;
	v60 =	vadd.s32 v9, v63;
	[tilespmem:v59+s28+$0x0] =	vst.idx.msk $0xffff, v49;
	v49 =	vld [tilespmem:s6+$0x81E0]  }
0x28d: {  	v57 =	vshll.u32 v57, v1;
	v62 =	vmov s13;
	v58 =	vld [tilespmem:s6+$0x8100]  }
0x28e: {  	v47 =	vbroadcast v57, $0x0;
	v62 =	vshrl.u32 v62, $0x3;
	v41 =	vadd.s32 v31, v41;
	v61 =	vld [tilespmem:s6+$0x10140]  }
0x28f: {  	s11 =	sadd.s32 $0x5, s0;
	v42 =	vld [tilespmem:s6+$0x8140];
	v43 =	vshll.u32 v62, v1;
	v50 =	vadd.f32 v51, v50  }
0x290: {  	s13 =	sadd.s32 $0x6, s0;
	v57 =	vld [tilespmem:s6+$0x10180];
	v51 =	vadd.s32 v13, v47;
	v45 =	vbroadcast v43, $0x0;
	v43 =	vmov s11  }
0x291: {  	v62 =	vld [tilespmem:s6+$0x8180];
	v44 =	vmov s13;
	[tilespmem:v60+s28+$0x0] =	vst.idx.msk $0xffff, v50;
	v56 =	vshrl.u32 v43, $0x3;
	v49 =	vadd.f32 v49, v53  }
0x292: {  	v56 =	vshll.u32 v56, v1;
	v59 =	vshrl.u32 v44, $0x3;
	v44 =	vld [tilespmem:s6+$0x10090]  }
0x293: {  	v50 =	vadd.s32 v17, v45;
	v60 =	vld [tilespmem:s6+$0x10050];
	v56 =	vbroadcast v56, $0x0;
	[tilespmem:v41+s28+$0x0] =	vst.idx.msk $0xffff, v49  }
0x294: {  	v52 =	vadd.f32 v55, v52;
	v49 =	vld [tilespmem:s6+$0x101F0]  }
0x295: {  	v43 =	vadd.f32 v58, v54;
	v55 =	vld [tilespmem:s6+$0x8050];
	v54 =	vadd.s32 v21, v56  }
0x296: {  	v59 =	vshll.u32 v59, v1;
	[tilespmem:v51+s28+$0x0] =	vst.idx.msk $0xffff, v52;
	v52 =	vld [tilespmem:s6+$0x8090]  }
0x297: {  	v58 =	vbroadcast v59, $0x0;
	v59 =	vld [tilespmem:s6+$0x100D0]  }
0x298: {  	[tilespmem:v50+s28+$0x0] =	vst.idx.msk $0xffff, v43;
	v50 =	vld [tilespmem:s6+$0x80D0];
	v41 =	vadd.f32 v42, v61  }
0x299: {  	v53 =	vld [tilespmem:s6+$0x10110];
	[tilespmem:$0x1FF70] =	vst v49  }
0x29a: {  	v46 =	vshrl.u32 v46, $0x3;
	[tilespmem:v54+s28+$0x0] =	vst.idx.msk $0xffff, v41  }
0x29b: {  	v46 =	vshll.u32 v46, v1;
	v42 =	vld [tilespmem:$0x1FF40]  }
0x29c: {  	v46 =	vbroadcast v46, $0x0;
	v51 =	vadd.s32 v25, v58;
	v43 =	vld [tilespmem:$0x1FF50];
	_ =	sdelay $0x1  }
0x29d: {  	v61 =	vadd.s32 v0, v46;
	v49 =	vld [tilespmem:s6+$0x81F0]  }
0x29e: {  	v41 =	vadd.f32 v62, v57;
	v54 =	vld [tilespmem:s6+$0x8110]  }
0x29f: {  	v57 =	vadd.s32 v6, v48;
	v62 =	vld [tilespmem:s6+$0x10150]  }
0x2a0: {  	[tilespmem:v51+s28+$0x0] =	vst.idx.msk $0xffff, v41;
	v41 =	vld [tilespmem:s6+$0x8150];
	v42 =	vadd.f32 v43, v42  }
0x2a1: {  	v51 =	vadd.s32 v10, v63;
	v43 =	vld [tilespmem:s6+$0x10190]  }
0x2a2: {  	[tilespmem:v61+s28+$0x0] =	vst.idx.msk $0xffff, v42;
	v42 =	vadd.f32 v55, v60;
	v55 =	vld [tilespmem:s6+$0x8190]  }
0x2a3: {  	v60 =	vadd.s32 v14, v47;
	v61 =	vld [tilespmem:s6+$0x10010]  }
0x2a4: {  	[tilespmem:v57+s28+$0x0] =	vst.idx.msk $0xffff, v42;
	v42 =	vadd.f32 v52, v44;
	v44 =	vld [tilespmem:s6+$0x8010]  }
0x2a5: {  	v52 =	vadd.s32 v18, v45;
	v57 =	vld [tilespmem:s6+$0x10060]  }
0x2a6: {  	[tilespmem:v51+s28+$0x0] =	vst.idx.msk $0xffff, v42;
	v42 =	vadd.f32 v50, v59;
	v50 =	vld [tilespmem:s6+$0x8060]  }
0x2a7: {  	v51 =	vadd.s32 v22, v56;
	v59 =	vld [tilespmem:s6+$0x100A0]  }
0x2a8: {  	[tilespmem:v60+s28+$0x0] =	vst.idx.msk $0xffff, v42;
	v42 =	vadd.f32 v54, v53;
	v53 =	vld [tilespmem:s6+$0x80A0]  }
0x2a9: {  	v54 =	vadd.s32 v26, v58;
	v60 =	vld [tilespmem:s6+$0x100E0]  }
0x2aa: {  	v41 =	vadd.f32 v41, v62;
	[tilespmem:v52+s28+$0x0] =	vst.idx.msk $0xffff, v42;
	v42 =	vld [tilespmem:s6+$0x80E0]  }
0x2ab: {  	v52 =	vadd.s32 v2, v46;
	v62 =	vld [tilespmem:s6+$0x10120]  }
0x2ac: {  	[tilespmem:v51+s28+$0x0] =	vst.idx.msk $0xffff, v41;
	v41 =	vadd.f32 v55, v43;
	v43 =	vld [tilespmem:s6+$0x8120]  }
0x2ad: {  	v51 =	vadd.s32 v7, v48;
	v55 =	vld [tilespmem:s6+$0x10160]  }
0x2ae: {  	v44 =	vadd.f32 v44, v61;
	[tilespmem:v54+s28+$0x0] =	vst.idx.msk $0xffff, v41;
	v41 =	vld [tilespmem:s6+$0x8160]  }
0x2af: {  	v54 =	vadd.s32 v11, v63;
	v61 =	vld [tilespmem:s6+$0x101A0]  }
0x2b0: {  	[tilespmem:v52+s28+$0x0] =	vst.idx.msk $0xffff, v44;
	v44 =	vadd.f32 v50, v57;
	v50 =	vld [tilespmem:s6+$0x81A0]  }
0x2b1: {  	v52 =	vadd.s32 v15, v47;
	v57 =	vld [tilespmem:s6+$0x10020]  }
0x2b2: {  	[tilespmem:v51+s28+$0x0] =	vst.idx.msk $0xffff, v44;
	v44 =	vadd.f32 v53, v59;
	v51 =	vld [tilespmem:s6+$0x8020]  }
0x2b3: {  	v53 =	vadd.s32 v19, v45;
	v59 =	vld [tilespmem:s6+$0x10070]  }
0x2b4: {  	v42 =	vadd.f32 v42, v60;
	[tilespmem:v54+s28+$0x0] =	vst.idx.msk $0xffff, v44;
	v44 =	vld [tilespmem:s6+$0x8070]  }
0x2b5: {  	v54 =	vadd.s32 v23, v56;
	v60 =	vld [tilespmem:s6+$0x100B0]  }
0x2b6: {  	[tilespmem:v52+s28+$0x0] =	vst.idx.msk $0xffff, v42;
	v42 =	vadd.f32 v43, v62;
	v43 =	vld [tilespmem:s6+$0x80B0];
	v52 =	vadd.s32 v27, v58  }
0x2b7: {  	v62 =	vld [tilespmem:s6+$0x100F0]  }
0x2b8: {  	v41 =	vadd.f32 v41, v55;
	[tilespmem:v53+s28+$0x0] =	vst.idx.msk $0xffff, v42;
	v42 =	vld [tilespmem:s6+$0x80F0];
	v53 =	vadd.s32 v3, v46  }
0x2b9: {  	[tilespmem:v39+s28+$0x0] =	vst.idx.msk $0xffff, v40;
	v61 =	vadd.f32 v50, v61;
	v55 =	vld [tilespmem:s6+$0x10130]  }
0x2ba: {  	v35 =	vadd.f32 v36, v35;
	v50 =	vld [tilespmem:s6+$0x8130];
	[tilespmem:v54+s28+$0x0] =	vst.idx.msk $0xffff, v41  }
0x2bb: {  	v57 =	vadd.f32 v51, v57;
	v54 =	vld [tilespmem:$0x1FF60];
	[tilespmem:v52+s28+$0x0] =	vst.idx.msk $0xffff, v61  }
0x2bc: {  	v33 =	vadd.s32 v4, v33;
	v34 =	vadd.f32 v37, v34;
	[tilespmem:v38+s28+$0x0] =	vst.idx.msk $0xffff, v35;
	v37 =	vld [tilespmem:s6+$0x101B0]  }
0x2bd: {  	v35 =	vadd.s32 v12, v63;
	v63 =	vld [tilespmem:s6+$0x81B0];
	[tilespmem:v53+s28+$0x0] =	vst.idx.msk $0xffff, v57  }
0x2be: {  	v61 =	vadd.s32 v16, v47;
	v38 =	vld [tilespmem:$0x1FF70]  }
0x2bf: {  	v58 =	vadd.s32 v28, v58;
	v39 =	vld [tilespmem:s6+$0x10170]  }
0x2c0: {  	v40 =	vadd.s32 v8, v48;
	v48 =	vld [tilespmem:s6+$0x8170];
	v53 =	vadd.f32 v43, v60;
	v36 =	vadd.s32 v32, v54  }
0x2c1: {  	v51 =	vadd.s32 v20, v45;
	v57 =	vadd.f32 v42, v62;
	[tilespmem:v33+s28+$0x0] =	vst.idx.msk $0xffff, v34;
	v52 =	vld [tilespmem:s6+$0x10030]  }
0x2c2: {  	v54 =	vadd.s32 v24, v56;
	v56 =	vld [tilespmem:s6+$0x8030];
	[tilespmem:v35+s28+$0x0] =	vst.idx.msk $0xffff, v53;
	v62 =	vadd.f32 v63, v37  }
0x2c3: {  	[tilespmem:v61+s28+$0x0] =	vst.idx.msk $0xffff, v57;
	v38 =	vadd.f32 v49, v38  }
0x2c4: {  	v60 =	vadd.s32 v4, v46;
	v49 =	vadd.f32 v44, v59;
	[tilespmem:v58+s28+$0x0] =	vst.idx.msk $0xffff, v62  }
0x2c5: {  	v59 =	vadd.f32 v50, v55;
	[tilespmem:v36+s28+$0x0] =	vst.idx.msk $0xffff, v38  }
0x2c6: {  	v61 =	vadd.f32 v48, v39;
	[tilespmem:v40+s28+$0x0] =	vst.idx.msk $0xffff, v49  }
0x2c7: {  	s0 =	sadd.s32 s17, s9;
	[tilespmem:v51+s28+$0x0] =	vst.idx.msk $0xffff, v59;
	v63 =	vadd.f32 v56, v52  }
0x2c8: {  	s1 =	sadd.s32 $0x0, s0;
	[tilespmem:v54+s28+$0x0] =	vst.idx.msk $0xffff, v61  }
0x2c9: {  	s11 =	simm.s32 $0x40;
	s13 =	simm.s32 $0x18488;
	s6 =	simm.s32 $0x18400;
	[tilespmem:v60+s28+$0x0] =	vst.idx.msk $0xffff, v63  }
.LBB2_21:
0x2ca: {  	[hbm4b:s1+s2] =	stream.linear.scatter [tilespmem:s6], [sflag:$0x7], $0x80, $0x38;
	[tilespmem:$0x1C800] =	vst v63  }
0x2cb: {  	s1 =	smov.u32 s11;
	s6 =	smov.u32 s13;
	p2 =	sne.s32 s11, $0xFC0  }
.Ltmp11:
0x2cc: {  	s11 =	sadd.s32 $0x40, s11;
	(pc) =	sbr.rel @p2 .LBB2_21-.Ltmp11, $2  }
0x2cd: {  	_ =	sdelay $0x2  }
0x2ce: {  	s13 =	sadd.s32 $0x88, s13;
	s1 =	sadd.s32 s1, s0  }
.Ltmp12:
0x2cf: {  	(pc) =	sbr.rel @p1 .LBB2_24-.Ltmp12, $2  }
0x2d0: {  	_ =	sdelay $0x2  }
0x2d1: {  	[hbm4b:s1+s2] =	stream.linear.scatter [tilespmem:s6], [sflag:$0x7], $0x80, $0x38;
	[tilespmem:$0x1C800] =	vst v63  }
.Ltmp13:
0x2d2: {  	(pc) =	sbr.rel .LBB2_25-.Ltmp13, $4  }
0x2d3: {  	_ = 	snop  }
0x2d4: {  	_ =	swait.ge [sflag:s29], $0x2000  }
0x2d5: {  	[sflag:s29] =	ssyncset.done $0x0  }
0x2d6: {  	[sflag:s29] =	ssyncadd.s32 $0xFFFFE000  }
.LBB2_24:
.Ltmp14:
0x2d7: {  	s0 =	sadd.s32 $0x300, s4;
	(pc) =	sbr.rel @p0 .LBB2_26-.Ltmp14, $4  }
0x2d8: {  	[tilespmem:s18], [sflag:$0x3] =	stream.indirect.gather [hbm4b:s3+s14], $0x40, s0, s14, $0xb8;
	[tilespmem:$0x1C800] =	vst v63  }
0x2d9: {  	_ =	swait.ge [sflag:s29], $0x2000  }
0x2da: {  	[sflag:s29] =	ssyncset.done $0x0  }
0x2db: {  	[sflag:s29] =	ssyncadd.s32 $0xFFFFE000  }
.LBB2_25:
0x2dc: {  	_ =	swait.ge [sflag:s30], $0x2000  }
0x2dd: {  	[sflag:s30] =	ssyncset.done $0x0  }
0x2de: {  	[sflag:s30] =	ssyncadd.s32 $0xFFFFE000  }
.LBB2_26:
0x2df: {  	s0 =	simm.s32 $0x7  }
0x2e0: {  	s6 =	simm.s32 $0x0;
	v33 =	vmov s0  }
0x2e1: {  	v35 =	vld [tilespmem:s6+$0x121C0];
	v33 =	vshrl.u32 v33, $0x3  }
0x2e2: {  	v36 =	vld [tilespmem:s6+$0xA1C0];
	v33 =	vshll.u32 v33, v1  }
0x2e3: {  	v37 =	vld [tilespmem:s6+$0x12000];
	v34 =	vbroadcast v33, $0x0  }
0x2e4: {  	v38 =	vld [tilespmem:s6+$0xA000]  }
0x2e5: {  	v39 =	vld [tilespmem:s6+$0x12040];
	v33 =	vadd.s32 v29, v34  }
0x2e6: {  	v40 =	vld [tilespmem:s6+$0xA040]  }
0x2e7: {  	v41 =	vld [tilespmem:s6+$0x12080]  }
0x2e8: {  	v42 =	vld [tilespmem:s6+$0xA080];
	v35 =	vadd.f32 v36, v35  }
0x2e9: {  	s4 =	simm.s32 $0x1;
	s11 =	simm.s32 $0x3;
	s13 =	simm.s32 $0x4;
	v43 =	vld [tilespmem:s6+$0x120C0]  }
0x2ea: {  	s1 =	simm.s32 $0x2;
	v56 =	vmov s4;
	v48 =	vmov s11;
	v53 =	vmov s13;
	[tilespmem:v33+s31+$0x0] =	vst.idx.msk $0xffff, v35  }
0x2eb: {  	v57 =	vmov s1;
	v48 =	vshrl.u32 v48, $0x3;
	v58 =	vshrl.u32 v53, $0x3;
	v44 =	vld [tilespmem:s6+$0x121D0]  }
0x2ec: {  	v48 =	vshll.u32 v48, v1;
	v59 =	vshll.u32 v58, v1;
	v33 =	vshrl.u32 v56, $0x3;
	v45 =	vld [tilespmem:s6+$0xA1D0]  }
0x2ed: {  	v46 =	vld [tilespmem:s6+$0xA0C0];
	v48 =	vbroadcast v48, $0x0;
	v35 =	vshrl.u32 v57, $0x3;
	v33 =	vshll.u32 v33, v1  }
0x2ee: {  	v49 =	vld [tilespmem:s6+$0xA100];
	v47 =	vadd.s32 v30, v34;
	v35 =	vshll.u32 v35, v1;
	v36 =	vbroadcast v33, $0x0  }
0x2ef: {  	v52 =	vld [tilespmem:s6+$0x12140];
	v41 =	vadd.f32 v42, v41;
	v42 =	vadd.s32 v13, v48;
	v35 =	vbroadcast v35, $0x0  }
0x2f0: {  	v39 =	vadd.f32 v40, v39;
	v40 =	vbroadcast v59, $0x0;
	v33 =	vld [tilespmem:s6+$0x12100];
	v50 =	vadd.s32 v5, v36  }
0x2f1: {  	v54 =	vld [tilespmem:s6+$0xA140];
	v51 =	vadd.s32 v9, v35;
	v44 =	vadd.f32 v45, v44  }
0x2f2: {  	v53 =	vld [tilespmem:s6+$0x12180];
	v43 =	vadd.f32 v46, v43;
	v63 =	vadd.s32 v17, v40  }
0x2f3: {  	s11 =	simm.s32 $0x0;
	v45 =	vld [tilespmem:s6+$0xA180];
	[tilespmem:v47+s31+$0x0] =	vst.idx.msk $0xffff, v44  }
0x2f4: {  	s1 =	simm.s32 $0x5;
	v56 =	vmov s11;
	[tilespmem:v42+s31+$0x0] =	vst.idx.msk $0xffff, v43;
	v44 =	vld [tilespmem:s6+$0x121E0]  }
0x2f5: {  	v60 =	vmov s1;
	v56 =	vshrl.u32 v56, $0x3;
	v33 =	vadd.f32 v49, v33;
	[tilespmem:v50+s31+$0x0] =	vst.idx.msk $0xffff, v39;
	v61 =	vld [tilespmem:s6+$0xA1E0]  }
0x2f6: {  	v47 =	vshrl.u32 v60, $0x3;
	v60 =	vshll.u32 v56, v1;
	[tilespmem:v51+s31+$0x0] =	vst.idx.msk $0xffff, v41;
	v41 =	vld [tilespmem:s6+$0xA0D0]  }
0x2f7: {  	v55 =	vadd.s32 v31, v34;
	v47 =	vshll.u32 v47, v1;
	[tilespmem:v63+s31+$0x0] =	vst.idx.msk $0xffff, v33;
	v33 =	vbroadcast v60, $0x0;
	v51 =	vld [tilespmem:s6+$0x12050]  }
0x2f8: {  	s4 =	simm.s32 $0x6;
	v46 =	vld [tilespmem:s6+$0xA050];
	v47 =	vbroadcast v47, $0x0  }
0x2f9: {  	v62 =	vmov s4;
	v57 =	vld [tilespmem:s6+$0x12090];
	v63 =	vadd.s32 v0, v33  }
0x2fa: {  	v50 =	vshrl.u32 v62, $0x3;
	v42 =	vld [tilespmem:s6+$0xA090];
	v43 =	vadd.s32 v21, v47;
	v39 =	vadd.f32 v61, v44  }
0x2fb: {  	v50 =	vshll.u32 v50, v1;
	v56 =	vld [tilespmem:s6+$0x12110]  }
0x2fc: {  	v37 =	vadd.f32 v38, v37;
	v49 =	vbroadcast v50, $0x0;
	v50 =	vld [tilespmem:s6+$0x120D0];
	[tilespmem:v55+s31+$0x0] =	vst.idx.msk $0xffff, v39  }
0x2fd: {  	v62 =	vadd.f32 v54, v52;
	v52 =	vld [tilespmem:s6+$0x121F0]  }
0x2fe: {  	v60 =	vadd.s32 v10, v35;
	[tilespmem:v63+s31+$0x0] =	vst.idx.msk $0xffff, v37;
	v55 =	vld [tilespmem:s6+$0xA1F0]  }
0x2ff: {  	v61 =	vadd.s32 v25, v49;
	[tilespmem:v43+s31+$0x0] =	vst.idx.msk $0xffff, v62;
	v43 =	vld [tilespmem:s6+$0xA110]  }
0x300: {  	v54 =	vld [tilespmem:s6+$0x12010]  }
0x301: {  	v59 =	vadd.s32 v6, v36;
	v63 =	vadd.f32 v42, v57;
	v42 =	vld [tilespmem:s6+$0xA010]  }
0x302: {  	v58 =	vadd.f32 v45, v53;
	v53 =	vld [tilespmem:s6+$0x12150]  }
0x303: {  	v62 =	vadd.s32 v14, v48;
	v38 =	vld [tilespmem:s6+$0xA150];
	[tilespmem:v60+s31+$0x0] =	vst.idx.msk $0xffff, v63  }
0x304: {  	v60 =	vadd.f32 v41, v50;
	[tilespmem:v61+s31+$0x0] =	vst.idx.msk $0xffff, v58;
	v61 =	vadd.f32 v46, v51;
	v50 =	vld [tilespmem:s6+$0x120A0]  }
0x305: {  	v44 =	vld [tilespmem:s6+$0x12190]  }
0x306: {  	v45 =	vadd.s32 v18, v40;
	v46 =	vld [tilespmem:s6+$0xA190];
	[tilespmem:v59+s31+$0x0] =	vst.idx.msk $0xffff, v61  }
0x307: {  	v57 =	vld [tilespmem:s6+$0x12060]  }
0x308: {  	v61 =	vadd.s32 v22, v47;
	v39 =	vld [tilespmem:s6+$0xA060]  }
0x309: {  	[tilespmem:v62+s31+$0x0] =	vst.idx.msk $0xffff, v60;
	v62 =	vadd.f32 v43, v56;
	v43 =	vld [tilespmem:s6+$0xA0A0]  }
0x30a: {  	v59 =	vadd.s32 v2, v33;
	v56 =	vld [tilespmem:s6+$0x120E0]  }
0x30b: {  	v58 =	vadd.f32 v38, v53;
	v38 =	vld [tilespmem:s6+$0xA0E0];
	[tilespmem:v45+s31+$0x0] =	vst.idx.msk $0xffff, v62  }
0x30c: {  	v63 =	vadd.s32 v26, v49;
	v53 =	vld [tilespmem:s6+$0x12120]  }
0x30d: {  	v42 =	vadd.f32 v42, v54;
	v41 =	vld [tilespmem:s6+$0xA120];
	[tilespmem:v61+s31+$0x0] =	vst.idx.msk $0xffff, v58  }
0x30e: {  	v62 =	vadd.s32 v11, v35;
	v60 =	vadd.f32 v46, v44;
	v46 =	vld [tilespmem:s6+$0x12160]  }
0x30f: {  	v61 =	vadd.s32 v7, v36;
	[tilespmem:v59+s31+$0x0] =	vst.idx.msk $0xffff, v42;
	v37 =	vld [tilespmem:s6+$0xA160]  }
0x310: {  	v39 =	vadd.f32 v39, v57;
	v57 =	vld [tilespmem:s6+$0x12020]  }
0x311: {  	[tilespmem:v63+s31+$0x0] =	vst.idx.msk $0xffff, v60;
	v60 =	vadd.f32 v43, v50;
	v43 =	vld [tilespmem:s6+$0xA020]  }
0x312: {  	v63 =	vadd.s32 v15, v48;
	v54 =	vld [tilespmem:s6+$0x121A0]  }
0x313: {  	v42 =	vld [tilespmem:s6+$0xA1A0];
	[tilespmem:v62+s31+$0x0] =	vst.idx.msk $0xffff, v60  }
0x314: {  	v38 =	vadd.f32 v38, v56;
	v56 =	vld [tilespmem:s6+$0x120B0];
	[tilespmem:v61+s31+$0x0] =	vst.idx.msk $0xffff, v39;
	v61 =	vadd.s32 v19, v40  }
0x315: {  	v50 =	vld [tilespmem:s6+$0x12070]  }
0x316: {  	v62 =	vadd.s32 v23, v47;
	v39 =	vld [tilespmem:s6+$0xA070]  }
0x317: {  	v34 =	vadd.s32 v32, v34;
	[tilespmem:v63+s31+$0x0] =	vst.idx.msk $0xffff, v38;
	v63 =	vadd.f32 v41, v53;
	v41 =	vld [tilespmem:s6+$0xA0B0]  }
0x318: {  	v58 =	vadd.s32 v27, v49;
	v53 =	vld [tilespmem:s6+$0x120F0]  }
0x319: {  	v37 =	vadd.f32 v37, v46;
	v38 =	vadd.s32 v3, v33;
	v44 =	vld [tilespmem:s6+$0xA0F0];
	[tilespmem:v61+s31+$0x0] =	vst.idx.msk $0xffff, v63  }
0x31a: {  	v59 =	vadd.f32 v55, v52;
	v36 =	vadd.s32 v8, v36;
	v52 =	vld [tilespmem:s6+$0x12130]  }
0x31b: {  	v60 =	vadd.f32 v42, v54;
	[tilespmem:v62+s31+$0x0] =	vst.idx.msk $0xffff, v37;
	v61 =	vadd.s32 v12, v35;
	v62 =	vld [tilespmem:s6+$0xA130]  }
0x31c: {  	[tilespmem:v34+s31+$0x0] =	vst.idx.msk $0xffff, v59;
	v54 =	vadd.s32 v16, v48;
	v55 =	vld [tilespmem:s6+$0x12170];
	v63 =	vadd.f32 v43, v57  }
0x31d: {  	v40 =	vadd.s32 v20, v40;
	[tilespmem:v58+s31+$0x0] =	vst.idx.msk $0xffff, v60;
	v58 =	vld [tilespmem:s6+$0xA170];
	v57 =	vadd.f32 v39, v50  }
0x31e: {  	v35 =	vld [tilespmem:s6+$0x121B0];
	v59 =	vadd.f32 v41, v56;
	[tilespmem:v38+s31+$0x0] =	vst.idx.msk $0xffff, v63  }
0x31f: {  	s13 =	simm.s32 $0xF;
	v39 =	vadd.s32 v24, v47;
	v60 =	vadd.f32 v44, v53;
	[tilespmem:v36+s31+$0x0] =	vst.idx.msk $0xffff, v57;
	v36 =	vld [tilespmem:s6+$0xA1B0]  }
0x320: {  	v34 =	vld [tilespmem:s6+$0x12030];
	[tilespmem:v61+s31+$0x0] =	vst.idx.msk $0xffff, v59;
	v61 =	vmov s13;
	v62 =	vadd.f32 v62, v52  }
0x321: {  	s0 =	simm.s32 $0x8;
	s4 =	simm.s32 $0x200;
	v38 =	vadd.s32 v28, v49;
	v37 =	vld [tilespmem:s6+$0xA030];
	[tilespmem:v54+s31+$0x0] =	vst.idx.msk $0xffff, v60;
	v63 =	vshrl.u32 v61, $0x3  }
0x322: {  	s11 =	simm.s32 $0x10;
	v46 =	vmov s0;
	v42 =	vld [tilespmem:s4+$0x121C0];
	s6 =	simm.s32 $0x800;
	v41 =	vshll.u32 v63, v1;
	[tilespmem:v40+s31+$0x0] =	vst.idx.msk $0xffff, v62;
	v40 =	vadd.f32 v58, v55  }
.LBB2_27:
0x323: {  	p0 =	slt.u32 s11, $0x78;
	v43 =	vshrl.u32 v46, $0x3;
	s1 =	sadd.s32 $0x1, s0;
	v44 =	vld [tilespmem:s4+$0xA1C0];
	v41 =	vbroadcast v41, $0x0;
	v45 =	vadd.s32 v4, v33  }
0x324: {  	v46 =	vld [tilespmem:s4+$0x12000];
	v33 =	vshll.u32 v43, v1;
	v43 =	vmov s1;
	[tilespmem:v39+s31+$0x0] =	vst.idx.msk $0xffff, v40;
	v35 =	vadd.f32 v36, v35  }
0x325: {  	s1 =	sadd.s32 $0x2, s0;
	v36 =	vld [tilespmem:s4+$0xA000];
	v33 =	vbroadcast v33, $0x0;
	v39 =	vshrl.u32 v43, $0x3;
	v40 =	vadd.s32 v29, v41  }
0x326: {  	v47 =	vmov s1;
	v43 =	vld [tilespmem:s4+$0x12040];
	v39 =	vshll.u32 v39, v1;
	v37 =	vadd.f32 v37, v34;
	[tilespmem:v38+s31+$0x0] =	vst.idx.msk $0xffff, v35  }
0x327: {  	v35 =	vshrl.u32 v47, $0x3;
	v38 =	vadd.s32 v0, v33;
	v48 =	vld [tilespmem:s4+$0xA040];
	v34 =	vbroadcast v39, $0x0  }
0x328: {  	v35 =	vshll.u32 v35, v1;
	v39 =	vld [tilespmem:s4+$0x12080];
	v42 =	vadd.f32 v44, v42;
	[tilespmem:v45+s31+$0x0] =	vst.idx.msk $0xffff, v37  }
0x329: {  	s1 =	sadd.s32 $0x3, s0;
	v35 =	vbroadcast v35, $0x0;
	v37 =	vadd.s32 v5, v34;
	v44 =	vld [tilespmem:s4+$0xA080]  }
0x32a: {  	v45 =	vmov s1;
	s1 =	sadd.s32 $0x4, s0;
	v36 =	vadd.f32 v36, v46;
	v46 =	vld [tilespmem:s4+$0x120C0];
	[tilespmem:v40+s31+$0x0] =	vst.idx.msk $0xffff, v42  }
0x32b: {  	v40 =	vadd.s32 v9, v35;
	v42 =	vshrl.u32 v45, $0x3;
	v45 =	vmov s1;
	v47 =	vld [tilespmem:s4+$0x121D0]  }
0x32c: {  	s1 =	sadd.s32 $0x5, s0;
	[tilespmem:v38+s31+$0x0] =	vst.idx.msk $0xffff, v36;
	v38 =	vadd.f32 v48, v43;
	v36 =	vshll.u32 v42, v1;
	v42 =	vshrl.u32 v45, $0x3;
	v43 =	vld [tilespmem:s4+$0xA1D0]  }
0x32d: {  	v48 =	vmov s1;
	s1 =	sadd.s32 $0x6, s0;
	s0 =	smov.u32 s11;
	v45 =	vld [tilespmem:s4+$0xA0C0];
	v36 =	vbroadcast v36, $0x0;
	v42 =	vshll.u32 v42, v1  }
0x32e: {  	v49 =	vadd.s32 v30, v41;
	[tilespmem:v37+s31+$0x0] =	vst.idx.msk $0xffff, v38;
	v38 =	vadd.f32 v44, v39;
	v44 =	vld [tilespmem:s4+$0x12100];
	v39 =	vmov s1  }
0x32f: {  	v37 =	vbroadcast v42, $0x0;
	v42 =	vshrl.u32 v48, $0x3;
	v50 =	vadd.s32 v13, v36;
	v51 =	vld [tilespmem:s4+$0xA100]  }
0x330: {  	[tilespmem:v40+s31+$0x0] =	vst.idx.msk $0xffff, v38;
	v40 =	vld [tilespmem:s4+$0x12140];
	v38 =	vshll.u32 v42, v1;
	v42 =	vshrl.u32 v39, $0x3  }
0x331: {  	v48 =	vadd.s32 v17, v37;
	v52 =	vld [tilespmem:s4+$0xA140];
	v39 =	vbroadcast v38, $0x0;
	v43 =	vadd.f32 v43, v47  }
0x332: {  	v38 =	vshll.u32 v42, v1;
	v45 =	vadd.f32 v45, v46;
	v46 =	vld [tilespmem:s4+$0x12180]  }
0x333: {  	v38 =	vbroadcast v38, $0x0;
	v42 =	vadd.s32 v21, v39;
	v47 =	vld [tilespmem:s4+$0xA180];
	[tilespmem:v49+s31+$0x0] =	vst.idx.msk $0xffff, v43  }
0x334: {  	[tilespmem:v50+s31+$0x0] =	vst.idx.msk $0xffff, v45;
	v43 =	vadd.f32 v51, v44;
	v44 =	vld [tilespmem:s4+$0x121E0]  }
0x335: {  	v45 =	vadd.s32 v25, v38;
	v49 =	vld [tilespmem:s4+$0xA1E0]  }
0x336: {  	v50 =	vld [tilespmem:s4+$0x12050];
	[tilespmem:v48+s31+$0x0] =	vst.idx.msk $0xffff, v43;
	v40 =	vadd.f32 v52, v40  }
0x337: {  	v48 =	vadd.s32 v31, v41;
	v43 =	vld [tilespmem:s4+$0xA050]  }
0x338: {  	v51 =	vld [tilespmem:s4+$0x12090];
	[tilespmem:v42+s31+$0x0] =	vst.idx.msk $0xffff, v40;
	v40 =	vadd.f32 v47, v46  }
0x339: {  	v42 =	vadd.s32 v6, v34;
	v46 =	vld [tilespmem:s4+$0xA090]  }
0x33a: {  	v47 =	vld [tilespmem:s4+$0x120D0];
	[tilespmem:v45+s31+$0x0] =	vst.idx.msk $0xffff, v40;
	v40 =	vadd.f32 v49, v44  }
0x33b: {  	v44 =	vadd.s32 v10, v35;
	v45 =	vld [tilespmem:s4+$0xA0D0]  }
0x33c: {  	v43 =	vadd.f32 v43, v50;
	v49 =	vld [tilespmem:s4+$0x12110];
	[tilespmem:v48+s31+$0x0] =	vst.idx.msk $0xffff, v40  }
0x33d: {  	v40 =	vadd.s32 v14, v36;
	v48 =	vld [tilespmem:s4+$0x121F0]  }
0x33e: {  	[tilespmem:v42+s31+$0x0] =	vst.idx.msk $0xffff, v43;
	v42 =	vadd.f32 v46, v51;
	v43 =	vld [tilespmem:s4+$0xA1F0]  }
0x33f: {  	v46 =	vld [tilespmem:s4+$0xA110]  }
0x340: {  	v41 =	vadd.s32 v32, v41;
	[tilespmem:v44+s31+$0x0] =	vst.idx.msk $0xffff, v42;
	v42 =	vadd.f32 v45, v47;
	v44 =	vld [tilespmem:s4+$0x12150]  }
0x341: {  	v45 =	vadd.s32 v18, v37;
	v47 =	vld [tilespmem:s4+$0xA150]  }
0x342: {  	[tilespmem:v40+s31+$0x0] =	vst.idx.msk $0xffff, v42;
	v40 =	vld [tilespmem:s4+$0x12190]  }
0x343: {  	v42 =	vadd.s32 v22, v39;
	v50 =	vld [tilespmem:s4+$0xA190];
	v43 =	vadd.f32 v43, v48  }
0x344: {  	v48 =	vld [tilespmem:s4+$0x12010];
	v46 =	vadd.f32 v46, v49  }
0x345: {  	v51 =	vadd.s32 v26, v38;
	v49 =	vld [tilespmem:s4+$0xA010];
	[tilespmem:v41+s31+$0x0] =	vst.idx.msk $0xffff, v43  }
0x346: {  	v41 =	vld [tilespmem:s4+$0x12060];
	[tilespmem:v45+s31+$0x0] =	vst.idx.msk $0xffff, v46;
	v43 =	vadd.f32 v47, v44  }
0x347: {  	v44 =	vadd.s32 v2, v33;
	v45 =	vld [tilespmem:s4+$0xA060]  }
0x348: {  	v46 =	vld [tilespmem:s4+$0x120A0];
	[tilespmem:v42+s31+$0x0] =	vst.idx.msk $0xffff, v43;
	v40 =	vadd.f32 v50, v40  }
0x349: {  	v42 =	vadd.s32 v7, v34;
	v43 =	vld [tilespmem:s4+$0xA0A0]  }
0x34a: {  	v47 =	vadd.f32 v49, v48;
	v48 =	vld [tilespmem:s4+$0x120E0];
	[tilespmem:v51+s31+$0x0] =	vst.idx.msk $0xffff, v40  }
0x34b: {  	v40 =	vadd.s32 v11, v35;
	v49 =	vld [tilespmem:s4+$0xA0E0]  }
0x34c: {  	[tilespmem:v44+s31+$0x0] =	vst.idx.msk $0xffff, v47;
	v41 =	vadd.f32 v45, v41;
	v44 =	vld [tilespmem:s4+$0x12120]  }
0x34d: {  	v45 =	vadd.s32 v15, v36;
	v47 =	vld [tilespmem:s4+$0xA120]  }
0x34e: {  	[tilespmem:v42+s31+$0x0] =	vst.idx.msk $0xffff, v41;
	v41 =	vadd.f32 v43, v46;
	v42 =	vld [tilespmem:s4+$0x12160]  }
0x34f: {  	v43 =	vadd.s32 v19, v37;
	v46 =	vld [tilespmem:s4+$0xA160]  }
0x350: {  	[tilespmem:v40+s31+$0x0] =	vst.idx.msk $0xffff, v41;
	v40 =	vadd.f32 v49, v48;
	v41 =	vld [tilespmem:s4+$0x121A0]  }
0x351: {  	v48 =	vadd.s32 v23, v39;
	v49 =	vld [tilespmem:s4+$0xA1A0]  }
0x352: {  	v50 =	vld [tilespmem:s4+$0x12020];
	[tilespmem:v45+s31+$0x0] =	vst.idx.msk $0xffff, v40;
	v40 =	vadd.f32 v47, v44  }
0x353: {  	v45 =	vadd.s32 v27, v38;
	v44 =	vld [tilespmem:s4+$0xA020]  }
0x354: {  	v47 =	vld [tilespmem:s4+$0x12070];
	[tilespmem:v43+s31+$0x0] =	vst.idx.msk $0xffff, v40;
	v40 =	vadd.f32 v46, v42  }
0x355: {  	v42 =	vadd.s32 v3, v33;
	v43 =	vld [tilespmem:s4+$0xA070]  }
0x356: {  	v46 =	vld [tilespmem:s4+$0x120B0];
	[tilespmem:v48+s31+$0x0] =	vst.idx.msk $0xffff, v40;
	v40 =	vadd.f32 v49, v41  }
0x357: {  	v34 =	vadd.s32 v8, v34;
	v41 =	vld [tilespmem:s4+$0xA0B0]  }
0x358: {  	v44 =	vadd.f32 v44, v50;
	v48 =	vld [tilespmem:s4+$0x120F0];
	[tilespmem:v45+s31+$0x0] =	vst.idx.msk $0xffff, v40  }
0x359: {  	v35 =	vadd.s32 v12, v35;
	v40 =	vld [tilespmem:s4+$0xA0F0]  }
0x35a: {  	[tilespmem:v42+s31+$0x0] =	vst.idx.msk $0xffff, v44;
	v42 =	vadd.f32 v43, v47;
	v43 =	vld [tilespmem:s4+$0x12130]  }
0x35b: {  	v44 =	vadd.s32 v16, v36;
	v45 =	vld [tilespmem:s4+$0xA130]  }
0x35c: {  	[tilespmem:v34+s31+$0x0] =	vst.idx.msk $0xffff, v42;
	v34 =	vadd.f32 v41, v46;
	v47 =	vld [tilespmem:s4+$0x12170]  }
0x35d: {  	v49 =	vadd.s32 v20, v37;
	v50 =	vld [tilespmem:s4+$0xA170]  }
.Ltmp15:
0x35e: {  	[tilespmem:v35+s31+$0x0] =	vst.idx.msk $0xffff, v34;
	v37 =	vadd.f32 v40, v48;
	v35 =	vld [tilespmem:s4+$0x121B0];
	(pc) =	sbr.rel @p0 .LBB2_27-.Ltmp15, $4  }
0x35f: {  	s1 =	sadd.s32 $0x7, s11;
	v39 =	vadd.s32 v24, v39;
	v36 =	vld [tilespmem:s4+$0xA1B0]  }
0x360: {  	s6 =	sadd.s32 $0x800, s6;
	v40 =	vmov s1;
	v34 =	vld [tilespmem:s4+$0x12030];
	[tilespmem:v44+s31+$0x0] =	vst.idx.msk $0xffff, v37;
	v43 =	vadd.f32 v45, v43  }
0x361: {  	v38 =	vadd.s32 v28, v38;
	v40 =	vshrl.u32 v40, $0x3;
	v37 =	vld [tilespmem:s4+$0xA030];
	s4 =	sshra.s32 s6, $0x2  }
0x362: {  	s11 =	sadd.s32 $0x8, s11;
	v46 =	vmov s0;
	v41 =	vshll.u32 v40, v1;
	v42 =	vld [tilespmem:s4+$0x121C0];
	[tilespmem:v49+s31+$0x0] =	vst.idx.msk $0xffff, v43;
	v40 =	vadd.f32 v50, v47  }
0x363: {  	v44 =	vld [tilespmem:s4+$0x12000];
	_ =	sdelay $0x4  }
0x364: {  	v43 =	vld [tilespmem:s4+$0xA1C0];
	v41 =	vbroadcast v41, $0x0;
	[tilespmem:$0x1FF00] =	vst v44  }
0x365: {  	v44 =	vld [tilespmem:s4+$0xA000]  }
0x366: {  	v61 =	vadd.s32 v29, v41;
	_ =	sdelay $0x2  }
0x367: {  	v42 =	vadd.f32 v43, v42  }
0x368: {  	[tilespmem:$0x1FF10] =	vst v44  }
0x369: {  	s1 =	sadd.s32 $0x1, s0;
	v45 =	vld [tilespmem:s4+$0x12040];
	[tilespmem:v61+s31+$0x0] =	vst.idx.msk $0xffff, v42  }
0x36a: {  	v62 =	vmov s1;
	v44 =	vld [tilespmem:s4+$0x121D0]  }
0x36b: {  	v42 =	vshrl.u32 v62, $0x3;
	v53 =	vld [tilespmem:s4+$0xA1D0]  }
0x36c: {  	v49 =	vld [tilespmem:s4+$0xA040];
	v42 =	vshll.u32 v42, v1  }
0x36d: {  	s6 =	sadd.s32 $0x2, s0;
	v56 =	vadd.s32 v30, v41;
	v50 =	vld [tilespmem:s4+$0x12080];
	v48 =	vbroadcast v42, $0x0  }
0x36e: {  	v63 =	vmov s6;
	v51 =	vld [tilespmem:s4+$0xA080]  }
0x36f: {  	v43 =	vshrl.u32 v63, $0x3;
	v52 =	vld [tilespmem:s4+$0x120C0];
	v59 =	vadd.s32 v5, v48  }
0x370: {  	v54 =	vshll.u32 v43, v1;
	v55 =	vld [tilespmem:s4+$0xA0C0];
	v53 =	vadd.f32 v53, v44  }
0x371: {  	v63 =	vbroadcast v54, $0x0;
	v54 =	vld [tilespmem:s4+$0x12100];
	[tilespmem:$0x1FF20] =	vst v41  }
0x372: {  	s13 =	sadd.s32 $0x3, s0;
	v49 =	vadd.f32 v49, v45;
	[tilespmem:v56+s31+$0x0] =	vst.idx.msk $0xffff, v53  }
0x373: {  	v57 =	vmov s13;
	v53 =	vld [tilespmem:s4+$0x121E0]  }
0x374: {  	s6 =	sadd.s32 $0x4, s0;
	v57 =	vshrl.u32 v57, $0x3;
	v60 =	vadd.s32 v9, v63;
	[tilespmem:v59+s31+$0x0] =	vst.idx.msk $0xffff, v49;
	v49 =	vld [tilespmem:s4+$0xA1E0]  }
0x375: {  	v57 =	vshll.u32 v57, v1;
	v62 =	vmov s6;
	v58 =	vld [tilespmem:s4+$0xA100]  }
0x376: {  	v47 =	vbroadcast v57, $0x0;
	v62 =	vshrl.u32 v62, $0x3;
	v41 =	vadd.s32 v31, v41;
	v61 =	vld [tilespmem:s4+$0x12140]  }
0x377: {  	s11 =	sadd.s32 $0x5, s0;
	v42 =	vld [tilespmem:s4+$0xA140];
	v43 =	vshll.u32 v62, v1;
	v50 =	vadd.f32 v51, v50  }
0x378: {  	s13 =	sadd.s32 $0x6, s0;
	v57 =	vld [tilespmem:s4+$0x12180];
	v51 =	vadd.s32 v13, v47;
	v45 =	vbroadcast v43, $0x0;
	v43 =	vmov s11  }
0x379: {  	v62 =	vld [tilespmem:s4+$0xA180];
	v44 =	vmov s13;
	[tilespmem:v60+s31+$0x0] =	vst.idx.msk $0xffff, v50;
	v56 =	vshrl.u32 v43, $0x3;
	v49 =	vadd.f32 v49, v53  }
0x37a: {  	v56 =	vshll.u32 v56, v1;
	v59 =	vshrl.u32 v44, $0x3;
	v44 =	vld [tilespmem:s4+$0x12090]  }
0x37b: {  	v50 =	vadd.s32 v17, v45;
	v60 =	vld [tilespmem:s4+$0x12050];
	v56 =	vbroadcast v56, $0x0;
	[tilespmem:v41+s31+$0x0] =	vst.idx.msk $0xffff, v49  }
0x37c: {  	v52 =	vadd.f32 v55, v52;
	v49 =	vld [tilespmem:s4+$0x121F0]  }
0x37d: {  	v43 =	vadd.f32 v58, v54;
	v55 =	vld [tilespmem:s4+$0xA050];
	v54 =	vadd.s32 v21, v56  }
0x37e: {  	v59 =	vshll.u32 v59, v1;
	[tilespmem:v51+s31+$0x0] =	vst.idx.msk $0xffff, v52;
	v52 =	vld [tilespmem:s4+$0xA090]  }
0x37f: {  	v58 =	vbroadcast v59, $0x0;
	v59 =	vld [tilespmem:s4+$0x120D0]  }
0x380: {  	[tilespmem:v50+s31+$0x0] =	vst.idx.msk $0xffff, v43;
	v50 =	vld [tilespmem:s4+$0xA0D0];
	v41 =	vadd.f32 v42, v61  }
0x381: {  	v53 =	vld [tilespmem:s4+$0x12110];
	[tilespmem:$0x1FF30] =	vst v49  }
0x382: {  	v46 =	vshrl.u32 v46, $0x3;
	[tilespmem:v54+s31+$0x0] =	vst.idx.msk $0xffff, v41  }
0x383: {  	v46 =	vshll.u32 v46, v1;
	v42 =	vld [tilespmem:$0x1FF00]  }
0x384: {  	v46 =	vbroadcast v46, $0x0;
	v51 =	vadd.s32 v25, v58;
	v43 =	vld [tilespmem:$0x1FF10];
	_ =	sdelay $0x1  }
0x385: {  	v61 =	vadd.s32 v0, v46;
	v49 =	vld [tilespmem:s4+$0xA1F0]  }
0x386: {  	v41 =	vadd.f32 v62, v57;
	v54 =	vld [tilespmem:s4+$0xA110]  }
0x387: {  	v57 =	vadd.s32 v6, v48;
	v62 =	vld [tilespmem:s4+$0x12150]  }
0x388: {  	[tilespmem:v51+s31+$0x0] =	vst.idx.msk $0xffff, v41;
	v41 =	vld [tilespmem:s4+$0xA150];
	v42 =	vadd.f32 v43, v42  }
0x389: {  	v51 =	vadd.s32 v10, v63;
	v43 =	vld [tilespmem:s4+$0x12190]  }
0x38a: {  	[tilespmem:v61+s31+$0x0] =	vst.idx.msk $0xffff, v42;
	v42 =	vadd.f32 v55, v60;
	v55 =	vld [tilespmem:s4+$0xA190]  }
0x38b: {  	v60 =	vadd.s32 v14, v47;
	v61 =	vld [tilespmem:s4+$0x12010]  }
0x38c: {  	[tilespmem:v57+s31+$0x0] =	vst.idx.msk $0xffff, v42;
	v42 =	vadd.f32 v52, v44;
	v44 =	vld [tilespmem:s4+$0xA010]  }
0x38d: {  	v52 =	vadd.s32 v18, v45;
	v57 =	vld [tilespmem:s4+$0x12060]  }
0x38e: {  	[tilespmem:v51+s31+$0x0] =	vst.idx.msk $0xffff, v42;
	v42 =	vadd.f32 v50, v59;
	v50 =	vld [tilespmem:s4+$0xA060]  }
0x38f: {  	v51 =	vadd.s32 v22, v56;
	v59 =	vld [tilespmem:s4+$0x120A0]  }
0x390: {  	[tilespmem:v60+s31+$0x0] =	vst.idx.msk $0xffff, v42;
	v42 =	vadd.f32 v54, v53;
	v53 =	vld [tilespmem:s4+$0xA0A0]  }
0x391: {  	v54 =	vadd.s32 v26, v58;
	v60 =	vld [tilespmem:s4+$0x120E0]  }
0x392: {  	v41 =	vadd.f32 v41, v62;
	[tilespmem:v52+s31+$0x0] =	vst.idx.msk $0xffff, v42;
	v42 =	vld [tilespmem:s4+$0xA0E0]  }
0x393: {  	v52 =	vadd.s32 v2, v46;
	v62 =	vld [tilespmem:s4+$0x12120]  }
0x394: {  	[tilespmem:v51+s31+$0x0] =	vst.idx.msk $0xffff, v41;
	v41 =	vadd.f32 v55, v43;
	v43 =	vld [tilespmem:s4+$0xA120]  }
0x395: {  	v51 =	vadd.s32 v7, v48;
	v55 =	vld [tilespmem:s4+$0x12160]  }
0x396: {  	v44 =	vadd.f32 v44, v61;
	[tilespmem:v54+s31+$0x0] =	vst.idx.msk $0xffff, v41;
	v41 =	vld [tilespmem:s4+$0xA160]  }
0x397: {  	v54 =	vadd.s32 v11, v63;
	v61 =	vld [tilespmem:s4+$0x121A0]  }
0x398: {  	[tilespmem:v52+s31+$0x0] =	vst.idx.msk $0xffff, v44;
	v44 =	vadd.f32 v50, v57;
	v50 =	vld [tilespmem:s4+$0xA1A0]  }
0x399: {  	v52 =	vadd.s32 v15, v47;
	v57 =	vld [tilespmem:s4+$0x12020]  }
0x39a: {  	[tilespmem:v51+s31+$0x0] =	vst.idx.msk $0xffff, v44;
	v44 =	vadd.f32 v53, v59;
	v51 =	vld [tilespmem:s4+$0xA020]  }
0x39b: {  	v53 =	vadd.s32 v19, v45;
	v59 =	vld [tilespmem:s4+$0x12070]  }
0x39c: {  	v42 =	vadd.f32 v42, v60;
	[tilespmem:v54+s31+$0x0] =	vst.idx.msk $0xffff, v44;
	v44 =	vld [tilespmem:s4+$0xA070]  }
0x39d: {  	v54 =	vadd.s32 v23, v56;
	v60 =	vld [tilespmem:s4+$0x120B0]  }
0x39e: {  	[tilespmem:v52+s31+$0x0] =	vst.idx.msk $0xffff, v42;
	v42 =	vadd.f32 v43, v62;
	v43 =	vld [tilespmem:s4+$0xA0B0];
	v52 =	vadd.s32 v27, v58  }
0x39f: {  	v62 =	vld [tilespmem:s4+$0x120F0]  }
0x3a0: {  	v41 =	vadd.f32 v41, v55;
	[tilespmem:v53+s31+$0x0] =	vst.idx.msk $0xffff, v42;
	v42 =	vld [tilespmem:s4+$0xA0F0];
	v53 =	vadd.s32 v3, v46  }
0x3a1: {  	[tilespmem:v39+s31+$0x0] =	vst.idx.msk $0xffff, v40;
	v61 =	vadd.f32 v50, v61;
	v55 =	vld [tilespmem:s4+$0x12130]  }
0x3a2: {  	v35 =	vadd.f32 v36, v35;
	v50 =	vld [tilespmem:s4+$0xA130];
	[tilespmem:v54+s31+$0x0] =	vst.idx.msk $0xffff, v41  }
0x3a3: {  	v57 =	vadd.f32 v51, v57;
	v54 =	vld [tilespmem:$0x1FF20];
	[tilespmem:v52+s31+$0x0] =	vst.idx.msk $0xffff, v61  }
0x3a4: {  	v33 =	vadd.s32 v4, v33;
	v34 =	vadd.f32 v37, v34;
	[tilespmem:v38+s31+$0x0] =	vst.idx.msk $0xffff, v35;
	v37 =	vld [tilespmem:s4+$0x121B0]  }
0x3a5: {  	v35 =	vadd.s32 v12, v63;
	v63 =	vld [tilespmem:s4+$0xA1B0];
	[tilespmem:v53+s31+$0x0] =	vst.idx.msk $0xffff, v57  }
0x3a6: {  	v61 =	vadd.s32 v16, v47;
	v38 =	vld [tilespmem:$0x1FF30]  }
0x3a7: {  	v58 =	vadd.s32 v28, v58;
	v39 =	vld [tilespmem:s4+$0x12170]  }
0x3a8: {  	v40 =	vadd.s32 v8, v48;
	v48 =	vld [tilespmem:s4+$0xA170];
	v53 =	vadd.f32 v43, v60;
	v36 =	vadd.s32 v32, v54  }
0x3a9: {  	v51 =	vadd.s32 v20, v45;
	v57 =	vadd.f32 v42, v62;
	[tilespmem:v33+s31+$0x0] =	vst.idx.msk $0xffff, v34;
	v52 =	vld [tilespmem:s4+$0x12030]  }
0x3aa: {  	v54 =	vadd.s32 v24, v56;
	v56 =	vld [tilespmem:s4+$0xA030];
	[tilespmem:v35+s31+$0x0] =	vst.idx.msk $0xffff, v53;
	v62 =	vadd.f32 v63, v37  }
0x3ab: {  	[tilespmem:v61+s31+$0x0] =	vst.idx.msk $0xffff, v57;
	v38 =	vadd.f32 v49, v38  }
0x3ac: {  	v60 =	vadd.s32 v4, v46;
	v49 =	vadd.f32 v44, v59;
	[tilespmem:v58+s31+$0x0] =	vst.idx.msk $0xffff, v62  }
0x3ad: {  	v59 =	vadd.f32 v50, v55;
	[tilespmem:v36+s31+$0x0] =	vst.idx.msk $0xffff, v38  }
0x3ae: {  	v61 =	vadd.f32 v48, v39;
	[tilespmem:v40+s31+$0x0] =	vst.idx.msk $0xffff, v49  }
0x3af: {  	s0 =	sadd.s32 s17, s10;
	[tilespmem:v51+s31+$0x0] =	vst.idx.msk $0xffff, v59;
	v63 =	vadd.f32 v56, v52  }
0x3b0: {  	s1 =	sadd.s32 $0x0, s0;
	[tilespmem:v54+s31+$0x0] =	vst.idx.msk $0xffff, v61  }
0x3b1: {  	s6 =	simm.s32 $0x40;
	s11 =	simm.s32 $0x1A688;
	s4 =	simm.s32 $0x1A600;
	[tilespmem:v60+s31+$0x0] =	vst.idx.msk $0xffff, v63  }
.LBB2_29:
0x3b2: {  	[hbm4b:s1+s2] =	stream.linear.scatter [tilespmem:s4], [sflag:$0x8], $0x80, $0x38;
	[tilespmem:$0x1C800] =	vst v63  }
0x3b3: {  	s1 =	smov.u32 s6;
	s4 =	smov.u32 s11;
	p0 =	sne.s32 s6, $0xFC0  }
.Ltmp16:
0x3b4: {  	s6 =	sadd.s32 $0x40, s6;
	(pc) =	sbr.rel @p0 .LBB2_29-.Ltmp16, $2  }
0x3b5: {  	_ =	sdelay $0x2  }
0x3b6: {  	s11 =	sadd.s32 $0x88, s11;
	s1 =	sadd.s32 s1, s0  }
0x3b7: {  	s12 =	sadd.s32 $0x1, s12  }
0x3b8: {  	p0 =	sne.s32 s12, $0x20  }
.Ltmp17:
0x3b9: {  	_ = 	snop;
	(pc) =	sbr.rel @p0 .LBB2_2-.Ltmp17, $2  }
0x3ba: {  	_ =	sdelay $0x2  }
0x3bb: {  	[hbm4b:s1+s2] =	stream.linear.scatter [tilespmem:s4], [sflag:$0x8], $0x80, $0x38;
	[tilespmem:$0x1C800] =	vst v63  }
0x3bc: {  	s0 =	simm.s32 $0x5  }
0x3bd: {  	_ =	swait.ge [sflag:s0], $0x2000  }
0x3be: {  	[sflag:s0] =	ssyncset.done $0x0  }
0x3bf: {  	[sflag:s0] =	ssyncadd.s32 $0xFFFFE000  }
0x3c0: {  	_ =	swait.ge [sflag:s23], $0x2000  }
0x3c1: {  	[sflag:s23] =	ssyncset.done $0x0  }
0x3c2: {  	[sflag:s23] =	ssyncadd.s32 $0xFFFFE000  }
0x3c3: {  	_ =	swait.ge [sflag:s26], $0x2000  }
0x3c4: {  	[sflag:s26] =	ssyncset.done $0x0  }
0x3c5: {  	[sflag:s26] =	ssyncadd.s32 $0xFFFFE000  }
0x3c6: {  	_ =	swait.ge [sflag:s30], $0x2000  }
0x3c7: {  	s1 =	rddreg [dreg:$0x5]  }
0x3c8: {  	s17 =	rddreg [dreg:$0x4];
	s1 =	sadd.s32 $0x1, s1  }
0x3c9: {  	p0 =	sne.s32 s1, s17  }
.Ltmp18:
0x3ca: {  	_ = 	snop;
	(pc) =	sbr.rel @p0 .LBB2_1-.Ltmp18, $3  }
0x3cb: {  	_ =	sdelay $0x1  }
0x3cc: {  	[sflag:s30] =	ssyncset.done $0x0  }
0x3cd: {  	[sflag:s30] =	ssyncadd.s32 $0xFFFFE000  }
0x3ce: {  	_ =	sfence.sel $0x180000  }
0x3cf: {  	[bflag:$0x0] =	sbarrier.arrive $0xFFFF  }
0x3d0: {  	_ =	strace $0x9000004A  }
0x3d1: {  	s0 =	stileid.u32;
	[bflag:$0x2] =	sbarrier.arrive $0xFFFF  }
0x3d2: {  	p0 =	sne.s32 s0, $0x0;
	s0 =	rddreg [dreg:$0x1]  }
0x3d3: {  	s0 =	sadd.s32 @!p0 $0x100000, s0  }
0x3d4: {  	[sflag:s0] =	ssyncadd.tile.s32 @!p0 $0x1;
	_ =	shalt  }
.Lfunc_end2:
_tile_overlayer_lowered:
.L_overlay_start_2:
0x3d5: {  	(tag) =	ssettag $0x2  }
0x3d6: {  	s0 =	rddreg [dreg:$0x0];
	s2 =	stileid.u32  }
0x3d7: {  	s1 =	rddreg [dreg:$0x1];
	p0 =	sne.s32 s2, $0x0  }
0x3d8: {  	s3 =	rddreg [dreg:$0x2];
	[bflag:$0x3] =	sbarrier.arrive $0xFFFF;
	s2 =	simm.s32 @!p0 $0x1C09  }
0x3d9: {  	[timem:s3], [sflag:s2] =	dma.local @!p0 [hbm:s0], s1  }
0x3da: {  	s0 =	simm.s32 @!p0 $0x9  }
0x3db: {  	_ =	swait.ge @!p0 [sflag:s0], s1  }
0x3dc: {  	s1 =	ssub.s32 @!p0 $0x0, s1;
	[sflag:s0] =	ssyncset.done @!p0 $0x0  }
0x3dd: {  	[sflag:s0] =	ssyncadd.s32 @!p0 s1  }
0x3de: {  	[bflag:$0x3] =	sbarrier.arrive $0xFFFF  }
0x3df: {  	_ =	shalt  }

// kernel: kernel.7.cloned.1.call-start
scs
__scs_entry_jumppad:
0x0: {  	(pc) =	sbr.rel $0x88, $3  }
0x1: {  	(tag) =	ssettag $0x0;
	lr =	simm.s32 $0x1  }
0x2: {  	[smem:$0x3F9E] =	sst lr;
	_ =	strace $0xD0000000  }
0x3: {  	_ = 	snop  }
0x4: {  	_ = 	snop  }
0x5: {  	_ = 	snop  }
0x6: {  	_ = 	snop  }
0x7: {  	_ = 	snop  }
__scs_overlays_trampoline_lowered:
0x8: {  	[smem:$0x3FAD] =	sst s0  }
0x9: {  	[smem:$0x3FAE] =	sst s1  }
0xa: {  	[smem:$0x3FAF] =	sst s2  }
0xb: {  	[smem:$0x3FB0] =	sst s3  }
0xc: {  	[smem:$0x3FB1] =	sst s4  }
0xd: {  	[smem:$0x3FB2] =	sst s5  }
0xe: {  	[smem:$0x3FB3] =	sst s6  }
0xf: {  	[smem:$0x3FB4] =	sst s7  }
0x10: {  	[smem:$0x3FB5] =	sst s8  }
0x11: {  	[smem:$0x3FB6] =	sst s9;
	s0 =	simm.s32 @!p0 $0x0  }
0x12: {  	s1 =	sld [smem:$0x3F9C];
	s0 =	simm.s32 @p0 $0x1  }
0x13: {  	[smem:$0x3FB7] =	sst s0;
	s0 =	simm.s32 @!p1 $0x0  }
0x14: {  	s2 =	sld [smem:$0x3F9B];
	s0 =	simm.s32 @p1 $0x1  }
0x15: {  	[smem:$0x3FB8] =	sst s0;
	s0 =	simm.s32 @!p2 $0x0  }
0x16: {  	s3 =	sld [smem:$0x3FDB];
	s0 =	simm.s32 @p2 $0x1  }
0x17: {  	s4 =	simm.s32 $0x1BF5;
	[smem:$0x3FBA] =	sst s0  }
0x18: {  	s0 =	sld [smem:$0x3F9D];
	_ =	swait.ge [sflag:s4], $0x0  }
0x19: {  	s7 =	sld [smem:$0x3F9E]  }
0x1a: {  	s8 =	sadd.s32 $0xFFFFE003, lr  }
0x1b: {  	s9 =	sadd.s32 $0xFFFFFEF7, lr;
	s5 =	simm.s32 $0xFFFFFFFF;
	p2 =	slt.u32 s8, $0xFFFFF086  }
0x1c: {  	p1 =	slt.u32 s9, $0xF7A;
	s5 =	simm.s32 @!p2 $0x0  }
0x1d: {  	s5 =	simm.s32 @p1 $0x1;
	p0 =	seq.s32 s7, s2  }
0x1e: {  	s7 =	smul.u32 @!p0 $0xF7A, s2;
	p2 =	seq.s32 @!p0 s5, $0x0  }
0x1f: {  	s9 =	smul.u32 $0xF7A, s1;
	s8 =	simm.s32 @!p0 $0x1BF5;
	p2 =	por !p2, p0  }
0x20: {  	[sflag:s8] =	ssyncset.s32 @!p0 $0xFFFFF086;
	s6 =	sadd.s32 @!p0 s3, s7;
	s7 =	simm.s32 @!p0 $0x108  }
0x21: {  	s3 =	sadd.s32 s3, s9;
	s6 =	sadd.s32 @!p0 $0x88, s6;
	s7 =	simm.s32 @p2 $0x1082  }
0x22: {  	[simem:s7], [sflag:s8] =	dma.local @!p0 [hbm:s6], $0xF7A  }
0x23: {  	s9 =	sor.u32 $0xD0000000, s2;
	s6 =	simm.s32 $0x108;
	_ =	swait.ge @!p0 [sflag:s8], $0x0  }
0x24: {  	s3 =	sadd.s32 $0x88, s3;
	s6 =	simm.s32 @!p1 $0x1082;
	[sflag:s4] =	ssyncset.s32 $0xFFFFF086  }
0x25: {  	[simem:s6], [sflag:s4] =	dma.local [hbm:s3], $0xF7A  }
0x26: {  	[smem:$0x3F9E] =	sst s1;
	(tag) =	ssettag s2;
	_ =	strace s9  }
0x27: {  	s1 =	sld [smem:$0x3FAE]  }
0x28: {  	s2 =	sld [smem:$0x3FAF]  }
0x29: {  	s4 =	sld [smem:$0x3FB1]  }
0x2a: {  	p0 =	seq.s32 s5, $0x0;
	s5 =	sld [smem:$0x3FB2]  }
0x2b: {  	s6 =	sld [smem:$0x3FB3]  }
0x2c: {  	s7 =	sld [smem:$0x3FB4]  }
0x2d: {  	s3 =	simm.s32 $0x108;
	s8 =	sld [smem:$0x3FB5]  }
0x2e: {  	s3 =	simm.s32 @!p0 $0x1082;
	s9 =	sld [smem:$0x3FB6]  }
0x2f: {  	lr =	sadd.s32 s0, s3;
	s0 =	sld [smem:$0x3FAD]  }
0x30: {  	s3 =	sld [smem:$0x3FB0]  }
0x31: {  	[smem:$0x3FB9] =	sst s10  }
0x32: {  	s10 =	sld [smem:$0x3FB7];
	_ =	sdelay $0x3  }
0x33: {  	p0 =	seq.s32 s10, $0x1;
	s10 =	sld [smem:$0x3FB9];
	_ =	sdelay $0x3  }
0x34: {  	[smem:$0x3FB9] =	sst s10  }
0x35: {  	s10 =	sld [smem:$0x3FB8];
	_ =	sdelay $0x3  }
0x36: {  	p1 =	seq.s32 s10, $0x1;
	s10 =	sld [smem:$0x3FB9];
	_ =	sdelay $0x3  }
0x37: {  	[smem:$0x3FB9] =	sst s10  }
0x38: {  	s10 =	sld [smem:$0x3FBA]  }
0x39: {  	_ = 	snop;
	(pc) =	sbr.ind lr, $3  }
0x3a: {  	_ = 	snop  }
0x3b: {  	_ = 	snop  }
0x3c: {  	p2 =	seq.s32 s10, $0x1;
	s10 =	sld [smem:$0x3FB9]  }
0x3d: {  	_ =	shalt  }
0x3e: {  	_ =	shalt  }
0x3f: {  	_ =	shalt  }
0x40: {  	_ =	shalt  }
0x41: {  	_ =	shalt  }
0x42: {  	_ =	shalt  }
0x43: {  	_ =	shalt  }
0x44: {  	_ =	shalt  }
0x45: {  	_ =	shalt  }
0x46: {  	_ =	shalt  }
0x47: {  	_ =	shalt  }
0x48: {  	_ =	shalt  }
0x49: {  	_ =	shalt  }
0x4a: {  	_ =	shalt  }
0x4b: {  	_ =	shalt  }
0x4c: {  	_ =	shalt  }
0x4d: {  	_ =	shalt  }
0x4e: {  	_ =	shalt  }
0x4f: {  	_ =	shalt  }
0x50: {  	_ =	shalt  }
0x51: {  	_ =	shalt  }
0x52: {  	_ =	shalt  }
0x53: {  	_ =	shalt  }
0x54: {  	_ =	shalt  }
0x55: {  	_ =	shalt  }
0x56: {  	_ =	shalt  }
0x57: {  	_ =	shalt  }
0x58: {  	_ =	shalt  }
0x59: {  	_ =	shalt  }
0x5a: {  	_ =	shalt  }
0x5b: {  	_ =	shalt  }
0x5c: {  	_ =	shalt  }
0x5d: {  	_ =	shalt  }
0x5e: {  	_ =	shalt  }
0x5f: {  	_ =	shalt  }
0x60: {  	_ =	shalt  }
0x61: {  	_ =	shalt  }
0x62: {  	_ =	shalt  }
0x63: {  	_ =	shalt  }
0x64: {  	_ =	shalt  }
0x65: {  	_ =	shalt  }
0x66: {  	_ =	shalt  }
0x67: {  	_ =	shalt  }
0x68: {  	_ =	shalt  }
0x69: {  	_ =	shalt  }
0x6a: {  	_ =	shalt  }
0x6b: {  	_ =	shalt  }
0x6c: {  	_ =	shalt  }
0x6d: {  	_ =	shalt  }
0x6e: {  	_ =	shalt  }
0x6f: {  	_ =	shalt  }
0x70: {  	_ =	shalt  }
0x71: {  	_ =	shalt  }
0x72: {  	_ =	shalt  }
0x73: {  	_ =	shalt  }
0x74: {  	_ =	shalt  }
0x75: {  	_ =	shalt  }
0x76: {  	_ =	shalt  }
0x77: {  	_ =	shalt  }
0x78: {  	_ =	shalt  }
0x79: {  	_ =	shalt  }
0x7a: {  	_ =	shalt  }
0x7b: {  	_ =	shalt  }
0x7c: {  	_ =	shalt  }
0x7d: {  	_ =	shalt  }
0x7e: {  	_ =	shalt  }
0x7f: {  	_ =	shalt  }
0x80: {  	_ =	shalt  }
0x81: {  	_ =	shalt  }
0x82: {  	_ =	shalt  }
0x83: {  	_ =	shalt  }
0x84: {  	_ =	shalt  }
0x85: {  	_ =	shalt  }
0x86: {  	_ =	shalt  }
0x87: {  	_ =	shalt  }
.Lfunc_end0:
.L_simem_size_0:
called_computation.1_lowered:
.L_overlay_start_0:
0x88: {  	s2 =	sld [smem:$0x3FD9]  }
0x89: {  	s3 =	sld [smem:$0x3FFE];
	_ =	sdelay $0x1  }
0x8a: {  	s1 =	srdreg.scid  }
0x8b: {  	s0 =	sand.u32 $0x1, s1  }
0x8c: {  	s14 =	sshll.u32 s0, $0xA;
	s2 =	sadd.s32 s3, s2  }
0x8d: {  	s2 =	sadd.s32 s2, s14  }
0x8e: {  	[smem:$0x3FC5] =	sst s2  }
0x8f: {  	_ = 	snop  }
0x90: {  	s2 =	sld [smem:$0x3FD0];
	_ =	sdelay $0x2  }
0x91: {  	s15 =	simm.s32 $0xB;
	s4 =	simm.s32 $0x10  }
0x92: {  	[smem:s4], [sflag:s15] =	dma.local [hbm:s2], $0x1  }
0x93: {  	_ =	swait.eq [sflag:s15], $0x1  }
0x94: {  	[sflag:s15] =	ssyncset.done $0x0  }
0x95: {  	[sflag:s15] =	ssyncadd.s32 $0xFFFFFFFF  }
0x96: {  	s16 =	sld [smem:$0x10];
	(tm) =	ssettm $0x1  }
0x97: {  	s17 =	sld [smem:$0x3FFB];
	_ =	sdelay $0x3  }
0x98: {  	_ =	strace s17  }
0x99: {  	s3 =	sld [smem:$0x3FFC];
	_ =	sdelay $0x3  }
0x9a: {  	_ =	strace s3  }
0x9b: {  	s3 =	sld [smem:$0x3FFD];
	_ =	sdelay $0x3  }
0x9c: {  	_ =	strace s3  }
0x9d: {  	_ =	strace $0x8FFFFFFF  }
0x9e: {  	s18 =	sld [smem:$0x3FDB];
	_ =	sdelay $0x1  }
0x9f: {  	s19 =	simm.s32 $_scs_section_size  }
0xa0: {  	s5 =	simm.s32 $_size__tile_overlayer_lowered;
	s6 =	simm.s32 $_tile_overlayer_lowered  }
0xa1: {  	s22 =	simm.s32 $0x1BFF;
	s21 =	sshll.u32 s6, $0x1;
	s3 =	sadd.s32 s19, s18  }
0xa2: {  	s7 =	simm.s32 $0x0;
	s20 =	sshll.u32 s5, $0x1;
	s5 =	sadd.s32 s21, s3  }
0xa3: {  	[timem:s7], [sflag:s22] =	dma.local [hbm:s5], s20  }
0xa4: {  	_ =	swait.ge [sflag:s22], s20  }
0xa5: {  	s4 =	ssub.s32 $0x0, s20;
	[sflag:s22] =	ssyncset.done $0x0  }
0xa6: {  	[sflag:s22] =	ssyncadd.s32 s4;
	_ =	sdelay $0x1  }
0xa7: {  	s23 =	simm.s32 $0x1B8B  }
0xa8: {  	_ =	swait.ge [sflag:s23], $0x1  }
0xa9: {  	[sflag:s23] =	ssyncset.done $0x0  }
0xaa: {  	s25 =	simm.s32 $0x1B8E;
	s24 =	sld [smem:$0x3FFE];
	[sflag:s23] =	ssyncadd.s32 $0xFFFFFFFF  }
0xab: {  	s26 =	simm.s32 $execute0_lowered;
	[smem:$0x3FD2] =	sst s25  }
0xac: {  	s5 =	sshll.u32 s26, $0x1;
	_ =	strace $0x80000046;
	[dreg:$0x1] =	wrdreg $0xFFFFFFFF  }
0xad: {  	s28 =	simm.s32 $_size_execute0_lowered;
	s3 =	sadd.s32 s3, s5;
	[dreg:$0x0] =	wrdreg $0x0  }
0xae: {  	s5 =	sshll.u32 s28, $0x1;
	[dreg:$0x2] =	wrdreg s3  }
0xaf: {  	[dreg:$0x3] =	wrdreg s5  }
0xb0: {  	[dreg:$0x4] =	wrdreg $0xC0  }
0xb1: {  	_ =	task [dreg:s7], $0x5FFFF  }
0xb2: {  	[dreg:$0x1] =	wrdreg $0xFFFFFFFF  }
0xb3: {  	[dreg:$0x0] =	wrdreg $0x60  }
0xb4: {  	[dreg:$0x2] =	wrdreg s24  }
0xb5: {  	[dreg:$0x3] =	wrdreg s16  }
0xb6: {  	[dreg:$0x4] =	wrdreg $0xA  }
0xb7: {  	_ =	task.clear_ibuf [dreg:s7], $0x5FFFF;
	_ =	strace $0x90000046  }
0xb8: {  	s29 =	simm.s32 $0xA;
	_ =	strace $0x80000048  }
0xb9: {  	_ =	swait.ge [sflag:s29], $0x1  }
0xba: {  	[sflag:s29] =	ssyncadd.s32 $0xFFFFFFFF  }
0xbb: {  	_ =	strace $0x90000048  }
0xbc: {  	_ =	sfence  }
0xbd: {  	s30 =	sld [smem:$0x0];
	_ =	sdelay $0x2  }
0xbe: {  	s31 =	sshll.u32 s1, $0xD;
	s1 =	sshrl.u32 s1, $0x2  }
0xbf: {  	s3 =	sand.u32 $0x4000, s31;
	s1 =	sadd.s32 s1, s30  }
0xc0: {  	s0 =	sor.u32 s3, s0;
	s1 =	sshll.u32 s1, $0x11  }
0xc1: {  	s0 =	sor.u32 s1, s0  }
0xc2: {  	s0 =	sadd.s32 $0x8F2B, s0  }
0xc3: {  	[sflag:s0] =	ssyncadd.remote.s32 $0x1  }
0xc4: {  	_ =	sfence.sel $0xFFFF  }
0xc5: {  	[dreg:$0x0] =	wrdreg $0xFFFFFFFF;
	(pc) =	sbr.abs _section_cstart, $3  }
0xc6: {  	[dreg:$0x1] =	wrdreg $0xFFFFFFFF  }
0xc7: {  	_ =	task.clear_ibuf [dreg:s7], $0x2FFFF;
	_ =	strace $0x9FFFFFFF  }
0xc8: {  	(tm) =	ssettm $0x7FFFFFFF  }
0xc9: {  	_ =	shalt  }
tec
execute0_lowered:
.L_overlay_start_1:
0x0: {  	(tag) =	ssettag $0x1  }
0x1: {  	s0 =	srdreg.scid;
	s1 =	rddreg [dreg:$0x0]  }
0x2: {  	s3 =	stileid.u32;
	s2 =	rddreg [dreg:$0x1];
	v0 =	vlaneseq.u32;
	s14 =	simm.s32 $0x80  }
0x3: {  	s15 =	simm.s32 $0xC000;
	s16 =	simm.s32 $0xE000;
	s18 =	simm.s32 $0x10000;
	v0 =	vmul.u32 $0x88, v0  }
0x4: {  	v1 =	vimm.s32 $0x0;
	vm0 =	vcmask $0x300;
	s19 =	simm.s32 $0x12000;
	s20 =	simm.s32 $0x1;
	s21 =	simm.s32 $0x14000  }
0x5: {  	s22 =	simm.s32 $0x2;
	s23 =	simm.s32 $0x6;
	s24 =	simm.s32 $0x16200;
	v1 =	vsel vm0, $0x3, v1;
	v2 =	vadd.s32 $0x880, v0  }
0x6: {  	s25 =	simm.s32 $0x3;
	s28 =	simm.s32 $0x18400;
	s29 =	simm.s32 $0x4;
	v3 =	vadd.s32 $0x1100, v0;
	v4 =	vadd.s32 $0x1980, v0;
	v5 =	vor.u32 $0x1, v0  }
0x7: {  	s30 =	simm.s32 $0x8;
	s31 =	simm.s32 $0x1A600;
	s0 =	sand.u32 $0x1, s0;
	v6 =	vadd.s32 $0x881, v0;
	v7 =	vadd.s32 $0x1101, v0;
	v8 =	vadd.s32 $0x1981, v0  }
0x8: {  	s4 =	sshll.u32 s3, $0x8;
	s3 =	simm.s32 $0x0;
	s8 =	sadd.s32 $0x10, s2;
	v9 =	vor.u32 $0x2, v0;
	v10 =	vadd.s32 $0x882, v0;
	v11 =	vadd.s32 $0x1102, v0  }
0x9: {  	s9 =	sadd.s32 $0x20, s2;
	s5 =	sshll.u32 s0, $0x7;
	s0 =	ssub.s32 $0x2, s0;
	v12 =	vadd.s32 $0x1982, v0;
	v13 =	vor.u32 $0x3, v0;
	v14 =	vadd.s32 $0x883, v0  }
0xa: {  	s10 =	sadd.s32 $0x30, s2;
	s5 =	sor.u32 s5, s4;
	s7 =	sshrl.u32 s0, $0x1;
	v15 =	vadd.s32 $0x1103, v0;
	v16 =	vadd.s32 $0x1983, v0;
	v17 =	vor.u32 $0x4, v0  }
0xb: {  	[smem:$0x7FF] =	sst s3;
	v18 =	vadd.s32 $0x884, v0;
	v19 =	vadd.s32 $0x1104, v0;
	v20 =	vadd.s32 $0x1984, v0;
	s4 =	sshll.u32 s5, $0x4;
	s0 =	ssub.s32 s0, s7  }
0xc: {  	v21 =	vor.u32 $0x5, v0;
	v22 =	vadd.s32 $0x885, v0;
	v23 =	vadd.s32 $0x1105, v0;
	s6 =	sadd.s32 s4, s1;
	s4 =	sadd.s32 $0x11400, s1;
	s1 =	sadd.s32 $0x400, s1  }
0xd: {  	_ =	strace $0x80000047;
	v24 =	vadd.s32 $0x1985, v0;
	v25 =	vor.u32 $0x6, v0;
	v26 =	vadd.s32 $0x886, v0;
	s0 =	smax.u32 s0, $0x1;
	[dreg:$0x3] =	wrdreg s1  }
0xe: {  	v27 =	vadd.s32 $0x1106, v0;
	v28 =	vadd.s32 $0x1986, v0;
	v29 =	vor.u32 $0x7, v0;
	s7 =	sshrl.u32 s5, $0x2;
	s26 =	sadd.s32 $0x1400, s6;
	[dreg:$0x5] =	wrdreg s0  }
0xf: {  	v30 =	vadd.s32 $0x887, v0;
	v31 =	vadd.s32 $0x1107, v0;
	v32 =	vadd.s32 $0x1987, v0;
	s1 =	simm.s32 $0x0;
	[dreg:$0x4] =	wrdreg s26;
	s26 =	simm.s32 $0x7  }
.LBB2_1:
0x10: {  	[dreg:$0x6] =	wrdreg s1  }
0x11: {  	s0 =	rddreg [dreg:$0x3];
	s11 =	simm.s32 $0x4000;
	s12 =	simm.s32 $0x9  }
0x12: {  	[tilespmem:s11], [sflag:$0x9] =	stream.linear.gather [hbm4b:s0+s3], $0x8000, $0x38;
	[tilespmem:$0x1C800] =	vst v63  }
0x13: {  	_ =	swait.ge [sflag:s12], $0x8000  }
0x14: {  	[sflag:s12] =	ssyncset.done $0x0  }
0x15: {  	s13 =	rddreg [dreg:$0x4];
	[sflag:s12] =	ssyncadd.s32 $0xFFFF8000  }
0x16: {  	[tilespmem:s3], [sflag:$0x9] =	stream.linear.gather [hbm4b:s13+s3], $0x4000, $0x38;
	[tilespmem:$0x1C800] =	vst v63  }
0x17: {  	_ =	swait.ge [sflag:s12], $0x4000  }
0x18: {  	[sflag:s12] =	ssyncset.done $0x0  }
0x19: {  	[sflag:s12] =	ssyncadd.s32 $0xFFFFC000  }
0x1a: {  	[tilespmem:s15], [sflag:$0x1] =	stream.indirect.gather [hbm4b:s4+s14], $0x40, s3, s14, $0xb8;
	[tilespmem:$0x1C800] =	vst v63  }
0x1b: {  	_ = 	snop  }
0x1c: {  	[tilespmem:s16], [sflag:$0x2] =	stream.indirect.gather [hbm4b:s4+s14], $0x40, s14, s14, $0xb8;
	[tilespmem:$0x1C800] =	vst v63  }
0x1d: {  	s17 =	simm.s32 $0x100;
	s12 =	simm.s32 $0x0  }
0x1e: {  	[tilespmem:s18], [sflag:$0x3] =	stream.indirect.gather [hbm4b:s4+s14], $0x40, s17, s14, $0xb8;
	[tilespmem:$0x1C800] =	vst v63  }
.LBB2_2:
0x1f: {  	s0 =	sshll.u32 s12, $0x9  }
0x20: {  	s5 =	sand.u32 $0x3FFFFE00, s0  }
0x21: {  	s0 =	sor.u32 $0x180, s5  }
0x22: {  	[tilespmem:s19], [sflag:$0x4] =	stream.indirect.gather [hbm4b:s4+s14], $0x40, s0, s14, $0xb8;
	[tilespmem:$0x1C800] =	vst v63  }
0x23: {  	_ =	swait.ge [sflag:s20], $0x2000  }
0x24: {  	p0 =	seq.s32 s12, $0x0;
	[sflag:s20] =	ssyncset.done $0x0  }
0x25: {  	s0 =	simm.s32 @!p0 $0x5;
	[sflag:s20] =	ssyncadd.s32 $0xFFFFE000  }
0x26: {  	s1 =	simm.s32 $0x7;
	_ =	swait.ge @!p0 [sflag:s0], $0x2000  }
0x27: {  	v33 =	vmov s1;
	[sflag:s0] =	ssyncset.done @!p0 $0x0  }
0x28: {  	s6 =	simm.s32 $0xC100;
	v33 =	vshrl.u32 v33, $0x3;
	[sflag:s0] =	ssyncadd.s32 @!p0 $0xFFFFE000  }
0x29: {  	s1 =	simm.s32 $0x4100;
	v33 =	vshll.u32 v33, v1;
	v35 =	vld [tilespmem:s6+$0xC0]  }
0x2a: {  	v34 =	vbroadcast v33, $0x0;
	v36 =	vld [tilespmem:s1+$0xC0]  }
0x2b: {  	v37 =	vld [tilespmem:s6+$0xFFFFFF00]  }
0x2c: {  	v33 =	vadd.s32 v29, v34;
	v38 =	vld [tilespmem:s1+$0xFFFFFF00]  }
0x2d: {  	v39 =	vld [tilespmem:s6+$0xFFFFFF40]  }
0x2e: {  	v40 =	vld [tilespmem:s1+$0xFFFFFF40]  }
0x2f: {  	s11 =	simm.s32 $0x2;
	v41 =	vld [tilespmem:s6+$0xFFFFFF80];
	v35 =	vadd.f32 v36, v35  }
0x30: {  	s13 =	simm.s32 $0x4;
	v57 =	vmov s11;
	s11 =	simm.s32 $0x3;
	v42 =	vld [tilespmem:s1+$0xFFFFFF80]  }
0x31: {  	s17 =	simm.s32 $0x1;
	v53 =	vmov s13;
	v48 =	vmov s11;
	v43 =	vld [tilespmem:s6+$0xFFFFFFC0];
	[tilespmem:v33+s21+$0x0] =	vst.idx.msk $0xffff, v35  }
0x32: {  	v56 =	vmov s17;
	v58 =	vshrl.u32 v53, $0x3;
	v48 =	vshrl.u32 v48, $0x3;
	v44 =	vld [tilespmem:s6+$0xD0]  }
0x33: {  	v59 =	vshll.u32 v58, v1;
	v48 =	vshll.u32 v48, v1;
	v33 =	vshrl.u32 v56, $0x3;
	v45 =	vld [tilespmem:s1+$0xD0]  }
0x34: {  	v48 =	vbroadcast v48, $0x0;
	v46 =	vld [tilespmem:s1+$0xFFFFFFC0];
	v35 =	vshrl.u32 v57, $0x3;
	v33 =	vshll.u32 v33, v1  }
0x35: {  	v47 =	vadd.s32 v30, v34;
	v49 =	vld [tilespmem:s1+$0x0];
	v35 =	vshll.u32 v35, v1;
	v36 =	vbroadcast v33, $0x0  }
0x36: {  	v52 =	vld [tilespmem:s6+$0x40];
	v41 =	vadd.f32 v42, v41;
	v42 =	vadd.s32 v13, v48;
	v35 =	vbroadcast v35, $0x0  }
0x37: {  	v39 =	vadd.f32 v40, v39;
	v40 =	vbroadcast v59, $0x0;
	v33 =	vld [tilespmem:s6+$0x0];
	v50 =	vadd.s32 v5, v36  }
0x38: {  	v54 =	vld [tilespmem:s1+$0x40];
	v51 =	vadd.s32 v9, v35;
	v44 =	vadd.f32 v45, v44  }
0x39: {  	v53 =	vld [tilespmem:s6+$0x80];
	v43 =	vadd.f32 v46, v43;
	v63 =	vadd.s32 v17, v40  }
0x3a: {  	s13 =	simm.s32 $0x0;
	v45 =	vld [tilespmem:s1+$0x80];
	[tilespmem:v47+s21+$0x0] =	vst.idx.msk $0xffff, v44  }
0x3b: {  	s17 =	simm.s32 $0x5;
	v56 =	vmov s13;
	[tilespmem:v42+s21+$0x0] =	vst.idx.msk $0xffff, v43;
	v44 =	vld [tilespmem:s6+$0xE0]  }
0x3c: {  	v60 =	vmov s17;
	v56 =	vshrl.u32 v56, $0x3;
	v33 =	vadd.f32 v49, v33;
	[tilespmem:v50+s21+$0x0] =	vst.idx.msk $0xffff, v39;
	v61 =	vld [tilespmem:s1+$0xE0]  }
0x3d: {  	v47 =	vshrl.u32 v60, $0x3;
	v60 =	vshll.u32 v56, v1;
	[tilespmem:v51+s21+$0x0] =	vst.idx.msk $0xffff, v41;
	v41 =	vld [tilespmem:s1+$0xFFFFFFD0]  }
0x3e: {  	v55 =	vadd.s32 v31, v34;
	v47 =	vshll.u32 v47, v1;
	[tilespmem:v63+s21+$0x0] =	vst.idx.msk $0xffff, v33;
	v33 =	vbroadcast v60, $0x0;
	v51 =	vld [tilespmem:s6+$0xFFFFFF50]  }
0x3f: {  	s11 =	simm.s32 $0x6;
	v46 =	vld [tilespmem:s1+$0xFFFFFF50];
	v47 =	vbroadcast v47, $0x0  }
0x40: {  	v62 =	vmov s11;
	v57 =	vld [tilespmem:s6+$0xFFFFFF90];
	v63 =	vadd.s32 v0, v33  }
0x41: {  	v50 =	vshrl.u32 v62, $0x3;
	v42 =	vld [tilespmem:s1+$0xFFFFFF90];
	v43 =	vadd.s32 v21, v47;
	v39 =	vadd.f32 v61, v44  }
0x42: {  	v50 =	vshll.u32 v50, v1;
	v56 =	vld [tilespmem:s6+$0x10]  }
0x43: {  	v37 =	vadd.f32 v38, v37;
	v49 =	vbroadcast v50, $0x0;
	v50 =	vld [tilespmem:s6+$0xFFFFFFD0];
	[tilespmem:v55+s21+$0x0] =	vst.idx.msk $0xffff, v39  }
0x44: {  	v62 =	vadd.f32 v54, v52;
	v52 =	vld [tilespmem:s6+$0xF0]  }
0x45: {  	v60 =	vadd.s32 v10, v35;
	[tilespmem:v63+s21+$0x0] =	vst.idx.msk $0xffff, v37;
	v55 =	vld [tilespmem:s1+$0xF0]  }
0x46: {  	v61 =	vadd.s32 v25, v49;
	[tilespmem:v43+s21+$0x0] =	vst.idx.msk $0xffff, v62;
	v43 =	vld [tilespmem:s1+$0x10]  }
0x47: {  	v54 =	vld [tilespmem:s6+$0xFFFFFF10]  }
0x48: {  	v59 =	vadd.s32 v6, v36;
	v63 =	vadd.f32 v42, v57;
	v42 =	vld [tilespmem:s1+$0xFFFFFF10]  }
0x49: {  	v58 =	vadd.f32 v45, v53;
	v53 =	vld [tilespmem:s6+$0x50]  }
0x4a: {  	v62 =	vadd.s32 v14, v48;
	v38 =	vld [tilespmem:s1+$0x50];
	[tilespmem:v60+s21+$0x0] =	vst.idx.msk $0xffff, v63  }
0x4b: {  	v60 =	vadd.f32 v41, v50;
	[tilespmem:v61+s21+$0x0] =	vst.idx.msk $0xffff, v58;
	v61 =	vadd.f32 v46, v51;
	v50 =	vld [tilespmem:s6+$0xFFFFFFA0]  }
0x4c: {  	v44 =	vld [tilespmem:s6+$0x90]  }
0x4d: {  	v45 =	vadd.s32 v18, v40;
	v46 =	vld [tilespmem:s1+$0x90];
	[tilespmem:v59+s21+$0x0] =	vst.idx.msk $0xffff, v61  }
0x4e: {  	v57 =	vld [tilespmem:s6+$0xFFFFFF60]  }
0x4f: {  	v61 =	vadd.s32 v22, v47;
	v39 =	vld [tilespmem:s1+$0xFFFFFF60]  }
0x50: {  	[tilespmem:v62+s21+$0x0] =	vst.idx.msk $0xffff, v60;
	v62 =	vadd.f32 v43, v56;
	v43 =	vld [tilespmem:s1+$0xFFFFFFA0]  }
0x51: {  	v59 =	vadd.s32 v2, v33;
	v56 =	vld [tilespmem:s6+$0xFFFFFFE0]  }
0x52: {  	v58 =	vadd.f32 v38, v53;
	v38 =	vld [tilespmem:s1+$0xFFFFFFE0];
	[tilespmem:v45+s21+$0x0] =	vst.idx.msk $0xffff, v62  }
0x53: {  	v63 =	vadd.s32 v26, v49;
	v53 =	vld [tilespmem:s6+$0x20]  }
0x54: {  	v42 =	vadd.f32 v42, v54;
	v41 =	vld [tilespmem:s1+$0x20];
	[tilespmem:v61+s21+$0x0] =	vst.idx.msk $0xffff, v58  }
0x55: {  	v62 =	vadd.s32 v11, v35;
	v60 =	vadd.f32 v46, v44;
	v46 =	vld [tilespmem:s6+$0x60]  }
0x56: {  	v61 =	vadd.s32 v7, v36;
	[tilespmem:v59+s21+$0x0] =	vst.idx.msk $0xffff, v42;
	v37 =	vld [tilespmem:s1+$0x60]  }
0x57: {  	v39 =	vadd.f32 v39, v57;
	v57 =	vld [tilespmem:s6+$0xFFFFFF20]  }
0x58: {  	[tilespmem:v63+s21+$0x0] =	vst.idx.msk $0xffff, v60;
	v60 =	vadd.f32 v43, v50;
	v43 =	vld [tilespmem:s1+$0xFFFFFF20]  }
0x59: {  	v63 =	vadd.s32 v15, v48;
	v54 =	vld [tilespmem:s6+$0xA0]  }
0x5a: {  	v42 =	vld [tilespmem:s1+$0xA0];
	[tilespmem:v62+s21+$0x0] =	vst.idx.msk $0xffff, v60  }
0x5b: {  	v38 =	vadd.f32 v38, v56;
	v56 =	vld [tilespmem:s6+$0xFFFFFFB0];
	[tilespmem:v61+s21+$0x0] =	vst.idx.msk $0xffff, v39;
	v61 =	vadd.s32 v19, v40  }
0x5c: {  	v50 =	vld [tilespmem:s6+$0xFFFFFF70]  }
0x5d: {  	v62 =	vadd.s32 v23, v47;
	v39 =	vld [tilespmem:s1+$0xFFFFFF70]  }
0x5e: {  	v34 =	vadd.s32 v32, v34;
	[tilespmem:v63+s21+$0x0] =	vst.idx.msk $0xffff, v38;
	v63 =	vadd.f32 v41, v53;
	v41 =	vld [tilespmem:s1+$0xFFFFFFB0]  }
0x5f: {  	v58 =	vadd.s32 v27, v49;
	v53 =	vld [tilespmem:s6+$0xFFFFFFF0]  }
0x60: {  	v37 =	vadd.f32 v37, v46;
	v38 =	vadd.s32 v3, v33;
	v44 =	vld [tilespmem:s1+$0xFFFFFFF0];
	[tilespmem:v61+s21+$0x0] =	vst.idx.msk $0xffff, v63  }
0x61: {  	v59 =	vadd.f32 v55, v52;
	v36 =	vadd.s32 v8, v36;
	v52 =	vld [tilespmem:s6+$0x30]  }
0x62: {  	v60 =	vadd.f32 v42, v54;
	[tilespmem:v62+s21+$0x0] =	vst.idx.msk $0xffff, v37;
	v61 =	vadd.s32 v12, v35;
	v62 =	vld [tilespmem:s1+$0x30]  }
0x63: {  	[tilespmem:v34+s21+$0x0] =	vst.idx.msk $0xffff, v59;
	v54 =	vadd.s32 v16, v48;
	v55 =	vld [tilespmem:s6+$0x70];
	v63 =	vadd.f32 v43, v57  }
0x64: {  	v40 =	vadd.s32 v20, v40;
	[tilespmem:v58+s21+$0x0] =	vst.idx.msk $0xffff, v60;
	v58 =	vld [tilespmem:s1+$0x70];
	v57 =	vadd.f32 v39, v50  }
0x65: {  	v35 =	vld [tilespmem:s6+$0xB0];
	v59 =	vadd.f32 v41, v56;
	[tilespmem:v38+s21+$0x0] =	vst.idx.msk $0xffff, v63  }
0x66: {  	s17 =	simm.s32 $0xF;
	v37 =	vld [tilespmem:s1+$0xB0];
	v39 =	vadd.s32 v24, v47;
	v60 =	vadd.f32 v44, v53;
	[tilespmem:v36+s21+$0x0] =	vst.idx.msk $0xffff, v57  }
0x67: {  	v34 =	vld [tilespmem:s6+$0xFFFFFF30];
	[tilespmem:v61+s21+$0x0] =	vst.idx.msk $0xffff, v59;
	v61 =	vmov s17;
	v62 =	vadd.f32 v62, v52  }
0x68: {  	s11 =	simm.s32 $0x8;
	v38 =	vadd.s32 v28, v49;
	v36 =	vld [tilespmem:s1+$0xFFFFFF30];
	s6 =	simm.s32 $0xC300;
	[tilespmem:v54+s21+$0x0] =	vst.idx.msk $0xffff, v60;
	v63 =	vshrl.u32 v61, $0x3  }
0x69: {  	v46 =	vmov s11;
	s1 =	simm.s32 $0x10;
	v42 =	vld [tilespmem:s6+$0xC0];
	s17 =	simm.s32 $0x4300;
	v41 =	vshll.u32 v63, v1;
	[tilespmem:v40+s21+$0x0] =	vst.idx.msk $0xffff, v62;
	v40 =	vadd.f32 v58, v55  }
.LBB2_3:
0x6a: {  	p1 =	slt.u32 s1, $0x78;
	v43 =	vshrl.u32 v46, $0x3;
	s0 =	sadd.s32 $0x1, s11;
	v44 =	vld [tilespmem:s17+$0xC0];
	v41 =	vbroadcast v41, $0x0;
	v45 =	vadd.s32 v4, v33  }
0x6b: {  	v46 =	vld [tilespmem:s6+$0xFFFFFF00];
	v33 =	vshll.u32 v43, v1;
	v43 =	vmov s0;
	[tilespmem:v39+s21+$0x0] =	vst.idx.msk $0xffff, v40;
	v35 =	vadd.f32 v37, v35  }
0x6c: {  	s0 =	sadd.s32 $0x2, s11;
	v37 =	vld [tilespmem:s17+$0xFFFFFF00];
	v33 =	vbroadcast v33, $0x0;
	v39 =	vshrl.u32 v43, $0x3;
	v40 =	vadd.s32 v29, v41  }
0x6d: {  	v47 =	vmov s0;
	v43 =	vld [tilespmem:s6+$0xFFFFFF40];
	v39 =	vshll.u32 v39, v1;
	v36 =	vadd.f32 v36, v34;
	[tilespmem:v38+s21+$0x0] =	vst.idx.msk $0xffff, v35  }
0x6e: {  	v35 =	vshrl.u32 v47, $0x3;
	v38 =	vadd.s32 v0, v33;
	v48 =	vld [tilespmem:s17+$0xFFFFFF40];
	v34 =	vbroadcast v39, $0x0  }
0x6f: {  	v35 =	vshll.u32 v35, v1;
	v39 =	vld [tilespmem:s6+$0xFFFFFF80];
	v42 =	vadd.f32 v44, v42;
	[tilespmem:v45+s21+$0x0] =	vst.idx.msk $0xffff, v36  }
0x70: {  	s0 =	sadd.s32 $0x3, s11;
	v35 =	vbroadcast v35, $0x0;
	v44 =	vadd.s32 v5, v34;
	v45 =	vld [tilespmem:s17+$0xFFFFFF80]  }
0x71: {  	v36 =	vadd.f32 v37, v46;
	v37 =	vmov s0;
	v46 =	vld [tilespmem:s6+$0xFFFFFFC0];
	s0 =	sadd.s32 $0x4, s11;
	[tilespmem:v40+s21+$0x0] =	vst.idx.msk $0xffff, v42  }
0x72: {  	v40 =	vadd.s32 v9, v35;
	v37 =	vshrl.u32 v37, $0x3;
	v42 =	vmov s0;
	v47 =	vld [tilespmem:s6+$0xD0]  }
0x73: {  	s0 =	sadd.s32 $0x5, s11;
	[tilespmem:v38+s21+$0x0] =	vst.idx.msk $0xffff, v36;
	v38 =	vadd.f32 v48, v43;
	v36 =	vshll.u32 v37, v1;
	v37 =	vshrl.u32 v42, $0x3;
	v42 =	vld [tilespmem:s17+$0xD0]  }
0x74: {  	v48 =	vmov s0;
	s0 =	sadd.s32 $0x6, s11;
	s11 =	smov.u32 s1;
	v43 =	vld [tilespmem:s17+$0xFFFFFFC0];
	v36 =	vbroadcast v36, $0x0;
	v37 =	vshll.u32 v37, v1  }
0x75: {  	[tilespmem:v44+s21+$0x0] =	vst.idx.msk $0xffff, v38;
	v38 =	vadd.f32 v45, v39;
	v44 =	vld [tilespmem:s6+$0x0];
	v39 =	vmov s0;
	v45 =	vadd.s32 v30, v41  }
0x76: {  	v48 =	vshrl.u32 v48, $0x3;
	v37 =	vbroadcast v37, $0x0;
	v49 =	vadd.s32 v13, v36;
	v50 =	vld [tilespmem:s17+$0x0]  }
0x77: {  	[tilespmem:v40+s21+$0x0] =	vst.idx.msk $0xffff, v38;
	v40 =	vld [tilespmem:s6+$0x40];
	v38 =	vshll.u32 v48, v1;
	v48 =	vshrl.u32 v39, $0x3  }
0x78: {  	v51 =	vadd.s32 v17, v37;
	v52 =	vld [tilespmem:s17+$0x40];
	v39 =	vbroadcast v38, $0x0;
	v42 =	vadd.f32 v42, v47  }
0x79: {  	v38 =	vshll.u32 v48, v1;
	v43 =	vadd.f32 v43, v46;
	v46 =	vld [tilespmem:s6+$0x80]  }
0x7a: {  	v38 =	vbroadcast v38, $0x0;
	v47 =	vadd.s32 v21, v39;
	v48 =	vld [tilespmem:s17+$0x80];
	[tilespmem:v45+s21+$0x0] =	vst.idx.msk $0xffff, v42  }
0x7b: {  	[tilespmem:v49+s21+$0x0] =	vst.idx.msk $0xffff, v43;
	v42 =	vadd.f32 v50, v44;
	v43 =	vld [tilespmem:s6+$0xE0]  }
0x7c: {  	v44 =	vadd.s32 v25, v38;
	v45 =	vld [tilespmem:s17+$0xE0]  }
0x7d: {  	v49 =	vld [tilespmem:s6+$0xFFFFFF50];
	[tilespmem:v51+s21+$0x0] =	vst.idx.msk $0xffff, v42;
	v40 =	vadd.f32 v52, v40  }
0x7e: {  	v50 =	vadd.s32 v31, v41;
	v42 =	vld [tilespmem:s17+$0xFFFFFF50]  }
0x7f: {  	v51 =	vld [tilespmem:s6+$0xFFFFFF90];
	[tilespmem:v47+s21+$0x0] =	vst.idx.msk $0xffff, v40;
	v40 =	vadd.f32 v48, v46  }
0x80: {  	v46 =	vadd.s32 v6, v34;
	v47 =	vld [tilespmem:s17+$0xFFFFFF90]  }
0x81: {  	v48 =	vld [tilespmem:s6+$0xFFFFFFD0];
	[tilespmem:v44+s21+$0x0] =	vst.idx.msk $0xffff, v40;
	v40 =	vadd.f32 v45, v43  }
0x82: {  	v43 =	vadd.s32 v10, v35;
	v44 =	vld [tilespmem:s17+$0xFFFFFFD0]  }
0x83: {  	v42 =	vadd.f32 v42, v49;
	v45 =	vld [tilespmem:s6+$0x10];
	[tilespmem:v50+s21+$0x0] =	vst.idx.msk $0xffff, v40  }
0x84: {  	v40 =	vadd.s32 v14, v36;
	v49 =	vld [tilespmem:s6+$0xF0]  }
0x85: {  	[tilespmem:v46+s21+$0x0] =	vst.idx.msk $0xffff, v42;
	v42 =	vadd.f32 v47, v51;
	v46 =	vld [tilespmem:s17+$0xF0]  }
0x86: {  	v47 =	vld [tilespmem:s17+$0x10]  }
0x87: {  	v41 =	vadd.s32 v32, v41;
	[tilespmem:v43+s21+$0x0] =	vst.idx.msk $0xffff, v42;
	v42 =	vadd.f32 v44, v48;
	v43 =	vld [tilespmem:s6+$0x50]  }
0x88: {  	v44 =	vadd.s32 v18, v37;
	v48 =	vld [tilespmem:s17+$0x50]  }
0x89: {  	[tilespmem:v40+s21+$0x0] =	vst.idx.msk $0xffff, v42;
	v40 =	vld [tilespmem:s6+$0x90]  }
0x8a: {  	v42 =	vadd.s32 v22, v39;
	v50 =	vld [tilespmem:s17+$0x90];
	v46 =	vadd.f32 v46, v49  }
0x8b: {  	v49 =	vld [tilespmem:s6+$0xFFFFFF10];
	v45 =	vadd.f32 v47, v45  }
0x8c: {  	v51 =	vadd.s32 v26, v38;
	v47 =	vld [tilespmem:s17+$0xFFFFFF10];
	[tilespmem:v41+s21+$0x0] =	vst.idx.msk $0xffff, v46  }
0x8d: {  	v41 =	vld [tilespmem:s6+$0xFFFFFF60];
	[tilespmem:v44+s21+$0x0] =	vst.idx.msk $0xffff, v45;
	v43 =	vadd.f32 v48, v43  }
0x8e: {  	v44 =	vadd.s32 v2, v33;
	v45 =	vld [tilespmem:s17+$0xFFFFFF60]  }
0x8f: {  	v46 =	vld [tilespmem:s6+$0xFFFFFFA0];
	[tilespmem:v42+s21+$0x0] =	vst.idx.msk $0xffff, v43;
	v40 =	vadd.f32 v50, v40  }
0x90: {  	v42 =	vadd.s32 v7, v34;
	v43 =	vld [tilespmem:s17+$0xFFFFFFA0]  }
0x91: {  	v47 =	vadd.f32 v47, v49;
	v48 =	vld [tilespmem:s6+$0xFFFFFFE0];
	[tilespmem:v51+s21+$0x0] =	vst.idx.msk $0xffff, v40  }
0x92: {  	v40 =	vadd.s32 v11, v35;
	v49 =	vld [tilespmem:s17+$0xFFFFFFE0]  }
0x93: {  	[tilespmem:v44+s21+$0x0] =	vst.idx.msk $0xffff, v47;
	v41 =	vadd.f32 v45, v41;
	v44 =	vld [tilespmem:s6+$0x20]  }
0x94: {  	v45 =	vadd.s32 v15, v36;
	v47 =	vld [tilespmem:s17+$0x20]  }
0x95: {  	[tilespmem:v42+s21+$0x0] =	vst.idx.msk $0xffff, v41;
	v41 =	vadd.f32 v43, v46;
	v42 =	vld [tilespmem:s6+$0x60]  }
0x96: {  	v43 =	vadd.s32 v19, v37;
	v46 =	vld [tilespmem:s17+$0x60]  }
0x97: {  	[tilespmem:v40+s21+$0x0] =	vst.idx.msk $0xffff, v41;
	v40 =	vadd.f32 v49, v48;
	v41 =	vld [tilespmem:s6+$0xA0]  }
0x98: {  	v48 =	vadd.s32 v23, v39;
	v49 =	vld [tilespmem:s17+$0xA0]  }
0x99: {  	v50 =	vld [tilespmem:s6+$0xFFFFFF20];
	[tilespmem:v45+s21+$0x0] =	vst.idx.msk $0xffff, v40;
	v40 =	vadd.f32 v47, v44  }
0x9a: {  	v45 =	vadd.s32 v27, v38;
	v44 =	vld [tilespmem:s17+$0xFFFFFF20]  }
0x9b: {  	v47 =	vld [tilespmem:s6+$0xFFFFFF70];
	[tilespmem:v43+s21+$0x0] =	vst.idx.msk $0xffff, v40;
	v40 =	vadd.f32 v46, v42  }
0x9c: {  	v42 =	vadd.s32 v3, v33;
	v43 =	vld [tilespmem:s17+$0xFFFFFF70]  }
0x9d: {  	v46 =	vld [tilespmem:s6+$0xFFFFFFB0];
	[tilespmem:v48+s21+$0x0] =	vst.idx.msk $0xffff, v40;
	v40 =	vadd.f32 v49, v41  }
0x9e: {  	v34 =	vadd.s32 v8, v34;
	v41 =	vld [tilespmem:s17+$0xFFFFFFB0]  }
0x9f: {  	v44 =	vadd.f32 v44, v50;
	v48 =	vld [tilespmem:s6+$0xFFFFFFF0];
	[tilespmem:v45+s21+$0x0] =	vst.idx.msk $0xffff, v40  }
0xa0: {  	v35 =	vadd.s32 v12, v35;
	v40 =	vld [tilespmem:s17+$0xFFFFFFF0]  }
0xa1: {  	[tilespmem:v42+s21+$0x0] =	vst.idx.msk $0xffff, v44;
	v42 =	vadd.f32 v43, v47;
	v43 =	vld [tilespmem:s6+$0x30]  }
0xa2: {  	v36 =	vadd.s32 v16, v36;
	v44 =	vld [tilespmem:s17+$0x30]  }
0xa3: {  	[tilespmem:v34+s21+$0x0] =	vst.idx.msk $0xffff, v42;
	v34 =	vadd.f32 v41, v46;
	v45 =	vld [tilespmem:s6+$0x70]  }
0xa4: {  	v47 =	vadd.s32 v20, v37;
	v49 =	vld [tilespmem:s17+$0x70]  }
.Ltmp0:
0xa5: {  	[tilespmem:v35+s21+$0x0] =	vst.idx.msk $0xffff, v34;
	v40 =	vadd.f32 v40, v48;
	v35 =	vld [tilespmem:s6+$0xB0];
	(pc) =	sbr.rel @p1 .LBB2_3-.Ltmp0, $4  }
0xa6: {  	s0 =	sadd.s32 $0x7, s1;
	v39 =	vadd.s32 v24, v39;
	v37 =	vld [tilespmem:s17+$0xB0]  }
0xa7: {  	v41 =	vmov s0;
	v34 =	vld [tilespmem:s6+$0xFFFFFF30];
	[tilespmem:v36+s21+$0x0] =	vst.idx.msk $0xffff, v40;
	v40 =	vadd.f32 v44, v43  }
0xa8: {  	v38 =	vadd.s32 v28, v38;
	v41 =	vshrl.u32 v41, $0x3;
	s6 =	sadd.s32 $0x200, s6;
	v36 =	vld [tilespmem:s17+$0xFFFFFF30]  }
0xa9: {  	s1 =	sadd.s32 $0x8, s1;
	v46 =	vmov s11;
	v41 =	vshll.u32 v41, v1;
	s17 =	sadd.s32 $0x200, s17;
	v42 =	vld [tilespmem:s6+$0xC0];
	[tilespmem:v47+s21+$0x0] =	vst.idx.msk $0xffff, v40;
	v40 =	vadd.f32 v49, v45  }
0xaa: {  	v44 =	vld [tilespmem:s6+$0xFFFFFF00];
	_ =	sdelay $0x4  }
0xab: {  	v43 =	vld [tilespmem:s17+$0xC0];
	v41 =	vbroadcast v41, $0x0;
	[tilespmem:$0x1FFC0] =	vst v44  }
0xac: {  	v44 =	vld [tilespmem:s17+$0xFFFFFF00]  }
0xad: {  	v61 =	vadd.s32 v29, v41;
	_ =	sdelay $0x2  }
0xae: {  	v42 =	vadd.f32 v43, v42  }
0xaf: {  	[tilespmem:$0x1FFD0] =	vst v44  }
0xb0: {  	s0 =	sadd.s32 $0x1, s11;
	v45 =	vld [tilespmem:s6+$0xFFFFFF40];
	[tilespmem:v61+s21+$0x0] =	vst.idx.msk $0xffff, v42  }
0xb1: {  	v62 =	vmov s0;
	v44 =	vld [tilespmem:s6+$0xD0]  }
0xb2: {  	v42 =	vshrl.u32 v62, $0x3;
	v53 =	vld [tilespmem:s17+$0xD0]  }
0xb3: {  	v49 =	vld [tilespmem:s17+$0xFFFFFF40];
	v42 =	vshll.u32 v42, v1  }
0xb4: {  	s1 =	sadd.s32 $0x2, s11;
	v56 =	vadd.s32 v30, v41;
	v50 =	vld [tilespmem:s6+$0xFFFFFF80];
	v48 =	vbroadcast v42, $0x0  }
0xb5: {  	v63 =	vmov s1;
	v51 =	vld [tilespmem:s17+$0xFFFFFF80]  }
0xb6: {  	v43 =	vshrl.u32 v63, $0x3;
	v52 =	vld [tilespmem:s6+$0xFFFFFFC0];
	v59 =	vadd.s32 v5, v48  }
0xb7: {  	v54 =	vshll.u32 v43, v1;
	v55 =	vld [tilespmem:s17+$0xFFFFFFC0];
	v53 =	vadd.f32 v53, v44  }
0xb8: {  	v63 =	vbroadcast v54, $0x0;
	v54 =	vld [tilespmem:s6+$0x0];
	[tilespmem:$0x1FFE0] =	vst v41  }
0xb9: {  	s1 =	sadd.s32 $0x3, s11;
	v49 =	vadd.f32 v49, v45;
	[tilespmem:v56+s21+$0x0] =	vst.idx.msk $0xffff, v53  }
0xba: {  	v57 =	vmov s1;
	v53 =	vld [tilespmem:s6+$0xE0]  }
0xbb: {  	s13 =	sadd.s32 $0x4, s11;
	v57 =	vshrl.u32 v57, $0x3;
	v60 =	vadd.s32 v9, v63;
	[tilespmem:v59+s21+$0x0] =	vst.idx.msk $0xffff, v49;
	v49 =	vld [tilespmem:s17+$0xE0]  }
0xbc: {  	v57 =	vshll.u32 v57, v1;
	v62 =	vmov s13;
	v58 =	vld [tilespmem:s17+$0x0]  }
0xbd: {  	v47 =	vbroadcast v57, $0x0;
	v62 =	vshrl.u32 v62, $0x3;
	v41 =	vadd.s32 v31, v41;
	v61 =	vld [tilespmem:s6+$0x40]  }
0xbe: {  	s1 =	sadd.s32 $0x5, s11;
	v42 =	vld [tilespmem:s17+$0x40];
	v43 =	vshll.u32 v62, v1;
	v50 =	vadd.f32 v51, v50  }
0xbf: {  	s13 =	sadd.s32 $0x6, s11;
	v57 =	vld [tilespmem:s6+$0x80];
	v51 =	vadd.s32 v13, v47;
	v45 =	vbroadcast v43, $0x0;
	v43 =	vmov s1  }
0xc0: {  	v62 =	vld [tilespmem:s17+$0x80];
	v44 =	vmov s13;
	[tilespmem:v60+s21+$0x0] =	vst.idx.msk $0xffff, v50;
	v56 =	vshrl.u32 v43, $0x3;
	v49 =	vadd.f32 v49, v53  }
0xc1: {  	v56 =	vshll.u32 v56, v1;
	v59 =	vshrl.u32 v44, $0x3;
	v44 =	vld [tilespmem:s6+$0xFFFFFF90]  }
0xc2: {  	v50 =	vadd.s32 v17, v45;
	v60 =	vld [tilespmem:s6+$0xFFFFFF50];
	v56 =	vbroadcast v56, $0x0;
	[tilespmem:v41+s21+$0x0] =	vst.idx.msk $0xffff, v49  }
0xc3: {  	v52 =	vadd.f32 v55, v52;
	v49 =	vld [tilespmem:s6+$0xF0]  }
0xc4: {  	v43 =	vadd.f32 v58, v54;
	v55 =	vld [tilespmem:s17+$0xFFFFFF50];
	v54 =	vadd.s32 v21, v56  }
0xc5: {  	v59 =	vshll.u32 v59, v1;
	[tilespmem:v51+s21+$0x0] =	vst.idx.msk $0xffff, v52;
	v52 =	vld [tilespmem:s17+$0xFFFFFF90]  }
0xc6: {  	v58 =	vbroadcast v59, $0x0;
	v59 =	vld [tilespmem:s6+$0xFFFFFFD0]  }
0xc7: {  	[tilespmem:v50+s21+$0x0] =	vst.idx.msk $0xffff, v43;
	v50 =	vld [tilespmem:s17+$0xFFFFFFD0];
	v41 =	vadd.f32 v42, v61  }
0xc8: {  	v53 =	vld [tilespmem:s6+$0x10];
	[tilespmem:$0x1FFF0] =	vst v49  }
0xc9: {  	v46 =	vshrl.u32 v46, $0x3;
	[tilespmem:v54+s21+$0x0] =	vst.idx.msk $0xffff, v41  }
0xca: {  	v46 =	vshll.u32 v46, v1;
	v42 =	vld [tilespmem:$0x1FFC0]  }
0xcb: {  	v46 =	vbroadcast v46, $0x0;
	v51 =	vadd.s32 v25, v58;
	v43 =	vld [tilespmem:$0x1FFD0];
	_ =	sdelay $0x1  }
0xcc: {  	v61 =	vadd.s32 v0, v46;
	v49 =	vld [tilespmem:s17+$0xF0]  }
0xcd: {  	v41 =	vadd.f32 v62, v57;
	v54 =	vld [tilespmem:s17+$0x10]  }
0xce: {  	v57 =	vadd.s32 v6, v48;
	v62 =	vld [tilespmem:s6+$0x50]  }
0xcf: {  	[tilespmem:v51+s21+$0x0] =	vst.idx.msk $0xffff, v41;
	v41 =	vld [tilespmem:s17+$0x50];
	v42 =	vadd.f32 v43, v42  }
0xd0: {  	v51 =	vadd.s32 v10, v63;
	v43 =	vld [tilespmem:s6+$0x90]  }
0xd1: {  	[tilespmem:v61+s21+$0x0] =	vst.idx.msk $0xffff, v42;
	v42 =	vadd.f32 v55, v60;
	v55 =	vld [tilespmem:s17+$0x90]  }
0xd2: {  	v60 =	vadd.s32 v14, v47;
	v61 =	vld [tilespmem:s6+$0xFFFFFF10]  }
0xd3: {  	[tilespmem:v57+s21+$0x0] =	vst.idx.msk $0xffff, v42;
	v42 =	vadd.f32 v52, v44;
	v44 =	vld [tilespmem:s17+$0xFFFFFF10]  }
0xd4: {  	v52 =	vadd.s32 v18, v45;
	v57 =	vld [tilespmem:s6+$0xFFFFFF60]  }
0xd5: {  	[tilespmem:v51+s21+$0x0] =	vst.idx.msk $0xffff, v42;
	v42 =	vadd.f32 v50, v59;
	v50 =	vld [tilespmem:s17+$0xFFFFFF60]  }
0xd6: {  	v51 =	vadd.s32 v22, v56;
	v59 =	vld [tilespmem:s6+$0xFFFFFFA0]  }
0xd7: {  	[tilespmem:v60+s21+$0x0] =	vst.idx.msk $0xffff, v42;
	v42 =	vadd.f32 v54, v53;
	v53 =	vld [tilespmem:s17+$0xFFFFFFA0]  }
0xd8: {  	v54 =	vadd.s32 v26, v58;
	v60 =	vld [tilespmem:s6+$0xFFFFFFE0]  }
0xd9: {  	v41 =	vadd.f32 v41, v62;
	[tilespmem:v52+s21+$0x0] =	vst.idx.msk $0xffff, v42;
	v42 =	vld [tilespmem:s17+$0xFFFFFFE0]  }
0xda: {  	v52 =	vadd.s32 v2, v46;
	v62 =	vld [tilespmem:s6+$0x20]  }
0xdb: {  	[tilespmem:v51+s21+$0x0] =	vst.idx.msk $0xffff, v41;
	v41 =	vadd.f32 v55, v43;
	v43 =	vld [tilespmem:s17+$0x20]  }
0xdc: {  	v51 =	vadd.s32 v7, v48;
	v55 =	vld [tilespmem:s6+$0x60]  }
0xdd: {  	v44 =	vadd.f32 v44, v61;
	[tilespmem:v54+s21+$0x0] =	vst.idx.msk $0xffff, v41;
	v41 =	vld [tilespmem:s17+$0x60]  }
0xde: {  	v54 =	vadd.s32 v11, v63;
	v61 =	vld [tilespmem:s6+$0xA0]  }
0xdf: {  	[tilespmem:v52+s21+$0x0] =	vst.idx.msk $0xffff, v44;
	v44 =	vadd.f32 v50, v57;
	v50 =	vld [tilespmem:s17+$0xA0]  }
0xe0: {  	v52 =	vadd.s32 v15, v47;
	v57 =	vld [tilespmem:s6+$0xFFFFFF20]  }
0xe1: {  	[tilespmem:v51+s21+$0x0] =	vst.idx.msk $0xffff, v44;
	v44 =	vadd.f32 v53, v59;
	v51 =	vld [tilespmem:s17+$0xFFFFFF20]  }
0xe2: {  	v53 =	vadd.s32 v19, v45;
	v59 =	vld [tilespmem:s6+$0xFFFFFF70]  }
0xe3: {  	v42 =	vadd.f32 v42, v60;
	[tilespmem:v54+s21+$0x0] =	vst.idx.msk $0xffff, v44;
	v44 =	vld [tilespmem:s17+$0xFFFFFF70]  }
0xe4: {  	v54 =	vadd.s32 v23, v56;
	v60 =	vld [tilespmem:s6+$0xFFFFFFB0]  }
0xe5: {  	[tilespmem:v52+s21+$0x0] =	vst.idx.msk $0xffff, v42;
	v42 =	vadd.f32 v43, v62;
	v43 =	vld [tilespmem:s17+$0xFFFFFFB0];
	v52 =	vadd.s32 v27, v58  }
0xe6: {  	v62 =	vld [tilespmem:s6+$0xFFFFFFF0]  }
0xe7: {  	v41 =	vadd.f32 v41, v55;
	[tilespmem:v53+s21+$0x0] =	vst.idx.msk $0xffff, v42;
	v42 =	vld [tilespmem:s17+$0xFFFFFFF0];
	v53 =	vadd.s32 v3, v46  }
0xe8: {  	[tilespmem:v39+s21+$0x0] =	vst.idx.msk $0xffff, v40;
	v61 =	vadd.f32 v50, v61;
	v55 =	vld [tilespmem:s6+$0x30]  }
0xe9: {  	v35 =	vadd.f32 v37, v35;
	v50 =	vld [tilespmem:s17+$0x30];
	[tilespmem:v54+s21+$0x0] =	vst.idx.msk $0xffff, v41  }
0xea: {  	v57 =	vadd.f32 v51, v57;
	v54 =	vld [tilespmem:$0x1FFE0];
	[tilespmem:v52+s21+$0x0] =	vst.idx.msk $0xffff, v61  }
0xeb: {  	v33 =	vadd.s32 v4, v33;
	v34 =	vadd.f32 v36, v34;
	[tilespmem:v38+s21+$0x0] =	vst.idx.msk $0xffff, v35;
	v36 =	vld [tilespmem:s6+$0xB0]  }
0xec: {  	v35 =	vadd.s32 v12, v63;
	v63 =	vld [tilespmem:s17+$0xB0];
	[tilespmem:v53+s21+$0x0] =	vst.idx.msk $0xffff, v57  }
0xed: {  	v61 =	vadd.s32 v16, v47;
	v38 =	vld [tilespmem:$0x1FFF0]  }
0xee: {  	v58 =	vadd.s32 v28, v58;
	v39 =	vld [tilespmem:s6+$0x70]  }
0xef: {  	v40 =	vadd.s32 v8, v48;
	v48 =	vld [tilespmem:s17+$0x70];
	v53 =	vadd.f32 v43, v60;
	v37 =	vadd.s32 v32, v54  }
0xf0: {  	v51 =	vadd.s32 v20, v45;
	v57 =	vadd.f32 v42, v62;
	[tilespmem:v33+s21+$0x0] =	vst.idx.msk $0xffff, v34;
	v52 =	vld [tilespmem:s6+$0xFFFFFF30]  }
0xf1: {  	v54 =	vadd.s32 v24, v56;
	v56 =	vld [tilespmem:s17+$0xFFFFFF30];
	[tilespmem:v35+s21+$0x0] =	vst.idx.msk $0xffff, v53;
	v62 =	vadd.f32 v63, v36  }
0xf2: {  	[tilespmem:v61+s21+$0x0] =	vst.idx.msk $0xffff, v57;
	v38 =	vadd.f32 v49, v38  }
0xf3: {  	v60 =	vadd.s32 v4, v46;
	v49 =	vadd.f32 v44, v59;
	[tilespmem:v58+s21+$0x0] =	vst.idx.msk $0xffff, v62  }
0xf4: {  	v59 =	vadd.f32 v50, v55;
	[tilespmem:v37+s21+$0x0] =	vst.idx.msk $0xffff, v38  }
0xf5: {  	v61 =	vadd.f32 v48, v39;
	s17 =	sor.u32 s7, s12;
	[tilespmem:v40+s21+$0x0] =	vst.idx.msk $0xffff, v49  }
0xf6: {  	s17 =	sshll.u32 s17, $0xC;
	[tilespmem:v51+s21+$0x0] =	vst.idx.msk $0xffff, v59;
	v63 =	vadd.f32 v56, v52  }
0xf7: {  	s11 =	simm.s32 $0x40;
	s1 =	sadd.s32 s2, s17;
	[tilespmem:v54+s21+$0x0] =	vst.idx.msk $0xffff, v61  }
0xf8: {  	s13 =	simm.s32 $0x14088;
	s6 =	simm.s32 $0x14000;
	s0 =	sadd.s32 $0x0, s1;
	[tilespmem:v60+s21+$0x0] =	vst.idx.msk $0xffff, v63  }
.LBB2_5:
0xf9: {  	[hbm4b:s0+s3] =	stream.linear.scatter [tilespmem:s6], [sflag:$0x5], $0x80, $0x38;
	[tilespmem:$0x1C800] =	vst v63  }
0xfa: {  	s0 =	smov.u32 s11;
	s6 =	smov.u32 s13;
	p1 =	sne.s32 s11, $0xFC0  }
.Ltmp1:
0xfb: {  	s11 =	sadd.s32 $0x40, s11;
	(pc) =	sbr.rel @p1 .LBB2_5-.Ltmp1, $2  }
0xfc: {  	_ =	sdelay $0x2  }
0xfd: {  	s13 =	sadd.s32 $0x88, s13;
	s0 =	sadd.s32 s0, s1  }
0xfe: {  	p1 =	sne.s32 s12, $0x1F  }
.Ltmp2:
0xff: {  	_ = 	snop;
	(pc) =	sbr.rel @p1 .LBB2_8-.Ltmp2, $2  }
0x100: {  	_ =	sdelay $0x2  }
0x101: {  	[hbm4b:s0+s3] =	stream.linear.scatter [tilespmem:s6], [sflag:$0x5], $0x80, $0x38;
	[tilespmem:$0x1C800] =	vst v63  }
.Ltmp3:
0x102: {  	(pc) =	sbr.rel .LBB2_9-.Ltmp3, $4  }
0x103: {  	_ = 	snop  }
0x104: {  	_ =	swait.ge [sflag:s22], $0x2000  }
0x105: {  	[sflag:s22] =	ssyncset.done $0x0  }
0x106: {  	[sflag:s22] =	ssyncadd.s32 $0xFFFFE000  }
.LBB2_8:
.Ltmp4:
0x107: {  	s0 =	sadd.s32 $0x200, s5;
	(pc) =	sbr.rel @p0 .LBB2_10-.Ltmp4, $4  }
0x108: {  	[tilespmem:s15], [sflag:$0x1] =	stream.indirect.gather [hbm4b:s4+s14], $0x40, s0, s14, $0xb8;
	[tilespmem:$0x1C800] =	vst v63  }
0x109: {  	_ =	swait.ge [sflag:s22], $0x2000  }
0x10a: {  	[sflag:s22] =	ssyncset.done $0x0  }
0x10b: {  	[sflag:s22] =	ssyncadd.s32 $0xFFFFE000  }
.LBB2_9:
0x10c: {  	_ =	swait.ge [sflag:s23], $0x2000  }
0x10d: {  	[sflag:s23] =	ssyncset.done $0x0  }
0x10e: {  	[sflag:s23] =	ssyncadd.s32 $0xFFFFE000  }
.LBB2_10:
0x10f: {  	s0 =	simm.s32 $0x7  }
0x110: {  	v33 =	vmov s0  }
0x111: {  	s1 =	simm.s32 $0xE100;
	v33 =	vshrl.u32 v33, $0x3  }
0x112: {  	s6 =	simm.s32 $0x61F0;
	v35 =	vld [tilespmem:s1+$0xC0];
	v33 =	vshll.u32 v33, v1  }
0x113: {  	v36 =	vld [tilespmem:s6+$0xFFFFFFD0];
	v34 =	vbroadcast v33, $0x0  }
0x114: {  	v37 =	vld [tilespmem:s1+$0xFFFFFF00]  }
0x115: {  	v38 =	vld [tilespmem:s6+$0xFFFFFE10];
	v33 =	vadd.s32 v29, v34  }
0x116: {  	v39 =	vld [tilespmem:s1+$0xFFFFFF40]  }
0x117: {  	v40 =	vld [tilespmem:s6+$0xFFFFFE50]  }
0x118: {  	s13 =	simm.s32 $0x1;
	s11 =	simm.s32 $0x2;
	v41 =	vld [tilespmem:s1+$0xFFFFFF80];
	v35 =	vadd.f32 v36, v35  }
0x119: {  	v42 =	vld [tilespmem:s6+$0xFFFFFE90];
	v56 =	vmov s13;
	v57 =	vmov s11;
	s11 =	simm.s32 $0x3;
	s13 =	simm.s32 $0x4  }
0x11a: {  	v43 =	vld [tilespmem:s1+$0xFFFFFFC0];
	v48 =	vmov s11;
	v53 =	vmov s13;
	[tilespmem:v33+s24+$0x0] =	vst.idx.msk $0xffff, v35  }
0x11b: {  	v48 =	vshrl.u32 v48, $0x3;
	v58 =	vshrl.u32 v53, $0x3;
	v44 =	vld [tilespmem:s1+$0xD0]  }
0x11c: {  	v48 =	vshll.u32 v48, v1;
	v59 =	vshll.u32 v58, v1;
	v33 =	vshrl.u32 v56, $0x3;
	v45 =	vld [tilespmem:s6+$0xFFFFFFE0]  }
0x11d: {  	v46 =	vld [tilespmem:s6+$0xFFFFFED0];
	v48 =	vbroadcast v48, $0x0;
	v35 =	vshrl.u32 v57, $0x3;
	v33 =	vshll.u32 v33, v1  }
0x11e: {  	v49 =	vld [tilespmem:s6+$0xFFFFFF10];
	v47 =	vadd.s32 v30, v34;
	v35 =	vshll.u32 v35, v1;
	v36 =	vbroadcast v33, $0x0  }
0x11f: {  	v52 =	vld [tilespmem:s1+$0x40];
	v41 =	vadd.f32 v42, v41;
	v42 =	vadd.s32 v13, v48;
	v35 =	vbroadcast v35, $0x0  }
0x120: {  	v39 =	vadd.f32 v40, v39;
	v40 =	vbroadcast v59, $0x0;
	v33 =	vld [tilespmem:s1+$0x0];
	v50 =	vadd.s32 v5, v36  }
0x121: {  	v54 =	vld [tilespmem:s6+$0xFFFFFF50];
	v51 =	vadd.s32 v9, v35;
	v44 =	vadd.f32 v45, v44  }
0x122: {  	s11 =	simm.s32 $0x5;
	v53 =	vld [tilespmem:s1+$0x80];
	v43 =	vadd.f32 v46, v43;
	v63 =	vadd.s32 v17, v40  }
0x123: {  	v60 =	vmov s11;
	s11 =	simm.s32 $0x0;
	v45 =	vld [tilespmem:s6+$0xFFFFFF90];
	[tilespmem:v47+s24+$0x0] =	vst.idx.msk $0xffff, v44  }
0x124: {  	v56 =	vmov s11;
	[tilespmem:v42+s24+$0x0] =	vst.idx.msk $0xffff, v43;
	v44 =	vld [tilespmem:s1+$0xE0]  }
0x125: {  	v56 =	vshrl.u32 v56, $0x3;
	v33 =	vadd.f32 v49, v33;
	[tilespmem:v50+s24+$0x0] =	vst.idx.msk $0xffff, v39;
	v61 =	vld [tilespmem:s6+$0xFFFFFFF0]  }
0x126: {  	v47 =	vshrl.u32 v60, $0x3;
	v60 =	vshll.u32 v56, v1;
	[tilespmem:v51+s24+$0x0] =	vst.idx.msk $0xffff, v41;
	v41 =	vld [tilespmem:s6+$0xFFFFFEE0]  }
0x127: {  	v55 =	vadd.s32 v31, v34;
	v47 =	vshll.u32 v47, v1;
	[tilespmem:v63+s24+$0x0] =	vst.idx.msk $0xffff, v33;
	v33 =	vbroadcast v60, $0x0;
	v51 =	vld [tilespmem:s1+$0xFFFFFF50]  }
0x128: {  	s13 =	simm.s32 $0x6;
	v46 =	vld [tilespmem:s6+$0xFFFFFE60];
	v47 =	vbroadcast v47, $0x0  }
0x129: {  	v62 =	vmov s13;
	v57 =	vld [tilespmem:s1+$0xFFFFFF90];
	v63 =	vadd.s32 v0, v33  }
0x12a: {  	v50 =	vshrl.u32 v62, $0x3;
	v42 =	vld [tilespmem:s6+$0xFFFFFEA0];
	v43 =	vadd.s32 v21, v47;
	v39 =	vadd.f32 v61, v44  }
0x12b: {  	v50 =	vshll.u32 v50, v1;
	v56 =	vld [tilespmem:s1+$0x10]  }
0x12c: {  	v37 =	vadd.f32 v38, v37;
	v49 =	vbroadcast v50, $0x0;
	v50 =	vld [tilespmem:s1+$0xFFFFFFD0];
	[tilespmem:v55+s24+$0x0] =	vst.idx.msk $0xffff, v39  }
0x12d: {  	v62 =	vadd.f32 v54, v52;
	v52 =	vld [tilespmem:s1+$0xF0]  }
0x12e: {  	v60 =	vadd.s32 v10, v35;
	[tilespmem:v63+s24+$0x0] =	vst.idx.msk $0xffff, v37;
	v55 =	vld [tilespmem:s6+$0x0]  }
0x12f: {  	v61 =	vadd.s32 v25, v49;
	[tilespmem:v43+s24+$0x0] =	vst.idx.msk $0xffff, v62;
	v43 =	vld [tilespmem:s6+$0xFFFFFF20]  }
0x130: {  	v54 =	vld [tilespmem:s1+$0xFFFFFF10]  }
0x131: {  	v59 =	vadd.s32 v6, v36;
	v63 =	vadd.f32 v42, v57;
	v42 =	vld [tilespmem:s6+$0xFFFFFE20]  }
0x132: {  	v58 =	vadd.f32 v45, v53;
	v53 =	vld [tilespmem:s1+$0x50]  }
0x133: {  	v62 =	vadd.s32 v14, v48;
	v38 =	vld [tilespmem:s6+$0xFFFFFF60];
	[tilespmem:v60+s24+$0x0] =	vst.idx.msk $0xffff, v63  }
0x134: {  	v60 =	vadd.f32 v41, v50;
	[tilespmem:v61+s24+$0x0] =	vst.idx.msk $0xffff, v58;
	v61 =	vadd.f32 v46, v51;
	v50 =	vld [tilespmem:s1+$0xFFFFFFA0]  }
0x135: {  	v44 =	vld [tilespmem:s1+$0x90]  }
0x136: {  	v45 =	vadd.s32 v18, v40;
	v46 =	vld [tilespmem:s6+$0xFFFFFFA0];
	[tilespmem:v59+s24+$0x0] =	vst.idx.msk $0xffff, v61  }
0x137: {  	v57 =	vld [tilespmem:s1+$0xFFFFFF60]  }
0x138: {  	v61 =	vadd.s32 v22, v47;
	v39 =	vld [tilespmem:s6+$0xFFFFFE70]  }
0x139: {  	[tilespmem:v62+s24+$0x0] =	vst.idx.msk $0xffff, v60;
	v62 =	vadd.f32 v43, v56;
	v43 =	vld [tilespmem:s6+$0xFFFFFEB0]  }
0x13a: {  	v59 =	vadd.s32 v2, v33;
	v56 =	vld [tilespmem:s1+$0xFFFFFFE0]  }
0x13b: {  	v58 =	vadd.f32 v38, v53;
	v38 =	vld [tilespmem:s6+$0xFFFFFEF0];
	[tilespmem:v45+s24+$0x0] =	vst.idx.msk $0xffff, v62  }
0x13c: {  	v63 =	vadd.s32 v26, v49;
	v53 =	vld [tilespmem:s1+$0x20]  }
0x13d: {  	v42 =	vadd.f32 v42, v54;
	v41 =	vld [tilespmem:s6+$0xFFFFFF30];
	[tilespmem:v61+s24+$0x0] =	vst.idx.msk $0xffff, v58  }
0x13e: {  	v62 =	vadd.s32 v11, v35;
	v60 =	vadd.f32 v46, v44;
	v46 =	vld [tilespmem:s1+$0x60]  }
0x13f: {  	v61 =	vadd.s32 v7, v36;
	[tilespmem:v59+s24+$0x0] =	vst.idx.msk $0xffff, v42;
	v37 =	vld [tilespmem:s6+$0xFFFFFF70]  }
0x140: {  	v39 =	vadd.f32 v39, v57;
	v57 =	vld [tilespmem:s1+$0xFFFFFF20]  }
0x141: {  	[tilespmem:v63+s24+$0x0] =	vst.idx.msk $0xffff, v60;
	v60 =	vadd.f32 v43, v50;
	v43 =	vld [tilespmem:s6+$0xFFFFFE30]  }
0x142: {  	v63 =	vadd.s32 v15, v48;
	v54 =	vld [tilespmem:s1+$0xA0]  }
0x143: {  	v42 =	vld [tilespmem:s6+$0xFFFFFFB0];
	[tilespmem:v62+s24+$0x0] =	vst.idx.msk $0xffff, v60  }
0x144: {  	v38 =	vadd.f32 v38, v56;
	v56 =	vld [tilespmem:s1+$0xFFFFFFB0];
	[tilespmem:v61+s24+$0x0] =	vst.idx.msk $0xffff, v39;
	v61 =	vadd.s32 v19, v40  }
0x145: {  	v50 =	vld [tilespmem:s1+$0xFFFFFF70]  }
0x146: {  	v62 =	vadd.s32 v23, v47;
	v39 =	vld [tilespmem:s6+$0xFFFFFE80]  }
0x147: {  	v34 =	vadd.s32 v32, v34;
	[tilespmem:v63+s24+$0x0] =	vst.idx.msk $0xffff, v38;
	v63 =	vadd.f32 v41, v53;
	v41 =	vld [tilespmem:s6+$0xFFFFFEC0]  }
0x148: {  	v58 =	vadd.s32 v27, v49;
	v53 =	vld [tilespmem:s1+$0xFFFFFFF0]  }
0x149: {  	v37 =	vadd.f32 v37, v46;
	v38 =	vadd.s32 v3, v33;
	v44 =	vld [tilespmem:s6+$0xFFFFFF00];
	[tilespmem:v61+s24+$0x0] =	vst.idx.msk $0xffff, v63  }
0x14a: {  	v59 =	vadd.f32 v55, v52;
	v36 =	vadd.s32 v8, v36;
	v52 =	vld [tilespmem:s1+$0x30]  }
0x14b: {  	v60 =	vadd.f32 v42, v54;
	[tilespmem:v62+s24+$0x0] =	vst.idx.msk $0xffff, v37;
	v61 =	vadd.s32 v12, v35;
	v62 =	vld [tilespmem:s6+$0xFFFFFF40]  }
0x14c: {  	[tilespmem:v34+s24+$0x0] =	vst.idx.msk $0xffff, v59;
	v54 =	vadd.s32 v16, v48;
	v55 =	vld [tilespmem:s1+$0x70];
	v63 =	vadd.f32 v43, v57  }
0x14d: {  	v40 =	vadd.s32 v20, v40;
	[tilespmem:v58+s24+$0x0] =	vst.idx.msk $0xffff, v60;
	v58 =	vld [tilespmem:s6+$0xFFFFFF80];
	v57 =	vadd.f32 v39, v50  }
0x14e: {  	v35 =	vld [tilespmem:s1+$0xB0];
	v59 =	vadd.f32 v41, v56;
	[tilespmem:v38+s24+$0x0] =	vst.idx.msk $0xffff, v63  }
0x14f: {  	s13 =	simm.s32 $0xF;
	v37 =	vld [tilespmem:s6+$0xFFFFFFC0];
	v39 =	vadd.s32 v24, v47;
	v60 =	vadd.f32 v44, v53;
	[tilespmem:v36+s24+$0x0] =	vst.idx.msk $0xffff, v57  }
0x150: {  	v34 =	vld [tilespmem:s1+$0xFFFFFF30];
	[tilespmem:v61+s24+$0x0] =	vst.idx.msk $0xffff, v59;
	v61 =	vmov s13;
	v62 =	vadd.f32 v62, v52  }
0x151: {  	v38 =	vadd.s32 v28, v49;
	s1 =	simm.s32 $0x8;
	v36 =	vld [tilespmem:s6+$0xFFFFFE40];
	s6 =	simm.s32 $0xE300;
	[tilespmem:v54+s24+$0x0] =	vst.idx.msk $0xffff, v60;
	v63 =	vshrl.u32 v61, $0x3  }
0x152: {  	s11 =	simm.s32 $0x63F0;
	v46 =	vmov s1;
	v42 =	vld [tilespmem:s6+$0xC0];
	s13 =	simm.s32 $0x10;
	v41 =	vshll.u32 v63, v1;
	[tilespmem:v40+s24+$0x0] =	vst.idx.msk $0xffff, v62;
	v40 =	vadd.f32 v58, v55  }
.LBB2_11:
0x153: {  	p2 =	slt.u32 s13, $0x78;
	v43 =	vshrl.u32 v46, $0x3;
	s0 =	sadd.s32 $0x1, s1;
	v44 =	vld [tilespmem:s11+$0xFFFFFFD0];
	v41 =	vbroadcast v41, $0x0;
	v45 =	vadd.s32 v4, v33  }
0x154: {  	v46 =	vld [tilespmem:s6+$0xFFFFFF00];
	v33 =	vshll.u32 v43, v1;
	v43 =	vmov s0;
	[tilespmem:v39+s24+$0x0] =	vst.idx.msk $0xffff, v40;
	v35 =	vadd.f32 v37, v35  }
0x155: {  	s0 =	sadd.s32 $0x2, s1;
	v37 =	vld [tilespmem:s11+$0xFFFFFE10];
	v33 =	vbroadcast v33, $0x0;
	v39 =	vshrl.u32 v43, $0x3;
	v40 =	vadd.s32 v29, v41  }
0x156: {  	v47 =	vmov s0;
	v43 =	vld [tilespmem:s6+$0xFFFFFF40];
	v39 =	vshll.u32 v39, v1;
	v36 =	vadd.f32 v36, v34;
	[tilespmem:v38+s24+$0x0] =	vst.idx.msk $0xffff, v35  }
0x157: {  	v35 =	vshrl.u32 v47, $0x3;
	v38 =	vadd.s32 v0, v33;
	v48 =	vld [tilespmem:s11+$0xFFFFFE50];
	v34 =	vbroadcast v39, $0x0  }
0x158: {  	v35 =	vshll.u32 v35, v1;
	v39 =	vld [tilespmem:s6+$0xFFFFFF80];
	v42 =	vadd.f32 v44, v42;
	[tilespmem:v45+s24+$0x0] =	vst.idx.msk $0xffff, v36  }
0x159: {  	s0 =	sadd.s32 $0x3, s1;
	v35 =	vbroadcast v35, $0x0;
	v44 =	vadd.s32 v5, v34;
	v45 =	vld [tilespmem:s11+$0xFFFFFE90]  }
0x15a: {  	v36 =	vadd.f32 v37, v46;
	v37 =	vmov s0;
	v46 =	vld [tilespmem:s6+$0xFFFFFFC0];
	s0 =	sadd.s32 $0x4, s1;
	[tilespmem:v40+s24+$0x0] =	vst.idx.msk $0xffff, v42  }
0x15b: {  	v40 =	vadd.s32 v9, v35;
	v37 =	vshrl.u32 v37, $0x3;
	v42 =	vmov s0;
	v47 =	vld [tilespmem:s6+$0xD0]  }
0x15c: {  	s0 =	sadd.s32 $0x5, s1;
	[tilespmem:v38+s24+$0x0] =	vst.idx.msk $0xffff, v36;
	v38 =	vadd.f32 v48, v43;
	v36 =	vshll.u32 v37, v1;
	v37 =	vshrl.u32 v42, $0x3;
	v42 =	vld [tilespmem:s11+$0xFFFFFFE0]  }
0x15d: {  	v48 =	vmov s0;
	s0 =	sadd.s32 $0x6, s1;
	s1 =	smov.u32 s13;
	v43 =	vld [tilespmem:s11+$0xFFFFFED0];
	v36 =	vbroadcast v36, $0x0;
	v37 =	vshll.u32 v37, v1  }
0x15e: {  	[tilespmem:v44+s24+$0x0] =	vst.idx.msk $0xffff, v38;
	v38 =	vadd.f32 v45, v39;
	v44 =	vld [tilespmem:s6+$0x0];
	v39 =	vmov s0;
	v45 =	vadd.s32 v30, v41  }
0x15f: {  	v48 =	vshrl.u32 v48, $0x3;
	v37 =	vbroadcast v37, $0x0;
	v49 =	vadd.s32 v13, v36;
	v50 =	vld [tilespmem:s11+$0xFFFFFF10]  }
0x160: {  	[tilespmem:v40+s24+$0x0] =	vst.idx.msk $0xffff, v38;
	v40 =	vld [tilespmem:s6+$0x40];
	v38 =	vshll.u32 v48, v1;
	v48 =	vshrl.u32 v39, $0x3  }
0x161: {  	v51 =	vadd.s32 v17, v37;
	v52 =	vld [tilespmem:s11+$0xFFFFFF50];
	v39 =	vbroadcast v38, $0x0;
	v42 =	vadd.f32 v42, v47  }
0x162: {  	v38 =	vshll.u32 v48, v1;
	v43 =	vadd.f32 v43, v46;
	v46 =	vld [tilespmem:s6+$0x80]  }
0x163: {  	v38 =	vbroadcast v38, $0x0;
	v47 =	vadd.s32 v21, v39;
	v48 =	vld [tilespmem:s11+$0xFFFFFF90];
	[tilespmem:v45+s24+$0x0] =	vst.idx.msk $0xffff, v42  }
0x164: {  	[tilespmem:v49+s24+$0x0] =	vst.idx.msk $0xffff, v43;
	v42 =	vadd.f32 v50, v44;
	v43 =	vld [tilespmem:s6+$0xE0]  }
0x165: {  	v44 =	vadd.s32 v25, v38;
	v45 =	vld [tilespmem:s11+$0xFFFFFFF0]  }
0x166: {  	v49 =	vld [tilespmem:s6+$0xFFFFFF50];
	[tilespmem:v51+s24+$0x0] =	vst.idx.msk $0xffff, v42;
	v40 =	vadd.f32 v52, v40  }
0x167: {  	v50 =	vadd.s32 v31, v41;
	v42 =	vld [tilespmem:s11+$0xFFFFFE60]  }
0x168: {  	v51 =	vld [tilespmem:s6+$0xFFFFFF90];
	[tilespmem:v47+s24+$0x0] =	vst.idx.msk $0xffff, v40;
	v40 =	vadd.f32 v48, v46  }
0x169: {  	v46 =	vadd.s32 v6, v34;
	v47 =	vld [tilespmem:s11+$0xFFFFFEA0]  }
0x16a: {  	v48 =	vld [tilespmem:s6+$0xFFFFFFD0];
	[tilespmem:v44+s24+$0x0] =	vst.idx.msk $0xffff, v40;
	v40 =	vadd.f32 v45, v43  }
0x16b: {  	v43 =	vadd.s32 v10, v35;
	v44 =	vld [tilespmem:s11+$0xFFFFFEE0]  }
0x16c: {  	v42 =	vadd.f32 v42, v49;
	v45 =	vld [tilespmem:s6+$0x10];
	[tilespmem:v50+s24+$0x0] =	vst.idx.msk $0xffff, v40  }
0x16d: {  	v40 =	vadd.s32 v14, v36;
	v49 =	vld [tilespmem:s6+$0xF0]  }
0x16e: {  	[tilespmem:v46+s24+$0x0] =	vst.idx.msk $0xffff, v42;
	v42 =	vadd.f32 v47, v51;
	v46 =	vld [tilespmem:s11+$0x0]  }
0x16f: {  	v47 =	vld [tilespmem:s11+$0xFFFFFF20]  }
0x170: {  	v41 =	vadd.s32 v32, v41;
	[tilespmem:v43+s24+$0x0] =	vst.idx.msk $0xffff, v42;
	v42 =	vadd.f32 v44, v48;
	v43 =	vld [tilespmem:s6+$0x50]  }
0x171: {  	v44 =	vadd.s32 v18, v37;
	v48 =	vld [tilespmem:s11+$0xFFFFFF60]  }
0x172: {  	[tilespmem:v40+s24+$0x0] =	vst.idx.msk $0xffff, v42;
	v40 =	vld [tilespmem:s6+$0x90]  }
0x173: {  	v42 =	vadd.s32 v22, v39;
	v50 =	vld [tilespmem:s11+$0xFFFFFFA0];
	v46 =	vadd.f32 v46, v49  }
0x174: {  	v49 =	vld [tilespmem:s6+$0xFFFFFF10];
	v45 =	vadd.f32 v47, v45  }
0x175: {  	v51 =	vadd.s32 v26, v38;
	v47 =	vld [tilespmem:s11+$0xFFFFFE20];
	[tilespmem:v41+s24+$0x0] =	vst.idx.msk $0xffff, v46  }
0x176: {  	v41 =	vld [tilespmem:s6+$0xFFFFFF60];
	[tilespmem:v44+s24+$0x0] =	vst.idx.msk $0xffff, v45;
	v43 =	vadd.f32 v48, v43  }
0x177: {  	v44 =	vadd.s32 v2, v33;
	v45 =	vld [tilespmem:s11+$0xFFFFFE70]  }
0x178: {  	v46 =	vld [tilespmem:s6+$0xFFFFFFA0];
	[tilespmem:v42+s24+$0x0] =	vst.idx.msk $0xffff, v43;
	v40 =	vadd.f32 v50, v40  }
0x179: {  	v42 =	vadd.s32 v7, v34;
	v43 =	vld [tilespmem:s11+$0xFFFFFEB0]  }
0x17a: {  	v47 =	vadd.f32 v47, v49;
	v48 =	vld [tilespmem:s6+$0xFFFFFFE0];
	[tilespmem:v51+s24+$0x0] =	vst.idx.msk $0xffff, v40  }
0x17b: {  	v40 =	vadd.s32 v11, v35;
	v49 =	vld [tilespmem:s11+$0xFFFFFEF0]  }
0x17c: {  	[tilespmem:v44+s24+$0x0] =	vst.idx.msk $0xffff, v47;
	v41 =	vadd.f32 v45, v41;
	v44 =	vld [tilespmem:s6+$0x20]  }
0x17d: {  	v45 =	vadd.s32 v15, v36;
	v47 =	vld [tilespmem:s11+$0xFFFFFF30]  }
0x17e: {  	[tilespmem:v42+s24+$0x0] =	vst.idx.msk $0xffff, v41;
	v41 =	vadd.f32 v43, v46;
	v42 =	vld [tilespmem:s6+$0x60]  }
0x17f: {  	v43 =	vadd.s32 v19, v37;
	v46 =	vld [tilespmem:s11+$0xFFFFFF70]  }
0x180: {  	[tilespmem:v40+s24+$0x0] =	vst.idx.msk $0xffff, v41;
	v40 =	vadd.f32 v49, v48;
	v41 =	vld [tilespmem:s6+$0xA0]  }
0x181: {  	v48 =	vadd.s32 v23, v39;
	v49 =	vld [tilespmem:s11+$0xFFFFFFB0]  }
0x182: {  	v50 =	vld [tilespmem:s6+$0xFFFFFF20];
	[tilespmem:v45+s24+$0x0] =	vst.idx.msk $0xffff, v40;
	v40 =	vadd.f32 v47, v44  }
0x183: {  	v45 =	vadd.s32 v27, v38;
	v44 =	vld [tilespmem:s11+$0xFFFFFE30]  }
0x184: {  	v47 =	vld [tilespmem:s6+$0xFFFFFF70];
	[tilespmem:v43+s24+$0x0] =	vst.idx.msk $0xffff, v40;
	v40 =	vadd.f32 v46, v42  }
0x185: {  	v42 =	vadd.s32 v3, v33;
	v43 =	vld [tilespmem:s11+$0xFFFFFE80]  }
0x186: {  	v46 =	vld [tilespmem:s6+$0xFFFFFFB0];
	[tilespmem:v48+s24+$0x0] =	vst.idx.msk $0xffff, v40;
	v40 =	vadd.f32 v49, v41  }
0x187: {  	v34 =	vadd.s32 v8, v34;
	v41 =	vld [tilespmem:s11+$0xFFFFFEC0]  }
0x188: {  	v44 =	vadd.f32 v44, v50;
	v48 =	vld [tilespmem:s6+$0xFFFFFFF0];
	[tilespmem:v45+s24+$0x0] =	vst.idx.msk $0xffff, v40  }
0x189: {  	v35 =	vadd.s32 v12, v35;
	v40 =	vld [tilespmem:s11+$0xFFFFFF00]  }
0x18a: {  	[tilespmem:v42+s24+$0x0] =	vst.idx.msk $0xffff, v44;
	v42 =	vadd.f32 v43, v47;
	v43 =	vld [tilespmem:s6+$0x30]  }
0x18b: {  	v36 =	vadd.s32 v16, v36;
	v44 =	vld [tilespmem:s11+$0xFFFFFF40]  }
0x18c: {  	[tilespmem:v34+s24+$0x0] =	vst.idx.msk $0xffff, v42;
	v34 =	vadd.f32 v41, v46;
	v45 =	vld [tilespmem:s6+$0x70]  }
0x18d: {  	v47 =	vadd.s32 v20, v37;
	v49 =	vld [tilespmem:s11+$0xFFFFFF80]  }
.Ltmp5:
0x18e: {  	[tilespmem:v35+s24+$0x0] =	vst.idx.msk $0xffff, v34;
	v40 =	vadd.f32 v40, v48;
	v35 =	vld [tilespmem:s6+$0xB0];
	(pc) =	sbr.rel @p2 .LBB2_11-.Ltmp5, $4  }
0x18f: {  	s0 =	sadd.s32 $0x7, s13;
	v39 =	vadd.s32 v24, v39;
	v37 =	vld [tilespmem:s11+$0xFFFFFFC0]  }
0x190: {  	v41 =	vmov s0;
	v34 =	vld [tilespmem:s6+$0xFFFFFF30];
	[tilespmem:v36+s24+$0x0] =	vst.idx.msk $0xffff, v40;
	v40 =	vadd.f32 v44, v43  }
0x191: {  	v38 =	vadd.s32 v28, v38;
	v41 =	vshrl.u32 v41, $0x3;
	s6 =	sadd.s32 $0x200, s6;
	v36 =	vld [tilespmem:s11+$0xFFFFFE40]  }
0x192: {  	s13 =	sadd.s32 $0x8, s13;
	v46 =	vmov s1;
	v41 =	vshll.u32 v41, v1;
	s11 =	sadd.s32 $0x200, s11;
	v42 =	vld [tilespmem:s6+$0xC0];
	[tilespmem:v47+s24+$0x0] =	vst.idx.msk $0xffff, v40;
	v40 =	vadd.f32 v49, v45  }
0x193: {  	v44 =	vld [tilespmem:s6+$0xFFFFFF00];
	_ =	sdelay $0x4  }
0x194: {  	v43 =	vld [tilespmem:s11+$0xFFFFFFD0];
	v41 =	vbroadcast v41, $0x0;
	[tilespmem:$0x1FF80] =	vst v44  }
0x195: {  	v44 =	vld [tilespmem:s11+$0xFFFFFE10]  }
0x196: {  	v61 =	vadd.s32 v29, v41;
	_ =	sdelay $0x2  }
0x197: {  	v42 =	vadd.f32 v43, v42  }
0x198: {  	[tilespmem:$0x1FF90] =	vst v44  }
0x199: {  	s0 =	sadd.s32 $0x1, s1;
	v45 =	vld [tilespmem:s6+$0xFFFFFF40];
	[tilespmem:v61+s24+$0x0] =	vst.idx.msk $0xffff, v42  }
0x19a: {  	v62 =	vmov s0;
	v44 =	vld [tilespmem:s6+$0xD0]  }
0x19b: {  	v42 =	vshrl.u32 v62, $0x3;
	v53 =	vld [tilespmem:s11+$0xFFFFFFE0]  }
0x19c: {  	v49 =	vld [tilespmem:s11+$0xFFFFFE50];
	v42 =	vshll.u32 v42, v1  }
0x19d: {  	s13 =	sadd.s32 $0x2, s1;
	v56 =	vadd.s32 v30, v41;
	v50 =	vld [tilespmem:s6+$0xFFFFFF80];
	v48 =	vbroadcast v42, $0x0  }
0x19e: {  	v63 =	vmov s13;
	v51 =	vld [tilespmem:s11+$0xFFFFFE90]  }
0x19f: {  	v43 =	vshrl.u32 v63, $0x3;
	v52 =	vld [tilespmem:s6+$0xFFFFFFC0];
	v59 =	vadd.s32 v5, v48  }
0x1a0: {  	v54 =	vshll.u32 v43, v1;
	v55 =	vld [tilespmem:s11+$0xFFFFFED0];
	v53 =	vadd.f32 v53, v44  }
0x1a1: {  	v63 =	vbroadcast v54, $0x0;
	v54 =	vld [tilespmem:s6+$0x0];
	[tilespmem:$0x1FFA0] =	vst v41  }
0x1a2: {  	s13 =	sadd.s32 $0x3, s1;
	v49 =	vadd.f32 v49, v45;
	[tilespmem:v56+s24+$0x0] =	vst.idx.msk $0xffff, v53  }
0x1a3: {  	v57 =	vmov s13;
	v53 =	vld [tilespmem:s6+$0xE0]  }
0x1a4: {  	s13 =	sadd.s32 $0x4, s1;
	v57 =	vshrl.u32 v57, $0x3;
	v60 =	vadd.s32 v9, v63;
	[tilespmem:v59+s24+$0x0] =	vst.idx.msk $0xffff, v49;
	v49 =	vld [tilespmem:s11+$0xFFFFFFF0]  }
0x1a5: {  	v57 =	vshll.u32 v57, v1;
	v62 =	vmov s13;
	v58 =	vld [tilespmem:s11+$0xFFFFFF10]  }
0x1a6: {  	v47 =	vbroadcast v57, $0x0;
	v62 =	vshrl.u32 v62, $0x3;
	v41 =	vadd.s32 v31, v41;
	v61 =	vld [tilespmem:s6+$0x40]  }
0x1a7: {  	s13 =	sadd.s32 $0x5, s1;
	v42 =	vld [tilespmem:s11+$0xFFFFFF50];
	v43 =	vshll.u32 v62, v1;
	v50 =	vadd.f32 v51, v50  }
0x1a8: {  	v57 =	vld [tilespmem:s6+$0x80];
	v51 =	vadd.s32 v13, v47;
	v45 =	vbroadcast v43, $0x0;
	v43 =	vmov s13;
	s13 =	sadd.s32 $0x6, s1  }
0x1a9: {  	v62 =	vld [tilespmem:s11+$0xFFFFFF90];
	v44 =	vmov s13;
	[tilespmem:v60+s24+$0x0] =	vst.idx.msk $0xffff, v50;
	v56 =	vshrl.u32 v43, $0x3;
	v49 =	vadd.f32 v49, v53  }
0x1aa: {  	v56 =	vshll.u32 v56, v1;
	v59 =	vshrl.u32 v44, $0x3;
	v44 =	vld [tilespmem:s6+$0xFFFFFF90]  }
0x1ab: {  	v50 =	vadd.s32 v17, v45;
	v60 =	vld [tilespmem:s6+$0xFFFFFF50];
	v56 =	vbroadcast v56, $0x0;
	[tilespmem:v41+s24+$0x0] =	vst.idx.msk $0xffff, v49  }
0x1ac: {  	v52 =	vadd.f32 v55, v52;
	v49 =	vld [tilespmem:s6+$0xF0]  }
0x1ad: {  	v43 =	vadd.f32 v58, v54;
	v55 =	vld [tilespmem:s11+$0xFFFFFE60];
	v54 =	vadd.s32 v21, v56  }
0x1ae: {  	v59 =	vshll.u32 v59, v1;
	[tilespmem:v51+s24+$0x0] =	vst.idx.msk $0xffff, v52;
	v52 =	vld [tilespmem:s11+$0xFFFFFEA0]  }
0x1af: {  	v58 =	vbroadcast v59, $0x0;
	v59 =	vld [tilespmem:s6+$0xFFFFFFD0]  }
0x1b0: {  	[tilespmem:v50+s24+$0x0] =	vst.idx.msk $0xffff, v43;
	v50 =	vld [tilespmem:s11+$0xFFFFFEE0];
	v41 =	vadd.f32 v42, v61  }
0x1b1: {  	v53 =	vld [tilespmem:s6+$0x10];
	[tilespmem:$0x1FFB0] =	vst v49  }
0x1b2: {  	v46 =	vshrl.u32 v46, $0x3;
	[tilespmem:v54+s24+$0x0] =	vst.idx.msk $0xffff, v41  }
0x1b3: {  	v46 =	vshll.u32 v46, v1;
	v42 =	vld [tilespmem:$0x1FF80]  }
0x1b4: {  	v46 =	vbroadcast v46, $0x0;
	v51 =	vadd.s32 v25, v58;
	v43 =	vld [tilespmem:$0x1FF90];
	_ =	sdelay $0x1  }
0x1b5: {  	v61 =	vadd.s32 v0, v46;
	v49 =	vld [tilespmem:s11+$0x0]  }
0x1b6: {  	v41 =	vadd.f32 v62, v57;
	v54 =	vld [tilespmem:s11+$0xFFFFFF20]  }
0x1b7: {  	v57 =	vadd.s32 v6, v48;
	v62 =	vld [tilespmem:s6+$0x50]  }
0x1b8: {  	[tilespmem:v51+s24+$0x0] =	vst.idx.msk $0xffff, v41;
	v41 =	vld [tilespmem:s11+$0xFFFFFF60];
	v42 =	vadd.f32 v43, v42  }
0x1b9: {  	v51 =	vadd.s32 v10, v63;
	v43 =	vld [tilespmem:s6+$0x90]  }
0x1ba: {  	[tilespmem:v61+s24+$0x0] =	vst.idx.msk $0xffff, v42;
	v42 =	vadd.f32 v55, v60;
	v55 =	vld [tilespmem:s11+$0xFFFFFFA0]  }
0x1bb: {  	v60 =	vadd.s32 v14, v47;
	v61 =	vld [tilespmem:s6+$0xFFFFFF10]  }
0x1bc: {  	[tilespmem:v57+s24+$0x0] =	vst.idx.msk $0xffff, v42;
	v42 =	vadd.f32 v52, v44;
	v44 =	vld [tilespmem:s11+$0xFFFFFE20]  }
0x1bd: {  	v52 =	vadd.s32 v18, v45;
	v57 =	vld [tilespmem:s6+$0xFFFFFF60]  }
0x1be: {  	[tilespmem:v51+s24+$0x0] =	vst.idx.msk $0xffff, v42;
	v42 =	vadd.f32 v50, v59;
	v50 =	vld [tilespmem:s11+$0xFFFFFE70]  }
0x1bf: {  	v51 =	vadd.s32 v22, v56;
	v59 =	vld [tilespmem:s6+$0xFFFFFFA0]  }
0x1c0: {  	[tilespmem:v60+s24+$0x0] =	vst.idx.msk $0xffff, v42;
	v42 =	vadd.f32 v54, v53;
	v53 =	vld [tilespmem:s11+$0xFFFFFEB0]  }
0x1c1: {  	v54 =	vadd.s32 v26, v58;
	v60 =	vld [tilespmem:s6+$0xFFFFFFE0]  }
0x1c2: {  	v41 =	vadd.f32 v41, v62;
	[tilespmem:v52+s24+$0x0] =	vst.idx.msk $0xffff, v42;
	v42 =	vld [tilespmem:s11+$0xFFFFFEF0]  }
0x1c3: {  	v52 =	vadd.s32 v2, v46;
	v62 =	vld [tilespmem:s6+$0x20]  }
0x1c4: {  	[tilespmem:v51+s24+$0x0] =	vst.idx.msk $0xffff, v41;
	v41 =	vadd.f32 v55, v43;
	v43 =	vld [tilespmem:s11+$0xFFFFFF30]  }
0x1c5: {  	v51 =	vadd.s32 v7, v48;
	v55 =	vld [tilespmem:s6+$0x60]  }
0x1c6: {  	v44 =	vadd.f32 v44, v61;
	[tilespmem:v54+s24+$0x0] =	vst.idx.msk $0xffff, v41;
	v41 =	vld [tilespmem:s11+$0xFFFFFF70]  }
0x1c7: {  	v54 =	vadd.s32 v11, v63;
	v61 =	vld [tilespmem:s6+$0xA0]  }
0x1c8: {  	[tilespmem:v52+s24+$0x0] =	vst.idx.msk $0xffff, v44;
	v44 =	vadd.f32 v50, v57;
	v50 =	vld [tilespmem:s11+$0xFFFFFFB0]  }
0x1c9: {  	v52 =	vadd.s32 v15, v47;
	v57 =	vld [tilespmem:s6+$0xFFFFFF20]  }
0x1ca: {  	[tilespmem:v51+s24+$0x0] =	vst.idx.msk $0xffff, v44;
	v44 =	vadd.f32 v53, v59;
	v51 =	vld [tilespmem:s11+$0xFFFFFE30]  }
0x1cb: {  	v53 =	vadd.s32 v19, v45;
	v59 =	vld [tilespmem:s6+$0xFFFFFF70]  }
0x1cc: {  	v42 =	vadd.f32 v42, v60;
	[tilespmem:v54+s24+$0x0] =	vst.idx.msk $0xffff, v44;
	v44 =	vld [tilespmem:s11+$0xFFFFFE80]  }
0x1cd: {  	v54 =	vadd.s32 v23, v56;
	v60 =	vld [tilespmem:s6+$0xFFFFFFB0]  }
0x1ce: {  	[tilespmem:v52+s24+$0x0] =	vst.idx.msk $0xffff, v42;
	v42 =	vadd.f32 v43, v62;
	v43 =	vld [tilespmem:s11+$0xFFFFFEC0];
	v52 =	vadd.s32 v27, v58  }
0x1cf: {  	v62 =	vld [tilespmem:s6+$0xFFFFFFF0]  }
0x1d0: {  	v41 =	vadd.f32 v41, v55;
	[tilespmem:v53+s24+$0x0] =	vst.idx.msk $0xffff, v42;
	v42 =	vld [tilespmem:s11+$0xFFFFFF00];
	v53 =	vadd.s32 v3, v46  }
0x1d1: {  	[tilespmem:v39+s24+$0x0] =	vst.idx.msk $0xffff, v40;
	v61 =	vadd.f32 v50, v61;
	v55 =	vld [tilespmem:s6+$0x30]  }
0x1d2: {  	v35 =	vadd.f32 v37, v35;
	v50 =	vld [tilespmem:s11+$0xFFFFFF40];
	[tilespmem:v54+s24+$0x0] =	vst.idx.msk $0xffff, v41  }
0x1d3: {  	v57 =	vadd.f32 v51, v57;
	v54 =	vld [tilespmem:$0x1FFA0];
	[tilespmem:v52+s24+$0x0] =	vst.idx.msk $0xffff, v61  }
0x1d4: {  	v33 =	vadd.s32 v4, v33;
	v34 =	vadd.f32 v36, v34;
	[tilespmem:v38+s24+$0x0] =	vst.idx.msk $0xffff, v35;
	v36 =	vld [tilespmem:s6+$0xB0]  }
0x1d5: {  	v35 =	vadd.s32 v12, v63;
	v63 =	vld [tilespmem:s11+$0xFFFFFFC0];
	[tilespmem:v53+s24+$0x0] =	vst.idx.msk $0xffff, v57  }
0x1d6: {  	v61 =	vadd.s32 v16, v47;
	v38 =	vld [tilespmem:$0x1FFB0]  }
0x1d7: {  	v58 =	vadd.s32 v28, v58;
	v39 =	vld [tilespmem:s6+$0x70]  }
0x1d8: {  	v40 =	vadd.s32 v8, v48;
	v48 =	vld [tilespmem:s11+$0xFFFFFF80];
	v53 =	vadd.f32 v43, v60;
	v37 =	vadd.s32 v32, v54  }
0x1d9: {  	v51 =	vadd.s32 v20, v45;
	v57 =	vadd.f32 v42, v62;
	[tilespmem:v33+s24+$0x0] =	vst.idx.msk $0xffff, v34;
	v52 =	vld [tilespmem:s6+$0xFFFFFF30]  }
0x1da: {  	v54 =	vadd.s32 v24, v56;
	v56 =	vld [tilespmem:s11+$0xFFFFFE40];
	[tilespmem:v35+s24+$0x0] =	vst.idx.msk $0xffff, v53;
	v62 =	vadd.f32 v63, v36  }
0x1db: {  	[tilespmem:v61+s24+$0x0] =	vst.idx.msk $0xffff, v57;
	v38 =	vadd.f32 v49, v38  }
0x1dc: {  	v60 =	vadd.s32 v4, v46;
	v49 =	vadd.f32 v44, v59;
	[tilespmem:v58+s24+$0x0] =	vst.idx.msk $0xffff, v62  }
0x1dd: {  	v59 =	vadd.f32 v50, v55;
	[tilespmem:v37+s24+$0x0] =	vst.idx.msk $0xffff, v38  }
0x1de: {  	v61 =	vadd.f32 v48, v39;
	[tilespmem:v40+s24+$0x0] =	vst.idx.msk $0xffff, v49  }
0x1df: {  	s1 =	sadd.s32 s17, s8;
	[tilespmem:v51+s24+$0x0] =	vst.idx.msk $0xffff, v59;
	v63 =	vadd.f32 v56, v52  }
0x1e0: {  	s0 =	sadd.s32 $0x0, s1;
	[tilespmem:v54+s24+$0x0] =	vst.idx.msk $0xffff, v61  }
0x1e1: {  	s13 =	simm.s32 $0x16288;
	s6 =	simm.s32 $0x16200;
	s11 =	simm.s32 $0x40;
	[tilespmem:v60+s24+$0x0] =	vst.idx.msk $0xffff, v63  }
.LBB2_13:
0x1e2: {  	[hbm4b:s0+s3] =	stream.linear.scatter [tilespmem:s6], [sflag:$0x6], $0x80, $0x38;
	[tilespmem:$0x1C800] =	vst v63  }
0x1e3: {  	s0 =	smov.u32 s11;
	s6 =	smov.u32 s13;
	p2 =	sne.s32 s11, $0xFC0  }
.Ltmp6:
0x1e4: {  	s11 =	sadd.s32 $0x40, s11;
	(pc) =	sbr.rel @p2 .LBB2_13-.Ltmp6, $2  }
0x1e5: {  	_ =	sdelay $0x2  }
0x1e6: {  	s13 =	sadd.s32 $0x88, s13;
	s0 =	sadd.s32 s0, s1  }
.Ltmp7:
0x1e7: {  	(pc) =	sbr.rel @p1 .LBB2_16-.Ltmp7, $2  }
0x1e8: {  	_ =	sdelay $0x2  }
0x1e9: {  	[hbm4b:s0+s3] =	stream.linear.scatter [tilespmem:s6], [sflag:$0x6], $0x80, $0x38;
	[tilespmem:$0x1C800] =	vst v63  }
.Ltmp8:
0x1ea: {  	(pc) =	sbr.rel .LBB2_17-.Ltmp8, $4  }
0x1eb: {  	_ = 	snop  }
0x1ec: {  	_ =	swait.ge [sflag:s25], $0x2000  }
0x1ed: {  	[sflag:s25] =	ssyncset.done $0x0  }
0x1ee: {  	[sflag:s25] =	ssyncadd.s32 $0xFFFFE000  }
.LBB2_16:
.Ltmp9:
0x1ef: {  	s0 =	sadd.s32 $0x280, s5;
	(pc) =	sbr.rel @p0 .LBB2_18-.Ltmp9, $4  }
0x1f0: {  	[tilespmem:s16], [sflag:$0x2] =	stream.indirect.gather [hbm4b:s4+s14], $0x40, s0, s14, $0xb8;
	[tilespmem:$0x1C800] =	vst v63  }
0x1f1: {  	_ =	swait.ge [sflag:s25], $0x2000  }
0x1f2: {  	[sflag:s25] =	ssyncset.done $0x0  }
0x1f3: {  	[sflag:s25] =	ssyncadd.s32 $0xFFFFE000  }
.LBB2_17:
0x1f4: {  	_ =	swait.ge [sflag:s26], $0x2000  }
0x1f5: {  	[sflag:s26] =	ssyncset.done $0x0  }
0x1f6: {  	[sflag:s26] =	ssyncadd.s32 $0xFFFFE000  }
.LBB2_18:
0x1f7: {  	s0 =	simm.s32 $0x7  }
0x1f8: {  	v33 =	vmov s0  }
0x1f9: {  	s11 =	simm.s32 $0x0;
	v33 =	vshrl.u32 v33, $0x3  }
0x1fa: {  	v35 =	vld [tilespmem:s11+$0x101C0];
	v33 =	vshll.u32 v33, v1  }
0x1fb: {  	v36 =	vld [tilespmem:s11+$0x81C0];
	v34 =	vbroadcast v33, $0x0  }
0x1fc: {  	v37 =	vld [tilespmem:s11+$0x10000]  }
0x1fd: {  	v38 =	vld [tilespmem:s11+$0x8000];
	v33 =	vadd.s32 v29, v34  }
0x1fe: {  	v39 =	vld [tilespmem:s11+$0x10040]  }
0x1ff: {  	v40 =	vld [tilespmem:s11+$0x8040]  }
0x200: {  	s1 =	simm.s32 $0x2;
	v41 =	vld [tilespmem:s11+$0x10080];
	v35 =	vadd.f32 v36, v35  }
0x201: {  	s6 =	simm.s32 $0x4;
	v42 =	vld [tilespmem:s11+$0x8080];
	v57 =	vmov s1;
	s1 =	simm.s32 $0x3  }
0x202: {  	s13 =	simm.s32 $0x1;
	v43 =	vld [tilespmem:s11+$0x100C0];
	v53 =	vmov s6;
	v48 =	vmov s1;
	[tilespmem:v33+s28+$0x0] =	vst.idx.msk $0xffff, v35  }
0x203: {  	v56 =	vmov s13;
	v58 =	vshrl.u32 v53, $0x3;
	v48 =	vshrl.u32 v48, $0x3;
	v44 =	vld [tilespmem:s11+$0x101D0]  }
0x204: {  	v59 =	vshll.u32 v58, v1;
	v48 =	vshll.u32 v48, v1;
	v33 =	vshrl.u32 v56, $0x3;
	v45 =	vld [tilespmem:s11+$0x81D0]  }
0x205: {  	v46 =	vld [tilespmem:s11+$0x80C0];
	v48 =	vbroadcast v48, $0x0;
	v35 =	vshrl.u32 v57, $0x3;
	v33 =	vshll.u32 v33, v1  }
0x206: {  	v49 =	vld [tilespmem:s11+$0x8100];
	v47 =	vadd.s32 v30, v34;
	v35 =	vshll.u32 v35, v1;
	v36 =	vbroadcast v33, $0x0  }
0x207: {  	v52 =	vld [tilespmem:s11+$0x10140];
	v41 =	vadd.f32 v42, v41;
	v42 =	vadd.s32 v13, v48;
	v35 =	vbroadcast v35, $0x0  }
0x208: {  	v39 =	vadd.f32 v40, v39;
	v40 =	vbroadcast v59, $0x0;
	v33 =	vld [tilespmem:s11+$0x10100];
	v50 =	vadd.s32 v5, v36  }
0x209: {  	v54 =	vld [tilespmem:s11+$0x8140];
	v51 =	vadd.s32 v9, v35;
	v44 =	vadd.f32 v45, v44  }
0x20a: {  	v53 =	vld [tilespmem:s11+$0x10180];
	v43 =	vadd.f32 v46, v43;
	v63 =	vadd.s32 v17, v40  }
0x20b: {  	s6 =	simm.s32 $0x0;
	v45 =	vld [tilespmem:s11+$0x8180];
	[tilespmem:v47+s28+$0x0] =	vst.idx.msk $0xffff, v44  }
0x20c: {  	s13 =	simm.s32 $0x5;
	v56 =	vmov s6;
	[tilespmem:v42+s28+$0x0] =	vst.idx.msk $0xffff, v43;
	v44 =	vld [tilespmem:s11+$0x101E0]  }
0x20d: {  	v60 =	vmov s13;
	v56 =	vshrl.u32 v56, $0x3;
	v33 =	vadd.f32 v49, v33;
	[tilespmem:v50+s28+$0x0] =	vst.idx.msk $0xffff, v39;
	v61 =	vld [tilespmem:s11+$0x81E0]  }
0x20e: {  	v47 =	vshrl.u32 v60, $0x3;
	v60 =	vshll.u32 v56, v1;
	[tilespmem:v51+s28+$0x0] =	vst.idx.msk $0xffff, v41;
	v41 =	vld [tilespmem:s11+$0x80D0]  }
0x20f: {  	v55 =	vadd.s32 v31, v34;
	v47 =	vshll.u32 v47, v1;
	[tilespmem:v63+s28+$0x0] =	vst.idx.msk $0xffff, v33;
	v33 =	vbroadcast v60, $0x0;
	v51 =	vld [tilespmem:s11+$0x10050]  }
0x210: {  	s1 =	simm.s32 $0x6;
	v46 =	vld [tilespmem:s11+$0x8050];
	v47 =	vbroadcast v47, $0x0  }
0x211: {  	v62 =	vmov s1;
	v57 =	vld [tilespmem:s11+$0x10090];
	v63 =	vadd.s32 v0, v33  }
0x212: {  	v50 =	vshrl.u32 v62, $0x3;
	v42 =	vld [tilespmem:s11+$0x8090];
	v43 =	vadd.s32 v21, v47;
	v39 =	vadd.f32 v61, v44  }
0x213: {  	v50 =	vshll.u32 v50, v1;
	v56 =	vld [tilespmem:s11+$0x10110]  }
0x214: {  	v37 =	vadd.f32 v38, v37;
	v49 =	vbroadcast v50, $0x0;
	v50 =	vld [tilespmem:s11+$0x100D0];
	[tilespmem:v55+s28+$0x0] =	vst.idx.msk $0xffff, v39  }
0x215: {  	v62 =	vadd.f32 v54, v52;
	v52 =	vld [tilespmem:s11+$0x101F0]  }
0x216: {  	v60 =	vadd.s32 v10, v35;
	[tilespmem:v63+s28+$0x0] =	vst.idx.msk $0xffff, v37;
	v55 =	vld [tilespmem:s11+$0x81F0]  }
0x217: {  	v61 =	vadd.s32 v25, v49;
	[tilespmem:v43+s28+$0x0] =	vst.idx.msk $0xffff, v62;
	v43 =	vld [tilespmem:s11+$0x8110]  }
0x218: {  	v54 =	vld [tilespmem:s11+$0x10010]  }
0x219: {  	v59 =	vadd.s32 v6, v36;
	v63 =	vadd.f32 v42, v57;
	v42 =	vld [tilespmem:s11+$0x8010]  }
0x21a: {  	v58 =	vadd.f32 v45, v53;
	v53 =	vld [tilespmem:s11+$0x10150]  }
0x21b: {  	v62 =	vadd.s32 v14, v48;
	v38 =	vld [tilespmem:s11+$0x8150];
	[tilespmem:v60+s28+$0x0] =	vst.idx.msk $0xffff, v63  }
0x21c: {  	v60 =	vadd.f32 v41, v50;
	[tilespmem:v61+s28+$0x0] =	vst.idx.msk $0xffff, v58;
	v61 =	vadd.f32 v46, v51;
	v50 =	vld [tilespmem:s11+$0x100A0]  }
0x21d: {  	v44 =	vld [tilespmem:s11+$0x10190]  }
0x21e: {  	v45 =	vadd.s32 v18, v40;
	v46 =	vld [tilespmem:s11+$0x8190];
	[tilespmem:v59+s28+$0x0] =	vst.idx.msk $0xffff, v61  }
0x21f: {  	v57 =	vld [tilespmem:s11+$0x10060]  }
0x220: {  	v61 =	vadd.s32 v22, v47;
	v39 =	vld [tilespmem:s11+$0x8060]  }
0x221: {  	[tilespmem:v62+s28+$0x0] =	vst.idx.msk $0xffff, v60;
	v62 =	vadd.f32 v43, v56;
	v43 =	vld [tilespmem:s11+$0x80A0]  }
0x222: {  	v59 =	vadd.s32 v2, v33;
	v56 =	vld [tilespmem:s11+$0x100E0]  }
0x223: {  	v58 =	vadd.f32 v38, v53;
	v38 =	vld [tilespmem:s11+$0x80E0];
	[tilespmem:v45+s28+$0x0] =	vst.idx.msk $0xffff, v62  }
0x224: {  	v63 =	vadd.s32 v26, v49;
	v53 =	vld [tilespmem:s11+$0x10120]  }
0x225: {  	v42 =	vadd.f32 v42, v54;
	v41 =	vld [tilespmem:s11+$0x8120];
	[tilespmem:v61+s28+$0x0] =	vst.idx.msk $0xffff, v58  }
0x226: {  	v62 =	vadd.s32 v11, v35;
	v60 =	vadd.f32 v46, v44;
	v46 =	vld [tilespmem:s11+$0x10160]  }
0x227: {  	v61 =	vadd.s32 v7, v36;
	[tilespmem:v59+s28+$0x0] =	vst.idx.msk $0xffff, v42;
	v37 =	vld [tilespmem:s11+$0x8160]  }
0x228: {  	v39 =	vadd.f32 v39, v57;
	v57 =	vld [tilespmem:s11+$0x10020]  }
0x229: {  	[tilespmem:v63+s28+$0x0] =	vst.idx.msk $0xffff, v60;
	v60 =	vadd.f32 v43, v50;
	v43 =	vld [tilespmem:s11+$0x8020]  }
0x22a: {  	v63 =	vadd.s32 v15, v48;
	v54 =	vld [tilespmem:s11+$0x101A0]  }
0x22b: {  	v42 =	vld [tilespmem:s11+$0x81A0];
	[tilespmem:v62+s28+$0x0] =	vst.idx.msk $0xffff, v60  }
0x22c: {  	v38 =	vadd.f32 v38, v56;
	v56 =	vld [tilespmem:s11+$0x100B0];
	[tilespmem:v61+s28+$0x0] =	vst.idx.msk $0xffff, v39;
	v61 =	vadd.s32 v19, v40  }
0x22d: {  	v50 =	vld [tilespmem:s11+$0x10070]  }
0x22e: {  	v62 =	vadd.s32 v23, v47;
	v39 =	vld [tilespmem:s11+$0x8070]  }
0x22f: {  	v34 =	vadd.s32 v32, v34;
	[tilespmem:v63+s28+$0x0] =	vst.idx.msk $0xffff, v38;
	v63 =	vadd.f32 v41, v53;
	v41 =	vld [tilespmem:s11+$0x80B0]  }
0x230: {  	v58 =	vadd.s32 v27, v49;
	v53 =	vld [tilespmem:s11+$0x100F0]  }
0x231: {  	v37 =	vadd.f32 v37, v46;
	v38 =	vadd.s32 v3, v33;
	v44 =	vld [tilespmem:s11+$0x80F0];
	[tilespmem:v61+s28+$0x0] =	vst.idx.msk $0xffff, v63  }
0x232: {  	v59 =	vadd.f32 v55, v52;
	v36 =	vadd.s32 v8, v36;
	v52 =	vld [tilespmem:s11+$0x10130]  }
0x233: {  	v60 =	vadd.f32 v42, v54;
	[tilespmem:v62+s28+$0x0] =	vst.idx.msk $0xffff, v37;
	v61 =	vadd.s32 v12, v35;
	v62 =	vld [tilespmem:s11+$0x8130]  }
0x234: {  	[tilespmem:v34+s28+$0x0] =	vst.idx.msk $0xffff, v59;
	v54 =	vadd.s32 v16, v48;
	v55 =	vld [tilespmem:s11+$0x10170];
	v63 =	vadd.f32 v43, v57  }
0x235: {  	v40 =	vadd.s32 v20, v40;
	[tilespmem:v58+s28+$0x0] =	vst.idx.msk $0xffff, v60;
	v58 =	vld [tilespmem:s11+$0x8170];
	v57 =	vadd.f32 v39, v50  }
0x236: {  	v35 =	vld [tilespmem:s11+$0x101B0];
	v59 =	vadd.f32 v41, v56;
	[tilespmem:v38+s28+$0x0] =	vst.idx.msk $0xffff, v63  }
0x237: {  	s13 =	simm.s32 $0xF;
	v39 =	vadd.s32 v24, v47;
	v60 =	vadd.f32 v44, v53;
	[tilespmem:v36+s28+$0x0] =	vst.idx.msk $0xffff, v57;
	v36 =	vld [tilespmem:s11+$0x81B0]  }
0x238: {  	v34 =	vld [tilespmem:s11+$0x10030];
	[tilespmem:v61+s28+$0x0] =	vst.idx.msk $0xffff, v59;
	v61 =	vmov s13;
	v62 =	vadd.f32 v62, v52  }
0x239: {  	s1 =	simm.s32 $0x8;
	s6 =	simm.s32 $0x200;
	v38 =	vadd.s32 v28, v49;
	v37 =	vld [tilespmem:s11+$0x8030];
	[tilespmem:v54+s28+$0x0] =	vst.idx.msk $0xffff, v60;
	v63 =	vshrl.u32 v61, $0x3  }
0x23a: {  	v46 =	vmov s1;
	v42 =	vld [tilespmem:s6+$0x101C0];
	s11 =	simm.s32 $0x800;
	s13 =	simm.s32 $0x10;
	v41 =	vshll.u32 v63, v1;
	[tilespmem:v40+s28+$0x0] =	vst.idx.msk $0xffff, v62;
	v40 =	vadd.f32 v58, v55  }
.LBB2_19:
0x23b: {  	p2 =	slt.u32 s13, $0x78;
	v43 =	vshrl.u32 v46, $0x3;
	s0 =	sadd.s32 $0x1, s1;
	v44 =	vld [tilespmem:s6+$0x81C0];
	v41 =	vbroadcast v41, $0x0;
	v45 =	vadd.s32 v4, v33  }
0x23c: {  	v46 =	vld [tilespmem:s6+$0x10000];
	v33 =	vshll.u32 v43, v1;
	v43 =	vmov s0;
	[tilespmem:v39+s28+$0x0] =	vst.idx.msk $0xffff, v40;
	v35 =	vadd.f32 v36, v35  }
0x23d: {  	s0 =	sadd.s32 $0x2, s1;
	v36 =	vld [tilespmem:s6+$0x8000];
	v33 =	vbroadcast v33, $0x0;
	v39 =	vshrl.u32 v43, $0x3;
	v40 =	vadd.s32 v29, v41  }
0x23e: {  	v47 =	vmov s0;
	v43 =	vld [tilespmem:s6+$0x10040];
	v39 =	vshll.u32 v39, v1;
	v37 =	vadd.f32 v37, v34;
	[tilespmem:v38+s28+$0x0] =	vst.idx.msk $0xffff, v35  }
0x23f: {  	v35 =	vshrl.u32 v47, $0x3;
	v38 =	vadd.s32 v0, v33;
	v48 =	vld [tilespmem:s6+$0x8040];
	v34 =	vbroadcast v39, $0x0  }
0x240: {  	v35 =	vshll.u32 v35, v1;
	v39 =	vld [tilespmem:s6+$0x10080];
	v42 =	vadd.f32 v44, v42;
	[tilespmem:v45+s28+$0x0] =	vst.idx.msk $0xffff, v37  }
0x241: {  	s0 =	sadd.s32 $0x3, s1;
	v35 =	vbroadcast v35, $0x0;
	v37 =	vadd.s32 v5, v34;
	v44 =	vld [tilespmem:s6+$0x8080]  }
0x242: {  	v45 =	vmov s0;
	s0 =	sadd.s32 $0x4, s1;
	v36 =	vadd.f32 v36, v46;
	v46 =	vld [tilespmem:s6+$0x100C0];
	[tilespmem:v40+s28+$0x0] =	vst.idx.msk $0xffff, v42  }
0x243: {  	v40 =	vadd.s32 v9, v35;
	v42 =	vshrl.u32 v45, $0x3;
	v45 =	vmov s0;
	v47 =	vld [tilespmem:s6+$0x101D0]  }
0x244: {  	s0 =	sadd.s32 $0x5, s1;
	[tilespmem:v38+s28+$0x0] =	vst.idx.msk $0xffff, v36;
	v38 =	vadd.f32 v48, v43;
	v36 =	vshll.u32 v42, v1;
	v42 =	vshrl.u32 v45, $0x3;
	v43 =	vld [tilespmem:s6+$0x81D0]  }
0x245: {  	v48 =	vmov s0;
	s0 =	sadd.s32 $0x6, s1;
	s1 =	smov.u32 s13;
	v45 =	vld [tilespmem:s6+$0x80C0];
	v36 =	vbroadcast v36, $0x0;
	v42 =	vshll.u32 v42, v1  }
0x246: {  	v49 =	vadd.s32 v30, v41;
	[tilespmem:v37+s28+$0x0] =	vst.idx.msk $0xffff, v38;
	v38 =	vadd.f32 v44, v39;
	v44 =	vld [tilespmem:s6+$0x10100];
	v39 =	vmov s0  }
0x247: {  	v37 =	vbroadcast v42, $0x0;
	v42 =	vshrl.u32 v48, $0x3;
	v50 =	vadd.s32 v13, v36;
	v51 =	vld [tilespmem:s6+$0x8100]  }
0x248: {  	[tilespmem:v40+s28+$0x0] =	vst.idx.msk $0xffff, v38;
	v40 =	vld [tilespmem:s6+$0x10140];
	v38 =	vshll.u32 v42, v1;
	v42 =	vshrl.u32 v39, $0x3  }
0x249: {  	v48 =	vadd.s32 v17, v37;
	v52 =	vld [tilespmem:s6+$0x8140];
	v39 =	vbroadcast v38, $0x0;
	v43 =	vadd.f32 v43, v47  }
0x24a: {  	v38 =	vshll.u32 v42, v1;
	v45 =	vadd.f32 v45, v46;
	v46 =	vld [tilespmem:s6+$0x10180]  }
0x24b: {  	v38 =	vbroadcast v38, $0x0;
	v42 =	vadd.s32 v21, v39;
	v47 =	vld [tilespmem:s6+$0x8180];
	[tilespmem:v49+s28+$0x0] =	vst.idx.msk $0xffff, v43  }
0x24c: {  	[tilespmem:v50+s28+$0x0] =	vst.idx.msk $0xffff, v45;
	v43 =	vadd.f32 v51, v44;
	v44 =	vld [tilespmem:s6+$0x101E0]  }
0x24d: {  	v45 =	vadd.s32 v25, v38;
	v49 =	vld [tilespmem:s6+$0x81E0]  }
0x24e: {  	v50 =	vld [tilespmem:s6+$0x10050];
	[tilespmem:v48+s28+$0x0] =	vst.idx.msk $0xffff, v43;
	v40 =	vadd.f32 v52, v40  }
0x24f: {  	v48 =	vadd.s32 v31, v41;
	v43 =	vld [tilespmem:s6+$0x8050]  }
0x250: {  	v51 =	vld [tilespmem:s6+$0x10090];
	[tilespmem:v42+s28+$0x0] =	vst.idx.msk $0xffff, v40;
	v40 =	vadd.f32 v47, v46  }
0x251: {  	v42 =	vadd.s32 v6, v34;
	v46 =	vld [tilespmem:s6+$0x8090]  }
0x252: {  	v47 =	vld [tilespmem:s6+$0x100D0];
	[tilespmem:v45+s28+$0x0] =	vst.idx.msk $0xffff, v40;
	v40 =	vadd.f32 v49, v44  }
0x253: {  	v44 =	vadd.s32 v10, v35;
	v45 =	vld [tilespmem:s6+$0x80D0]  }
0x254: {  	v43 =	vadd.f32 v43, v50;
	v49 =	vld [tilespmem:s6+$0x10110];
	[tilespmem:v48+s28+$0x0] =	vst.idx.msk $0xffff, v40  }
0x255: {  	v40 =	vadd.s32 v14, v36;
	v48 =	vld [tilespmem:s6+$0x101F0]  }
0x256: {  	[tilespmem:v42+s28+$0x0] =	vst.idx.msk $0xffff, v43;
	v42 =	vadd.f32 v46, v51;
	v43 =	vld [tilespmem:s6+$0x81F0]  }
0x257: {  	v46 =	vld [tilespmem:s6+$0x8110]  }
0x258: {  	v41 =	vadd.s32 v32, v41;
	[tilespmem:v44+s28+$0x0] =	vst.idx.msk $0xffff, v42;
	v42 =	vadd.f32 v45, v47;
	v44 =	vld [tilespmem:s6+$0x10150]  }
0x259: {  	v45 =	vadd.s32 v18, v37;
	v47 =	vld [tilespmem:s6+$0x8150]  }
0x25a: {  	[tilespmem:v40+s28+$0x0] =	vst.idx.msk $0xffff, v42;
	v40 =	vld [tilespmem:s6+$0x10190]  }
0x25b: {  	v42 =	vadd.s32 v22, v39;
	v50 =	vld [tilespmem:s6+$0x8190];
	v43 =	vadd.f32 v43, v48  }
0x25c: {  	v48 =	vld [tilespmem:s6+$0x10010];
	v46 =	vadd.f32 v46, v49  }
0x25d: {  	v51 =	vadd.s32 v26, v38;
	v49 =	vld [tilespmem:s6+$0x8010];
	[tilespmem:v41+s28+$0x0] =	vst.idx.msk $0xffff, v43  }
0x25e: {  	v41 =	vld [tilespmem:s6+$0x10060];
	[tilespmem:v45+s28+$0x0] =	vst.idx.msk $0xffff, v46;
	v43 =	vadd.f32 v47, v44  }
0x25f: {  	v44 =	vadd.s32 v2, v33;
	v45 =	vld [tilespmem:s6+$0x8060]  }
0x260: {  	v46 =	vld [tilespmem:s6+$0x100A0];
	[tilespmem:v42+s28+$0x0] =	vst.idx.msk $0xffff, v43;
	v40 =	vadd.f32 v50, v40  }
0x261: {  	v42 =	vadd.s32 v7, v34;
	v43 =	vld [tilespmem:s6+$0x80A0]  }
0x262: {  	v47 =	vadd.f32 v49, v48;
	v48 =	vld [tilespmem:s6+$0x100E0];
	[tilespmem:v51+s28+$0x0] =	vst.idx.msk $0xffff, v40  }
0x263: {  	v40 =	vadd.s32 v11, v35;
	v49 =	vld [tilespmem:s6+$0x80E0]  }
0x264: {  	[tilespmem:v44+s28+$0x0] =	vst.idx.msk $0xffff, v47;
	v41 =	vadd.f32 v45, v41;
	v44 =	vld [tilespmem:s6+$0x10120]  }
0x265: {  	v45 =	vadd.s32 v15, v36;
	v47 =	vld [tilespmem:s6+$0x8120]  }
0x266: {  	[tilespmem:v42+s28+$0x0] =	vst.idx.msk $0xffff, v41;
	v41 =	vadd.f32 v43, v46;
	v42 =	vld [tilespmem:s6+$0x10160]  }
0x267: {  	v43 =	vadd.s32 v19, v37;
	v46 =	vld [tilespmem:s6+$0x8160]  }
0x268: {  	[tilespmem:v40+s28+$0x0] =	vst.idx.msk $0xffff, v41;
	v40 =	vadd.f32 v49, v48;
	v41 =	vld [tilespmem:s6+$0x101A0]  }
0x269: {  	v48 =	vadd.s32 v23, v39;
	v49 =	vld [tilespmem:s6+$0x81A0]  }
0x26a: {  	v50 =	vld [tilespmem:s6+$0x10020];
	[tilespmem:v45+s28+$0x0] =	vst.idx.msk $0xffff, v40;
	v40 =	vadd.f32 v47, v44  }
0x26b: {  	v45 =	vadd.s32 v27, v38;
	v44 =	vld [tilespmem:s6+$0x8020]  }
0x26c: {  	v47 =	vld [tilespmem:s6+$0x10070];
	[tilespmem:v43+s28+$0x0] =	vst.idx.msk $0xffff, v40;
	v40 =	vadd.f32 v46, v42  }
0x26d: {  	v42 =	vadd.s32 v3, v33;
	v43 =	vld [tilespmem:s6+$0x8070]  }
0x26e: {  	v46 =	vld [tilespmem:s6+$0x100B0];
	[tilespmem:v48+s28+$0x0] =	vst.idx.msk $0xffff, v40;
	v40 =	vadd.f32 v49, v41  }
0x26f: {  	v34 =	vadd.s32 v8, v34;
	v41 =	vld [tilespmem:s6+$0x80B0]  }
0x270: {  	v44 =	vadd.f32 v44, v50;
	v48 =	vld [tilespmem:s6+$0x100F0];
	[tilespmem:v45+s28+$0x0] =	vst.idx.msk $0xffff, v40  }
0x271: {  	v35 =	vadd.s32 v12, v35;
	v40 =	vld [tilespmem:s6+$0x80F0]  }
0x272: {  	[tilespmem:v42+s28+$0x0] =	vst.idx.msk $0xffff, v44;
	v42 =	vadd.f32 v43, v47;
	v43 =	vld [tilespmem:s6+$0x10130]  }
0x273: {  	v44 =	vadd.s32 v16, v36;
	v45 =	vld [tilespmem:s6+$0x8130]  }
0x274: {  	[tilespmem:v34+s28+$0x0] =	vst.idx.msk $0xffff, v42;
	v34 =	vadd.f32 v41, v46;
	v47 =	vld [tilespmem:s6+$0x10170]  }
0x275: {  	v49 =	vadd.s32 v20, v37;
	v50 =	vld [tilespmem:s6+$0x8170]  }
.Ltmp10:
0x276: {  	[tilespmem:v35+s28+$0x0] =	vst.idx.msk $0xffff, v34;
	v37 =	vadd.f32 v40, v48;
	v35 =	vld [tilespmem:s6+$0x101B0];
	(pc) =	sbr.rel @p2 .LBB2_19-.Ltmp10, $4  }
0x277: {  	s0 =	sadd.s32 $0x7, s13;
	v39 =	vadd.s32 v24, v39;
	v36 =	vld [tilespmem:s6+$0x81B0]  }
0x278: {  	s11 =	sadd.s32 $0x800, s11;
	v40 =	vmov s0;
	v34 =	vld [tilespmem:s6+$0x10030];
	[tilespmem:v44+s28+$0x0] =	vst.idx.msk $0xffff, v37;
	v43 =	vadd.f32 v45, v43  }
0x279: {  	v38 =	vadd.s32 v28, v38;
	v40 =	vshrl.u32 v40, $0x3;
	v37 =	vld [tilespmem:s6+$0x8030];
	s6 =	sshra.s32 s11, $0x2  }
0x27a: {  	s13 =	sadd.s32 $0x8, s13;
	v46 =	vmov s1;
	v41 =	vshll.u32 v40, v1;
	v42 =	vld [tilespmem:s6+$0x101C0];
	[tilespmem:v49+s28+$0x0] =	vst.idx.msk $0xffff, v43;
	v40 =	vadd.f32 v50, v47  }
0x27b: {  	v44 =	vld [tilespmem:s6+$0x10000];
	_ =	sdelay $0x4  }
0x27c: {  	v43 =	vld [tilespmem:s6+$0x81C0];
	v41 =	vbroadcast v41, $0x0;
	[tilespmem:$0x1FF40] =	vst v44  }
0x27d: {  	v44 =	vld [tilespmem:s6+$0x8000]  }
0x27e: {  	v61 =	vadd.s32 v29, v41;
	_ =	sdelay $0x2  }
0x27f: {  	v42 =	vadd.f32 v43, v42  }
0x280: {  	[tilespmem:$0x1FF50] =	vst v44  }
0x281: {  	s0 =	sadd.s32 $0x1, s1;
	v45 =	vld [tilespmem:s6+$0x10040];
	[tilespmem:v61+s28+$0x0] =	vst.idx.msk $0xffff, v42  }
0x282: {  	v62 =	vmov s0;
	v44 =	vld [tilespmem:s6+$0x101D0]  }
0x283: {  	v42 =	vshrl.u32 v62, $0x3;
	v53 =	vld [tilespmem:s6+$0x81D0]  }
0x284: {  	v49 =	vld [tilespmem:s6+$0x8040];
	v42 =	vshll.u32 v42, v1  }
0x285: {  	s11 =	sadd.s32 $0x2, s1;
	v56 =	vadd.s32 v30, v41;
	v50 =	vld [tilespmem:s6+$0x10080];
	v48 =	vbroadcast v42, $0x0  }
0x286: {  	v63 =	vmov s11;
	v51 =	vld [tilespmem:s6+$0x8080]  }
0x287: {  	v43 =	vshrl.u32 v63, $0x3;
	v52 =	vld [tilespmem:s6+$0x100C0];
	v59 =	vadd.s32 v5, v48  }
0x288: {  	v54 =	vshll.u32 v43, v1;
	v55 =	vld [tilespmem:s6+$0x80C0];
	v53 =	vadd.f32 v53, v44  }
0x289: {  	v63 =	vbroadcast v54, $0x0;
	v54 =	vld [tilespmem:s6+$0x10100];
	[tilespmem:$0x1FF60] =	vst v41  }
0x28a: {  	s11 =	sadd.s32 $0x3, s1;
	v49 =	vadd.f32 v49, v45;
	[tilespmem:v56+s28+$0x0] =	vst.idx.msk $0xffff, v53  }
0x28b: {  	v57 =	vmov s11;
	v53 =	vld [tilespmem:s6+$0x101E0]  }
0x28c: {  	s13 =	sadd.s32 $0x4, s1;
	v57 =	vshrl.u32 v57, $0x3;
	v60 =	vadd.s32 v9, v63;
	[tilespmem:v59+s28+$0x0] =	vst.idx.msk $0xffff, v49;
	v49 =	vld [tilespmem:s6+$0x81E0]  }
0x28d: {  	v57 =	vshll.u32 v57, v1;
	v62 =	vmov s13;
	v58 =	vld [tilespmem:s6+$0x8100]  }
0x28e: {  	v47 =	vbroadcast v57, $0x0;
	v62 =	vshrl.u32 v62, $0x3;
	v41 =	vadd.s32 v31, v41;
	v61 =	vld [tilespmem:s6+$0x10140]  }
0x28f: {  	s11 =	sadd.s32 $0x5, s1;
	v42 =	vld [tilespmem:s6+$0x8140];
	v43 =	vshll.u32 v62, v1;
	v50 =	vadd.f32 v51, v50  }
0x290: {  	s13 =	sadd.s32 $0x6, s1;
	v57 =	vld [tilespmem:s6+$0x10180];
	v51 =	vadd.s32 v13, v47;
	v45 =	vbroadcast v43, $0x0;
	v43 =	vmov s11  }
0x291: {  	v62 =	vld [tilespmem:s6+$0x8180];
	v44 =	vmov s13;
	[tilespmem:v60+s28+$0x0] =	vst.idx.msk $0xffff, v50;
	v56 =	vshrl.u32 v43, $0x3;
	v49 =	vadd.f32 v49, v53  }
0x292: {  	v56 =	vshll.u32 v56, v1;
	v59 =	vshrl.u32 v44, $0x3;
	v44 =	vld [tilespmem:s6+$0x10090]  }
0x293: {  	v50 =	vadd.s32 v17, v45;
	v60 =	vld [tilespmem:s6+$0x10050];
	v56 =	vbroadcast v56, $0x0;
	[tilespmem:v41+s28+$0x0] =	vst.idx.msk $0xffff, v49  }
0x294: {  	v52 =	vadd.f32 v55, v52;
	v49 =	vld [tilespmem:s6+$0x101F0]  }
0x295: {  	v43 =	vadd.f32 v58, v54;
	v55 =	vld [tilespmem:s6+$0x8050];
	v54 =	vadd.s32 v21, v56  }
0x296: {  	v59 =	vshll.u32 v59, v1;
	[tilespmem:v51+s28+$0x0] =	vst.idx.msk $0xffff, v52;
	v52 =	vld [tilespmem:s6+$0x8090]  }
0x297: {  	v58 =	vbroadcast v59, $0x0;
	v59 =	vld [tilespmem:s6+$0x100D0]  }
0x298: {  	[tilespmem:v50+s28+$0x0] =	vst.idx.msk $0xffff, v43;
	v50 =	vld [tilespmem:s6+$0x80D0];
	v41 =	vadd.f32 v42, v61  }
0x299: {  	v53 =	vld [tilespmem:s6+$0x10110];
	[tilespmem:$0x1FF70] =	vst v49  }
0x29a: {  	v46 =	vshrl.u32 v46, $0x3;
	[tilespmem:v54+s28+$0x0] =	vst.idx.msk $0xffff, v41  }
0x29b: {  	v46 =	vshll.u32 v46, v1;
	v42 =	vld [tilespmem:$0x1FF40]  }
0x29c: {  	v46 =	vbroadcast v46, $0x0;
	v51 =	vadd.s32 v25, v58;
	v43 =	vld [tilespmem:$0x1FF50];
	_ =	sdelay $0x1  }
0x29d: {  	v61 =	vadd.s32 v0, v46;
	v49 =	vld [tilespmem:s6+$0x81F0]  }
0x29e: {  	v41 =	vadd.f32 v62, v57;
	v54 =	vld [tilespmem:s6+$0x8110]  }
0x29f: {  	v57 =	vadd.s32 v6, v48;
	v62 =	vld [tilespmem:s6+$0x10150]  }
0x2a0: {  	[tilespmem:v51+s28+$0x0] =	vst.idx.msk $0xffff, v41;
	v41 =	vld [tilespmem:s6+$0x8150];
	v42 =	vadd.f32 v43, v42  }
0x2a1: {  	v51 =	vadd.s32 v10, v63;
	v43 =	vld [tilespmem:s6+$0x10190]  }
0x2a2: {  	[tilespmem:v61+s28+$0x0] =	vst.idx.msk $0xffff, v42;
	v42 =	vadd.f32 v55, v60;
	v55 =	vld [tilespmem:s6+$0x8190]  }
0x2a3: {  	v60 =	vadd.s32 v14, v47;
	v61 =	vld [tilespmem:s6+$0x10010]  }
0x2a4: {  	[tilespmem:v57+s28+$0x0] =	vst.idx.msk $0xffff, v42;
	v42 =	vadd.f32 v52, v44;
	v44 =	vld [tilespmem:s6+$0x8010]  }
0x2a5: {  	v52 =	vadd.s32 v18, v45;
	v57 =	vld [tilespmem:s6+$0x10060]  }
0x2a6: {  	[tilespmem:v51+s28+$0x0] =	vst.idx.msk $0xffff, v42;
	v42 =	vadd.f32 v50, v59;
	v50 =	vld [tilespmem:s6+$0x8060]  }
0x2a7: {  	v51 =	vadd.s32 v22, v56;
	v59 =	vld [tilespmem:s6+$0x100A0]  }
0x2a8: {  	[tilespmem:v60+s28+$0x0] =	vst.idx.msk $0xffff, v42;
	v42 =	vadd.f32 v54, v53;
	v53 =	vld [tilespmem:s6+$0x80A0]  }
0x2a9: {  	v54 =	vadd.s32 v26, v58;
	v60 =	vld [tilespmem:s6+$0x100E0]  }
0x2aa: {  	v41 =	vadd.f32 v41, v62;
	[tilespmem:v52+s28+$0x0] =	vst.idx.msk $0xffff, v42;
	v42 =	vld [tilespmem:s6+$0x80E0]  }
0x2ab: {  	v52 =	vadd.s32 v2, v46;
	v62 =	vld [tilespmem:s6+$0x10120]  }
0x2ac: {  	[tilespmem:v51+s28+$0x0] =	vst.idx.msk $0xffff, v41;
	v41 =	vadd.f32 v55, v43;
	v43 =	vld [tilespmem:s6+$0x8120]  }
0x2ad: {  	v51 =	vadd.s32 v7, v48;
	v55 =	vld [tilespmem:s6+$0x10160]  }
0x2ae: {  	v44 =	vadd.f32 v44, v61;
	[tilespmem:v54+s28+$0x0] =	vst.idx.msk $0xffff, v41;
	v41 =	vld [tilespmem:s6+$0x8160]  }
0x2af: {  	v54 =	vadd.s32 v11, v63;
	v61 =	vld [tilespmem:s6+$0x101A0]  }
0x2b0: {  	[tilespmem:v52+s28+$0x0] =	vst.idx.msk $0xffff, v44;
	v44 =	vadd.f32 v50, v57;
	v50 =	vld [tilespmem:s6+$0x81A0]  }
0x2b1: {  	v52 =	vadd.s32 v15, v47;
	v57 =	vld [tilespmem:s6+$0x10020]  }
0x2b2: {  	[tilespmem:v51+s28+$0x0] =	vst.idx.msk $0xffff, v44;
	v44 =	vadd.f32 v53, v59;
	v51 =	vld [tilespmem:s6+$0x8020]  }
0x2b3: {  	v53 =	vadd.s32 v19, v45;
	v59 =	vld [tilespmem:s6+$0x10070]  }
0x2b4: {  	v42 =	vadd.f32 v42, v60;
	[tilespmem:v54+s28+$0x0] =	vst.idx.msk $0xffff, v44;
	v44 =	vld [tilespmem:s6+$0x8070]  }
0x2b5: {  	v54 =	vadd.s32 v23, v56;
	v60 =	vld [tilespmem:s6+$0x100B0]  }
0x2b6: {  	[tilespmem:v52+s28+$0x0] =	vst.idx.msk $0xffff, v42;
	v42 =	vadd.f32 v43, v62;
	v43 =	vld [tilespmem:s6+$0x80B0];
	v52 =	vadd.s32 v27, v58  }
0x2b7: {  	v62 =	vld [tilespmem:s6+$0x100F0]  }
0x2b8: {  	v41 =	vadd.f32 v41, v55;
	[tilespmem:v53+s28+$0x0] =	vst.idx.msk $0xffff, v42;
	v42 =	vld [tilespmem:s6+$0x80F0];
	v53 =	vadd.s32 v3, v46  }
0x2b9: {  	[tilespmem:v39+s28+$0x0] =	vst.idx.msk $0xffff, v40;
	v61 =	vadd.f32 v50, v61;
	v55 =	vld [tilespmem:s6+$0x10130]  }
0x2ba: {  	v35 =	vadd.f32 v36, v35;
	v50 =	vld [tilespmem:s6+$0x8130];
	[tilespmem:v54+s28+$0x0] =	vst.idx.msk $0xffff, v41  }
0x2bb: {  	v57 =	vadd.f32 v51, v57;
	v54 =	vld [tilespmem:$0x1FF60];
	[tilespmem:v52+s28+$0x0] =	vst.idx.msk $0xffff, v61  }
0x2bc: {  	v33 =	vadd.s32 v4, v33;
	v34 =	vadd.f32 v37, v34;
	[tilespmem:v38+s28+$0x0] =	vst.idx.msk $0xffff, v35;
	v37 =	vld [tilespmem:s6+$0x101B0]  }
0x2bd: {  	v35 =	vadd.s32 v12, v63;
	v63 =	vld [tilespmem:s6+$0x81B0];
	[tilespmem:v53+s28+$0x0] =	vst.idx.msk $0xffff, v57  }
0x2be: {  	v61 =	vadd.s32 v16, v47;
	v38 =	vld [tilespmem:$0x1FF70]  }
0x2bf: {  	v58 =	vadd.s32 v28, v58;
	v39 =	vld [tilespmem:s6+$0x10170]  }
0x2c0: {  	v40 =	vadd.s32 v8, v48;
	v48 =	vld [tilespmem:s6+$0x8170];
	v53 =	vadd.f32 v43, v60;
	v36 =	vadd.s32 v32, v54  }
0x2c1: {  	v51 =	vadd.s32 v20, v45;
	v57 =	vadd.f32 v42, v62;
	[tilespmem:v33+s28+$0x0] =	vst.idx.msk $0xffff, v34;
	v52 =	vld [tilespmem:s6+$0x10030]  }
0x2c2: {  	v54 =	vadd.s32 v24, v56;
	v56 =	vld [tilespmem:s6+$0x8030];
	[tilespmem:v35+s28+$0x0] =	vst.idx.msk $0xffff, v53;
	v62 =	vadd.f32 v63, v37  }
0x2c3: {  	[tilespmem:v61+s28+$0x0] =	vst.idx.msk $0xffff, v57;
	v38 =	vadd.f32 v49, v38  }
0x2c4: {  	v60 =	vadd.s32 v4, v46;
	v49 =	vadd.f32 v44, v59;
	[tilespmem:v58+s28+$0x0] =	vst.idx.msk $0xffff, v62  }
0x2c5: {  	v59 =	vadd.f32 v50, v55;
	[tilespmem:v36+s28+$0x0] =	vst.idx.msk $0xffff, v38  }
0x2c6: {  	v61 =	vadd.f32 v48, v39;
	[tilespmem:v40+s28+$0x0] =	vst.idx.msk $0xffff, v49  }
0x2c7: {  	s1 =	sadd.s32 s17, s9;
	[tilespmem:v51+s28+$0x0] =	vst.idx.msk $0xffff, v59;
	v63 =	vadd.f32 v56, v52  }
0x2c8: {  	s0 =	sadd.s32 $0x0, s1;
	[tilespmem:v54+s28+$0x0] =	vst.idx.msk $0xffff, v61  }
0x2c9: {  	s11 =	simm.s32 $0x40;
	s13 =	simm.s32 $0x18488;
	s6 =	simm.s32 $0x18400;
	[tilespmem:v60+s28+$0x0] =	vst.idx.msk $0xffff, v63  }
.LBB2_21:
0x2ca: {  	[hbm4b:s0+s3] =	stream.linear.scatter [tilespmem:s6], [sflag:$0x7], $0x80, $0x38;
	[tilespmem:$0x1C800] =	vst v63  }
0x2cb: {  	s0 =	smov.u32 s11;
	s6 =	smov.u32 s13;
	p2 =	sne.s32 s11, $0xFC0  }
.Ltmp11:
0x2cc: {  	s11 =	sadd.s32 $0x40, s11;
	(pc) =	sbr.rel @p2 .LBB2_21-.Ltmp11, $2  }
0x2cd: {  	_ =	sdelay $0x2  }
0x2ce: {  	s13 =	sadd.s32 $0x88, s13;
	s0 =	sadd.s32 s0, s1  }
.Ltmp12:
0x2cf: {  	(pc) =	sbr.rel @p1 .LBB2_24-.Ltmp12, $2  }
0x2d0: {  	_ =	sdelay $0x2  }
0x2d1: {  	[hbm4b:s0+s3] =	stream.linear.scatter [tilespmem:s6], [sflag:$0x7], $0x80, $0x38;
	[tilespmem:$0x1C800] =	vst v63  }
.Ltmp13:
0x2d2: {  	(pc) =	sbr.rel .LBB2_25-.Ltmp13, $4  }
0x2d3: {  	_ = 	snop  }
0x2d4: {  	_ =	swait.ge [sflag:s29], $0x2000  }
0x2d5: {  	[sflag:s29] =	ssyncset.done $0x0  }
0x2d6: {  	[sflag:s29] =	ssyncadd.s32 $0xFFFFE000  }
.LBB2_24:
.Ltmp14:
0x2d7: {  	s0 =	sadd.s32 $0x300, s5;
	(pc) =	sbr.rel @p0 .LBB2_26-.Ltmp14, $4  }
0x2d8: {  	[tilespmem:s18], [sflag:$0x3] =	stream.indirect.gather [hbm4b:s4+s14], $0x40, s0, s14, $0xb8;
	[tilespmem:$0x1C800] =	vst v63  }
0x2d9: {  	_ =	swait.ge [sflag:s29], $0x2000  }
0x2da: {  	[sflag:s29] =	ssyncset.done $0x0  }
0x2db: {  	[sflag:s29] =	ssyncadd.s32 $0xFFFFE000  }
.LBB2_25:
0x2dc: {  	_ =	swait.ge [sflag:s30], $0x2000  }
0x2dd: {  	[sflag:s30] =	ssyncset.done $0x0  }
0x2de: {  	[sflag:s30] =	ssyncadd.s32 $0xFFFFE000  }
.LBB2_26:
0x2df: {  	s0 =	simm.s32 $0x7  }
0x2e0: {  	s6 =	simm.s32 $0x0;
	v33 =	vmov s0  }
0x2e1: {  	v35 =	vld [tilespmem:s6+$0x121C0];
	v33 =	vshrl.u32 v33, $0x3  }
0x2e2: {  	v36 =	vld [tilespmem:s6+$0xA1C0];
	v33 =	vshll.u32 v33, v1  }
0x2e3: {  	v37 =	vld [tilespmem:s6+$0x12000];
	v34 =	vbroadcast v33, $0x0  }
0x2e4: {  	v38 =	vld [tilespmem:s6+$0xA000]  }
0x2e5: {  	v39 =	vld [tilespmem:s6+$0x12040];
	v33 =	vadd.s32 v29, v34  }
0x2e6: {  	v40 =	vld [tilespmem:s6+$0xA040]  }
0x2e7: {  	v41 =	vld [tilespmem:s6+$0x12080]  }
0x2e8: {  	v42 =	vld [tilespmem:s6+$0xA080];
	v35 =	vadd.f32 v36, v35  }
0x2e9: {  	s5 =	simm.s32 $0x1;
	s11 =	simm.s32 $0x3;
	s13 =	simm.s32 $0x4;
	v43 =	vld [tilespmem:s6+$0x120C0]  }
0x2ea: {  	s1 =	simm.s32 $0x2;
	v56 =	vmov s5;
	v48 =	vmov s11;
	v53 =	vmov s13;
	[tilespmem:v33+s31+$0x0] =	vst.idx.msk $0xffff, v35  }
0x2eb: {  	v57 =	vmov s1;
	v48 =	vshrl.u32 v48, $0x3;
	v58 =	vshrl.u32 v53, $0x3;
	v44 =	vld [tilespmem:s6+$0x121D0]  }
0x2ec: {  	v48 =	vshll.u32 v48, v1;
	v59 =	vshll.u32 v58, v1;
	v33 =	vshrl.u32 v56, $0x3;
	v45 =	vld [tilespmem:s6+$0xA1D0]  }
0x2ed: {  	v46 =	vld [tilespmem:s6+$0xA0C0];
	v48 =	vbroadcast v48, $0x0;
	v35 =	vshrl.u32 v57, $0x3;
	v33 =	vshll.u32 v33, v1  }
0x2ee: {  	v49 =	vld [tilespmem:s6+$0xA100];
	v47 =	vadd.s32 v30, v34;
	v35 =	vshll.u32 v35, v1;
	v36 =	vbroadcast v33, $0x0  }
0x2ef: {  	v52 =	vld [tilespmem:s6+$0x12140];
	v41 =	vadd.f32 v42, v41;
	v42 =	vadd.s32 v13, v48;
	v35 =	vbroadcast v35, $0x0  }
0x2f0: {  	v39 =	vadd.f32 v40, v39;
	v40 =	vbroadcast v59, $0x0;
	v33 =	vld [tilespmem:s6+$0x12100];
	v50 =	vadd.s32 v5, v36  }
0x2f1: {  	v54 =	vld [tilespmem:s6+$0xA140];
	v51 =	vadd.s32 v9, v35;
	v44 =	vadd.f32 v45, v44  }
0x2f2: {  	v53 =	vld [tilespmem:s6+$0x12180];
	v43 =	vadd.f32 v46, v43;
	v63 =	vadd.s32 v17, v40  }
0x2f3: {  	s11 =	simm.s32 $0x0;
	v45 =	vld [tilespmem:s6+$0xA180];
	[tilespmem:v47+s31+$0x0] =	vst.idx.msk $0xffff, v44  }
0x2f4: {  	s1 =	simm.s32 $0x5;
	v56 =	vmov s11;
	[tilespmem:v42+s31+$0x0] =	vst.idx.msk $0xffff, v43;
	v44 =	vld [tilespmem:s6+$0x121E0]  }
0x2f5: {  	v60 =	vmov s1;
	v56 =	vshrl.u32 v56, $0x3;
	v33 =	vadd.f32 v49, v33;
	[tilespmem:v50+s31+$0x0] =	vst.idx.msk $0xffff, v39;
	v61 =	vld [tilespmem:s6+$0xA1E0]  }
0x2f6: {  	v47 =	vshrl.u32 v60, $0x3;
	v60 =	vshll.u32 v56, v1;
	[tilespmem:v51+s31+$0x0] =	vst.idx.msk $0xffff, v41;
	v41 =	vld [tilespmem:s6+$0xA0D0]  }
0x2f7: {  	v55 =	vadd.s32 v31, v34;
	v47 =	vshll.u32 v47, v1;
	[tilespmem:v63+s31+$0x0] =	vst.idx.msk $0xffff, v33;
	v33 =	vbroadcast v60, $0x0;
	v51 =	vld [tilespmem:s6+$0x12050]  }
0x2f8: {  	s5 =	simm.s32 $0x6;
	v46 =	vld [tilespmem:s6+$0xA050];
	v47 =	vbroadcast v47, $0x0  }
0x2f9: {  	v62 =	vmov s5;
	v57 =	vld [tilespmem:s6+$0x12090];
	v63 =	vadd.s32 v0, v33  }
0x2fa: {  	v50 =	vshrl.u32 v62, $0x3;
	v42 =	vld [tilespmem:s6+$0xA090];
	v43 =	vadd.s32 v21, v47;
	v39 =	vadd.f32 v61, v44  }
0x2fb: {  	v50 =	vshll.u32 v50, v1;
	v56 =	vld [tilespmem:s6+$0x12110]  }
0x2fc: {  	v37 =	vadd.f32 v38, v37;
	v49 =	vbroadcast v50, $0x0;
	v50 =	vld [tilespmem:s6+$0x120D0];
	[tilespmem:v55+s31+$0x0] =	vst.idx.msk $0xffff, v39  }
0x2fd: {  	v62 =	vadd.f32 v54, v52;
	v52 =	vld [tilespmem:s6+$0x121F0]  }
0x2fe: {  	v60 =	vadd.s32 v10, v35;
	[tilespmem:v63+s31+$0x0] =	vst.idx.msk $0xffff, v37;
	v55 =	vld [tilespmem:s6+$0xA1F0]  }
0x2ff: {  	v61 =	vadd.s32 v25, v49;
	[tilespmem:v43+s31+$0x0] =	vst.idx.msk $0xffff, v62;
	v43 =	vld [tilespmem:s6+$0xA110]  }
0x300: {  	v54 =	vld [tilespmem:s6+$0x12010]  }
0x301: {  	v59 =	vadd.s32 v6, v36;
	v63 =	vadd.f32 v42, v57;
	v42 =	vld [tilespmem:s6+$0xA010]  }
0x302: {  	v58 =	vadd.f32 v45, v53;
	v53 =	vld [tilespmem:s6+$0x12150]  }
0x303: {  	v62 =	vadd.s32 v14, v48;
	v38 =	vld [tilespmem:s6+$0xA150];
	[tilespmem:v60+s31+$0x0] =	vst.idx.msk $0xffff, v63  }
0x304: {  	v60 =	vadd.f32 v41, v50;
	[tilespmem:v61+s31+$0x0] =	vst.idx.msk $0xffff, v58;
	v61 =	vadd.f32 v46, v51;
	v50 =	vld [tilespmem:s6+$0x120A0]  }
0x305: {  	v44 =	vld [tilespmem:s6+$0x12190]  }
0x306: {  	v45 =	vadd.s32 v18, v40;
	v46 =	vld [tilespmem:s6+$0xA190];
	[tilespmem:v59+s31+$0x0] =	vst.idx.msk $0xffff, v61  }
0x307: {  	v57 =	vld [tilespmem:s6+$0x12060]  }
0x308: {  	v61 =	vadd.s32 v22, v47;
	v39 =	vld [tilespmem:s6+$0xA060]  }
0x309: {  	[tilespmem:v62+s31+$0x0] =	vst.idx.msk $0xffff, v60;
	v62 =	vadd.f32 v43, v56;
	v43 =	vld [tilespmem:s6+$0xA0A0]  }
0x30a: {  	v59 =	vadd.s32 v2, v33;
	v56 =	vld [tilespmem:s6+$0x120E0]  }
0x30b: {  	v58 =	vadd.f32 v38, v53;
	v38 =	vld [tilespmem:s6+$0xA0E0];
	[tilespmem:v45+s31+$0x0] =	vst.idx.msk $0xffff, v62  }
0x30c: {  	v63 =	vadd.s32 v26, v49;
	v53 =	vld [tilespmem:s6+$0x12120]  }
0x30d: {  	v42 =	vadd.f32 v42, v54;
	v41 =	vld [tilespmem:s6+$0xA120];
	[tilespmem:v61+s31+$0x0] =	vst.idx.msk $0xffff, v58  }
0x30e: {  	v62 =	vadd.s32 v11, v35;
	v60 =	vadd.f32 v46, v44;
	v46 =	vld [tilespmem:s6+$0x12160]  }
0x30f: {  	v61 =	vadd.s32 v7, v36;
	[tilespmem:v59+s31+$0x0] =	vst.idx.msk $0xffff, v42;
	v37 =	vld [tilespmem:s6+$0xA160]  }
0x310: {  	v39 =	vadd.f32 v39, v57;
	v57 =	vld [tilespmem:s6+$0x12020]  }
0x311: {  	[tilespmem:v63+s31+$0x0] =	vst.idx.msk $0xffff, v60;
	v60 =	vadd.f32 v43, v50;
	v43 =	vld [tilespmem:s6+$0xA020]  }
0x312: {  	v63 =	vadd.s32 v15, v48;
	v54 =	vld [tilespmem:s6+$0x121A0]  }
0x313: {  	v42 =	vld [tilespmem:s6+$0xA1A0];
	[tilespmem:v62+s31+$0x0] =	vst.idx.msk $0xffff, v60  }
0x314: {  	v38 =	vadd.f32 v38, v56;
	v56 =	vld [tilespmem:s6+$0x120B0];
	[tilespmem:v61+s31+$0x0] =	vst.idx.msk $0xffff, v39;
	v61 =	vadd.s32 v19, v40  }
0x315: {  	v50 =	vld [tilespmem:s6+$0x12070]  }
0x316: {  	v62 =	vadd.s32 v23, v47;
	v39 =	vld [tilespmem:s6+$0xA070]  }
0x317: {  	v34 =	vadd.s32 v32, v34;
	[tilespmem:v63+s31+$0x0] =	vst.idx.msk $0xffff, v38;
	v63 =	vadd.f32 v41, v53;
	v41 =	vld [tilespmem:s6+$0xA0B0]  }
0x318: {  	v58 =	vadd.s32 v27, v49;
	v53 =	vld [tilespmem:s6+$0x120F0]  }
0x319: {  	v37 =	vadd.f32 v37, v46;
	v38 =	vadd.s32 v3, v33;
	v44 =	vld [tilespmem:s6+$0xA0F0];
	[tilespmem:v61+s31+$0x0] =	vst.idx.msk $0xffff, v63  }
0x31a: {  	v59 =	vadd.f32 v55, v52;
	v36 =	vadd.s32 v8, v36;
	v52 =	vld [tilespmem:s6+$0x12130]  }
0x31b: {  	v60 =	vadd.f32 v42, v54;
	[tilespmem:v62+s31+$0x0] =	vst.idx.msk $0xffff, v37;
	v61 =	vadd.s32 v12, v35;
	v62 =	vld [tilespmem:s6+$0xA130]  }
0x31c: {  	[tilespmem:v34+s31+$0x0] =	vst.idx.msk $0xffff, v59;
	v54 =	vadd.s32 v16, v48;
	v55 =	vld [tilespmem:s6+$0x12170];
	v63 =	vadd.f32 v43, v57  }
0x31d: {  	v40 =	vadd.s32 v20, v40;
	[tilespmem:v58+s31+$0x0] =	vst.idx.msk $0xffff, v60;
	v58 =	vld [tilespmem:s6+$0xA170];
	v57 =	vadd.f32 v39, v50  }
0x31e: {  	v35 =	vld [tilespmem:s6+$0x121B0];
	v59 =	vadd.f32 v41, v56;
	[tilespmem:v38+s31+$0x0] =	vst.idx.msk $0xffff, v63  }
0x31f: {  	s13 =	simm.s32 $0xF;
	v39 =	vadd.s32 v24, v47;
	v60 =	vadd.f32 v44, v53;
	[tilespmem:v36+s31+$0x0] =	vst.idx.msk $0xffff, v57;
	v36 =	vld [tilespmem:s6+$0xA1B0]  }
0x320: {  	v34 =	vld [tilespmem:s6+$0x12030];
	[tilespmem:v61+s31+$0x0] =	vst.idx.msk $0xffff, v59;
	v61 =	vmov s13;
	v62 =	vadd.f32 v62, v52  }
0x321: {  	s1 =	simm.s32 $0x8;
	s5 =	simm.s32 $0x200;
	v38 =	vadd.s32 v28, v49;
	v37 =	vld [tilespmem:s6+$0xA030];
	[tilespmem:v54+s31+$0x0] =	vst.idx.msk $0xffff, v60;
	v63 =	vshrl.u32 v61, $0x3  }
0x322: {  	s11 =	simm.s32 $0x10;
	v46 =	vmov s1;
	v42 =	vld [tilespmem:s5+$0x121C0];
	s6 =	simm.s32 $0x800;
	v41 =	vshll.u32 v63, v1;
	[tilespmem:v40+s31+$0x0] =	vst.idx.msk $0xffff, v62;
	v40 =	vadd.f32 v58, v55  }
.LBB2_27:
0x323: {  	p0 =	slt.u32 s11, $0x78;
	v43 =	vshrl.u32 v46, $0x3;
	s0 =	sadd.s32 $0x1, s1;
	v44 =	vld [tilespmem:s5+$0xA1C0];
	v41 =	vbroadcast v41, $0x0;
	v45 =	vadd.s32 v4, v33  }
0x324: {  	v46 =	vld [tilespmem:s5+$0x12000];
	v33 =	vshll.u32 v43, v1;
	v43 =	vmov s0;
	[tilespmem:v39+s31+$0x0] =	vst.idx.msk $0xffff, v40;
	v35 =	vadd.f32 v36, v35  }
0x325: {  	s0 =	sadd.s32 $0x2, s1;
	v36 =	vld [tilespmem:s5+$0xA000];
	v33 =	vbroadcast v33, $0x0;
	v39 =	vshrl.u32 v43, $0x3;
	v40 =	vadd.s32 v29, v41  }
0x326: {  	v47 =	vmov s0;
	v43 =	vld [tilespmem:s5+$0x12040];
	v39 =	vshll.u32 v39, v1;
	v37 =	vadd.f32 v37, v34;
	[tilespmem:v38+s31+$0x0] =	vst.idx.msk $0xffff, v35  }
0x327: {  	v35 =	vshrl.u32 v47, $0x3;
	v38 =	vadd.s32 v0, v33;
	v48 =	vld [tilespmem:s5+$0xA040];
	v34 =	vbroadcast v39, $0x0  }
0x328: {  	v35 =	vshll.u32 v35, v1;
	v39 =	vld [tilespmem:s5+$0x12080];
	v42 =	vadd.f32 v44, v42;
	[tilespmem:v45+s31+$0x0] =	vst.idx.msk $0xffff, v37  }
0x329: {  	s0 =	sadd.s32 $0x3, s1;
	v35 =	vbroadcast v35, $0x0;
	v37 =	vadd.s32 v5, v34;
	v44 =	vld [tilespmem:s5+$0xA080]  }
0x32a: {  	v45 =	vmov s0;
	s0 =	sadd.s32 $0x4, s1;
	v36 =	vadd.f32 v36, v46;
	v46 =	vld [tilespmem:s5+$0x120C0];
	[tilespmem:v40+s31+$0x0] =	vst.idx.msk $0xffff, v42  }
0x32b: {  	v40 =	vadd.s32 v9, v35;
	v42 =	vshrl.u32 v45, $0x3;
	v45 =	vmov s0;
	v47 =	vld [tilespmem:s5+$0x121D0]  }
0x32c: {  	s0 =	sadd.s32 $0x5, s1;
	[tilespmem:v38+s31+$0x0] =	vst.idx.msk $0xffff, v36;
	v38 =	vadd.f32 v48, v43;
	v36 =	vshll.u32 v42, v1;
	v42 =	vshrl.u32 v45, $0x3;
	v43 =	vld [tilespmem:s5+$0xA1D0]  }
0x32d: {  	v48 =	vmov s0;
	s0 =	sadd.s32 $0x6, s1;
	s1 =	smov.u32 s11;
	v45 =	vld [tilespmem:s5+$0xA0C0];
	v36 =	vbroadcast v36, $0x0;
	v42 =	vshll.u32 v42, v1  }
0x32e: {  	v49 =	vadd.s32 v30, v41;
	[tilespmem:v37+s31+$0x0] =	vst.idx.msk $0xffff, v38;
	v38 =	vadd.f32 v44, v39;
	v44 =	vld [tilespmem:s5+$0x12100];
	v39 =	vmov s0  }
0x32f: {  	v37 =	vbroadcast v42, $0x0;
	v42 =	vshrl.u32 v48, $0x3;
	v50 =	vadd.s32 v13, v36;
	v51 =	vld [tilespmem:s5+$0xA100]  }
0x330: {  	[tilespmem:v40+s31+$0x0] =	vst.idx.msk $0xffff, v38;
	v40 =	vld [tilespmem:s5+$0x12140];
	v38 =	vshll.u32 v42, v1;
	v42 =	vshrl.u32 v39, $0x3  }
0x331: {  	v48 =	vadd.s32 v17, v37;
	v52 =	vld [tilespmem:s5+$0xA140];
	v39 =	vbroadcast v38, $0x0;
	v43 =	vadd.f32 v43, v47  }
0x332: {  	v38 =	vshll.u32 v42, v1;
	v45 =	vadd.f32 v45, v46;
	v46 =	vld [tilespmem:s5+$0x12180]  }
0x333: {  	v38 =	vbroadcast v38, $0x0;
	v42 =	vadd.s32 v21, v39;
	v47 =	vld [tilespmem:s5+$0xA180];
	[tilespmem:v49+s31+$0x0] =	vst.idx.msk $0xffff, v43  }
0x334: {  	[tilespmem:v50+s31+$0x0] =	vst.idx.msk $0xffff, v45;
	v43 =	vadd.f32 v51, v44;
	v44 =	vld [tilespmem:s5+$0x121E0]  }
0x335: {  	v45 =	vadd.s32 v25, v38;
	v49 =	vld [tilespmem:s5+$0xA1E0]  }
0x336: {  	v50 =	vld [tilespmem:s5+$0x12050];
	[tilespmem:v48+s31+$0x0] =	vst.idx.msk $0xffff, v43;
	v40 =	vadd.f32 v52, v40  }
0x337: {  	v48 =	vadd.s32 v31, v41;
	v43 =	vld [tilespmem:s5+$0xA050]  }
0x338: {  	v51 =	vld [tilespmem:s5+$0x12090];
	[tilespmem:v42+s31+$0x0] =	vst.idx.msk $0xffff, v40;
	v40 =	vadd.f32 v47, v46  }
0x339: {  	v42 =	vadd.s32 v6, v34;
	v46 =	vld [tilespmem:s5+$0xA090]  }
0x33a: {  	v47 =	vld [tilespmem:s5+$0x120D0];
	[tilespmem:v45+s31+$0x0] =	vst.idx.msk $0xffff, v40;
	v40 =	vadd.f32 v49, v44  }
0x33b: {  	v44 =	vadd.s32 v10, v35;
	v45 =	vld [tilespmem:s5+$0xA0D0]  }
0x33c: {  	v43 =	vadd.f32 v43, v50;
	v49 =	vld [tilespmem:s5+$0x12110];
	[tilespmem:v48+s31+$0x0] =	vst.idx.msk $0xffff, v40  }
0x33d: {  	v40 =	vadd.s32 v14, v36;
	v48 =	vld [tilespmem:s5+$0x121F0]  }
0x33e: {  	[tilespmem:v42+s31+$0x0] =	vst.idx.msk $0xffff, v43;
	v42 =	vadd.f32 v46, v51;
	v43 =	vld [tilespmem:s5+$0xA1F0]  }
0x33f: {  	v46 =	vld [tilespmem:s5+$0xA110]  }
0x340: {  	v41 =	vadd.s32 v32, v41;
	[tilespmem:v44+s31+$0x0] =	vst.idx.msk $0xffff, v42;
	v42 =	vadd.f32 v45, v47;
	v44 =	vld [tilespmem:s5+$0x12150]  }
0x341: {  	v45 =	vadd.s32 v18, v37;
	v47 =	vld [tilespmem:s5+$0xA150]  }
0x342: {  	[tilespmem:v40+s31+$0x0] =	vst.idx.msk $0xffff, v42;
	v40 =	vld [tilespmem:s5+$0x12190]  }
0x343: {  	v42 =	vadd.s32 v22, v39;
	v50 =	vld [tilespmem:s5+$0xA190];
	v43 =	vadd.f32 v43, v48  }
0x344: {  	v48 =	vld [tilespmem:s5+$0x12010];
	v46 =	vadd.f32 v46, v49  }
0x345: {  	v51 =	vadd.s32 v26, v38;
	v49 =	vld [tilespmem:s5+$0xA010];
	[tilespmem:v41+s31+$0x0] =	vst.idx.msk $0xffff, v43  }
0x346: {  	v41 =	vld [tilespmem:s5+$0x12060];
	[tilespmem:v45+s31+$0x0] =	vst.idx.msk $0xffff, v46;
	v43 =	vadd.f32 v47, v44  }
0x347: {  	v44 =	vadd.s32 v2, v33;
	v45 =	vld [tilespmem:s5+$0xA060]  }
0x348: {  	v46 =	vld [tilespmem:s5+$0x120A0];
	[tilespmem:v42+s31+$0x0] =	vst.idx.msk $0xffff, v43;
	v40 =	vadd.f32 v50, v40  }
0x349: {  	v42 =	vadd.s32 v7, v34;
	v43 =	vld [tilespmem:s5+$0xA0A0]  }
0x34a: {  	v47 =	vadd.f32 v49, v48;
	v48 =	vld [tilespmem:s5+$0x120E0];
	[tilespmem:v51+s31+$0x0] =	vst.idx.msk $0xffff, v40  }
0x34b: {  	v40 =	vadd.s32 v11, v35;
	v49 =	vld [tilespmem:s5+$0xA0E0]  }
0x34c: {  	[tilespmem:v44+s31+$0x0] =	vst.idx.msk $0xffff, v47;
	v41 =	vadd.f32 v45, v41;
	v44 =	vld [tilespmem:s5+$0x12120]  }
0x34d: {  	v45 =	vadd.s32 v15, v36;
	v47 =	vld [tilespmem:s5+$0xA120]  }
0x34e: {  	[tilespmem:v42+s31+$0x0] =	vst.idx.msk $0xffff, v41;
	v41 =	vadd.f32 v43, v46;
	v42 =	vld [tilespmem:s5+$0x12160]  }
0x34f: {  	v43 =	vadd.s32 v19, v37;
	v46 =	vld [tilespmem:s5+$0xA160]  }
0x350: {  	[tilespmem:v40+s31+$0x0] =	vst.idx.msk $0xffff, v41;
	v40 =	vadd.f32 v49, v48;
	v41 =	vld [tilespmem:s5+$0x121A0]  }
0x351: {  	v48 =	vadd.s32 v23, v39;
	v49 =	vld [tilespmem:s5+$0xA1A0]  }
0x352: {  	v50 =	vld [tilespmem:s5+$0x12020];
	[tilespmem:v45+s31+$0x0] =	vst.idx.msk $0xffff, v40;
	v40 =	vadd.f32 v47, v44  }
0x353: {  	v45 =	vadd.s32 v27, v38;
	v44 =	vld [tilespmem:s5+$0xA020]  }
0x354: {  	v47 =	vld [tilespmem:s5+$0x12070];
	[tilespmem:v43+s31+$0x0] =	vst.idx.msk $0xffff, v40;
	v40 =	vadd.f32 v46, v42  }
0x355: {  	v42 =	vadd.s32 v3, v33;
	v43 =	vld [tilespmem:s5+$0xA070]  }
0x356: {  	v46 =	vld [tilespmem:s5+$0x120B0];
	[tilespmem:v48+s31+$0x0] =	vst.idx.msk $0xffff, v40;
	v40 =	vadd.f32 v49, v41  }
0x357: {  	v34 =	vadd.s32 v8, v34;
	v41 =	vld [tilespmem:s5+$0xA0B0]  }
0x358: {  	v44 =	vadd.f32 v44, v50;
	v48 =	vld [tilespmem:s5+$0x120F0];
	[tilespmem:v45+s31+$0x0] =	vst.idx.msk $0xffff, v40  }
0x359: {  	v35 =	vadd.s32 v12, v35;
	v40 =	vld [tilespmem:s5+$0xA0F0]  }
0x35a: {  	[tilespmem:v42+s31+$0x0] =	vst.idx.msk $0xffff, v44;
	v42 =	vadd.f32 v43, v47;
	v43 =	vld [tilespmem:s5+$0x12130]  }
0x35b: {  	v44 =	vadd.s32 v16, v36;
	v45 =	vld [tilespmem:s5+$0xA130]  }
0x35c: {  	[tilespmem:v34+s31+$0x0] =	vst.idx.msk $0xffff, v42;
	v34 =	vadd.f32 v41, v46;
	v47 =	vld [tilespmem:s5+$0x12170]  }
0x35d: {  	v49 =	vadd.s32 v20, v37;
	v50 =	vld [tilespmem:s5+$0xA170]  }
.Ltmp15:
0x35e: {  	[tilespmem:v35+s31+$0x0] =	vst.idx.msk $0xffff, v34;
	v37 =	vadd.f32 v40, v48;
	v35 =	vld [tilespmem:s5+$0x121B0];
	(pc) =	sbr.rel @p0 .LBB2_27-.Ltmp15, $4  }
0x35f: {  	s0 =	sadd.s32 $0x7, s11;
	v39 =	vadd.s32 v24, v39;
	v36 =	vld [tilespmem:s5+$0xA1B0]  }
0x360: {  	s6 =	sadd.s32 $0x800, s6;
	v40 =	vmov s0;
	v34 =	vld [tilespmem:s5+$0x12030];
	[tilespmem:v44+s31+$0x0] =	vst.idx.msk $0xffff, v37;
	v43 =	vadd.f32 v45, v43  }
0x361: {  	v38 =	vadd.s32 v28, v38;
	v40 =	vshrl.u32 v40, $0x3;
	v37 =	vld [tilespmem:s5+$0xA030];
	s5 =	sshra.s32 s6, $0x2  }
0x362: {  	s11 =	sadd.s32 $0x8, s11;
	v46 =	vmov s1;
	v41 =	vshll.u32 v40, v1;
	v42 =	vld [tilespmem:s5+$0x121C0];
	[tilespmem:v49+s31+$0x0] =	vst.idx.msk $0xffff, v43;
	v40 =	vadd.f32 v50, v47  }
0x363: {  	v44 =	vld [tilespmem:s5+$0x12000];
	_ =	sdelay $0x4  }
0x364: {  	v43 =	vld [tilespmem:s5+$0xA1C0];
	v41 =	vbroadcast v41, $0x0;
	[tilespmem:$0x1FF00] =	vst v44  }
0x365: {  	v44 =	vld [tilespmem:s5+$0xA000]  }
0x366: {  	v61 =	vadd.s32 v29, v41;
	_ =	sdelay $0x2  }
0x367: {  	v42 =	vadd.f32 v43, v42  }
0x368: {  	[tilespmem:$0x1FF10] =	vst v44  }
0x369: {  	s0 =	sadd.s32 $0x1, s1;
	v45 =	vld [tilespmem:s5+$0x12040];
	[tilespmem:v61+s31+$0x0] =	vst.idx.msk $0xffff, v42  }
0x36a: {  	v62 =	vmov s0;
	v44 =	vld [tilespmem:s5+$0x121D0]  }
0x36b: {  	v42 =	vshrl.u32 v62, $0x3;
	v53 =	vld [tilespmem:s5+$0xA1D0]  }
0x36c: {  	v49 =	vld [tilespmem:s5+$0xA040];
	v42 =	vshll.u32 v42, v1  }
0x36d: {  	s6 =	sadd.s32 $0x2, s1;
	v56 =	vadd.s32 v30, v41;
	v50 =	vld [tilespmem:s5+$0x12080];
	v48 =	vbroadcast v42, $0x0  }
0x36e: {  	v63 =	vmov s6;
	v51 =	vld [tilespmem:s5+$0xA080]  }
0x36f: {  	v43 =	vshrl.u32 v63, $0x3;
	v52 =	vld [tilespmem:s5+$0x120C0];
	v59 =	vadd.s32 v5, v48  }
0x370: {  	v54 =	vshll.u32 v43, v1;
	v55 =	vld [tilespmem:s5+$0xA0C0];
	v53 =	vadd.f32 v53, v44  }
0x371: {  	v63 =	vbroadcast v54, $0x0;
	v54 =	vld [tilespmem:s5+$0x12100];
	[tilespmem:$0x1FF20] =	vst v41  }
0x372: {  	s13 =	sadd.s32 $0x3, s1;
	v49 =	vadd.f32 v49, v45;
	[tilespmem:v56+s31+$0x0] =	vst.idx.msk $0xffff, v53  }
0x373: {  	v57 =	vmov s13;
	v53 =	vld [tilespmem:s5+$0x121E0]  }
0x374: {  	s6 =	sadd.s32 $0x4, s1;
	v57 =	vshrl.u32 v57, $0x3;
	v60 =	vadd.s32 v9, v63;
	[tilespmem:v59+s31+$0x0] =	vst.idx.msk $0xffff, v49;
	v49 =	vld [tilespmem:s5+$0xA1E0]  }
0x375: {  	v57 =	vshll.u32 v57, v1;
	v62 =	vmov s6;
	v58 =	vld [tilespmem:s5+$0xA100]  }
0x376: {  	v47 =	vbroadcast v57, $0x0;
	v62 =	vshrl.u32 v62, $0x3;
	v41 =	vadd.s32 v31, v41;
	v61 =	vld [tilespmem:s5+$0x12140]  }
0x377: {  	s11 =	sadd.s32 $0x5, s1;
	v42 =	vld [tilespmem:s5+$0xA140];
	v43 =	vshll.u32 v62, v1;
	v50 =	vadd.f32 v51, v50  }
0x378: {  	s13 =	sadd.s32 $0x6, s1;
	v57 =	vld [tilespmem:s5+$0x12180];
	v51 =	vadd.s32 v13, v47;
	v45 =	vbroadcast v43, $0x0;
	v43 =	vmov s11  }
0x379: {  	v62 =	vld [tilespmem:s5+$0xA180];
	v44 =	vmov s13;
	[tilespmem:v60+s31+$0x0] =	vst.idx.msk $0xffff, v50;
	v56 =	vshrl.u32 v43, $0x3;
	v49 =	vadd.f32 v49, v53  }
0x37a: {  	v56 =	vshll.u32 v56, v1;
	v59 =	vshrl.u32 v44, $0x3;
	v44 =	vld [tilespmem:s5+$0x12090]  }
0x37b: {  	v50 =	vadd.s32 v17, v45;
	v60 =	vld [tilespmem:s5+$0x12050];
	v56 =	vbroadcast v56, $0x0;
	[tilespmem:v41+s31+$0x0] =	vst.idx.msk $0xffff, v49  }
0x37c: {  	v52 =	vadd.f32 v55, v52;
	v49 =	vld [tilespmem:s5+$0x121F0]  }
0x37d: {  	v43 =	vadd.f32 v58, v54;
	v55 =	vld [tilespmem:s5+$0xA050];
	v54 =	vadd.s32 v21, v56  }
0x37e: {  	v59 =	vshll.u32 v59, v1;
	[tilespmem:v51+s31+$0x0] =	vst.idx.msk $0xffff, v52;
	v52 =	vld [tilespmem:s5+$0xA090]  }
0x37f: {  	v58 =	vbroadcast v59, $0x0;
	v59 =	vld [tilespmem:s5+$0x120D0]  }
0x380: {  	[tilespmem:v50+s31+$0x0] =	vst.idx.msk $0xffff, v43;
	v50 =	vld [tilespmem:s5+$0xA0D0];
	v41 =	vadd.f32 v42, v61  }
0x381: {  	v53 =	vld [tilespmem:s5+$0x12110];
	[tilespmem:$0x1FF30] =	vst v49  }
0x382: {  	v46 =	vshrl.u32 v46, $0x3;
	[tilespmem:v54+s31+$0x0] =	vst.idx.msk $0xffff, v41  }
0x383: {  	v46 =	vshll.u32 v46, v1;
	v42 =	vld [tilespmem:$0x1FF00]  }
0x384: {  	v46 =	vbroadcast v46, $0x0;
	v51 =	vadd.s32 v25, v58;
	v43 =	vld [tilespmem:$0x1FF10];
	_ =	sdelay $0x1  }
0x385: {  	v61 =	vadd.s32 v0, v46;
	v49 =	vld [tilespmem:s5+$0xA1F0]  }
0x386: {  	v41 =	vadd.f32 v62, v57;
	v54 =	vld [tilespmem:s5+$0xA110]  }
0x387: {  	v57 =	vadd.s32 v6, v48;
	v62 =	vld [tilespmem:s5+$0x12150]  }
0x388: {  	[tilespmem:v51+s31+$0x0] =	vst.idx.msk $0xffff, v41;
	v41 =	vld [tilespmem:s5+$0xA150];
	v42 =	vadd.f32 v43, v42  }
0x389: {  	v51 =	vadd.s32 v10, v63;
	v43 =	vld [tilespmem:s5+$0x12190]  }
0x38a: {  	[tilespmem:v61+s31+$0x0] =	vst.idx.msk $0xffff, v42;
	v42 =	vadd.f32 v55, v60;
	v55 =	vld [tilespmem:s5+$0xA190]  }
0x38b: {  	v60 =	vadd.s32 v14, v47;
	v61 =	vld [tilespmem:s5+$0x12010]  }
0x38c: {  	[tilespmem:v57+s31+$0x0] =	vst.idx.msk $0xffff, v42;
	v42 =	vadd.f32 v52, v44;
	v44 =	vld [tilespmem:s5+$0xA010]  }
0x38d: {  	v52 =	vadd.s32 v18, v45;
	v57 =	vld [tilespmem:s5+$0x12060]  }
0x38e: {  	[tilespmem:v51+s31+$0x0] =	vst.idx.msk $0xffff, v42;
	v42 =	vadd.f32 v50, v59;
	v50 =	vld [tilespmem:s5+$0xA060]  }
0x38f: {  	v51 =	vadd.s32 v22, v56;
	v59 =	vld [tilespmem:s5+$0x120A0]  }
0x390: {  	[tilespmem:v60+s31+$0x0] =	vst.idx.msk $0xffff, v42;
	v42 =	vadd.f32 v54, v53;
	v53 =	vld [tilespmem:s5+$0xA0A0]  }
0x391: {  	v54 =	vadd.s32 v26, v58;
	v60 =	vld [tilespmem:s5+$0x120E0]  }
0x392: {  	v41 =	vadd.f32 v41, v62;
	[tilespmem:v52+s31+$0x0] =	vst.idx.msk $0xffff, v42;
	v42 =	vld [tilespmem:s5+$0xA0E0]  }
0x393: {  	v52 =	vadd.s32 v2, v46;
	v62 =	vld [tilespmem:s5+$0x12120]  }
0x394: {  	[tilespmem:v51+s31+$0x0] =	vst.idx.msk $0xffff, v41;
	v41 =	vadd.f32 v55, v43;
	v43 =	vld [tilespmem:s5+$0xA120]  }
0x395: {  	v51 =	vadd.s32 v7, v48;
	v55 =	vld [tilespmem:s5+$0x12160]  }
0x396: {  	v44 =	vadd.f32 v44, v61;
	[tilespmem:v54+s31+$0x0] =	vst.idx.msk $0xffff, v41;
	v41 =	vld [tilespmem:s5+$0xA160]  }
0x397: {  	v54 =	vadd.s32 v11, v63;
	v61 =	vld [tilespmem:s5+$0x121A0]  }
0x398: {  	[tilespmem:v52+s31+$0x0] =	vst.idx.msk $0xffff, v44;
	v44 =	vadd.f32 v50, v57;
	v50 =	vld [tilespmem:s5+$0xA1A0]  }
0x399: {  	v52 =	vadd.s32 v15, v47;
	v57 =	vld [tilespmem:s5+$0x12020]  }
0x39a: {  	[tilespmem:v51+s31+$0x0] =	vst.idx.msk $0xffff, v44;
	v44 =	vadd.f32 v53, v59;
	v51 =	vld [tilespmem:s5+$0xA020]  }
0x39b: {  	v53 =	vadd.s32 v19, v45;
	v59 =	vld [tilespmem:s5+$0x12070]  }
0x39c: {  	v42 =	vadd.f32 v42, v60;
	[tilespmem:v54+s31+$0x0] =	vst.idx.msk $0xffff, v44;
	v44 =	vld [tilespmem:s5+$0xA070]  }
0x39d: {  	v54 =	vadd.s32 v23, v56;
	v60 =	vld [tilespmem:s5+$0x120B0]  }
0x39e: {  	[tilespmem:v52+s31+$0x0] =	vst.idx.msk $0xffff, v42;
	v42 =	vadd.f32 v43, v62;
	v43 =	vld [tilespmem:s5+$0xA0B0];
	v52 =	vadd.s32 v27, v58  }
0x39f: {  	v62 =	vld [tilespmem:s5+$0x120F0]  }
0x3a0: {  	v41 =	vadd.f32 v41, v55;
	[tilespmem:v53+s31+$0x0] =	vst.idx.msk $0xffff, v42;
	v42 =	vld [tilespmem:s5+$0xA0F0];
	v53 =	vadd.s32 v3, v46  }
0x3a1: {  	[tilespmem:v39+s31+$0x0] =	vst.idx.msk $0xffff, v40;
	v61 =	vadd.f32 v50, v61;
	v55 =	vld [tilespmem:s5+$0x12130]  }
0x3a2: {  	v35 =	vadd.f32 v36, v35;
	v50 =	vld [tilespmem:s5+$0xA130];
	[tilespmem:v54+s31+$0x0] =	vst.idx.msk $0xffff, v41  }
0x3a3: {  	v57 =	vadd.f32 v51, v57;
	v54 =	vld [tilespmem:$0x1FF20];
	[tilespmem:v52+s31+$0x0] =	vst.idx.msk $0xffff, v61  }
0x3a4: {  	v33 =	vadd.s32 v4, v33;
	v34 =	vadd.f32 v37, v34;
	[tilespmem:v38+s31+$0x0] =	vst.idx.msk $0xffff, v35;
	v37 =	vld [tilespmem:s5+$0x121B0]  }
0x3a5: {  	v35 =	vadd.s32 v12, v63;
	v63 =	vld [tilespmem:s5+$0xA1B0];
	[tilespmem:v53+s31+$0x0] =	vst.idx.msk $0xffff, v57  }
0x3a6: {  	v61 =	vadd.s32 v16, v47;
	v38 =	vld [tilespmem:$0x1FF30]  }
0x3a7: {  	v58 =	vadd.s32 v28, v58;
	v39 =	vld [tilespmem:s5+$0x12170]  }
0x3a8: {  	v40 =	vadd.s32 v8, v48;
	v48 =	vld [tilespmem:s5+$0xA170];
	v53 =	vadd.f32 v43, v60;
	v36 =	vadd.s32 v32, v54  }
0x3a9: {  	v51 =	vadd.s32 v20, v45;
	v57 =	vadd.f32 v42, v62;
	[tilespmem:v33+s31+$0x0] =	vst.idx.msk $0xffff, v34;
	v52 =	vld [tilespmem:s5+$0x12030]  }
0x3aa: {  	v54 =	vadd.s32 v24, v56;
	v56 =	vld [tilespmem:s5+$0xA030];
	[tilespmem:v35+s31+$0x0] =	vst.idx.msk $0xffff, v53;
	v62 =	vadd.f32 v63, v37  }
0x3ab: {  	[tilespmem:v61+s31+$0x0] =	vst.idx.msk $0xffff, v57;
	v38 =	vadd.f32 v49, v38  }
0x3ac: {  	v60 =	vadd.s32 v4, v46;
	v49 =	vadd.f32 v44, v59;
	[tilespmem:v58+s31+$0x0] =	vst.idx.msk $0xffff, v62  }
0x3ad: {  	v59 =	vadd.f32 v50, v55;
	[tilespmem:v36+s31+$0x0] =	vst.idx.msk $0xffff, v38  }
0x3ae: {  	v61 =	vadd.f32 v48, v39;
	[tilespmem:v40+s31+$0x0] =	vst.idx.msk $0xffff, v49  }
0x3af: {  	s1 =	sadd.s32 s17, s10;
	[tilespmem:v51+s31+$0x0] =	vst.idx.msk $0xffff, v59;
	v63 =	vadd.f32 v56, v52  }
0x3b0: {  	s0 =	sadd.s32 $0x0, s1;
	[tilespmem:v54+s31+$0x0] =	vst.idx.msk $0xffff, v61  }
0x3b1: {  	s6 =	simm.s32 $0x40;
	s11 =	simm.s32 $0x1A688;
	s5 =	simm.s32 $0x1A600;
	[tilespmem:v60+s31+$0x0] =	vst.idx.msk $0xffff, v63  }
.LBB2_29:
0x3b2: {  	[hbm4b:s0+s3] =	stream.linear.scatter [tilespmem:s5], [sflag:$0x8], $0x80, $0x38;
	[tilespmem:$0x1C800] =	vst v63  }
0x3b3: {  	s0 =	smov.u32 s6;
	s5 =	smov.u32 s11;
	p0 =	sne.s32 s6, $0xFC0  }
.Ltmp16:
0x3b4: {  	s6 =	sadd.s32 $0x40, s6;
	(pc) =	sbr.rel @p0 .LBB2_29-.Ltmp16, $2  }
0x3b5: {  	_ =	sdelay $0x2  }
0x3b6: {  	s11 =	sadd.s32 $0x88, s11;
	s0 =	sadd.s32 s0, s1  }
0x3b7: {  	s12 =	sadd.s32 $0x1, s12  }
0x3b8: {  	p0 =	sne.s32 s12, $0x20  }
.Ltmp17:
0x3b9: {  	_ = 	snop;
	(pc) =	sbr.rel @p0 .LBB2_2-.Ltmp17, $2  }
0x3ba: {  	_ =	sdelay $0x2  }
0x3bb: {  	[hbm4b:s0+s3] =	stream.linear.scatter [tilespmem:s5], [sflag:$0x8], $0x80, $0x38;
	[tilespmem:$0x1C800] =	vst v63  }
0x3bc: {  	s0 =	simm.s32 $0x5  }
0x3bd: {  	_ =	swait.ge [sflag:s0], $0x2000  }
0x3be: {  	[sflag:s0] =	ssyncset.done $0x0  }
0x3bf: {  	[sflag:s0] =	ssyncadd.s32 $0xFFFFE000  }
0x3c0: {  	_ =	swait.ge [sflag:s23], $0x2000  }
0x3c1: {  	[sflag:s23] =	ssyncset.done $0x0  }
0x3c2: {  	[sflag:s23] =	ssyncadd.s32 $0xFFFFE000  }
0x3c3: {  	_ =	swait.ge [sflag:s26], $0x2000  }
0x3c4: {  	[sflag:s26] =	ssyncset.done $0x0  }
0x3c5: {  	[sflag:s26] =	ssyncadd.s32 $0xFFFFE000  }
0x3c6: {  	_ =	swait.ge [sflag:s30], $0x2000  }
0x3c7: {  	s1 =	rddreg [dreg:$0x6]  }
0x3c8: {  	s17 =	rddreg [dreg:$0x5];
	s1 =	sadd.s32 $0x1, s1  }
0x3c9: {  	p0 =	sne.s32 s1, s17  }
.Ltmp18:
0x3ca: {  	_ = 	snop;
	(pc) =	sbr.rel @p0 .LBB2_1-.Ltmp18, $3  }
0x3cb: {  	_ =	sdelay $0x1  }
0x3cc: {  	[sflag:s30] =	ssyncset.done $0x0  }
0x3cd: {  	[sflag:s30] =	ssyncadd.s32 $0xFFFFE000  }
0x3ce: {  	_ =	sfence.sel $0x180000  }
0x3cf: {  	[bflag:$0x0] =	sbarrier.arrive $0xFFFF  }
0x3d0: {  	_ =	strace $0x90000047  }
0x3d1: {  	s0 =	stileid.u32;
	[bflag:$0x2] =	sbarrier.arrive $0xFFFF  }
0x3d2: {  	p0 =	sne.s32 s0, $0x0;
	s0 =	rddreg [dreg:$0x2]  }
0x3d3: {  	s0 =	sadd.s32 @!p0 $0x100000, s0  }
0x3d4: {  	[sflag:s0] =	ssyncadd.tile.s32 @!p0 $0x1;
	_ =	shalt  }
.Lfunc_end2:
_tile_overlayer_lowered:
.L_overlay_start_2:
0x3d5: {  	(tag) =	ssettag $0x2  }
0x3d6: {  	s0 =	rddreg [dreg:$0x0];
	s2 =	stileid.u32  }
0x3d7: {  	s1 =	rddreg [dreg:$0x1];
	p0 =	sne.s32 s2, $0x0  }
0x3d8: {  	s3 =	rddreg [dreg:$0x2];
	[bflag:$0x3] =	sbarrier.arrive $0xFFFF;
	s2 =	simm.s32 @!p0 $0x1C09  }
0x3d9: {  	[timem:s3], [sflag:s2] =	dma.local @!p0 [hbm:s0], s1  }
0x3da: {  	s0 =	simm.s32 @!p0 $0x9  }
0x3db: {  	_ =	swait.ge @!p0 [sflag:s0], s1  }
0x3dc: {  	s1 =	ssub.s32 @!p0 $0x0, s1;
	[sflag:s0] =	ssyncset.done @!p0 $0x0  }
0x3dd: {  	[sflag:s0] =	ssyncadd.s32 @!p0 s1  }
0x3de: {  	[bflag:$0x3] =	sbarrier.arrive $0xFFFF  }
0x3df: {  	_ =	shalt  }

</sc_bundles>
